<compile_context>
chip_gen: v7x
topology: tpu7x:2x2x1
jax: 0.10.2.dev20260603
libtpu: 0.0.44.dev20260713+nightly
codegen_flags: <defaults>
</compile_context>

<pallas_src>
import functools

import jax
import jax.numpy as jnp
from jax import lax
from jax.experimental import pallas as pl
from jax.experimental.pallas import tpu as pltpu
from jax.experimental.pallas import tpu_sc as plsc

VOCAB = 100000
DIM = 128
BATCH = 4096
N_NEGS = 64

NC = 2
NS = 16
L = 16
NW = NC * NS
B_PER_W = BATCH // NW
CHUNK_B = 8
N_CHUNKS = B_PER_W // CHUNK_B
ROWS_PER_CHUNK = CHUNK_B * N_NEGS
DQ = DIM // L


def _lanesum(x):
    lane = lax.iota(jnp.int32, L)
    for sh in (8, 4, 2, 1):
        x = x + x.at[lane ^ sh].get(mode="promise_in_bounds")
    return x


def _dot_row(ref, row, iv_regs):
    acc = ref[row, pl.ds(0, L)] * iv_regs[0]
    for q in range(1, DQ):
        acc = acc + ref[row, pl.ds(q * L, L)] * iv_regs[q]
    return _lanesum(acc)


def _sc_body(iw_hbm, ow_hbm, nw_hbm, ei_hbm, eo_hbm, os_hbm, ns_hbm,
             idx_i, idx_o, idx_n, ivec, ovec, nvec, osc, nsc, sem):
    wid = lax.axis_index("s") * NC + lax.axis_index("c")
    base = wid * B_PER_W
    lane = lax.iota(jnp.int32, L)

    pltpu.sync_copy(iw_hbm.at[pl.ds(base, B_PER_W)], idx_i)
    pltpu.sync_copy(ow_hbm.at[pl.ds(base, B_PER_W)], idx_o)
    cp_i = pltpu.async_copy(ei_hbm.at[idx_i], ivec, sem)
    cp_o = pltpu.async_copy(eo_hbm.at[idx_o], ovec, sem)
    cp_i.wait()
    cp_o.wait()

    def ogroup(g2, _):
        svec = jnp.zeros((L,), jnp.float32)
        for u in range(L):
            b = g2 * L + u
            iv_regs = [ivec[b, pl.ds(q * L, L)] for q in range(DQ)]
            s = _dot_row(ovec, b, iv_regs)
            svec = jnp.where(lane == u, s, svec)
        osc[pl.ds(g2 * L, L)] = svec
        return _

    lax.fori_loop(0, B_PER_W // L, ogroup, None)
    pltpu.sync_copy(osc, os_hbm.at[pl.ds(base, B_PER_W)])

    def chunk(g, _):
        nrow0 = wid * (B_PER_W * N_NEGS // DIM) + g * (ROWS_PER_CHUNK // DIM)
        pltpu.sync_copy(nw_hbm.at[pl.ds(nrow0, ROWS_PER_CHUNK // DIM)], idx_n)
        cps = [
            pltpu.async_copy(
                eo_hbm.at[idx_n.at[k]], nvec.at[pl.ds(k * DIM, DIM)], sem)
            for k in range(ROWS_PER_CHUNK // DIM)
        ]
        for cp in cps:
            cp.wait()

        def bloop(b2, _):
            b = g * CHUNK_B + b2
            iv_regs = [ivec[b, pl.ds(q * L, L)] for q in range(DQ)]

            def jgroup(jj, _):
                svec = jnp.zeros((L,), jnp.float32)
                for u in range(L):
                    r = b2 * N_NEGS + jj * L + u
                    s = _dot_row(nvec, r, iv_regs)
                    svec = jnp.where(lane == u, s, svec)
                nsc[pl.ds(b2 * N_NEGS + jj * L, L)] = svec
                return _

            lax.fori_loop(0, N_NEGS // L, jgroup, None)
            return _

        lax.fori_loop(0, CHUNK_B, bloop, None)
        pltpu.sync_copy(
            nsc, ns_hbm.at[pl.ds((base + g * CHUNK_B) * N_NEGS, ROWS_PER_CHUNK)])
        return _

    lax.fori_loop(0, N_CHUNKS, chunk, None)


_sc_scores = functools.partial(
    pl.kernel,
    out_type=[
        jax.ShapeDtypeStruct((BATCH,), jnp.float32),
        jax.ShapeDtypeStruct((BATCH * N_NEGS,), jnp.float32),
    ],
    mesh=plsc.VectorSubcoreMesh(core_axis_name="c", subcore_axis_name="s"),
    scratch_types=[
        pltpu.VMEM((B_PER_W,), jnp.int32),
        pltpu.VMEM((B_PER_W,), jnp.int32),
        pltpu.VMEM((ROWS_PER_CHUNK // DIM, DIM), jnp.int32),
        pltpu.VMEM((B_PER_W, DIM), jnp.float32),
        pltpu.VMEM((B_PER_W, DIM), jnp.float32),
        pltpu.VMEM((ROWS_PER_CHUNK, DIM), jnp.float32),
        pltpu.VMEM((B_PER_W,), jnp.float32),
        pltpu.VMEM((ROWS_PER_CHUNK,), jnp.float32),
        pltpu.SemaphoreType.DMA,
    ],
)(_sc_body)


def _loss_body(os_ref, ns_ref, out_ref):
    o = os_ref[...]
    n = ns_ref[...]

    def logsig(x):
        return jnp.minimum(x, 0.0) - jnp.log(1.0 + jnp.exp(-jnp.abs(x)))

    tot = jnp.sum(logsig(o)) + jnp.sum(logsig(-n))
    out_ref[0, 0] = -tot / jnp.float32(BATCH)


_loss = pl.pallas_call(
    _loss_body,
    out_shape=jax.ShapeDtypeStruct((1, 1), jnp.float32),
    out_specs=pl.BlockSpec(memory_space=pltpu.SMEM),
)


def kernel(iwords, owords, nwords, emb_i, emb_o):
    nw2 = nwords.reshape(BATCH * N_NEGS // DIM, DIM)
    osc, nsc = _sc_scores(iwords, owords, nw2, emb_i, emb_o)
    loss = _loss(osc.reshape(BATCH // DIM, DIM),
                 nsc.reshape(BATCH * N_NEGS // DIM, DIM))
    return loss[0, 0]

# --- scband reference (transcript-rebuilt; emitter-appended) ---
"""Pipeline reference for scband-skip-gram-69114613729892 (READ-ONLY COPY).

The authoritative reference and input builder live on the scoring server;
editing this copy changes nothing except your own understanding.
"""

import jax, jax.numpy as jnp
import numpy as np

VOCAB = 100000
DIM = 128
BATCH = 4096
N_NEGS = 64


def setup_inputs(seed: int = 0) -> dict:
    key = jax.random.key(seed)
    k1, k2, k3, k4, k5 = jax.random.split(key, 5)
    iwords = jax.random.randint(k1, (BATCH,), 0, VOCAB, dtype=jnp.int64 if jax.config.jax_enable_x64 else jnp.int32).astype(jnp.int32)
    owords = jax.random.randint(k2, (BATCH,), 0, VOCAB).astype(jnp.int32)
    # negatives: original samples inside forward (uniform over vocab); externalized here for determinism
    nwords = jax.random.randint(k3, (BATCH, N_NEGS), 0, VOCAB).astype(jnp.int32)
    emb_i = jax.random.normal(k4, (VOCAB, DIM), dtype=jnp.float32) * 0.02
    emb_o = jax.random.normal(k5, (VOCAB, DIM), dtype=jnp.float32) * 0.02
    return {"iwords": iwords, "owords": owords, "nwords": nwords, "emb_i": emb_i, "emb_o": emb_o}


def reference(iwords, owords, nwords, emb_i, emb_o):
    # emb_model.forward_i / forward_o -> table gathers
    ivectors = jnp.take(emb_i, iwords, axis=0)[:, :, None]      # [B, D, 1]
    ovectors = jnp.take(emb_o, owords, axis=0)[:, None, :]      # [B, 1, D]
    nvectors = -jnp.take(emb_o, nwords, axis=0)                 # [B, n_negs, D]
    oloss = jnp.log(jax.nn.sigmoid(jnp.squeeze(jnp.matmul(ovectors, ivectors))))          # [B]
    nl = jnp.log(jax.nn.sigmoid(jnp.squeeze(jnp.matmul(nvectors, ivectors), axis=-1)))    # [B, n_negs]
    nloss = nl.reshape(-1, 1, N_NEGS).sum(axis=2).mean(axis=1)                             # [B]
    return -jnp.mean(oloss + nloss)

if __name__ == "__main__":
    import jax
    _d = setup_inputs()
    print(jax.jit(kernel)(*tuple(_d.values())))

</pallas_src>

<mosaic_0001>
#map = affine_map<(d0, d1) -> (0)>
#map1 = affine_map<(d0, d1) -> (0, 0)>
module attributes {stable_mosaic.version = 14 : i64} {
  func.func @_sc_body(%arg0: i32, %arg1: i32, %arg2: memref<4096xi32, #tpu.memory_space<hbm>>, %arg3: memref<4096xi32, #tpu.memory_space<hbm>>, %arg4: memref<2048x128xi32, #tpu.memory_space<hbm>>, %arg5: memref<100000x128xf32, #tpu.memory_space<hbm>>, %arg6: memref<100000x128xf32, #tpu.memory_space<hbm>>, %arg7: memref<4096xf32, #tpu.memory_space<hbm>>, %arg8: memref<262144xf32, #tpu.memory_space<hbm>>, %arg9: memref<128xi32, #tpu.memory_space<vmem>>, %arg10: memref<128xi32, #tpu.memory_space<vmem>>, %arg11: memref<4x128xi32, #tpu.memory_space<vmem>>, %arg12: memref<128x128xf32, #tpu.memory_space<vmem>>, %arg13: memref<128x128xf32, #tpu.memory_space<vmem>>, %arg14: memref<512x128xf32, #tpu.memory_space<vmem>>, %arg15: memref<128xf32, #tpu.memory_space<vmem>>, %arg16: memref<512xf32, #tpu.memory_space<vmem>>, %arg17: memref<!tpu.dma_semaphore, #tpu.memory_space<semaphore_mem>>) attributes {dimension_semantics = [#tpu.dimension_semantics<core_parallel>, #tpu.dimension_semantics<subcore_parallel>], iteration_bounds = array<i64: 2, 16>, scalar_prefetch = 0 : i64, scratch_operands = 9 : i64, tpu.core_type = #tpu.core_type<sc_vector_subcore>, window_params = [{transform_indices = #map}, {transform_indices = #map}, {transform_indices = #map1}, {transform_indices = #map1}, {transform_indices = #map1}, {transform_indices = #map}, {transform_indices = #map}]} {
    %mul3A = arith.constant 2 : i32
    %mul3A_0 = arith.muli %arg1, %mul3A : i32
    %add3A = arith.addi %mul3A_0, %arg0 : i32
    %mul3A_1 = arith.constant 128 : i32
    %mul3A_2 = arith.muli %add3A, %mul3A_1 : i32
    %iota3A = tpu.iota {dimensions = array<i32: 0>} : vector<16xi32>
    "tpu.region"() ({
      %run_scoped3A = tpu.sem_alloc : memref<!tpu.dma_semaphore, #tpu.memory_space<semaphore_mem>>
      %dma_start3A_22 = tpu.memref_slice %arg2[%mul3A_2] : memref<4096xi32, #tpu.memory_space<hbm>> -> memref<128xi32, #tpu.memory_space<hbm>>
      %dma_start3A_23 = tpu.memref_slice %arg2[%mul3A_2] : memref<4096xi32, #tpu.memory_space<hbm>> -> memref<128xi32, #tpu.memory_space<hbm>>
      tpu.enqueue_dma source(%dma_start3A_23 : memref<128xi32, #tpu.memory_space<hbm>>) target(%arg9 : memref<128xi32, #tpu.memory_space<vmem>>) target_semaphore(%run_scoped3A : memref<!tpu.dma_semaphore, #tpu.memory_space<semaphore_mem>>)
      %dma_wait3A_24 = tpu.memref_slice %arg2[%mul3A_2] : memref<4096xi32, #tpu.memory_space<hbm>> -> memref<128xi32, #tpu.memory_space<hbm>>
      %dma_wait3A_25 = tpu.memref_slice %arg2[%mul3A_2] : memref<4096xi32, #tpu.memory_space<hbm>> -> memref<128xi32, #tpu.memory_space<hbm>>
      tpu.wait_dma2 semaphore(%run_scoped3A : memref<!tpu.dma_semaphore, #tpu.memory_space<semaphore_mem>>) src(%dma_wait3A_25 : memref<128xi32, #tpu.memory_space<hbm>>) dst(%arg9 : memref<128xi32, #tpu.memory_space<vmem>>)
      tpu.yield
    }) : () -> ()
    "tpu.region"() ({
      %run_scoped3A = tpu.sem_alloc : memref<!tpu.dma_semaphore, #tpu.memory_space<semaphore_mem>>
      %dma_start3A_22 = tpu.memref_slice %arg3[%mul3A_2] : memref<4096xi32, #tpu.memory_space<hbm>> -> memref<128xi32, #tpu.memory_space<hbm>>
      %dma_start3A_23 = tpu.memref_slice %arg3[%mul3A_2] : memref<4096xi32, #tpu.memory_space<hbm>> -> memref<128xi32, #tpu.memory_space<hbm>>
      tpu.enqueue_dma source(%dma_start3A_23 : memref<128xi32, #tpu.memory_space<hbm>>) target(%arg10 : memref<128xi32, #tpu.memory_space<vmem>>) target_semaphore(%run_scoped3A : memref<!tpu.dma_semaphore, #tpu.memory_space<semaphore_mem>>)
      %dma_wait3A_24 = tpu.memref_slice %arg3[%mul3A_2] : memref<4096xi32, #tpu.memory_space<hbm>> -> memref<128xi32, #tpu.memory_space<hbm>>
      %dma_wait3A_25 = tpu.memref_slice %arg3[%mul3A_2] : memref<4096xi32, #tpu.memory_space<hbm>> -> memref<128xi32, #tpu.memory_space<hbm>>
      tpu.wait_dma2 semaphore(%run_scoped3A : memref<!tpu.dma_semaphore, #tpu.memory_space<semaphore_mem>>) src(%dma_wait3A_25 : memref<128xi32, #tpu.memory_space<hbm>>) dst(%arg10 : memref<128xi32, #tpu.memory_space<vmem>>)
      tpu.yield
    }) : () -> ()
    %dma_start3A = arith.constant 0 : i32
    %dma_start3A_3 = arith.constant 0 : i32
    %dma_start3A_4 = tpu.memref_slice %arg5[%dma_start3A, %dma_start3A_3] : memref<100000x128xf32, #tpu.memory_space<hbm>> -> memref<100000x128xf32, #tpu.memory_space<hbm>>
    tpu.enqueue_indirect_dma source(%dma_start3A_4 : memref<100000x128xf32, #tpu.memory_space<hbm>>) target(%arg12 : memref<128x128xf32, #tpu.memory_space<vmem>>) offsets(%arg9 : memref<128xi32, #tpu.memory_space<vmem>>) semaphore(%arg17 : memref<!tpu.dma_semaphore, #tpu.memory_space<semaphore_mem>>)
    %dma_start3A_5 = arith.constant 0 : i32
    %dma_start3A_6 = arith.constant 0 : i32
    %dma_start3A_7 = tpu.memref_slice %arg6[%dma_start3A_5, %dma_start3A_6] : memref<100000x128xf32, #tpu.memory_space<hbm>> -> memref<100000x128xf32, #tpu.memory_space<hbm>>
    tpu.enqueue_indirect_dma source(%dma_start3A_7 : memref<100000x128xf32, #tpu.memory_space<hbm>>) target(%arg13 : memref<128x128xf32, #tpu.memory_space<vmem>>) offsets(%arg10 : memref<128xi32, #tpu.memory_space<vmem>>) semaphore(%arg17 : memref<!tpu.dma_semaphore, #tpu.memory_space<semaphore_mem>>)
    %dma_wait3A = arith.constant 0 : i32
    %dma_wait3A_8 = arith.constant 0 : i32
    %dma_wait3A_9 = tpu.memref_slice %arg5[%dma_wait3A, %dma_wait3A_8] : memref<100000x128xf32, #tpu.memory_space<hbm>> -> memref<100000x128xf32, #tpu.memory_space<hbm>>
    tpu.wait_indirect_dma semaphore(%arg17 : memref<!tpu.dma_semaphore, #tpu.memory_space<semaphore_mem>>) src(%dma_wait3A_9 : memref<100000x128xf32, #tpu.memory_space<hbm>>) dst(%arg12 : memref<128x128xf32, #tpu.memory_space<vmem>>)
    %dma_wait3A_10 = arith.constant 0 : i32
    %dma_wait3A_11 = arith.constant 0 : i32
    %dma_wait3A_12 = tpu.memref_slice %arg6[%dma_wait3A_10, %dma_wait3A_11] : memref<100000x128xf32, #tpu.memory_space<hbm>> -> memref<100000x128xf32, #tpu.memory_space<hbm>>
    tpu.wait_indirect_dma semaphore(%arg17 : memref<!tpu.dma_semaphore, #tpu.memory_space<semaphore_mem>>) src(%dma_wait3A_12 : memref<100000x128xf32, #tpu.memory_space<hbm>>) dst(%arg13 : memref<128x128xf32, #tpu.memory_space<vmem>>)
    %scan3A = arith.constant 0 : i32
    %scan3A_13 = arith.constant 8 : i32
    %scan3A_14 = arith.addi %scan3A, %scan3A_13 : i32
    %scan3A_15 = arith.constant 1 : i32
    scf.for %scan3A_22 = %scan3A to %scan3A_14 step %scan3A_15  : i32 {
      %broadcast_in_dim3A = arith.constant 0.000000e+00 : f32
      %broadcast_in_dim3A_23 = vector.broadcast %broadcast_in_dim3A : f32 to vector<16xf32>
      %mul3A_24 = arith.constant 16 : i32
      %mul3A_25 = arith.muli %scan3A_22, %mul3A_24 : i32
      %add3A_26 = arith.constant 0 : i32
      %add3A_27 = arith.addi %mul3A_25, %add3A_26 : i32
      %get3A = arith.index_cast %add3A_27 : i32 to index
      %get3A_28 = arith.constant 0 : index
      %get3A_29 = tpu.vector_load %arg12[%get3A, %get3A_28] {strides = array<i32>} : memref<128x128xf32, #tpu.memory_space<vmem>>, vector<1x16xf32>,
      %get3A_30 = vector.shape_cast %get3A_29 : vector<1x16xf32> to vector<16xf32>
      %get3A_31 = arith.index_cast %add3A_27 : i32 to index
      %get3A_32 = arith.constant 16 : index
      %get3A_33 = tpu.vector_load %arg12[%get3A_31, %get3A_32] {strides = array<i32>} : memref<128x128xf32, #tpu.memory_space<vmem>>, vector<1x16xf32>,
      %get3A_34 = vector.shape_cast %get3A_33 : vector<1x16xf32> to vector<16xf32>
      %get3A_35 = arith.index_cast %add3A_27 : i32 to index
      %get3A_36 = arith.constant 32 : index
      %get3A_37 = tpu.vector_load %arg12[%get3A_35, %get3A_36] {strides = array<i32>} : memref<128x128xf32, #tpu.memory_space<vmem>>, vector<1x16xf32>,
      %get3A_38 = vector.shape_cast %get3A_37 : vector<1x16xf32> to vector<16xf32>
      %get3A_39 = arith.index_cast %add3A_27 : i32 to index
      %get3A_40 = arith.constant 48 : index
      %get3A_41 = tpu.vector_load %arg12[%get3A_39, %get3A_40] {strides = array<i32>} : memref<128x128xf32, #tpu.memory_space<vmem>>, vector<1x16xf32>,
      %get3A_42 = vector.shape_cast %get3A_41 : vector<1x16xf32> to vector<16xf32>
      %get3A_43 = arith.index_cast %add3A_27 : i32 to index
      %get3A_44 = arith.constant 64 : index
      %get3A_45 = tpu.vector_load %arg12[%get3A_43, %get3A_44] {strides = array<i32>} : memref<128x128xf32, #tpu.memory_space<vmem>>, vector<1x16xf32>,
      %get3A_46 = vector.shape_cast %get3A_45 : vector<1x16xf32> to vector<16xf32>
      %get3A_47 = arith.index_cast %add3A_27 : i32 to index
      %get3A_48 = arith.constant 80 : index
      %get3A_49 = tpu.vector_load %arg12[%get3A_47, %get3A_48] {strides = array<i32>} : memref<128x128xf32, #tpu.memory_space<vmem>>, vector<1x16xf32>,
      %get3A_50 = vector.shape_cast %get3A_49 : vector<1x16xf32> to vector<16xf32>
      %get3A_51 = arith.index_cast %add3A_27 : i32 to index
      %get3A_52 = arith.constant 96 : index
      %get3A_53 = tpu.vector_load %arg12[%get3A_51, %get3A_52] {strides = array<i32>} : memref<128x128xf32, #tpu.memory_space<vmem>>, vector<1x16xf32>,
      %get3A_54 = vector.shape_cast %get3A_53 : vector<1x16xf32> to vector<16xf32>
      %get3A_55 = arith.index_cast %add3A_27 : i32 to index
      %get3A_56 = arith.constant 112 : index
      %get3A_57 = tpu.vector_load %arg12[%get3A_55, %get3A_56] {strides = array<i32>} : memref<128x128xf32, #tpu.memory_space<vmem>>, vector<1x16xf32>,
      %get3A_58 = vector.shape_cast %get3A_57 : vector<1x16xf32> to vector<16xf32>
      %get3A_59 = arith.index_cast %add3A_27 : i32 to index
      %get3A_60 = arith.constant 0 : index
      %get3A_61 = tpu.vector_load %arg13[%get3A_59, %get3A_60] {strides = array<i32>} : memref<128x128xf32, #tpu.memory_space<vmem>>, vector<1x16xf32>,
      %get3A_62 = vector.shape_cast %get3A_61 : vector<1x16xf32> to vector<16xf32>
      %mul3A_63 = arith.mulf %get3A_62, %get3A_30 : vector<16xf32>
      %get3A_64 = arith.index_cast %add3A_27 : i32 to index
      %get3A_65 = arith.constant 16 : index
      %get3A_66 = tpu.vector_load %arg13[%get3A_64, %get3A_65] {strides = array<i32>} : memref<128x128xf32, #tpu.memory_space<vmem>>, vector<1x16xf32>,
      %get3A_67 = vector.shape_cast %get3A_66 : vector<1x16xf32> to vector<16xf32>
      %mul3A_68 = arith.mulf %get3A_67, %get3A_34 : vector<16xf32>
      %add3A_69 = arith.addf %mul3A_63, %mul3A_68 : vector<16xf32>
      %get3A_70 = arith.index_cast %add3A_27 : i32 to index
      %get3A_71 = arith.constant 32 : index
      %get3A_72 = tpu.vector_load %arg13[%get3A_70, %get3A_71] {strides = array<i32>} : memref<128x128xf32, #tpu.memory_space<vmem>>, vector<1x16xf32>,
      %get3A_73 = vector.shape_cast %get3A_72 : vector<1x16xf32> to vector<16xf32>
      %mul3A_74 = arith.mulf %get3A_73, %get3A_38 : vector<16xf32>
      %add3A_75 = arith.addf %add3A_69, %mul3A_74 : vector<16xf32>
      %get3A_76 = arith.index_cast %add3A_27 : i32 to index
      %get3A_77 = arith.constant 48 : index
      %get3A_78 = tpu.vector_load %arg13[%get3A_76, %get3A_77] {strides = array<i32>} : memref<128x128xf32, #tpu.memory_space<vmem>>, vector<1x16xf32>,
      %get3A_79 = vector.shape_cast %get3A_78 : vector<1x16xf32> to vector<16xf32>
      %mul3A_80 = arith.mulf %get3A_79, %get3A_42 : vector<16xf32>
      %add3A_81 = arith.addf %add3A_75, %mul3A_80 : vector<16xf32>
      %get3A_82 = arith.index_cast %add3A_27 : i32 to index
      %get3A_83 = arith.constant 64 : index
      %get3A_84 = tpu.vector_load %arg13[%get3A_82, %get3A_83] {strides = array<i32>} : memref<128x128xf32, #tpu.memory_space<vmem>>, vector<1x16xf32>,
      %get3A_85 = vector.shape_cast %get3A_84 : vector<1x16xf32> to vector<16xf32>
      %mul3A_86 = arith.mulf %get3A_85, %get3A_46 : vector<16xf32>
      %add3A_87 = arith.addf %add3A_81, %mul3A_86 : vector<16xf32>
      %get3A_88 = arith.index_cast %add3A_27 : i32 to index
      %get3A_89 = arith.constant 80 : index
      %get3A_90 = tpu.vector_load %arg13[%get3A_88, %get3A_89] {strides = array<i32>} : memref<128x128xf32, #tpu.memory_space<vmem>>, vector<1x16xf32>,
      %get3A_91 = vector.shape_cast %get3A_90 : vector<1x16xf32> to vector<16xf32>
      %mul3A_92 = arith.mulf %get3A_91, %get3A_50 : vector<16xf32>
      %add3A_93 = arith.addf %add3A_87, %mul3A_92 : vector<16xf32>
      %get3A_94 = arith.index_cast %add3A_27 : i32 to index
      %get3A_95 = arith.constant 96 : index
      %get3A_96 = tpu.vector_load %arg13[%get3A_94, %get3A_95] {strides = array<i32>} : memref<128x128xf32, #tpu.memory_space<vmem>>, vector<1x16xf32>,
      %get3A_97 = vector.shape_cast %get3A_96 : vector<1x16xf32> to vector<16xf32>
      %mul3A_98 = arith.mulf %get3A_97, %get3A_54 : vector<16xf32>
      %add3A_99 = arith.addf %add3A_93, %mul3A_98 : vector<16xf32>
      %get3A_100 = arith.index_cast %add3A_27 : i32 to index
      %get3A_101 = arith.constant 112 : index
      %get3A_102 = tpu.vector_load %arg13[%get3A_100, %get3A_101] {strides = array<i32>} : memref<128x128xf32, #tpu.memory_space<vmem>>, vector<1x16xf32>,
      %get3A_103 = vector.shape_cast %get3A_102 : vector<1x16xf32> to vector<16xf32>
      %mul3A_104 = arith.mulf %get3A_103, %get3A_58 : vector<16xf32>
      %add3A_105 = arith.addf %add3A_99, %mul3A_104 : vector<16xf32>
      %iota3A_106 = tpu.iota {dimensions = array<i32: 0>} : vector<16xi32>
      %xor3A = arith.constant 8 : i32
      %xor3A_107 = vector.broadcast %xor3A : i32 to vector<16xi32>
      %xor3A_108 = arith.xori %iota3A_106, %xor3A_107 : vector<16xi32>
      %lt3A = arith.constant 0 : i32
      %lt3A_109 = vector.broadcast %lt3A : i32 to vector<16xi32>
      %lt3A_110 = arith.cmpi slt, %xor3A_108, %lt3A_109 : vector<16xi32>
      %add3A_111 = arith.constant 16 : i32
      %add3A_112 = vector.broadcast %add3A_111 : i32 to vector<16xi32>
      %add3A_113 = arith.addi %xor3A_108, %add3A_112 : vector<16xi32>
      %select_n3A = arith.select %lt3A_110, %add3A_113, %xor3A_108 : vector<16xi1>, vector<16xi32>
      %broadcast_in_dim3A_114 = vector.shape_cast %select_n3A : vector<16xi32> to vector<16x1xi32>
      %gather3A = vector.shape_cast %broadcast_in_dim3A_114 : vector<16x1xi32> to vector<16xi32>
      %gather3A_115 = tpu.dynamic_gather %add3A_105[%gather3A] in [0] : vector<16xf32>, vector<16xi32> -> vector<16xf32>
      %add3A_116 = arith.addf %add3A_105, %gather3A_115 : vector<16xf32>
      %xor3A_117 = arith.constant 4 : i32
      %xor3A_118 = vector.broadcast %xor3A_117 : i32 to vector<16xi32>
      %xor3A_119 = arith.xori %iota3A_106, %xor3A_118 : vector<16xi32>
      %lt3A_120 = arith.constant 0 : i32
      %lt3A_121 = vector.broadcast %lt3A_120 : i32 to vector<16xi32>
      %lt3A_122 = arith.cmpi slt, %xor3A_119, %lt3A_121 : vector<16xi32>
      %add3A_123 = arith.constant 16 : i32
      %add3A_124 = vector.broadcast %add3A_123 : i32 to vector<16xi32>
      %add3A_125 = arith.addi %xor3A_119, %add3A_124 : vector<16xi32>
      %select_n3A_126 = arith.select %lt3A_122, %add3A_125, %xor3A_119 : vector<16xi1>, vector<16xi32>
      %broadcast_in_dim3A_127 = vector.shape_cast %select_n3A_126 : vector<16xi32> to vector<16x1xi32>
      %gather3A_128 = vector.shape_cast %broadcast_in_dim3A_127 : vector<16x1xi32> to vector<16xi32>
      %gather3A_129 = tpu.dynamic_gather %add3A_116[%gather3A_128] in [0] : vector<16xf32>, vector<16xi32> -> vector<16xf32>
      %add3A_130 = arith.addf %add3A_116, %gather3A_129 : vector<16xf32>
      %xor3A_131 = arith.constant 2 : i32
      %xor3A_132 = vector.broadcast %xor3A_131 : i32 to vector<16xi32>
      %xor3A_133 = arith.xori %iota3A_106, %xor3A_132 : vector<16xi32>
      %lt3A_134 = arith.constant 0 : i32
      %lt3A_135 = vector.broadcast %lt3A_134 : i32 to vector<16xi32>
      %lt3A_136 = arith.cmpi slt, %xor3A_133, %lt3A_135 : vector<16xi32>
      %add3A_137 = arith.constant 16 : i32
      %add3A_138 = vector.broadcast %add3A_137 : i32 to vector<16xi32>
      %add3A_139 = arith.addi %xor3A_133, %add3A_138 : vector<16xi32>
      %select_n3A_140 = arith.select %lt3A_136, %add3A_139, %xor3A_133 : vector<16xi1>, vector<16xi32>
      %broadcast_in_dim3A_141 = vector.shape_cast %select_n3A_140 : vector<16xi32> to vector<16x1xi32>
      %gather3A_142 = vector.shape_cast %broadcast_in_dim3A_141 : vector<16x1xi32> to vector<16xi32>
      %gather3A_143 = tpu.dynamic_gather %add3A_130[%gather3A_142] in [0] : vector<16xf32>, vector<16xi32> -> vector<16xf32>
      %add3A_144 = arith.addf %add3A_130, %gather3A_143 : vector<16xf32>
      %xor3A_145 = arith.constant 1 : i32
      %xor3A_146 = vector.broadcast %xor3A_145 : i32 to vector<16xi32>
      %xor3A_147 = arith.xori %iota3A_106, %xor3A_146 : vector<16xi32>
      %lt3A_148 = arith.constant 0 : i32
      %lt3A_149 = vector.broadcast %lt3A_148 : i32 to vector<16xi32>
      %lt3A_150 = arith.cmpi slt, %xor3A_147, %lt3A_149 : vector<16xi32>
      %add3A_151 = arith.constant 16 : i32
      %add3A_152 = vector.broadcast %add3A_151 : i32 to vector<16xi32>
      %add3A_153 = arith.addi %xor3A_147, %add3A_152 : vector<16xi32>
      %select_n3A_154 = arith.select %lt3A_150, %add3A_153, %xor3A_147 : vector<16xi1>, vector<16xi32>
      %broadcast_in_dim3A_155 = vector.shape_cast %select_n3A_154 : vector<16xi32> to vector<16x1xi32>
      %gather3A_156 = vector.shape_cast %broadcast_in_dim3A_155 : vector<16x1xi32> to vector<16xi32>
      %gather3A_157 = tpu.dynamic_gather %add3A_144[%gather3A_156] in [0] : vector<16xf32>, vector<16xi32> -> vector<16xf32>
      %add3A_158 = arith.addf %add3A_144, %gather3A_157 : vector<16xf32>
      %eq3A = arith.constant 0 : i32
      %eq3A_159 = vector.broadcast %eq3A : i32 to vector<16xi32>
      %eq3A_160 = arith.cmpi eq, %iota3A, %eq3A_159 : vector<16xi32>
      %select_n3A_161 = arith.select %eq3A_160, %add3A_158, %broadcast_in_dim3A_23 : vector<16xi1>, vector<16xf32>
      %mul3A_162 = arith.constant 16 : i32
      %mul3A_163 = arith.muli %scan3A_22, %mul3A_162 : i32
      %add3A_164 = arith.constant 1 : i32
      %add3A_165 = arith.addi %mul3A_163, %add3A_164 : i32
      %get3A_166 = arith.index_cast %add3A_165 : i32 to index
      %get3A_167 = arith.constant 0 : index
      %get3A_168 = tpu.vector_load %arg12[%get3A_166, %get3A_167] {strides = array<i32>} : memref<128x128xf32, #tpu.memory_space<vmem>>, vector<1x16xf32>,
      %get3A_169 = vector.shape_cast %get3A_168 : vector<1x16xf32> to vector<16xf32>
      %get3A_170 = arith.index_cast %add3A_165 : i32 to index
      %get3A_171 = arith.constant 16 : index
      %get3A_172 = tpu.vector_load %arg12[%get3A_170, %get3A_171] {strides = array<i32>} : memref<128x128xf32, #tpu.memory_space<vmem>>, vector<1x16xf32>,
      %get3A_173 = vector.shape_cast %get3A_172 : vector<1x16xf32> to vector<16xf32>
      %get3A_174 = arith.index_cast %add3A_165 : i32 to index
      %get3A_175 = arith.constant 32 : index
      %get3A_176 = tpu.vector_load %arg12[%get3A_174, %get3A_175] {strides = array<i32>} : memref<128x128xf32, #tpu.memory_space<vmem>>, vector<1x16xf32>,
      %get3A_177 = vector.shape_cast %get3A_176 : vector<1x16xf32> to vector<16xf32>
      %get3A_178 = arith.index_cast %add3A_165 : i32 to index
      %get3A_179 = arith.constant 48 : index
      %get3A_180 = tpu.vector_load %arg12[%get3A_178, %get3A_179] {strides = array<i32>} : memref<128x128xf32, #tpu.memory_space<vmem>>, vector<1x16xf32>,
      %get3A_181 = vector.shape_cast %get3A_180 : vector<1x16xf32> to vector<16xf32>
      %get3A_182 = arith.index_cast %add3A_165 : i32 to index
      %get3A_183 = arith.constant 64 : index
      %get3A_184 = tpu.vector_load %arg12[%get3A_182, %get3A_183] {strides = array<i32>} : memref<128x128xf32, #tpu.memory_space<vmem>>, vector<1x16xf32>,
      %get3A_185 = vector.shape_cast %get3A_184 : vector<1x16xf32> to vector<16xf32>
      %get3A_186 = arith.index_cast %add3A_165 : i32 to index
      %get3A_187 = arith.constant 80 : index
      %get3A_188 = tpu.vector_load %arg12[%get3A_186, %get3A_187] {strides = array<i32>} : memref<128x128xf32, #tpu.memory_space<vmem>>, vector<1x16xf32>,
      %get3A_189 = vector.shape_cast %get3A_188 : vector<1x16xf32> to vector<16xf32>
      %get3A_190 = arith.index_cast %add3A_165 : i32 to index
      %get3A_191 = arith.constant 96 : index
      %get3A_192 = tpu.vector_load %arg12[%get3A_190, %get3A_191] {strides = array<i32>} : memref<128x128xf32, #tpu.memory_space<vmem>>, vector<1x16xf32>,
      %get3A_193 = vector.shape_cast %get3A_192 : vector<1x16xf32> to vector<16xf32>
      %get3A_194 = arith.index_cast %add3A_165 : i32 to index
      %get3A_195 = arith.constant 112 : index
      %get3A_196 = tpu.vector_load %arg12[%get3A_194, %get3A_195] {strides = array<i32>} : memref<128x128xf32, #tpu.memory_space<vmem>>, vector<1x16xf32>,
      %get3A_197 = vector.shape_cast %get3A_196 : vector<1x16xf32> to vector<16xf32>
      %get3A_198 = arith.index_cast %add3A_165 : i32 to index
      %get3A_199 = arith.constant 0 : index
      %get3A_200 = tpu.vector_load %arg13[%get3A_198, %get3A_199] {strides = array<i32>} : memref<128x128xf32, #tpu.memory_space<vmem>>, vector<1x16xf32>,
      %get3A_201 = vector.shape_cast %get3A_200 : vector<1x16xf32> to vector<16xf32>
      %mul3A_202 = arith.mulf %get3A_201, %get3A_169 : vector<16xf32>
      %get3A_203 = arith.index_cast %add3A_165 : i32 to index
      %get3A_204 = arith.constant 16 : index
      %get3A_205 = tpu.vector_load %arg13[%get3A_203, %get3A_204] {strides = array<i32>} : memref<128x128xf32, #tpu.memory_space<vmem>>, vector<1x16xf32>,
      %get3A_206 = vector.shape_cast %get3A_205 : vector<1x16xf32> to vector<16xf32>
      %mul3A_207 = arith.mulf %get3A_206, %get3A_173 : vector<16xf32>
      %add3A_208 = arith.addf %mul3A_202, %mul3A_207 : vector<16xf32>
      %get3A_209 = arith.index_cast %add3A_165 : i32 to index
      %get3A_210 = arith.constant 32 : index
      %get3A_211 = tpu.vector_load %arg13[%get3A_209, %get3A_210] {strides = array<i32>} : memref<128x128xf32, #tpu.memory_space<vmem>>, vector<1x16xf32>,
      %get3A_212 = vector.shape_cast %get3A_211 : vector<1x16xf32> to vector<16xf32>
      %mul3A_213 = arith.mulf %get3A_212, %get3A_177 : vector<16xf32>
      %add3A_214 = arith.addf %add3A_208, %mul3A_213 : vector<16xf32>
      %get3A_215 = arith.index_cast %add3A_165 : i32 to index
      %get3A_216 = arith.constant 48 : index
      %get3A_217 = tpu.vector_load %arg13[%get3A_215, %get3A_216] {strides = array<i32>} : memref<128x128xf32, #tpu.memory_space<vmem>>, vector<1x16xf32>,
      %get3A_218 = vector.shape_cast %get3A_217 : vector<1x16xf32> to vector<16xf32>
      %mul3A_219 = arith.mulf %get3A_218, %get3A_181 : vector<16xf32>
      %add3A_220 = arith.addf %add3A_214, %mul3A_219 : vector<16xf32>
      %get3A_221 = arith.index_cast %add3A_165 : i32 to index
      %get3A_222 = arith.constant 64 : index
      %get3A_223 = tpu.vector_load %arg13[%get3A_221, %get3A_222] {strides = array<i32>} : memref<128x128xf32, #tpu.memory_space<vmem>>, vector<1x16xf32>,
      %get3A_224 = vector.shape_cast %get3A_223 : vector<1x16xf32> to vector<16xf32>
      %mul3A_225 = arith.mulf %get3A_224, %get3A_185 : vector<16xf32>
      %add3A_226 = arith.addf %add3A_220, %mul3A_225 : vector<16xf32>
      %get3A_227 = arith.index_cast %add3A_165 : i32 to index
      %get3A_228 = arith.constant 80 : index
      %get3A_229 = tpu.vector_load %arg13[%get3A_227, %get3A_228] {strides = array<i32>} : memref<128x128xf32, #tpu.memory_space<vmem>>, vector<1x16xf32>,
      %get3A_230 = vector.shape_cast %get3A_229 : vector<1x16xf32> to vector<16xf32>
      %mul3A_231 = arith.mulf %get3A_230, %get3A_189 : vector<16xf32>
      %add3A_232 = arith.addf %add3A_226, %mul3A_231 : vector<16xf32>
      %get3A_233 = arith.index_cast %add3A_165 : i32 to index
      %get3A_234 = arith.constant 96 : index
      %get3A_235 = tpu.vector_load %arg13[%get3A_233, %get3A_234] {strides = array<i32>} : memref<128x128xf32, #tpu.memory_space<vmem>>, vector<1x16xf32>,
      %get3A_236 = vector.shape_cast %get3A_235 : vector<1x16xf32> to vector<16xf32>
      %mul3A_237 = arith.mulf %get3A_236, %get3A_193 : vector<16xf32>
      %add3A_238 = arith.addf %add3A_232, %mul3A_237 : vector<16xf32>
      %get3A_239 = arith.index_cast %add3A_165 : i32 to index
      %get3A_240 = arith.constant 112 : index
      %get3A_241 = tpu.vector_load %arg13[%get3A_239, %get3A_240] {strides = array<i32>} : memref<128x128xf32, #tpu.memory_space<vmem>>, vector<1x16xf32>,
      %get3A_242 = vector.shape_cast %get3A_241 : vector<1x16xf32> to vector<16xf32>
      %mul3A_243 = arith.mulf %get3A_242, %get3A_197 : vector<16xf32>
      %add3A_244 = arith.addf %add3A_238, %mul3A_243 : vector<16xf32>
      %iota3A_245 = tpu.iota {dimensions = array<i32: 0>} : vector<16xi32>
      %xor3A_246 = arith.constant 8 : i32
      %xor3A_247 = vector.broadcast %xor3A_246 : i32 to vector<16xi32>
      %xor3A_248 = arith.xori %iota3A_245, %xor3A_247 : vector<16xi32>
      %lt3A_249 = arith.constant 0 : i32
      %lt3A_250 = vector.broadcast %lt3A_249 : i32 to vector<16xi32>
      %lt3A_251 = arith.cmpi slt, %xor3A_248, %lt3A_250 : vector<16xi32>
      %add3A_252 = arith.constant 16 : i32
      %add3A_253 = vector.broadcast %add3A_252 : i32 to vector<16xi32>
      %add3A_254 = arith.addi %xor3A_248, %add3A_253 : vector<16xi32>
      %select_n3A_255 = arith.select %lt3A_251, %add3A_254, %xor3A_248 : vector<16xi1>, vector<16xi32>
      %broadcast_in_dim3A_256 = vector.shape_cast %select_n3A_255 : vector<16xi32> to vector<16x1xi32>
      %gather3A_257 = vector.shape_cast %broadcast_in_dim3A_256 : vector<16x1xi32> to vector<16xi32>
      %gather3A_258 = tpu.dynamic_gather %add3A_244[%gather3A_257] in [0] : vector<16xf32>, vector<16xi32> -> vector<16xf32>
      %add3A_259 = arith.addf %add3A_244, %gather3A_258 : vector<16xf32>
      %xor3A_260 = arith.constant 4 : i32
      %xor3A_261 = vector.broadcast %xor3A_260 : i32 to vector<16xi32>
      %xor3A_262 = arith.xori %iota3A_245, %xor3A_261 : vector<16xi32>
      %lt3A_263 = arith.constant 0 : i32
      %lt3A_264 = vector.broadcast %lt3A_263 : i32 to vector<16xi32>
      %lt3A_265 = arith.cmpi slt, %xor3A_262, %lt3A_264 : vector<16xi32>
      %add3A_266 = arith.constant 16 : i32
      %add3A_267 = vector.broadcast %add3A_266 : i32 to vector<16xi32>
      %add3A_268 = arith.addi %xor3A_262, %add3A_267 : vector<16xi32>
      %select_n3A_269 = arith.select %lt3A_265, %add3A_268, %xor3A_262 : vector<16xi1>, vector<16xi32>
      %broadcast_in_dim3A_270 = vector.shape_cast %select_n3A_269 : vector<16xi32> to vector<16x1xi32>
      %gather3A_271 = vector.shape_cast %broadcast_in_dim3A_270 : vector<16x1xi32> to vector<16xi32>
      %gather3A_272 = tpu.dynamic_gather %add3A_259[%gather3A_271] in [0] : vector<16xf32>, vector<16xi32> -> vector<16xf32>
      %add3A_273 = arith.addf %add3A_259, %gather3A_272 : vector<16xf32>
      %xor3A_274 = arith.constant 2 : i32
      %xor3A_275 = vector.broadcast %xor3A_274 : i32 to vector<16xi32>
      %xor3A_276 = arith.xori %iota3A_245, %xor3A_275 : vector<16xi32>
      %lt3A_277 = arith.constant 0 : i32
      %lt3A_278 = vector.broadcast %lt3A_277 : i32 to vector<16xi32>
      %lt3A_279 = arith.cmpi slt, %xor3A_276, %lt3A_278 : vector<16xi32>
      %add3A_280 = arith.constant 16 : i32
      %add3A_281 = vector.broadcast %add3A_280 : i32 to vector<16xi32>
      %add3A_282 = arith.addi %xor3A_276, %add3A_281 : vector<16xi32>
      %select_n3A_283 = arith.select %lt3A_279, %add3A_282, %xor3A_276 : vector<16xi1>, vector<16xi32>
      %broadcast_in_dim3A_284 = vector.shape_cast %select_n3A_283 : vector<16xi32> to vector<16x1xi32>
      %gather3A_285 = vector.shape_cast %broadcast_in_dim3A_284 : vector<16x1xi32> to vector<16xi32>
      %gather3A_286 = tpu.dynamic_gather %add3A_273[%gather3A_285] in [0] : vector<16xf32>, vector<16xi32> -> vector<16xf32>
      %add3A_287 = arith.addf %add3A_273, %gather3A_286 : vector<16xf32>
      %xor3A_288 = arith.constant 1 : i32
      %xor3A_289 = vector.broadcast %xor3A_288 : i32 to vector<16xi32>
      %xor3A_290 = arith.xori %iota3A_245, %xor3A_289 : vector<16xi32>
      %lt3A_291 = arith.constant 0 : i32
      %lt3A_292 = vector.broadcast %lt3A_291 : i32 to vector<16xi32>
      %lt3A_293 = arith.cmpi slt, %xor3A_290, %lt3A_292 : vector<16xi32>
      %add3A_294 = arith.constant 16 : i32
      %add3A_295 = vector.broadcast %add3A_294 : i32 to vector<16xi32>
      %add3A_296 = arith.addi %xor3A_290, %add3A_295 : vector<16xi32>
      %select_n3A_297 = arith.select %lt3A_293, %add3A_296, %xor3A_290 : vector<16xi1>, vector<16xi32>
      %broadcast_in_dim3A_298 = vector.shape_cast %select_n3A_297 : vector<16xi32> to vector<16x1xi32>
      %gather3A_299 = vector.shape_cast %broadcast_in_dim3A_298 : vector<16x1xi32> to vector<16xi32>
      %gather3A_300 = tpu.dynamic_gather %add3A_287[%gather3A_299] in [0] : vector<16xf32>, vector<16xi32> -> vector<16xf32>
      %add3A_301 = arith.addf %add3A_287, %gather3A_300 : vector<16xf32>
      %eq3A_302 = arith.constant 1 : i32
      %eq3A_303 = vector.broadcast %eq3A_302 : i32 to vector<16xi32>
      %eq3A_304 = arith.cmpi eq, %iota3A, %eq3A_303 : vector<16xi32>
      %select_n3A_305 = arith.select %eq3A_304, %add3A_301, %select_n3A_161 : vector<16xi1>, vector<16xf32>
      %mul3A_306 = arith.constant 16 : i32
      %mul3A_307 = arith.muli %scan3A_22, %mul3A_306 : i32
      %add3A_308 = arith.constant 2 : i32
      %add3A_309 = arith.addi %mul3A_307, %add3A_308 : i32
      %get3A_310 = arith.index_cast %add3A_309 : i32 to index
      %get3A_311 = arith.constant 0 : index
      %get3A_312 = tpu.vector_load %arg12[%get3A_310, %get3A_311] {strides = array<i32>} : memref<128x128xf32, #tpu.memory_space<vmem>>, vector<1x16xf32>,
      %get3A_313 = vector.shape_cast %get3A_312 : vector<1x16xf32> to vector<16xf32>
      %get3A_314 = arith.index_cast %add3A_309 : i32 to index
      %get3A_315 = arith.constant 16 : index
      %get3A_316 = tpu.vector_load %arg12[%get3A_314, %get3A_315] {strides = array<i32>} : memref<128x128xf32, #tpu.memory_space<vmem>>, vector<1x16xf32>,
      %get3A_317 = vector.shape_cast %get3A_316 : vector<1x16xf32> to vector<16xf32>
      %get3A_318 = arith.index_cast %add3A_309 : i32 to index
      %get3A_319 = arith.constant 32 : index
      %get3A_320 = tpu.vector_load %arg12[%get3A_318, %get3A_319] {strides = array<i32>} : memref<128x128xf32, #tpu.memory_space<vmem>>, vector<1x16xf32>,
      %get3A_321 = vector.shape_cast %get3A_320 : vector<1x16xf32> to vector<16xf32>
      %get3A_322 = arith.index_cast %add3A_309 : i32 to index
      %get3A_323 = arith.constant 48 : index
      %get3A_324 = tpu.vector_load %arg12[%get3A_322, %get3A_323] {strides = array<i32>} : memref<128x128xf32, #tpu.memory_space<vmem>>, vector<1x16xf32>,
      %get3A_325 = vector.shape_cast %get3A_324 : vector<1x16xf32> to vector<16xf32>
      %get3A_326 = arith.index_cast %add3A_309 : i32 to index
      %get3A_327 = arith.constant 64 : index
      %get3A_328 = tpu.vector_load %arg12[%get3A_326, %get3A_327] {strides = array<i32>} : memref<128x128xf32, #tpu.memory_space<vmem>>, vector<1x16xf32>,
      %get3A_329 = vector.shape_cast %get3A_328 : vector<1x16xf32> to vector<16xf32>
      %get3A_330 = arith.index_cast %add3A_309 : i32 to index
      %get3A_331 = arith.constant 80 : index
      %get3A_332 = tpu.vector_load %arg12[%get3A_330, %get3A_331] {strides = array<i32>} : memref<128x128xf32, #tpu.memory_space<vmem>>, vector<1x16xf32>,
      %get3A_333 = vector.shape_cast %get3A_332 : vector<1x16xf32> to vector<16xf32>
      %get3A_334 = arith.index_cast %add3A_309 : i32 to index
      %get3A_335 = arith.constant 96 : index
      %get3A_336 = tpu.vector_load %arg12[%get3A_334, %get3A_335] {strides = array<i32>} : memref<128x128xf32, #tpu.memory_space<vmem>>, vector<1x16xf32>,
      %get3A_337 = vector.shape_cast %get3A_336 : vector<1x16xf32> to vector<16xf32>
      %get3A_338 = arith.index_cast %add3A_309 : i32 to index
      %get3A_339 = arith.constant 112 : index
      %get3A_340 = tpu.vector_load %arg12[%get3A_338, %get3A_339] {strides = array<i32>} : memref<128x128xf32, #tpu.memory_space<vmem>>, vector<1x16xf32>,
      %get3A_341 = vector.shape_cast %get3A_340 : vector<1x16xf32> to vector<16xf32>
      %get3A_342 = arith.index_cast %add3A_309 : i32 to index
      %get3A_343 = arith.constant 0 : index
      %get3A_344 = tpu.vector_load %arg13[%get3A_342, %get3A_343] {strides = array<i32>} : memref<128x128xf32, #tpu.memory_space<vmem>>, vector<1x16xf32>,
      %get3A_345 = vector.shape_cast %get3A_344 : vector<1x16xf32> to vector<16xf32>
      %mul3A_346 = arith.mulf %get3A_345, %get3A_313 : vector<16xf32>
      %get3A_347 = arith.index_cast %add3A_309 : i32 to index
      %get3A_348 = arith.constant 16 : index
      %get3A_349 = tpu.vector_load %arg13[%get3A_347, %get3A_348] {strides = array<i32>} : memref<128x128xf32, #tpu.memory_space<vmem>>, vector<1x16xf32>,
      %get3A_350 = vector.shape_cast %get3A_349 : vector<1x16xf32> to vector<16xf32>
      %mul3A_351 = arith.mulf %get3A_350, %get3A_317 : vector<16xf32>
      %add3A_352 = arith.addf %mul3A_346, %mul3A_351 : vector<16xf32>
      %get3A_353 = arith.index_cast %add3A_309 : i32 to index
      %get3A_354 = arith.constant 32 : index
      %get3A_355 = tpu.vector_load %arg13[%get3A_353, %get3A_354] {strides = array<i32>} : memref<128x128xf32, #tpu.memory_space<vmem>>, vector<1x16xf32>,
      %get3A_356 = vector.shape_cast %get3A_355 : vector<1x16xf32> to vector<16xf32>
      %mul3A_357 = arith.mulf %get3A_356, %get3A_321 : vector<16xf32>
      %add3A_358 = arith.addf %add3A_352, %mul3A_357 : vector<16xf32>
      %get3A_359 = arith.index_cast %add3A_309 : i32 to index
      %get3A_360 = arith.constant 48 : index
      %get3A_361 = tpu.vector_load %arg13[%get3A_359, %get3A_360] {strides = array<i32>} : memref<128x128xf32, #tpu.memory_space<vmem>>, vector<1x16xf32>,
      %get3A_362 = vector.shape_cast %get3A_361 : vector<1x16xf32> to vector<16xf32>
      %mul3A_363 = arith.mulf %get3A_362, %get3A_325 : vector<16xf32>
      %add3A_364 = arith.addf %add3A_358, %mul3A_363 : vector<16xf32>
      %get3A_365 = arith.index_cast %add3A_309 : i32 to index
      %get3A_366 = arith.constant 64 : index
      %get3A_367 = tpu.vector_load %arg13[%get3A_365, %get3A_366] {strides = array<i32>} : memref<128x128xf32, #tpu.memory_space<vmem>>, vector<1x16xf32>,
      %get3A_368 = vector.shape_cast %get3A_367 : vector<1x16xf32> to vector<16xf32>
      %mul3A_369 = arith.mulf %get3A_368, %get3A_329 : vector<16xf32>
      %add3A_370 = arith.addf %add3A_364, %mul3A_369 : vector<16xf32>
      %get3A_371 = arith.index_cast %add3A_309 : i32 to index
      %get3A_372 = arith.constant 80 : index
      %get3A_373 = tpu.vector_load %arg13[%get3A_371, %get3A_372] {strides = array<i32>} : memref<128x128xf32, #tpu.memory_space<vmem>>, vector<1x16xf32>,
      %get3A_374 = vector.shape_cast %get3A_373 : vector<1x16xf32> to vector<16xf32>
      %mul3A_375 = arith.mulf %get3A_374, %get3A_333 : vector<16xf32>
      %add3A_376 = arith.addf %add3A_370, %mul3A_375 : vector<16xf32>
      %get3A_377 = arith.index_cast %add3A_309 : i32 to index
      %get3A_378 = arith.constant 96 : index
      %get3A_379 = tpu.vector_load %arg13[%get3A_377, %get3A_378] {strides = array<i32>} : memref<128x128xf32, #tpu.memory_space<vmem>>, vector<1x16xf32>,
      %get3A_380 = vector.shape_cast %get3A_379 : vector<1x16xf32> to vector<16xf32>
      %mul3A_381 = arith.mulf %get3A_380, %get3A_337 : vector<16xf32>
      %add3A_382 = arith.addf %add3A_376, %mul3A_381 : vector<16xf32>
      %get3A_383 = arith.index_cast %add3A_309 : i32 to index
      %get3A_384 = arith.constant 112 : index
      %get3A_385 = tpu.vector_load %arg13[%get3A_383, %get3A_384] {strides = array<i32>} : memref<128x128xf32, #tpu.memory_space<vmem>>, vector<1x16xf32>,
      %get3A_386 = vector.shape_cast %get3A_385 : vector<1x16xf32> to vector<16xf32>
      %mul3A_387 = arith.mulf %get3A_386, %get3A_341 : vector<16xf32>
      %add3A_388 = arith.addf %add3A_382, %mul3A_387 : vector<16xf32>
      %iota3A_389 = tpu.iota {dimensions = array<i32: 0>} : vector<16xi32>
      %xor3A_390 = arith.constant 8 : i32
      %xor3A_391 = vector.broadcast %xor3A_390 : i32 to vector<16xi32>
      %xor3A_392 = arith.xori %iota3A_389, %xor3A_391 : vector<16xi32>
      %lt3A_393 = arith.constant 0 : i32
      %lt3A_394 = vector.broadcast %lt3A_393 : i32 to vector<16xi32>
      %lt3A_395 = arith.cmpi slt, %xor3A_392, %lt3A_394 : vector<16xi32>
      %add3A_396 = arith.constant 16 : i32
      %add3A_397 = vector.broadcast %add3A_396 : i32 to vector<16xi32>
      %add3A_398 = arith.addi %xor3A_392, %add3A_397 : vector<16xi32>
      %select_n3A_399 = arith.select %lt3A_395, %add3A_398, %xor3A_392 : vector<16xi1>, vector<16xi32>
      %broadcast_in_dim3A_400 = vector.shape_cast %select_n3A_399 : vector<16xi32> to vector<16x1xi32>
      %gather3A_401 = vector.shape_cast %broadcast_in_dim3A_400 : vector<16x1xi32> to vector<16xi32>
      %gather3A_402 = tpu.dynamic_gather %add3A_388[%gather3A_401] in [0] : vector<16xf32>, vector<16xi32> -> vector<16xf32>
      %add3A_403 = arith.addf %add3A_388, %gather3A_402 : vector<16xf32>
      %xor3A_404 = arith.constant 4 : i32
      %xor3A_405 = vector.broadcast %xor3A_404 : i32 to vector<16xi32>
      %xor3A_406 = arith.xori %iota3A_389, %xor3A_405 : vector<16xi32>
      %lt3A_407 = arith.constant 0 : i32
      %lt3A_408 = vector.broadcast %lt3A_407 : i32 to vector<16xi32>
      %lt3A_409 = arith.cmpi slt, %xor3A_406, %lt3A_408 : vector<16xi32>
      %add3A_410 = arith.constant 16 : i32
      %add3A_411 = vector.broadcast %add3A_410 : i32 to vector<16xi32>
      %add3A_412 = arith.addi %xor3A_406, %add3A_411 : vector<16xi32>
      %select_n3A_413 = arith.select %lt3A_409, %add3A_412, %xor3A_406 : vector<16xi1>, vector<16xi32>
      %broadcast_in_dim3A_414 = vector.shape_cast %select_n3A_413 : vector<16xi32> to vector<16x1xi32>
      %gather3A_415 = vector.shape_cast %broadcast_in_dim3A_414 : vector<16x1xi32> to vector<16xi32>
      %gather3A_416 = tpu.dynamic_gather %add3A_403[%gather3A_415] in [0] : vector<16xf32>, vector<16xi32> -> vector<16xf32>
      %add3A_417 = arith.addf %add3A_403, %gather3A_416 : vector<16xf32>
      %xor3A_418 = arith.constant 2 : i32
      %xor3A_419 = vector.broadcast %xor3A_418 : i32 to vector<16xi32>
      %xor3A_420 = arith.xori %iota3A_389, %xor3A_419 : vector<16xi32>
      %lt3A_421 = arith.constant 0 : i32
      %lt3A_422 = vector.broadcast %lt3A_421 : i32 to vector<16xi32>
      %lt3A_423 = arith.cmpi slt, %xor3A_420, %lt3A_422 : vector<16xi32>
      %add3A_424 = arith.constant 16 : i32
      %add3A_425 = vector.broadcast %add3A_424 : i32 to vector<16xi32>
      %add3A_426 = arith.addi %xor3A_420, %add3A_425 : vector<16xi32>
      %select_n3A_427 = arith.select %lt3A_423, %add3A_426, %xor3A_420 : vector<16xi1>, vector<16xi32>
      %broadcast_in_dim3A_428 = vector.shape_cast %select_n3A_427 : vector<16xi32> to vector<16x1xi32>
      %gather3A_429 = vector.shape_cast %broadcast_in_dim3A_428 : vector<16x1xi32> to vector<16xi32>
      %gather3A_430 = tpu.dynamic_gather %add3A_417[%gather3A_429] in [0] : vector<16xf32>, vector<16xi32> -> vector<16xf32>
      %add3A_431 = arith.addf %add3A_417, %gather3A_430 : vector<16xf32>
      %xor3A_432 = arith.constant 1 : i32
      %xor3A_433 = vector.broadcast %xor3A_432 : i32 to vector<16xi32>
      %xor3A_434 = arith.xori %iota3A_389, %xor3A_433 : vector<16xi32>
      %lt3A_435 = arith.constant 0 : i32
      %lt3A_436 = vector.broadcast %lt3A_435 : i32 to vector<16xi32>
      %lt3A_437 = arith.cmpi slt, %xor3A_434, %lt3A_436 : vector<16xi32>
      %add3A_438 = arith.constant 16 : i32
      %add3A_439 = vector.broadcast %add3A_438 : i32 to vector<16xi32>
      %add3A_440 = arith.addi %xor3A_434, %add3A_439 : vector<16xi32>
      %select_n3A_441 = arith.select %lt3A_437, %add3A_440, %xor3A_434 : vector<16xi1>, vector<16xi32>
      %broadcast_in_dim3A_442 = vector.shape_cast %select_n3A_441 : vector<16xi32> to vector<16x1xi32>
      %gather3A_443 = vector.shape_cast %broadcast_in_dim3A_442 : vector<16x1xi32> to vector<16xi32>
      %gather3A_444 = tpu.dynamic_gather %add3A_431[%gather3A_443] in [0] : vector<16xf32>, vector<16xi32> -> vector<16xf32>
      %add3A_445 = arith.addf %add3A_431, %gather3A_444 : vector<16xf32>
      %eq3A_446 = arith.constant 2 : i32
      %eq3A_447 = vector.broadcast %eq3A_446 : i32 to vector<16xi32>
      %eq3A_448 = arith.cmpi eq, %iota3A, %eq3A_447 : vector<16xi32>
      %select_n3A_449 = arith.select %eq3A_448, %add3A_445, %select_n3A_305 : vector<16xi1>, vector<16xf32>
      %mul3A_450 = arith.constant 16 : i32
      %mul3A_451 = arith.muli %scan3A_22, %mul3A_450 : i32
      %add3A_452 = arith.constant 3 : i32
      %add3A_453 = arith.addi %mul3A_451, %add3A_452 : i32
      %get3A_454 = arith.index_cast %add3A_453 : i32 to index
      %get3A_455 = arith.constant 0 : index
      %get3A_456 = tpu.vector_load %arg12[%get3A_454, %get3A_455] {strides = array<i32>} : memref<128x128xf32, #tpu.memory_space<vmem>>, vector<1x16xf32>,
      %get3A_457 = vector.shape_cast %get3A_456 : vector<1x16xf32> to vector<16xf32>
      %get3A_458 = arith.index_cast %add3A_453 : i32 to index
      %get3A_459 = arith.constant 16 : index
      %get3A_460 = tpu.vector_load %arg12[%get3A_458, %get3A_459] {strides = array<i32>} : memref<128x128xf32, #tpu.memory_space<vmem>>, vector<1x16xf32>,
      %get3A_461 = vector.shape_cast %get3A_460 : vector<1x16xf32> to vector<16xf32>
      %get3A_462 = arith.index_cast %add3A_453 : i32 to index
      %get3A_463 = arith.constant 32 : index
      %get3A_464 = tpu.vector_load %arg12[%get3A_462, %get3A_463] {strides = array<i32>} : memref<128x128xf32, #tpu.memory_space<vmem>>, vector<1x16xf32>,
      %get3A_465 = vector.shape_cast %get3A_464 : vector<1x16xf32> to vector<16xf32>
      %get3A_466 = arith.index_cast %add3A_453 : i32 to index
      %get3A_467 = arith.constant 48 : index
      %get3A_468 = tpu.vector_load %arg12[%get3A_466, %get3A_467] {strides = array<i32>} : memref<128x128xf32, #tpu.memory_space<vmem>>, vector<1x16xf32>,
      %get3A_469 = vector.shape_cast %get3A_468 : vector<1x16xf32> to vector<16xf32>
      %get3A_470 = arith.index_cast %add3A_453 : i32 to index
      %get3A_471 = arith.constant 64 : index
      %get3A_472 = tpu.vector_load %arg12[%get3A_470, %get3A_471] {strides = array<i32>} : memref<128x128xf32, #tpu.memory_space<vmem>>, vector<1x16xf32>,
      %get3A_473 = vector.shape_cast %get3A_472 : vector<1x16xf32> to vector<16xf32>
      %get3A_474 = arith.index_cast %add3A_453 : i32 to index
      %get3A_475 = arith.constant 80 : index
      %get3A_476 = tpu.vector_load %arg12[%get3A_474, %get3A_475] {strides = array<i32>} : memref<128x128xf32, #tpu.memory_space<vmem>>, vector<1x16xf32>,
      %get3A_477 = vector.shape_cast %get3A_476 : vector<1x16xf32> to vector<16xf32>
      %get3A_478 = arith.index_cast %add3A_453 : i32 to index
      %get3A_479 = arith.constant 96 : index
      %get3A_480 = tpu.vector_load %arg12[%get3A_478, %get3A_479] {strides = array<i32>} : memref<128x128xf32, #tpu.memory_space<vmem>>, vector<1x16xf32>,
      %get3A_481 = vector.shape_cast %get3A_480 : vector<1x16xf32> to vector<16xf32>
      %get3A_482 = arith.index_cast %add3A_453 : i32 to index
      %get3A_483 = arith.constant 112 : index
      %get3A_484 = tpu.vector_load %arg12[%get3A_482, %get3A_483] {strides = array<i32>} : memref<128x128xf32, #tpu.memory_space<vmem>>, vector<1x16xf32>,
      %get3A_485 = vector.shape_cast %get3A_484 : vector<1x16xf32> to vector<16xf32>
      %get3A_486 = arith.index_cast %add3A_453 : i32 to index
      %get3A_487 = arith.constant 0 : index
      %get3A_488 = tpu.vector_load %arg13[%get3A_486, %get3A_487] {strides = array<i32>} : memref<128x128xf32, #tpu.memory_space<vmem>>, vector<1x16xf32>,
      %get3A_489 = vector.shape_cast %get3A_488 : vector<1x16xf32> to vector<16xf32>
      %mul3A_490 = arith.mulf %get3A_489, %get3A_457 : vector<16xf32>
      %get3A_491 = arith.index_cast %add3A_453 : i32 to index
      %get3A_492 = arith.constant 16 : index
      %get3A_493 = tpu.vector_load %arg13[%get3A_491, %get3A_492] {strides = array<i32>} : memref<128x128xf32, #tpu.memory_space<vmem>>, vector<1x16xf32>,
      %get3A_494 = vector.shape_cast %get3A_493 : vector<1x16xf32> to vector<16xf32>
      %mul3A_495 = arith.mulf %get3A_494, %get3A_461 : vector<16xf32>
      %add3A_496 = arith.addf %mul3A_490, %mul3A_495 : vector<16xf32>
      %get3A_497 = arith.index_cast %add3A_453 : i32 to index
      %get3A_498 = arith.constant 32 : index
      %get3A_499 = tpu.vector_load %arg13[%get3A_497, %get3A_498] {strides = array<i32>} : memref<128x128xf32, #tpu.memory_space<vmem>>, vector<1x16xf32>,
      %get3A_500 = vector.shape_cast %get3A_499 : vector<1x16xf32> to vector<16xf32>
      %mul3A_501 = arith.mulf %get3A_500, %get3A_465 : vector<16xf32>
      %add3A_502 = arith.addf %add3A_496, %mul3A_501 : vector<16xf32>
      %get3A_503 = arith.index_cast %add3A_453 : i32 to index
      %get3A_504 = arith.constant 48 : index
      %get3A_505 = tpu.vector_load %arg13[%get3A_503, %get3A_504] {strides = array<i32>} : memref<128x128xf32, #tpu.memory_space<vmem>>, vector<1x16xf32>,
      %get3A_506 = vector.shape_cast %get3A_505 : vector<1x16xf32> to vector<16xf32>
      %mul3A_507 = arith.mulf %get3A_506, %get3A_469 : vector<16xf32>
      %add3A_508 = arith.addf %add3A_502, %mul3A_507 : vector<16xf32>
      %get3A_509 = arith.index_cast %add3A_453 : i32 to index
      %get3A_510 = arith.constant 64 : index
      %get3A_511 = tpu.vector_load %arg13[%get3A_509, %get3A_510] {strides = array<i32>} : memref<128x128xf32, #tpu.memory_space<vmem>>, vector<1x16xf32>,
      %get3A_512 = vector.shape_cast %get3A_511 : vector<1x16xf32> to vector<16xf32>
      %mul3A_513 = arith.mulf %get3A_512, %get3A_473 : vector<16xf32>
      %add3A_514 = arith.addf %add3A_508, %mul3A_513 : vector<16xf32>
      %get3A_515 = arith.index_cast %add3A_453 : i32 to index
      %get3A_516 = arith.constant 80 : index
      %get3A_517 = tpu.vector_load %arg13[%get3A_515, %get3A_516] {strides = array<i32>} : memref<128x128xf32, #tpu.memory_space<vmem>>, vector<1x16xf32>,
      %get3A_518 = vector.shape_cast %get3A_517 : vector<1x16xf32> to vector<16xf32>
      %mul3A_519 = arith.mulf %get3A_518, %get3A_477 : vector<16xf32>
      %add3A_520 = arith.addf %add3A_514, %mul3A_519 : vector<16xf32>
      %get3A_521 = arith.index_cast %add3A_453 : i32 to index
      %get3A_522 = arith.constant 96 : index
      %get3A_523 = tpu.vector_load %arg13[%get3A_521, %get3A_522] {strides = array<i32>} : memref<128x128xf32, #tpu.memory_space<vmem>>, vector<1x16xf32>,
      %get3A_524 = vector.shape_cast %get3A_523 : vector<1x16xf32> to vector<16xf32>
      %mul3A_525 = arith.mulf %get3A_524, %get3A_481 : vector<16xf32>
      %add3A_526 = arith.addf %add3A_520, %mul3A_525 : vector<16xf32>
      %get3A_527 = arith.index_cast %add3A_453 : i32 to index
      %get3A_528 = arith.constant 112 : index
      %get3A_529 = tpu.vector_load %arg13[%get3A_527, %get3A_528] {strides = array<i32>} : memref<128x128xf32, #tpu.memory_space<vmem>>, vector<1x16xf32>,
      %get3A_530 = vector.shape_cast %get3A_529 : vector<1x16xf32> to vector<16xf32>
      %mul3A_531 = arith.mulf %get3A_530, %get3A_485 : vector<16xf32>
      %add3A_532 = arith.addf %add3A_526, %mul3A_531 : vector<16xf32>
      %iota3A_533 = tpu.iota {dimensions = array<i32: 0>} : vector<16xi32>
      %xor3A_534 = arith.constant 8 : i32
      %xor3A_535 = vector.broadcast %xor3A_534 : i32 to vector<16xi32>
      %xor3A_536 = arith.xori %iota3A_533, %xor3A_535 : vector<16xi32>
      %lt3A_537 = arith.constant 0 : i32
      %lt3A_538 = vector.broadcast %lt3A_537 : i32 to vector<16xi32>
      %lt3A_539 = arith.cmpi slt, %xor3A_536, %lt3A_538 : vector<16xi32>
      %add3A_540 = arith.constant 16 : i32
      %add3A_541 = vector.broadcast %add3A_540 : i32 to vector<16xi32>
      %add3A_542 = arith.addi %xor3A_536, %add3A_541 : vector<16xi32>
      %select_n3A_543 = arith.select %lt3A_539, %add3A_542, %xor3A_536 : vector<16xi1>, vector<16xi32>
      %broadcast_in_dim3A_544 = vector.shape_cast %select_n3A_543 : vector<16xi32> to vector<16x1xi32>
      %gather3A_545 = vector.shape_cast %broadcast_in_dim3A_544 : vector<16x1xi32> to vector<16xi32>
      %gather3A_546 = tpu.dynamic_gather %add3A_532[%gather3A_545] in [0] : vector<16xf32>, vector<16xi32> -> vector<16xf32>
      %add3A_547 = arith.addf %add3A_532, %gather3A_546 : vector<16xf32>
      %xor3A_548 = arith.constant 4 : i32
      %xor3A_549 = vector.broadcast %xor3A_548 : i32 to vector<16xi32>
      %xor3A_550 = arith.xori %iota3A_533, %xor3A_549 : vector<16xi32>
      %lt3A_551 = arith.constant 0 : i32
      %lt3A_552 = vector.broadcast %lt3A_551 : i32 to vector<16xi32>
      %lt3A_553 = arith.cmpi slt, %xor3A_550, %lt3A_552 : vector<16xi32>
      %add3A_554 = arith.constant 16 : i32
      %add3A_555 = vector.broadcast %add3A_554 : i32 to vector<16xi32>
      %add3A_556 = arith.addi %xor3A_550, %add3A_555 : vector<16xi32>
      %select_n3A_557 = arith.select %lt3A_553, %add3A_556, %xor3A_550 : vector<16xi1>, vector<16xi32>
      %broadcast_in_dim3A_558 = vector.shape_cast %select_n3A_557 : vector<16xi32> to vector<16x1xi32>
      %gather3A_559 = vector.shape_cast %broadcast_in_dim3A_558 : vector<16x1xi32> to vector<16xi32>
      %gather3A_560 = tpu.dynamic_gather %add3A_547[%gather3A_559] in [0] : vector<16xf32>, vector<16xi32> -> vector<16xf32>
      %add3A_561 = arith.addf %add3A_547, %gather3A_560 : vector<16xf32>
      %xor3A_562 = arith.constant 2 : i32
      %xor3A_563 = vector.broadcast %xor3A_562 : i32 to vector<16xi32>
      %xor3A_564 = arith.xori %iota3A_533, %xor3A_563 : vector<16xi32>
      %lt3A_565 = arith.constant 0 : i32
      %lt3A_566 = vector.broadcast %lt3A_565 : i32 to vector<16xi32>
      %lt3A_567 = arith.cmpi slt, %xor3A_564, %lt3A_566 : vector<16xi32>
      %add3A_568 = arith.constant 16 : i32
      %add3A_569 = vector.broadcast %add3A_568 : i32 to vector<16xi32>
      %add3A_570 = arith.addi %xor3A_564, %add3A_569 : vector<16xi32>
      %select_n3A_571 = arith.select %lt3A_567, %add3A_570, %xor3A_564 : vector<16xi1>, vector<16xi32>
      %broadcast_in_dim3A_572 = vector.shape_cast %select_n3A_571 : vector<16xi32> to vector<16x1xi32>
      %gather3A_573 = vector.shape_cast %broadcast_in_dim3A_572 : vector<16x1xi32> to vector<16xi32>
      %gather3A_574 = tpu.dynamic_gather %add3A_561[%gather3A_573] in [0] : vector<16xf32>, vector<16xi32> -> vector<16xf32>
      %add3A_575 = arith.addf %add3A_561, %gather3A_574 : vector<16xf32>
      %xor3A_576 = arith.constant 1 : i32
      %xor3A_577 = vector.broadcast %xor3A_576 : i32 to vector<16xi32>
      %xor3A_578 = arith.xori %iota3A_533, %xor3A_577 : vector<16xi32>
      %lt3A_579 = arith.constant 0 : i32
      %lt3A_580 = vector.broadcast %lt3A_579 : i32 to vector<16xi32>
      %lt3A_581 = arith.cmpi slt, %xor3A_578, %lt3A_580 : vector<16xi32>
      %add3A_582 = arith.constant 16 : i32
      %add3A_583 = vector.broadcast %add3A_582 : i32 to vector<16xi32>
      %add3A_584 = arith.addi %xor3A_578, %add3A_583 : vector<16xi32>
      %select_n3A_585 = arith.select %lt3A_581, %add3A_584, %xor3A_578 : vector<16xi1>, vector<16xi32>
      %broadcast_in_dim3A_586 = vector.shape_cast %select_n3A_585 : vector<16xi32> to vector<16x1xi32>
      %gather3A_587 = vector.shape_cast %broadcast_in_dim3A_586 : vector<16x1xi32> to vector<16xi32>
      %gather3A_588 = tpu.dynamic_gather %add3A_575[%gather3A_587] in [0] : vector<16xf32>, vector<16xi32> -> vector<16xf32>
      %add3A_589 = arith.addf %add3A_575, %gather3A_588 : vector<16xf32>
      %eq3A_590 = arith.constant 3 : i32
      %eq3A_591 = vector.broadcast %eq3A_590 : i32 to vector<16xi32>
      %eq3A_592 = arith.cmpi eq, %iota3A, %eq3A_591 : vector<16xi32>
      %select_n3A_593 = arith.select %eq3A_592, %add3A_589, %select_n3A_449 : vector<16xi1>, vector<16xf32>
      %mul3A_594 = arith.constant 16 : i32
      %mul3A_595 = arith.muli %scan3A_22, %mul3A_594 : i32
      %add3A_596 = arith.constant 4 : i32
      %add3A_597 = arith.addi %mul3A_595, %add3A_596 : i32
      %get3A_598 = arith.index_cast %add3A_597 : i32 to index
      %get3A_599 = arith.constant 0 : index
      %get3A_600 = tpu.vector_load %arg12[%get3A_598, %get3A_599] {strides = array<i32>} : memref<128x128xf32, #tpu.memory_space<vmem>>, vector<1x16xf32>,
      %get3A_601 = vector.shape_cast %get3A_600 : vector<1x16xf32> to vector<16xf32>
      %get3A_602 = arith.index_cast %add3A_597 : i32 to index
      %get3A_603 = arith.constant 16 : index
      %get3A_604 = tpu.vector_load %arg12[%get3A_602, %get3A_603] {strides = array<i32>} : memref<128x128xf32, #tpu.memory_space<vmem>>, vector<1x16xf32>,
      %get3A_605 = vector.shape_cast %get3A_604 : vector<1x16xf32> to vector<16xf32>
      %get3A_606 = arith.index_cast %add3A_597 : i32 to index
      %get3A_607 = arith.constant 32 : index
      %get3A_608 = tpu.vector_load %arg12[%get3A_606, %get3A_607] {strides = array<i32>} : memref<128x128xf32, #tpu.memory_space<vmem>>, vector<1x16xf32>,
      %get3A_609 = vector.shape_cast %get3A_608 : vector<1x16xf32> to vector<16xf32>
      %get3A_610 = arith.index_cast %add3A_597 : i32 to index
      %get3A_611 = arith.constant 48 : index
      %get3A_612 = tpu.vector_load %arg12[%get3A_610, %get3A_611] {strides = array<i32>} : memref<128x128xf32, #tpu.memory_space<vmem>>, vector<1x16xf32>,
      %get3A_613 = vector.shape_cast %get3A_612 : vector<1x16xf32> to vector<16xf32>
      %get3A_614 = arith.index_cast %add3A_597 : i32 to index
      %get3A_615 = arith.constant 64 : index
      %get3A_616 = tpu.vector_load %arg12[%get3A_614, %get3A_615] {strides = array<i32>} : memref<128x128xf32, #tpu.memory_space<vmem>>, vector<1x16xf32>,
      %get3A_617 = vector.shape_cast %get3A_616 : vector<1x16xf32> to vector<16xf32>
      %get3A_618 = arith.index_cast %add3A_597 : i32 to index
      %get3A_619 = arith.constant 80 : index
      %get3A_620 = tpu.vector_load %arg12[%get3A_618, %get3A_619] {strides = array<i32>} : memref<128x128xf32, #tpu.memory_space<vmem>>, vector<1x16xf32>,
      %get3A_621 = vector.shape_cast %get3A_620 : vector<1x16xf32> to vector<16xf32>
      %get3A_622 = arith.index_cast %add3A_597 : i32 to index
      %get3A_623 = arith.constant 96 : index
      %get3A_624 = tpu.vector_load %arg12[%get3A_622, %get3A_623] {strides = array<i32>} : memref<128x128xf32, #tpu.memory_space<vmem>>, vector<1x16xf32>,
      %get3A_625 = vector.shape_cast %get3A_624 : vector<1x16xf32> to vector<16xf32>
      %get3A_626 = arith.index_cast %add3A_597 : i32 to index
      %get3A_627 = arith.constant 112 : index
      %get3A_628 = tpu.vector_load %arg12[%get3A_626, %get3A_627] {strides = array<i32>} : memref<128x128xf32, #tpu.memory_space<vmem>>, vector<1x16xf32>,
      %get3A_629 = vector.shape_cast %get3A_628 : vector<1x16xf32> to vector<16xf32>
      %get3A_630 = arith.index_cast %add3A_597 : i32 to index
      %get3A_631 = arith.constant 0 : index
      %get3A_632 = tpu.vector_load %arg13[%get3A_630, %get3A_631] {strides = array<i32>} : memref<128x128xf32, #tpu.memory_space<vmem>>, vector<1x16xf32>,
      %get3A_633 = vector.shape_cast %get3A_632 : vector<1x16xf32> to vector<16xf32>
      %mul3A_634 = arith.mulf %get3A_633, %get3A_601 : vector<16xf32>
      %get3A_635 = arith.index_cast %add3A_597 : i32 to index
      %get3A_636 = arith.constant 16 : index
      %get3A_637 = tpu.vector_load %arg13[%get3A_635, %get3A_636] {strides = array<i32>} : memref<128x128xf32, #tpu.memory_space<vmem>>, vector<1x16xf32>,
      %get3A_638 = vector.shape_cast %get3A_637 : vector<1x16xf32> to vector<16xf32>
      %mul3A_639 = arith.mulf %get3A_638, %get3A_605 : vector<16xf32>
      %add3A_640 = arith.addf %mul3A_634, %mul3A_639 : vector<16xf32>
      %get3A_641 = arith.index_cast %add3A_597 : i32 to index
      %get3A_642 = arith.constant 32 : index
      %get3A_643 = tpu.vector_load %arg13[%get3A_641, %get3A_642] {strides = array<i32>} : memref<128x128xf32, #tpu.memory_space<vmem>>, vector<1x16xf32>,
      %get3A_644 = vector.shape_cast %get3A_643 : vector<1x16xf32> to vector<16xf32>
      %mul3A_645 = arith.mulf %get3A_644, %get3A_609 : vector<16xf32>
      %add3A_646 = arith.addf %add3A_640, %mul3A_645 : vector<16xf32>
      %get3A_647 = arith.index_cast %add3A_597 : i32 to index
      %get3A_648 = arith.constant 48 : index
      %get3A_649 = tpu.vector_load %arg13[%get3A_647, %get3A_648] {strides = array<i32>} : memref<128x128xf32, #tpu.memory_space<vmem>>, vector<1x16xf32>,
      %get3A_650 = vector.shape_cast %get3A_649 : vector<1x16xf32> to vector<16xf32>
      %mul3A_651 = arith.mulf %get3A_650, %get3A_613 : vector<16xf32>
      %add3A_652 = arith.addf %add3A_646, %mul3A_651 : vector<16xf32>
      %get3A_653 = arith.index_cast %add3A_597 : i32 to index
      %get3A_654 = arith.constant 64 : index
      %get3A_655 = tpu.vector_load %arg13[%get3A_653, %get3A_654] {strides = array<i32>} : memref<128x128xf32, #tpu.memory_space<vmem>>, vector<1x16xf32>,
      %get3A_656 = vector.shape_cast %get3A_655 : vector<1x16xf32> to vector<16xf32>
      %mul3A_657 = arith.mulf %get3A_656, %get3A_617 : vector<16xf32>
      %add3A_658 = arith.addf %add3A_652, %mul3A_657 : vector<16xf32>
      %get3A_659 = arith.index_cast %add3A_597 : i32 to index
      %get3A_660 = arith.constant 80 : index
      %get3A_661 = tpu.vector_load %arg13[%get3A_659, %get3A_660] {strides = array<i32>} : memref<128x128xf32, #tpu.memory_space<vmem>>, vector<1x16xf32>,
      %get3A_662 = vector.shape_cast %get3A_661 : vector<1x16xf32> to vector<16xf32>
      %mul3A_663 = arith.mulf %get3A_662, %get3A_621 : vector<16xf32>
      %add3A_664 = arith.addf %add3A_658, %mul3A_663 : vector<16xf32>
      %get3A_665 = arith.index_cast %add3A_597 : i32 to index
      %get3A_666 = arith.constant 96 : index
      %get3A_667 = tpu.vector_load %arg13[%get3A_665, %get3A_666] {strides = array<i32>} : memref<128x128xf32, #tpu.memory_space<vmem>>, vector<1x16xf32>,
      %get3A_668 = vector.shape_cast %get3A_667 : vector<1x16xf32> to vector<16xf32>
      %mul3A_669 = arith.mulf %get3A_668, %get3A_625 : vector<16xf32>
      %add3A_670 = arith.addf %add3A_664, %mul3A_669 : vector<16xf32>
      %get3A_671 = arith.index_cast %add3A_597 : i32 to index
      %get3A_672 = arith.constant 112 : index
      %get3A_673 = tpu.vector_load %arg13[%get3A_671, %get3A_672] {strides = array<i32>} : memref<128x128xf32, #tpu.memory_space<vmem>>, vector<1x16xf32>,
      %get3A_674 = vector.shape_cast %get3A_673 : vector<1x16xf32> to vector<16xf32>
      %mul3A_675 = arith.mulf %get3A_674, %get3A_629 : vector<16xf32>
      %add3A_676 = arith.addf %add3A_670, %mul3A_675 : vector<16xf32>
      %iota3A_677 = tpu.iota {dimensions = array<i32: 0>} : vector<16xi32>
      %xor3A_678 = arith.constant 8 : i32
      %xor3A_679 = vector.broadcast %xor3A_678 : i32 to vector<16xi32>
      %xor3A_680 = arith.xori %iota3A_677, %xor3A_679 : vector<16xi32>
      %lt3A_681 = arith.constant 0 : i32
      %lt3A_682 = vector.broadcast %lt3A_681 : i32 to vector<16xi32>
      %lt3A_683 = arith.cmpi slt, %xor3A_680, %lt3A_682 : vector<16xi32>
      %add3A_684 = arith.constant 16 : i32
      %add3A_685 = vector.broadcast %add3A_684 : i32 to vector<16xi32>
      %add3A_686 = arith.addi %xor3A_680, %add3A_685 : vector<16xi32>
      %select_n3A_687 = arith.select %lt3A_683, %add3A_686, %xor3A_680 : vector<16xi1>, vector<16xi32>
      %broadcast_in_dim3A_688 = vector.shape_cast %select_n3A_687 : vector<16xi32> to vector<16x1xi32>
      %gather3A_689 = vector.shape_cast %broadcast_in_dim3A_688 : vector<16x1xi32> to vector<16xi32>
      %gather3A_690 = tpu.dynamic_gather %add3A_676[%gather3A_689] in [0] : vector<16xf32>, vector<16xi32> -> vector<16xf32>
      %add3A_691 = arith.addf %add3A_676, %gather3A_690 : vector<16xf32>
      %xor3A_692 = arith.constant 4 : i32
      %xor3A_693 = vector.broadcast %xor3A_692 : i32 to vector<16xi32>
      %xor3A_694 = arith.xori %iota3A_677, %xor3A_693 : vector<16xi32>
      %lt3A_695 = arith.constant 0 : i32
      %lt3A_696 = vector.broadcast %lt3A_695 : i32 to vector<16xi32>
      %lt3A_697 = arith.cmpi slt, %xor3A_694, %lt3A_696 : vector<16xi32>
      %add3A_698 = arith.constant 16 : i32
      %add3A_699 = vector.broadcast %add3A_698 : i32 to vector<16xi32>
      %add3A_700 = arith.addi %xor3A_694, %add3A_699 : vector<16xi32>
      %select_n3A_701 = arith.select %lt3A_697, %add3A_700, %xor3A_694 : vector<16xi1>, vector<16xi32>
      %broadcast_in_dim3A_702 = vector.shape_cast %select_n3A_701 : vector<16xi32> to vector<16x1xi32>
      %gather3A_703 = vector.shape_cast %broadcast_in_dim3A_702 : vector<16x1xi32> to vector<16xi32>
      %gather3A_704 = tpu.dynamic_gather %add3A_691[%gather3A_703] in [0] : vector<16xf32>, vector<16xi32> -> vector<16xf32>
      %add3A_705 = arith.addf %add3A_691, %gather3A_704 : vector<16xf32>
      %xor3A_706 = arith.constant 2 : i32
      %xor3A_707 = vector.broadcast %xor3A_706 : i32 to vector<16xi32>
      %xor3A_708 = arith.xori %iota3A_677, %xor3A_707 : vector<16xi32>
      %lt3A_709 = arith.constant 0 : i32
      %lt3A_710 = vector.broadcast %lt3A_709 : i32 to vector<16xi32>
      %lt3A_711 = arith.cmpi slt, %xor3A_708, %lt3A_710 : vector<16xi32>
      %add3A_712 = arith.constant 16 : i32
      %add3A_713 = vector.broadcast %add3A_712 : i32 to vector<16xi32>
      %add3A_714 = arith.addi %xor3A_708, %add3A_713 : vector<16xi32>
      %select_n3A_715 = arith.select %lt3A_711, %add3A_714, %xor3A_708 : vector<16xi1>, vector<16xi32>
      %broadcast_in_dim3A_716 = vector.shape_cast %select_n3A_715 : vector<16xi32> to vector<16x1xi32>
      %gather3A_717 = vector.shape_cast %broadcast_in_dim3A_716 : vector<16x1xi32> to vector<16xi32>
      %gather3A_718 = tpu.dynamic_gather %add3A_705[%gather3A_717] in [0] : vector<16xf32>, vector<16xi32> -> vector<16xf32>
      %add3A_719 = arith.addf %add3A_705, %gather3A_718 : vector<16xf32>
      %xor3A_720 = arith.constant 1 : i32
      %xor3A_721 = vector.broadcast %xor3A_720 : i32 to vector<16xi32>
      %xor3A_722 = arith.xori %iota3A_677, %xor3A_721 : vector<16xi32>
      %lt3A_723 = arith.constant 0 : i32
      %lt3A_724 = vector.broadcast %lt3A_723 : i32 to vector<16xi32>
      %lt3A_725 = arith.cmpi slt, %xor3A_722, %lt3A_724 : vector<16xi32>
      %add3A_726 = arith.constant 16 : i32
      %add3A_727 = vector.broadcast %add3A_726 : i32 to vector<16xi32>
      %add3A_728 = arith.addi %xor3A_722, %add3A_727 : vector<16xi32>
      %select_n3A_729 = arith.select %lt3A_725, %add3A_728, %xor3A_722 : vector<16xi1>, vector<16xi32>
      %broadcast_in_dim3A_730 = vector.shape_cast %select_n3A_729 : vector<16xi32> to vector<16x1xi32>
      %gather3A_731 = vector.shape_cast %broadcast_in_dim3A_730 : vector<16x1xi32> to vector<16xi32>
      %gather3A_732 = tpu.dynamic_gather %add3A_719[%gather3A_731] in [0] : vector<16xf32>, vector<16xi32> -> vector<16xf32>
      %add3A_733 = arith.addf %add3A_719, %gather3A_732 : vector<16xf32>
      %eq3A_734 = arith.constant 4 : i32
      %eq3A_735 = vector.broadcast %eq3A_734 : i32 to vector<16xi32>
      %eq3A_736 = arith.cmpi eq, %iota3A, %eq3A_735 : vector<16xi32>
      %select_n3A_737 = arith.select %eq3A_736, %add3A_733, %select_n3A_593 : vector<16xi1>, vector<16xf32>
      %mul3A_738 = arith.constant 16 : i32
      %mul3A_739 = arith.muli %scan3A_22, %mul3A_738 : i32
      %add3A_740 = arith.constant 5 : i32
      %add3A_741 = arith.addi %mul3A_739, %add3A_740 : i32
      %get3A_742 = arith.index_cast %add3A_741 : i32 to index
      %get3A_743 = arith.constant 0 : index
      %get3A_744 = tpu.vector_load %arg12[%get3A_742, %get3A_743] {strides = array<i32>} : memref<128x128xf32, #tpu.memory_space<vmem>>, vector<1x16xf32>,
      %get3A_745 = vector.shape_cast %get3A_744 : vector<1x16xf32> to vector<16xf32>
      %get3A_746 = arith.index_cast %add3A_741 : i32 to index
      %get3A_747 = arith.constant 16 : index
      %get3A_748 = tpu.vector_load %arg12[%get3A_746, %get3A_747] {strides = array<i32>} : memref<128x128xf32, #tpu.memory_space<vmem>>, vector<1x16xf32>,
      %get3A_749 = vector.shape_cast %get3A_748 : vector<1x16xf32> to vector<16xf32>
      %get3A_750 = arith.index_cast %add3A_741 : i32 to index
      %get3A_751 = arith.constant 32 : index
      %get3A_752 = tpu.vector_load %arg12[%get3A_750, %get3A_751] {strides = array<i32>} : memref<128x128xf32, #tpu.memory_space<vmem>>, vector<1x16xf32>,
      %get3A_753 = vector.shape_cast %get3A_752 : vector<1x16xf32> to vector<16xf32>
      %get3A_754 = arith.index_cast %add3A_741 : i32 to index
      %get3A_755 = arith.constant 48 : index
      %get3A_756 = tpu.vector_load %arg12[%get3A_754, %get3A_755] {strides = array<i32>} : memref<128x128xf32, #tpu.memory_space<vmem>>, vector<1x16xf32>,
      %get3A_757 = vector.shape_cast %get3A_756 : vector<1x16xf32> to vector<16xf32>
      %get3A_758 = arith.index_cast %add3A_741 : i32 to index
      %get3A_759 = arith.constant 64 : index
      %get3A_760 = tpu.vector_load %arg12[%get3A_758, %get3A_759] {strides = array<i32>} : memref<128x128xf32, #tpu.memory_space<vmem>>, vector<1x16xf32>,
      %get3A_761 = vector.shape_cast %get3A_760 : vector<1x16xf32> to vector<16xf32>
      %get3A_762 = arith.index_cast %add3A_741 : i32 to index
      %get3A_763 = arith.constant 80 : index
      %get3A_764 = tpu.vector_load %arg12[%get3A_762, %get3A_763] {strides = array<i32>} : memref<128x128xf32, #tpu.memory_space<vmem>>, vector<1x16xf32>,
      %get3A_765 = vector.shape_cast %get3A_764 : vector<1x16xf32> to vector<16xf32>
      %get3A_766 = arith.index_cast %add3A_741 : i32 to index
      %get3A_767 = arith.constant 96 : index
      %get3A_768 = tpu.vector_load %arg12[%get3A_766, %get3A_767] {strides = array<i32>} : memref<128x128xf32, #tpu.memory_space<vmem>>, vector<1x16xf32>,
      %get3A_769 = vector.shape_cast %get3A_768 : vector<1x16xf32> to vector<16xf32>
      %get3A_770 = arith.index_cast %add3A_741 : i32 to index
      %get3A_771 = arith.constant 112 : index
      %get3A_772 = tpu.vector_load %arg12[%get3A_770, %get3A_771] {strides = array<i32>} : memref<128x128xf32, #tpu.memory_space<vmem>>, vector<1x16xf32>,
      %get3A_773 = vector.shape_cast %get3A_772 : vector<1x16xf32> to vector<16xf32>
      %get3A_774 = arith.index_cast %add3A_741 : i32 to index
      %get3A_775 = arith.constant 0 : index
      %get3A_776 = tpu.vector_load %arg13[%get3A_774, %get3A_775] {strides = array<i32>} : memref<128x128xf32, #tpu.memory_space<vmem>>, vector<1x16xf32>,
      %get3A_777 = vector.shape_cast %get3A_776 : vector<1x16xf32> to vector<16xf32>
      %mul3A_778 = arith.mulf %get3A_777, %get3A_745 : vector<16xf32>
      %get3A_779 = arith.index_cast %add3A_741 : i32 to index
      %get3A_780 = arith.constant 16 : index
      %get3A_781 = tpu.vector_load %arg13[%get3A_779, %get3A_780] {strides = array<i32>} : memref<128x128xf32, #tpu.memory_space<vmem>>, vector<1x16xf32>,
      %get3A_782 = vector.shape_cast %get3A_781 : vector<1x16xf32> to vector<16xf32>
      %mul3A_783 = arith.mulf %get3A_782, %get3A_749 : vector<16xf32>
      %add3A_784 = arith.addf %mul3A_778, %mul3A_783 : vector<16xf32>
      %get3A_785 = arith.index_cast %add3A_741 : i32 to index
      %get3A_786 = arith.constant 32 : index
      %get3A_787 = tpu.vector_load %arg13[%get3A_785, %get3A_786] {strides = array<i32>} : memref<128x128xf32, #tpu.memory_space<vmem>>, vector<1x16xf32>,
      %get3A_788 = vector.shape_cast %get3A_787 : vector<1x16xf32> to vector<16xf32>
      %mul3A_789 = arith.mulf %get3A_788, %get3A_753 : vector<16xf32>
      %add3A_790 = arith.addf %add3A_784, %mul3A_789 : vector<16xf32>
      %get3A_791 = arith.index_cast %add3A_741 : i32 to index
      %get3A_792 = arith.constant 48 : index
      %get3A_793 = tpu.vector_load %arg13[%get3A_791, %get3A_792] {strides = array<i32>} : memref<128x128xf32, #tpu.memory_space<vmem>>, vector<1x16xf32>,
      %get3A_794 = vector.shape_cast %get3A_793 : vector<1x16xf32> to vector<16xf32>
      %mul3A_795 = arith.mulf %get3A_794, %get3A_757 : vector<16xf32>
      %add3A_796 = arith.addf %add3A_790, %mul3A_795 : vector<16xf32>
      %get3A_797 = arith.index_cast %add3A_741 : i32 to index
      %get3A_798 = arith.constant 64 : index
      %get3A_799 = tpu.vector_load %arg13[%get3A_797, %get3A_798] {strides = array<i32>} : memref<128x128xf32, #tpu.memory_space<vmem>>, vector<1x16xf32>,
      %get3A_800 = vector.shape_cast %get3A_799 : vector<1x16xf32> to vector<16xf32>
      %mul3A_801 = arith.mulf %get3A_800, %get3A_761 : vector<16xf32>
      %add3A_802 = arith.addf %add3A_796, %mul3A_801 : vector<16xf32>
      %get3A_803 = arith.index_cast %add3A_741 : i32 to index
      %get3A_804 = arith.constant 80 : index
      %get3A_805 = tpu.vector_load %arg13[%get3A_803, %get3A_804] {strides = array<i32>} : memref<128x128xf32, #tpu.memory_space<vmem>>, vector<1x16xf32>,
      %get3A_806 = vector.shape_cast %get3A_805 : vector<1x16xf32> to vector<16xf32>
      %mul3A_807 = arith.mulf %get3A_806, %get3A_765 : vector<16xf32>
      %add3A_808 = arith.addf %add3A_802, %mul3A_807 : vector<16xf32>
      %get3A_809 = arith.index_cast %add3A_741 : i32 to index
      %get3A_810 = arith.constant 96 : index
      %get3A_811 = tpu.vector_load %arg13[%get3A_809, %get3A_810] {strides = array<i32>} : memref<128x128xf32, #tpu.memory_space<vmem>>, vector<1x16xf32>,
      %get3A_812 = vector.shape_cast %get3A_811 : vector<1x16xf32> to vector<16xf32>
      %mul3A_813 = arith.mulf %get3A_812, %get3A_769 : vector<16xf32>
      %add3A_814 = arith.addf %add3A_808, %mul3A_813 : vector<16xf32>
      %get3A_815 = arith.index_cast %add3A_741 : i32 to index
      %get3A_816 = arith.constant 112 : index
      %get3A_817 = tpu.vector_load %arg13[%get3A_815, %get3A_816] {strides = array<i32>} : memref<128x128xf32, #tpu.memory_space<vmem>>, vector<1x16xf32>,
      %get3A_818 = vector.shape_cast %get3A_817 : vector<1x16xf32> to vector<16xf32>
      %mul3A_819 = arith.mulf %get3A_818, %get3A_773 : vector<16xf32>
      %add3A_820 = arith.addf %add3A_814, %mul3A_819 : vector<16xf32>
      %iota3A_821 = tpu.iota {dimensions = array<i32: 0>} : vector<16xi32>
      %xor3A_822 = arith.constant 8 : i32
      %xor3A_823 = vector.broadcast %xor3A_822 : i32 to vector<16xi32>
      %xor3A_824 = arith.xori %iota3A_821, %xor3A_823 : vector<16xi32>
      %lt3A_825 = arith.constant 0 : i32
      %lt3A_826 = vector.broadcast %lt3A_825 : i32 to vector<16xi32>
      %lt3A_827 = arith.cmpi slt, %xor3A_824, %lt3A_826 : vector<16xi32>
      %add3A_828 = arith.constant 16 : i32
      %add3A_829 = vector.broadcast %add3A_828 : i32 to vector<16xi32>
      %add3A_830 = arith.addi %xor3A_824, %add3A_829 : vector<16xi32>
      %select_n3A_831 = arith.select %lt3A_827, %add3A_830, %xor3A_824 : vector<16xi1>, vector<16xi32>
      %broadcast_in_dim3A_832 = vector.shape_cast %select_n3A_831 : vector<16xi32> to vector<16x1xi32>
      %gather3A_833 = vector.shape_cast %broadcast_in_dim3A_832 : vector<16x1xi32> to vector<16xi32>
      %gather3A_834 = tpu.dynamic_gather %add3A_820[%gather3A_833] in [0] : vector<16xf32>, vector<16xi32> -> vector<16xf32>
      %add3A_835 = arith.addf %add3A_820, %gather3A_834 : vector<16xf32>
      %xor3A_836 = arith.constant 4 : i32
      %xor3A_837 = vector.broadcast %xor3A_836 : i32 to vector<16xi32>
      %xor3A_838 = arith.xori %iota3A_821, %xor3A_837 : vector<16xi32>
      %lt3A_839 = arith.constant 0 : i32
      %lt3A_840 = vector.broadcast %lt3A_839 : i32 to vector<16xi32>
      %lt3A_841 = arith.cmpi slt, %xor3A_838, %lt3A_840 : vector<16xi32>
      %add3A_842 = arith.constant 16 : i32
      %add3A_843 = vector.broadcast %add3A_842 : i32 to vector<16xi32>
      %add3A_844 = arith.addi %xor3A_838, %add3A_843 : vector<16xi32>
      %select_n3A_845 = arith.select %lt3A_841, %add3A_844, %xor3A_838 : vector<16xi1>, vector<16xi32>
      %broadcast_in_dim3A_846 = vector.shape_cast %select_n3A_845 : vector<16xi32> to vector<16x1xi32>
      %gather3A_847 = vector.shape_cast %broadcast_in_dim3A_846 : vector<16x1xi32> to vector<16xi32>
      %gather3A_848 = tpu.dynamic_gather %add3A_835[%gather3A_847] in [0] : vector<16xf32>, vector<16xi32> -> vector<16xf32>
      %add3A_849 = arith.addf %add3A_835, %gather3A_848 : vector<16xf32>
      %xor3A_850 = arith.constant 2 : i32
      %xor3A_851 = vector.broadcast %xor3A_850 : i32 to vector<16xi32>
      %xor3A_852 = arith.xori %iota3A_821, %xor3A_851 : vector<16xi32>
      %lt3A_853 = arith.constant 0 : i32
      %lt3A_854 = vector.broadcast %lt3A_853 : i32 to vector<16xi32>
      %lt3A_855 = arith.cmpi slt, %xor3A_852, %lt3A_854 : vector<16xi32>
      %add3A_856 = arith.constant 16 : i32
      %add3A_857 = vector.broadcast %add3A_856 : i32 to vector<16xi32>
      %add3A_858 = arith.addi %xor3A_852, %add3A_857 : vector<16xi32>
      %select_n3A_859 = arith.select %lt3A_855, %add3A_858, %xor3A_852 : vector<16xi1>, vector<16xi32>
      %broadcast_in_dim3A_860 = vector.shape_cast %select_n3A_859 : vector<16xi32> to vector<16x1xi32>
      %gather3A_861 = vector.shape_cast %broadcast_in_dim3A_860 : vector<16x1xi32> to vector<16xi32>
      %gather3A_862 = tpu.dynamic_gather %add3A_849[%gather3A_861] in [0] : vector<16xf32>, vector<16xi32> -> vector<16xf32>
      %add3A_863 = arith.addf %add3A_849, %gather3A_862 : vector<16xf32>
      %xor3A_864 = arith.constant 1 : i32
      %xor3A_865 = vector.broadcast %xor3A_864 : i32 to vector<16xi32>
      %xor3A_866 = arith.xori %iota3A_821, %xor3A_865 : vector<16xi32>
      %lt3A_867 = arith.constant 0 : i32
      %lt3A_868 = vector.broadcast %lt3A_867 : i32 to vector<16xi32>
      %lt3A_869 = arith.cmpi slt, %xor3A_866, %lt3A_868 : vector<16xi32>
      %add3A_870 = arith.constant 16 : i32
      %add3A_871 = vector.broadcast %add3A_870 : i32 to vector<16xi32>
      %add3A_872 = arith.addi %xor3A_866, %add3A_871 : vector<16xi32>
      %select_n3A_873 = arith.select %lt3A_869, %add3A_872, %xor3A_866 : vector<16xi1>, vector<16xi32>
      %broadcast_in_dim3A_874 = vector.shape_cast %select_n3A_873 : vector<16xi32> to vector<16x1xi32>
      %gather3A_875 = vector.shape_cast %broadcast_in_dim3A_874 : vector<16x1xi32> to vector<16xi32>
      %gather3A_876 = tpu.dynamic_gather %add3A_863[%gather3A_875] in [0] : vector<16xf32>, vector<16xi32> -> vector<16xf32>
      %add3A_877 = arith.addf %add3A_863, %gather3A_876 : vector<16xf32>
      %eq3A_878 = arith.constant 5 : i32
      %eq3A_879 = vector.broadcast %eq3A_878 : i32 to vector<16xi32>
      %eq3A_880 = arith.cmpi eq, %iota3A, %eq3A_879 : vector<16xi32>
      %select_n3A_881 = arith.select %eq3A_880, %add3A_877, %select_n3A_737 : vector<16xi1>, vector<16xf32>
      %mul3A_882 = arith.constant 16 : i32
      %mul3A_883 = arith.muli %scan3A_22, %mul3A_882 : i32
      %add3A_884 = arith.constant 6 : i32
      %add3A_885 = arith.addi %mul3A_883, %add3A_884 : i32
      %get3A_886 = arith.index_cast %add3A_885 : i32 to index
      %get3A_887 = arith.constant 0 : index
      %get3A_888 = tpu.vector_load %arg12[%get3A_886, %get3A_887] {strides = array<i32>} : memref<128x128xf32, #tpu.memory_space<vmem>>, vector<1x16xf32>,
      %get3A_889 = vector.shape_cast %get3A_888 : vector<1x16xf32> to vector<16xf32>
      %get3A_890 = arith.index_cast %add3A_885 : i32 to index
      %get3A_891 = arith.constant 16 : index
      %get3A_892 = tpu.vector_load %arg12[%get3A_890, %get3A_891] {strides = array<i32>} : memref<128x128xf32, #tpu.memory_space<vmem>>, vector<1x16xf32>,
      %get3A_893 = vector.shape_cast %get3A_892 : vector<1x16xf32> to vector<16xf32>
      %get3A_894 = arith.index_cast %add3A_885 : i32 to index
      %get3A_895 = arith.constant 32 : index
      %get3A_896 = tpu.vector_load %arg12[%get3A_894, %get3A_895] {strides = array<i32>} : memref<128x128xf32, #tpu.memory_space<vmem>>, vector<1x16xf32>,
      %get3A_897 = vector.shape_cast %get3A_896 : vector<1x16xf32> to vector<16xf32>
      %get3A_898 = arith.index_cast %add3A_885 : i32 to index
      %get3A_899 = arith.constant 48 : index
      %get3A_900 = tpu.vector_load %arg12[%get3A_898, %get3A_899] {strides = array<i32>} : memref<128x128xf32, #tpu.memory_space<vmem>>, vector<1x16xf32>,
      %get3A_901 = vector.shape_cast %get3A_900 : vector<1x16xf32> to vector<16xf32>
      %get3A_902 = arith.index_cast %add3A_885 : i32 to index
      %get3A_903 = arith.constant 64 : index
      %get3A_904 = tpu.vector_load %arg12[%get3A_902, %get3A_903] {strides = array<i32>} : memref<128x128xf32, #tpu.memory_space<vmem>>, vector<1x16xf32>,
      %get3A_905 = vector.shape_cast %get3A_904 : vector<1x16xf32> to vector<16xf32>
      %get3A_906 = arith.index_cast %add3A_885 : i32 to index
      %get3A_907 = arith.constant 80 : index
      %get3A_908 = tpu.vector_load %arg12[%get3A_906, %get3A_907] {strides = array<i32>} : memref<128x128xf32, #tpu.memory_space<vmem>>, vector<1x16xf32>,
      %get3A_909 = vector.shape_cast %get3A_908 : vector<1x16xf32> to vector<16xf32>
      %get3A_910 = arith.index_cast %add3A_885 : i32 to index
      %get3A_911 = arith.constant 96 : index
      %get3A_912 = tpu.vector_load %arg12[%get3A_910, %get3A_911] {strides = array<i32>} : memref<128x128xf32, #tpu.memory_space<vmem>>, vector<1x16xf32>,
      %get3A_913 = vector.shape_cast %get3A_912 : vector<1x16xf32> to vector<16xf32>
      %get3A_914 = arith.index_cast %add3A_885 : i32 to index
      %get3A_915 = arith.constant 112 : index
      %get3A_916 = tpu.vector_load %arg12[%get3A_914, %get3A_915] {strides = array<i32>} : memref<128x128xf32, #tpu.memory_space<vmem>>, vector<1x16xf32>,
      %get3A_917 = vector.shape_cast %get3A_916 : vector<1x16xf32> to vector<16xf32>
      %get3A_918 = arith.index_cast %add3A_885 : i32 to index
      %get3A_919 = arith.constant 0 : index
      %get3A_920 = tpu.vector_load %arg13[%get3A_918, %get3A_919] {strides = array<i32>} : memref<128x128xf32, #tpu.memory_space<vmem>>, vector<1x16xf32>,
      %get3A_921 = vector.shape_cast %get3A_920 : vector<1x16xf32> to vector<16xf32>
      %mul3A_922 = arith.mulf %get3A_921, %get3A_889 : vector<16xf32>
      %get3A_923 = arith.index_cast %add3A_885 : i32 to index
      %get3A_924 = arith.constant 16 : index
      %get3A_925 = tpu.vector_load %arg13[%get3A_923, %get3A_924] {strides = array<i32>} : memref<128x128xf32, #tpu.memory_space<vmem>>, vector<1x16xf32>,
      %get3A_926 = vector.shape_cast %get3A_925 : vector<1x16xf32> to vector<16xf32>
      %mul3A_927 = arith.mulf %get3A_926, %get3A_893 : vector<16xf32>
      %add3A_928 = arith.addf %mul3A_922, %mul3A_927 : vector<16xf32>
      %get3A_929 = arith.index_cast %add3A_885 : i32 to index
      %get3A_930 = arith.constant 32 : index
      %get3A_931 = tpu.vector_load %arg13[%get3A_929, %get3A_930] {strides = array<i32>} : memref<128x128xf32, #tpu.memory_space<vmem>>, vector<1x16xf32>,
      %get3A_932 = vector.shape_cast %get3A_931 : vector<1x16xf32> to vector<16xf32>
      %mul3A_933 = arith.mulf %get3A_932, %get3A_897 : vector<16xf32>
      %add3A_934 = arith.addf %add3A_928, %mul3A_933 : vector<16xf32>
      %get3A_935 = arith.index_cast %add3A_885 : i32 to index
      %get3A_936 = arith.constant 48 : index
      %get3A_937 = tpu.vector_load %arg13[%get3A_935, %get3A_936] {strides = array<i32>} : memref<128x128xf32, #tpu.memory_space<vmem>>, vector<1x16xf32>,
      %get3A_938 = vector.shape_cast %get3A_937 : vector<1x16xf32> to vector<16xf32>
      %mul3A_939 = arith.mulf %get3A_938, %get3A_901 : vector<16xf32>
      %add3A_940 = arith.addf %add3A_934, %mul3A_939 : vector<16xf32>
      %get3A_941 = arith.index_cast %add3A_885 : i32 to index
      %get3A_942 = arith.constant 64 : index
      %get3A_943 = tpu.vector_load %arg13[%get3A_941, %get3A_942] {strides = array<i32>} : memref<128x128xf32, #tpu.memory_space<vmem>>, vector<1x16xf32>,
      %get3A_944 = vector.shape_cast %get3A_943 : vector<1x16xf32> to vector<16xf32>
      %mul3A_945 = arith.mulf %get3A_944, %get3A_905 : vector<16xf32>
      %add3A_946 = arith.addf %add3A_940, %mul3A_945 : vector<16xf32>
      %get3A_947 = arith.index_cast %add3A_885 : i32 to index
      %get3A_948 = arith.constant 80 : index
      %get3A_949 = tpu.vector_load %arg13[%get3A_947, %get3A_948] {strides = array<i32>} : memref<128x128xf32, #tpu.memory_space<vmem>>, vector<1x16xf32>,
      %get3A_950 = vector.shape_cast %get3A_949 : vector<1x16xf32> to vector<16xf32>
      %mul3A_951 = arith.mulf %get3A_950, %get3A_909 : vector<16xf32>
      %add3A_952 = arith.addf %add3A_946, %mul3A_951 : vector<16xf32>
      %get3A_953 = arith.index_cast %add3A_885 : i32 to index
      %get3A_954 = arith.constant 96 : index
      %get3A_955 = tpu.vector_load %arg13[%get3A_953, %get3A_954] {strides = array<i32>} : memref<128x128xf32, #tpu.memory_space<vmem>>, vector<1x16xf32>,
      %get3A_956 = vector.shape_cast %get3A_955 : vector<1x16xf32> to vector<16xf32>
      %mul3A_957 = arith.mulf %get3A_956, %get3A_913 : vector<16xf32>
      %add3A_958 = arith.addf %add3A_952, %mul3A_957 : vector<16xf32>
      %get3A_959 = arith.index_cast %add3A_885 : i32 to index
      %get3A_960 = arith.constant 112 : index
      %get3A_961 = tpu.vector_load %arg13[%get3A_959, %get3A_960] {strides = array<i32>} : memref<128x128xf32, #tpu.memory_space<vmem>>, vector<1x16xf32>,
      %get3A_962 = vector.shape_cast %get3A_961 : vector<1x16xf32> to vector<16xf32>
      %mul3A_963 = arith.mulf %get3A_962, %get3A_917 : vector<16xf32>
      %add3A_964 = arith.addf %add3A_958, %mul3A_963 : vector<16xf32>
      %iota3A_965 = tpu.iota {dimensions = array<i32: 0>} : vector<16xi32>
      %xor3A_966 = arith.constant 8 : i32
      %xor3A_967 = vector.broadcast %xor3A_966 : i32 to vector<16xi32>
      %xor3A_968 = arith.xori %iota3A_965, %xor3A_967 : vector<16xi32>
      %lt3A_969 = arith.constant 0 : i32
      %lt3A_970 = vector.broadcast %lt3A_969 : i32 to vector<16xi32>
      %lt3A_971 = arith.cmpi slt, %xor3A_968, %lt3A_970 : vector<16xi32>
      %add3A_972 = arith.constant 16 : i32
      %add3A_973 = vector.broadcast %add3A_972 : i32 to vector<16xi32>
      %add3A_974 = arith.addi %xor3A_968, %add3A_973 : vector<16xi32>
      %select_n3A_975 = arith.select %lt3A_971, %add3A_974, %xor3A_968 : vector<16xi1>, vector<16xi32>
      %broadcast_in_dim3A_976 = vector.shape_cast %select_n3A_975 : vector<16xi32> to vector<16x1xi32>
      %gather3A_977 = vector.shape_cast %broadcast_in_dim3A_976 : vector<16x1xi32> to vector<16xi32>
      %gather3A_978 = tpu.dynamic_gather %add3A_964[%gather3A_977] in [0] : vector<16xf32>, vector<16xi32> -> vector<16xf32>
      %add3A_979 = arith.addf %add3A_964, %gather3A_978 : vector<16xf32>
      %xor3A_980 = arith.constant 4 : i32
      %xor3A_981 = vector.broadcast %xor3A_980 : i32 to vector<16xi32>
      %xor3A_982 = arith.xori %iota3A_965, %xor3A_981 : vector<16xi32>
      %lt3A_983 = arith.constant 0 : i32
      %lt3A_984 = vector.broadcast %lt3A_983 : i32 to vector<16xi32>
      %lt3A_985 = arith.cmpi slt, %xor3A_982, %lt3A_984 : vector<16xi32>
      %add3A_986 = arith.constant 16 : i32
      %add3A_987 = vector.broadcast %add3A_986 : i32 to vector<16xi32>
      %add3A_988 = arith.addi %xor3A_982, %add3A_987 : vector<16xi32>
      %select_n3A_989 = arith.select %lt3A_985, %add3A_988, %xor3A_982 : vector<16xi1>, vector<16xi32>
      %broadcast_in_dim3A_990 = vector.shape_cast %select_n3A_989 : vector<16xi32> to vector<16x1xi32>
      %gather3A_991 = vector.shape_cast %broadcast_in_dim3A_990 : vector<16x1xi32> to vector<16xi32>
      %gather3A_992 = tpu.dynamic_gather %add3A_979[%gather3A_991] in [0] : vector<16xf32>, vector<16xi32> -> vector<16xf32>
      %add3A_993 = arith.addf %add3A_979, %gather3A_992 : vector<16xf32>
      %xor3A_994 = arith.constant 2 : i32
      %xor3A_995 = vector.broadcast %xor3A_994 : i32 to vector<16xi32>
      %xor3A_996 = arith.xori %iota3A_965, %xor3A_995 : vector<16xi32>
      %lt3A_997 = arith.constant 0 : i32
      %lt3A_998 = vector.broadcast %lt3A_997 : i32 to vector<16xi32>
      %lt3A_999 = arith.cmpi slt, %xor3A_996, %lt3A_998 : vector<16xi32>
      %add3A_1000 = arith.constant 16 : i32
      %add3A_1001 = vector.broadcast %add3A_1000 : i32 to vector<16xi32>
      %add3A_1002 = arith.addi %xor3A_996, %add3A_1001 : vector<16xi32>
      %select_n3A_1003 = arith.select %lt3A_999, %add3A_1002, %xor3A_996 : vector<16xi1>, vector<16xi32>
      %broadcast_in_dim3A_1004 = vector.shape_cast %select_n3A_1003 : vector<16xi32> to vector<16x1xi32>
      %gather3A_1005 = vector.shape_cast %broadcast_in_dim3A_1004 : vector<16x1xi32> to vector<16xi32>
      %gather3A_1006 = tpu.dynamic_gather %add3A_993[%gather3A_1005] in [0] : vector<16xf32>, vector<16xi32> -> vector<16xf32>
      %add3A_1007 = arith.addf %add3A_993, %gather3A_1006 : vector<16xf32>
      %xor3A_1008 = arith.constant 1 : i32
      %xor3A_1009 = vector.broadcast %xor3A_1008 : i32 to vector<16xi32>
      %xor3A_1010 = arith.xori %iota3A_965, %xor3A_1009 : vector<16xi32>
      %lt3A_1011 = arith.constant 0 : i32
      %lt3A_1012 = vector.broadcast %lt3A_1011 : i32 to vector<16xi32>
      %lt3A_1013 = arith.cmpi slt, %xor3A_1010, %lt3A_1012 : vector<16xi32>
      %add3A_1014 = arith.constant 16 : i32
      %add3A_1015 = vector.broadcast %add3A_1014 : i32 to vector<16xi32>
      %add3A_1016 = arith.addi %xor3A_1010, %add3A_1015 : vector<16xi32>
      %select_n3A_1017 = arith.select %lt3A_1013, %add3A_1016, %xor3A_1010 : vector<16xi1>, vector<16xi32>
      %broadcast_in_dim3A_1018 = vector.shape_cast %select_n3A_1017 : vector<16xi32> to vector<16x1xi32>
      %gather3A_1019 = vector.shape_cast %broadcast_in_dim3A_1018 : vector<16x1xi32> to vector<16xi32>
      %gather3A_1020 = tpu.dynamic_gather %add3A_1007[%gather3A_1019] in [0] : vector<16xf32>, vector<16xi32> -> vector<16xf32>
      %add3A_1021 = arith.addf %add3A_1007, %gather3A_1020 : vector<16xf32>
      %eq3A_1022 = arith.constant 6 : i32
      %eq3A_1023 = vector.broadcast %eq3A_1022 : i32 to vector<16xi32>
      %eq3A_1024 = arith.cmpi eq, %iota3A, %eq3A_1023 : vector<16xi32>
      %select_n3A_1025 = arith.select %eq3A_1024, %add3A_1021, %select_n3A_881 : vector<16xi1>, vector<16xf32>
      %mul3A_1026 = arith.constant 16 : i32
      %mul3A_1027 = arith.muli %scan3A_22, %mul3A_1026 : i32
      %add3A_1028 = arith.constant 7 : i32
      %add3A_1029 = arith.addi %mul3A_1027, %add3A_1028 : i32
      %get3A_1030 = arith.index_cast %add3A_1029 : i32 to index
      %get3A_1031 = arith.constant 0 : index
      %get3A_1032 = tpu.vector_load %arg12[%get3A_1030, %get3A_1031] {strides = array<i32>} : memref<128x128xf32, #tpu.memory_space<vmem>>, vector<1x16xf32>,
      %get3A_1033 = vector.shape_cast %get3A_1032 : vector<1x16xf32> to vector<16xf32>
      %get3A_1034 = arith.index_cast %add3A_1029 : i32 to index
      %get3A_1035 = arith.constant 16 : index
      %get3A_1036 = tpu.vector_load %arg12[%get3A_1034, %get3A_1035] {strides = array<i32>} : memref<128x128xf32, #tpu.memory_space<vmem>>, vector<1x16xf32>,
      %get3A_1037 = vector.shape_cast %get3A_1036 : vector<1x16xf32> to vector<16xf32>
      %get3A_1038 = arith.index_cast %add3A_1029 : i32 to index
      %get3A_1039 = arith.constant 32 : index
      %get3A_1040 = tpu.vector_load %arg12[%get3A_1038, %get3A_1039] {strides = array<i32>} : memref<128x128xf32, #tpu.memory_space<vmem>>, vector<1x16xf32>,
      %get3A_1041 = vector.shape_cast %get3A_1040 : vector<1x16xf32> to vector<16xf32>
      %get3A_1042 = arith.index_cast %add3A_1029 : i32 to index
      %get3A_1043 = arith.constant 48 : index
      %get3A_1044 = tpu.vector_load %arg12[%get3A_1042, %get3A_1043] {strides = array<i32>} : memref<128x128xf32, #tpu.memory_space<vmem>>, vector<1x16xf32>,
      %get3A_1045 = vector.shape_cast %get3A_1044 : vector<1x16xf32> to vector<16xf32>
      %get3A_1046 = arith.index_cast %add3A_1029 : i32 to index
      %get3A_1047 = arith.constant 64 : index
      %get3A_1048 = tpu.vector_load %arg12[%get3A_1046, %get3A_1047] {strides = array<i32>} : memref<128x128xf32, #tpu.memory_space<vmem>>, vector<1x16xf32>,
      %get3A_1049 = vector.shape_cast %get3A_1048 : vector<1x16xf32> to vector<16xf32>
      %get3A_1050 = arith.index_cast %add3A_1029 : i32 to index
      %get3A_1051 = arith.constant 80 : index
      %get3A_1052 = tpu.vector_load %arg12[%get3A_1050, %get3A_1051] {strides = array<i32>} : memref<128x128xf32, #tpu.memory_space<vmem>>, vector<1x16xf32>,
      %get3A_1053 = vector.shape_cast %get3A_1052 : vector<1x16xf32> to vector<16xf32>
      %get3A_1054 = arith.index_cast %add3A_1029 : i32 to index
      %get3A_1055 = arith.constant 96 : index
      %get3A_1056 = tpu.vector_load %arg12[%get3A_1054, %get3A_1055] {strides = array<i32>} : memref<128x128xf32, #tpu.memory_space<vmem>>, vector<1x16xf32>,
      %get3A_1057 = vector.shape_cast %get3A_1056 : vector<1x16xf32> to vector<16xf32>
      %get3A_1058 = arith.index_cast %add3A_1029 : i32 to index
      %get3A_1059 = arith.constant 112 : index
      %get3A_1060 = tpu.vector_load %arg12[%get3A_1058, %get3A_1059] {strides = array<i32>} : memref<128x128xf32, #tpu.memory_space<vmem>>, vector<1x16xf32>,
      %get3A_1061 = vector.shape_cast %get3A_1060 : vector<1x16xf32> to vector<16xf32>
      %get3A_1062 = arith.index_cast %add3A_1029 : i32 to index
      %get3A_1063 = arith.constant 0 : index
      %get3A_1064 = tpu.vector_load %arg13[%get3A_1062, %get3A_1063] {strides = array<i32>} : memref<128x128xf32, #tpu.memory_space<vmem>>, vector<1x16xf32>,
      %get3A_1065 = vector.shape_cast %get3A_1064 : vector<1x16xf32> to vector<16xf32>
      %mul3A_1066 = arith.mulf %get3A_1065, %get3A_1033 : vector<16xf32>
      %get3A_1067 = arith.index_cast %add3A_1029 : i32 to index
      %get3A_1068 = arith.constant 16 : index
      %get3A_1069 = tpu.vector_load %arg13[%get3A_1067, %get3A_1068] {strides = array<i32>} : memref<128x128xf32, #tpu.memory_space<vmem>>, vector<1x16xf32>,
      %get3A_1070 = vector.shape_cast %get3A_1069 : vector<1x16xf32> to vector<16xf32>
      %mul3A_1071 = arith.mulf %get3A_1070, %get3A_1037 : vector<16xf32>
      %add3A_1072 = arith.addf %mul3A_1066, %mul3A_1071 : vector<16xf32>
      %get3A_1073 = arith.index_cast %add3A_1029 : i32 to index
      %get3A_1074 = arith.constant 32 : index
      %get3A_1075 = tpu.vector_load %arg13[%get3A_1073, %get3A_1074] {strides = array<i32>} : memref<128x128xf32, #tpu.memory_space<vmem>>, vector<1x16xf32>,
      %get3A_1076 = vector.shape_cast %get3A_1075 : vector<1x16xf32> to vector<16xf32>
      %mul3A_1077 = arith.mulf %get3A_1076, %get3A_1041 : vector<16xf32>
      %add3A_1078 = arith.addf %add3A_1072, %mul3A_1077 : vector<16xf32>
      %get3A_1079 = arith.index_cast %add3A_1029 : i32 to index
      %get3A_1080 = arith.constant 48 : index
      %get3A_1081 = tpu.vector_load %arg13[%get3A_1079, %get3A_1080] {strides = array<i32>} : memref<128x128xf32, #tpu.memory_space<vmem>>, vector<1x16xf32>,
      %get3A_1082 = vector.shape_cast %get3A_1081 : vector<1x16xf32> to vector<16xf32>
      %mul3A_1083 = arith.mulf %get3A_1082, %get3A_1045 : vector<16xf32>
      %add3A_1084 = arith.addf %add3A_1078, %mul3A_1083 : vector<16xf32>
      %get3A_1085 = arith.index_cast %add3A_1029 : i32 to index
      %get3A_1086 = arith.constant 64 : index
      %get3A_1087 = tpu.vector_load %arg13[%get3A_1085, %get3A_1086] {strides = array<i32>} : memref<128x128xf32, #tpu.memory_space<vmem>>, vector<1x16xf32>,
      %get3A_1088 = vector.shape_cast %get3A_1087 : vector<1x16xf32> to vector<16xf32>
      %mul3A_1089 = arith.mulf %get3A_1088, %get3A_1049 : vector<16xf32>
      %add3A_1090 = arith.addf %add3A_1084, %mul3A_1089 : vector<16xf32>
      %get3A_1091 = arith.index_cast %add3A_1029 : i32 to index
      %get3A_1092 = arith.constant 80 : index
      %get3A_1093 = tpu.vector_load %arg13[%get3A_1091, %get3A_1092] {strides = array<i32>} : memref<128x128xf32, #tpu.memory_space<vmem>>, vector<1x16xf32>,
      %get3A_1094 = vector.shape_cast %get3A_1093 : vector<1x16xf32> to vector<16xf32>
      %mul3A_1095 = arith.mulf %get3A_1094, %get3A_1053 : vector<16xf32>
      %add3A_1096 = arith.addf %add3A_1090, %mul3A_1095 : vector<16xf32>
      %get3A_1097 = arith.index_cast %add3A_1029 : i32 to index
      %get3A_1098 = arith.constant 96 : index
      %get3A_1099 = tpu.vector_load %arg13[%get3A_1097, %get3A_1098] {strides = array<i32>} : memref<128x128xf32, #tpu.memory_space<vmem>>, vector<1x16xf32>,
      %get3A_1100 = vector.shape_cast %get3A_1099 : vector<1x16xf32> to vector<16xf32>
      %mul3A_1101 = arith.mulf %get3A_1100, %get3A_1057 : vector<16xf32>
      %add3A_1102 = arith.addf %add3A_1096, %mul3A_1101 : vector<16xf32>
      %get3A_1103 = arith.index_cast %add3A_1029 : i32 to index
      %get3A_1104 = arith.constant 112 : index
      %get3A_1105 = tpu.vector_load %arg13[%get3A_1103, %get3A_1104] {strides = array<i32>} : memref<128x128xf32, #tpu.memory_space<vmem>>, vector<1x16xf32>,
      %get3A_1106 = vector.shape_cast %get3A_1105 : vector<1x16xf32> to vector<16xf32>
      %mul3A_1107 = arith.mulf %get3A_1106, %get3A_1061 : vector<16xf32>
      %add3A_1108 = arith.addf %add3A_1102, %mul3A_1107 : vector<16xf32>
      %iota3A_1109 = tpu.iota {dimensions = array<i32: 0>} : vector<16xi32>
      %xor3A_1110 = arith.constant 8 : i32
      %xor3A_1111 = vector.broadcast %xor3A_1110 : i32 to vector<16xi32>
      %xor3A_1112 = arith.xori %iota3A_1109, %xor3A_1111 : vector<16xi32>
      %lt3A_1113 = arith.constant 0 : i32
      %lt3A_1114 = vector.broadcast %lt3A_1113 : i32 to vector<16xi32>
      %lt3A_1115 = arith.cmpi slt, %xor3A_1112, %lt3A_1114 : vector<16xi32>
      %add3A_1116 = arith.constant 16 : i32
      %add3A_1117 = vector.broadcast %add3A_1116 : i32 to vector<16xi32>
      %add3A_1118 = arith.addi %xor3A_1112, %add3A_1117 : vector<16xi32>
      %select_n3A_1119 = arith.select %lt3A_1115, %add3A_1118, %xor3A_1112 : vector<16xi1>, vector<16xi32>
      %broadcast_in_dim3A_1120 = vector.shape_cast %select_n3A_1119 : vector<16xi32> to vector<16x1xi32>
      %gather3A_1121 = vector.shape_cast %broadcast_in_dim3A_1120 : vector<16x1xi32> to vector<16xi32>
      %gather3A_1122 = tpu.dynamic_gather %add3A_1108[%gather3A_1121] in [0] : vector<16xf32>, vector<16xi32> -> vector<16xf32>
      %add3A_1123 = arith.addf %add3A_1108, %gather3A_1122 : vector<16xf32>
      %xor3A_1124 = arith.constant 4 : i32
      %xor3A_1125 = vector.broadcast %xor3A_1124 : i32 to vector<16xi32>
      %xor3A_1126 = arith.xori %iota3A_1109, %xor3A_1125 : vector<16xi32>
      %lt3A_1127 = arith.constant 0 : i32
      %lt3A_1128 = vector.broadcast %lt3A_1127 : i32 to vector<16xi32>
      %lt3A_1129 = arith.cmpi slt, %xor3A_1126, %lt3A_1128 : vector<16xi32>
      %add3A_1130 = arith.constant 16 : i32
      %add3A_1131 = vector.broadcast %add3A_1130 : i32 to vector<16xi32>
      %add3A_1132 = arith.addi %xor3A_1126, %add3A_1131 : vector<16xi32>
      %select_n3A_1133 = arith.select %lt3A_1129, %add3A_1132, %xor3A_1126 : vector<16xi1>, vector<16xi32>
      %broadcast_in_dim3A_1134 = vector.shape_cast %select_n3A_1133 : vector<16xi32> to vector<16x1xi32>
      %gather3A_1135 = vector.shape_cast %broadcast_in_dim3A_1134 : vector<16x1xi32> to vector<16xi32>
      %gather3A_1136 = tpu.dynamic_gather %add3A_1123[%gather3A_1135] in [0] : vector<16xf32>, vector<16xi32> -> vector<16xf32>
      %add3A_1137 = arith.addf %add3A_1123, %gather3A_1136 : vector<16xf32>
      %xor3A_1138 = arith.constant 2 : i32
      %xor3A_1139 = vector.broadcast %xor3A_1138 : i32 to vector<16xi32>
      %xor3A_1140 = arith.xori %iota3A_1109, %xor3A_1139 : vector<16xi32>
      %lt3A_1141 = arith.constant 0 : i32
      %lt3A_1142 = vector.broadcast %lt3A_1141 : i32 to vector<16xi32>
      %lt3A_1143 = arith.cmpi slt, %xor3A_1140, %lt3A_1142 : vector<16xi32>
      %add3A_1144 = arith.constant 16 : i32
      %add3A_1145 = vector.broadcast %add3A_1144 : i32 to vector<16xi32>
      %add3A_1146 = arith.addi %xor3A_1140, %add3A_1145 : vector<16xi32>
      %select_n3A_1147 = arith.select %lt3A_1143, %add3A_1146, %xor3A_1140 : vector<16xi1>, vector<16xi32>
      %broadcast_in_dim3A_1148 = vector.shape_cast %select_n3A_1147 : vector<16xi32> to vector<16x1xi32>
      %gather3A_1149 = vector.shape_cast %broadcast_in_dim3A_1148 : vector<16x1xi32> to vector<16xi32>
      %gather3A_1150 = tpu.dynamic_gather %add3A_1137[%gather3A_1149] in [0] : vector<16xf32>, vector<16xi32> -> vector<16xf32>
      %add3A_1151 = arith.addf %add3A_1137, %gather3A_1150 : vector<16xf32>
      %xor3A_1152 = arith.constant 1 : i32
      %xor3A_1153 = vector.broadcast %xor3A_1152 : i32 to vector<16xi32>
      %xor3A_1154 = arith.xori %iota3A_1109, %xor3A_1153 : vector<16xi32>
      %lt3A_1155 = arith.constant 0 : i32
      %lt3A_1156 = vector.broadcast %lt3A_1155 : i32 to vector<16xi32>
      %lt3A_1157 = arith.cmpi slt, %xor3A_1154, %lt3A_1156 : vector<16xi32>
      %add3A_1158 = arith.constant 16 : i32
      %add3A_1159 = vector.broadcast %add3A_1158 : i32 to vector<16xi32>
      %add3A_1160 = arith.addi %xor3A_1154, %add3A_1159 : vector<16xi32>
      %select_n3A_1161 = arith.select %lt3A_1157, %add3A_1160, %xor3A_1154 : vector<16xi1>, vector<16xi32>
      %broadcast_in_dim3A_1162 = vector.shape_cast %select_n3A_1161 : vector<16xi32> to vector<16x1xi32>
      %gather3A_1163 = vector.shape_cast %broadcast_in_dim3A_1162 : vector<16x1xi32> to vector<16xi32>
      %gather3A_1164 = tpu.dynamic_gather %add3A_1151[%gather3A_1163] in [0] : vector<16xf32>, vector<16xi32> -> vector<16xf32>
      %add3A_1165 = arith.addf %add3A_1151, %gather3A_1164 : vector<16xf32>
      %eq3A_1166 = arith.constant 7 : i32
      %eq3A_1167 = vector.broadcast %eq3A_1166 : i32 to vector<16xi32>
      %eq3A_1168 = arith.cmpi eq, %iota3A, %eq3A_1167 : vector<16xi32>
      %select_n3A_1169 = arith.select %eq3A_1168, %add3A_1165, %select_n3A_1025 : vector<16xi1>, vector<16xf32>
      %mul3A_1170 = arith.constant 16 : i32
      %mul3A_1171 = arith.muli %scan3A_22, %mul3A_1170 : i32
      %add3A_1172 = arith.constant 8 : i32
      %add3A_1173 = arith.addi %mul3A_1171, %add3A_1172 : i32
      %get3A_1174 = arith.index_cast %add3A_1173 : i32 to index
      %get3A_1175 = arith.constant 0 : index
      %get3A_1176 = tpu.vector_load %arg12[%get3A_1174, %get3A_1175] {strides = array<i32>} : memref<128x128xf32, #tpu.memory_space<vmem>>, vector<1x16xf32>,
      %get3A_1177 = vector.shape_cast %get3A_1176 : vector<1x16xf32> to vector<16xf32>
      %get3A_1178 = arith.index_cast %add3A_1173 : i32 to index
      %get3A_1179 = arith.constant 16 : index
      %get3A_1180 = tpu.vector_load %arg12[%get3A_1178, %get3A_1179] {strides = array<i32>} : memref<128x128xf32, #tpu.memory_space<vmem>>, vector<1x16xf32>,
      %get3A_1181 = vector.shape_cast %get3A_1180 : vector<1x16xf32> to vector<16xf32>
      %get3A_1182 = arith.index_cast %add3A_1173 : i32 to index
      %get3A_1183 = arith.constant 32 : index
      %get3A_1184 = tpu.vector_load %arg12[%get3A_1182, %get3A_1183] {strides = array<i32>} : memref<128x128xf32, #tpu.memory_space<vmem>>, vector<1x16xf32>,
      %get3A_1185 = vector.shape_cast %get3A_1184 : vector<1x16xf32> to vector<16xf32>
      %get3A_1186 = arith.index_cast %add3A_1173 : i32 to index
      %get3A_1187 = arith.constant 48 : index
      %get3A_1188 = tpu.vector_load %arg12[%get3A_1186, %get3A_1187] {strides = array<i32>} : memref<128x128xf32, #tpu.memory_space<vmem>>, vector<1x16xf32>,
      %get3A_1189 = vector.shape_cast %get3A_1188 : vector<1x16xf32> to vector<16xf32>
      %get3A_1190 = arith.index_cast %add3A_1173 : i32 to index
      %get3A_1191 = arith.constant 64 : index
      %get3A_1192 = tpu.vector_load %arg12[%get3A_1190, %get3A_1191] {strides = array<i32>} : memref<128x128xf32, #tpu.memory_space<vmem>>, vector<1x16xf32>,
      %get3A_1193 = vector.shape_cast %get3A_1192 : vector<1x16xf32> to vector<16xf32>
      %get3A_1194 = arith.index_cast %add3A_1173 : i32 to index
      %get3A_1195 = arith.constant 80 : index
      %get3A_1196 = tpu.vector_load %arg12[%get3A_1194, %get3A_1195] {strides = array<i32>} : memref<128x128xf32, #tpu.memory_space<vmem>>, vector<1x16xf32>,
      %get3A_1197 = vector.shape_cast %get3A_1196 : vector<1x16xf32> to vector<16xf32>
      %get3A_1198 = arith.index_cast %add3A_1173 : i32 to index
      %get3A_1199 = arith.constant 96 : index
      %get3A_1200 = tpu.vector_load %arg12[%get3A_1198, %get3A_1199] {strides = array<i32>} : memref<128x128xf32, #tpu.memory_space<vmem>>, vector<1x16xf32>,
      %get3A_1201 = vector.shape_cast %get3A_1200 : vector<1x16xf32> to vector<16xf32>
      %get3A_1202 = arith.index_cast %add3A_1173 : i32 to index
      %get3A_1203 = arith.constant 112 : index
      %get3A_1204 = tpu.vector_load %arg12[%get3A_1202, %get3A_1203] {strides = array<i32>} : memref<128x128xf32, #tpu.memory_space<vmem>>, vector<1x16xf32>,
      %get3A_1205 = vector.shape_cast %get3A_1204 : vector<1x16xf32> to vector<16xf32>
      %get3A_1206 = arith.index_cast %add3A_1173 : i32 to index
      %get3A_1207 = arith.constant 0 : index
      %get3A_1208 = tpu.vector_load %arg13[%get3A_1206, %get3A_1207] {strides = array<i32>} : memref<128x128xf32, #tpu.memory_space<vmem>>, vector<1x16xf32>,
      %get3A_1209 = vector.shape_cast %get3A_1208 : vector<1x16xf32> to vector<16xf32>
      %mul3A_1210 = arith.mulf %get3A_1209, %get3A_1177 : vector<16xf32>
      %get3A_1211 = arith.index_cast %add3A_1173 : i32 to index
      %get3A_1212 = arith.constant 16 : index
      %get3A_1213 = tpu.vector_load %arg13[%get3A_1211, %get3A_1212] {strides = array<i32>} : memref<128x128xf32, #tpu.memory_space<vmem>>, vector<1x16xf32>,
      %get3A_1214 = vector.shape_cast %get3A_1213 : vector<1x16xf32> to vector<16xf32>
      %mul3A_1215 = arith.mulf %get3A_1214, %get3A_1181 : vector<16xf32>
      %add3A_1216 = arith.addf %mul3A_1210, %mul3A_1215 : vector<16xf32>
      %get3A_1217 = arith.index_cast %add3A_1173 : i32 to index
      %get3A_1218 = arith.constant 32 : index
      %get3A_1219 = tpu.vector_load %arg13[%get3A_1217, %get3A_1218] {strides = array<i32>} : memref<128x128xf32, #tpu.memory_space<vmem>>, vector<1x16xf32>,
      %get3A_1220 = vector.shape_cast %get3A_1219 : vector<1x16xf32> to vector<16xf32>
      %mul3A_1221 = arith.mulf %get3A_1220, %get3A_1185 : vector<16xf32>
      %add3A_1222 = arith.addf %add3A_1216, %mul3A_1221 : vector<16xf32>
      %get3A_1223 = arith.index_cast %add3A_1173 : i32 to index
      %get3A_1224 = arith.constant 48 : index
      %get3A_1225 = tpu.vector_load %arg13[%get3A_1223, %get3A_1224] {strides = array<i32>} : memref<128x128xf32, #tpu.memory_space<vmem>>, vector<1x16xf32>,
      %get3A_1226 = vector.shape_cast %get3A_1225 : vector<1x16xf32> to vector<16xf32>
      %mul3A_1227 = arith.mulf %get3A_1226, %get3A_1189 : vector<16xf32>
      %add3A_1228 = arith.addf %add3A_1222, %mul3A_1227 : vector<16xf32>
      %get3A_1229 = arith.index_cast %add3A_1173 : i32 to index
      %get3A_1230 = arith.constant 64 : index
      %get3A_1231 = tpu.vector_load %arg13[%get3A_1229, %get3A_1230] {strides = array<i32>} : memref<128x128xf32, #tpu.memory_space<vmem>>, vector<1x16xf32>,
      %get3A_1232 = vector.shape_cast %get3A_1231 : vector<1x16xf32> to vector<16xf32>
      %mul3A_1233 = arith.mulf %get3A_1232, %get3A_1193 : vector<16xf32>
      %add3A_1234 = arith.addf %add3A_1228, %mul3A_1233 : vector<16xf32>
      %get3A_1235 = arith.index_cast %add3A_1173 : i32 to index
      %get3A_1236 = arith.constant 80 : index
      %get3A_1237 = tpu.vector_load %arg13[%get3A_1235, %get3A_1236] {strides = array<i32>} : memref<128x128xf32, #tpu.memory_space<vmem>>, vector<1x16xf32>,
      %get3A_1238 = vector.shape_cast %get3A_1237 : vector<1x16xf32> to vector<16xf32>
      %mul3A_1239 = arith.mulf %get3A_1238, %get3A_1197 : vector<16xf32>
      %add3A_1240 = arith.addf %add3A_1234, %mul3A_1239 : vector<16xf32>
      %get3A_1241 = arith.index_cast %add3A_1173 : i32 to index
      %get3A_1242 = arith.constant 96 : index
      %get3A_1243 = tpu.vector_load %arg13[%get3A_1241, %get3A_1242] {strides = array<i32>} : memref<128x128xf32, #tpu.memory_space<vmem>>, vector<1x16xf32>,
      %get3A_1244 = vector.shape_cast %get3A_1243 : vector<1x16xf32> to vector<16xf32>
      %mul3A_1245 = arith.mulf %get3A_1244, %get3A_1201 : vector<16xf32>
      %add3A_1246 = arith.addf %add3A_1240, %mul3A_1245 : vector<16xf32>
      %get3A_1247 = arith.index_cast %add3A_1173 : i32 to index
      %get3A_1248 = arith.constant 112 : index
      %get3A_1249 = tpu.vector_load %arg13[%get3A_1247, %get3A_1248] {strides = array<i32>} : memref<128x128xf32, #tpu.memory_space<vmem>>, vector<1x16xf32>,
      %get3A_1250 = vector.shape_cast %get3A_1249 : vector<1x16xf32> to vector<16xf32>
      %mul3A_1251 = arith.mulf %get3A_1250, %get3A_1205 : vector<16xf32>
      %add3A_1252 = arith.addf %add3A_1246, %mul3A_1251 : vector<16xf32>
      %iota3A_1253 = tpu.iota {dimensions = array<i32: 0>} : vector<16xi32>
      %xor3A_1254 = arith.constant 8 : i32
      %xor3A_1255 = vector.broadcast %xor3A_1254 : i32 to vector<16xi32>
      %xor3A_1256 = arith.xori %iota3A_1253, %xor3A_1255 : vector<16xi32>
      %lt3A_1257 = arith.constant 0 : i32
      %lt3A_1258 = vector.broadcast %lt3A_1257 : i32 to vector<16xi32>
      %lt3A_1259 = arith.cmpi slt, %xor3A_1256, %lt3A_1258 : vector<16xi32>
      %add3A_1260 = arith.constant 16 : i32
      %add3A_1261 = vector.broadcast %add3A_1260 : i32 to vector<16xi32>
      %add3A_1262 = arith.addi %xor3A_1256, %add3A_1261 : vector<16xi32>
      %select_n3A_1263 = arith.select %lt3A_1259, %add3A_1262, %xor3A_1256 : vector<16xi1>, vector<16xi32>
      %broadcast_in_dim3A_1264 = vector.shape_cast %select_n3A_1263 : vector<16xi32> to vector<16x1xi32>
      %gather3A_1265 = vector.shape_cast %broadcast_in_dim3A_1264 : vector<16x1xi32> to vector<16xi32>
      %gather3A_1266 = tpu.dynamic_gather %add3A_1252[%gather3A_1265] in [0] : vector<16xf32>, vector<16xi32> -> vector<16xf32>
      %add3A_1267 = arith.addf %add3A_1252, %gather3A_1266 : vector<16xf32>
      %xor3A_1268 = arith.constant 4 : i32
      %xor3A_1269 = vector.broadcast %xor3A_1268 : i32 to vector<16xi32>
      %xor3A_1270 = arith.xori %iota3A_1253, %xor3A_1269 : vector<16xi32>
      %lt3A_1271 = arith.constant 0 : i32
      %lt3A_1272 = vector.broadcast %lt3A_1271 : i32 to vector<16xi32>
      %lt3A_1273 = arith.cmpi slt, %xor3A_1270, %lt3A_1272 : vector<16xi32>
      %add3A_1274 = arith.constant 16 : i32
      %add3A_1275 = vector.broadcast %add3A_1274 : i32 to vector<16xi32>
      %add3A_1276 = arith.addi %xor3A_1270, %add3A_1275 : vector<16xi32>
      %select_n3A_1277 = arith.select %lt3A_1273, %add3A_1276, %xor3A_1270 : vector<16xi1>, vector<16xi32>
      %broadcast_in_dim3A_1278 = vector.shape_cast %select_n3A_1277 : vector<16xi32> to vector<16x1xi32>
      %gather3A_1279 = vector.shape_cast %broadcast_in_dim3A_1278 : vector<16x1xi32> to vector<16xi32>
      %gather3A_1280 = tpu.dynamic_gather %add3A_1267[%gather3A_1279] in [0] : vector<16xf32>, vector<16xi32> -> vector<16xf32>
      %add3A_1281 = arith.addf %add3A_1267, %gather3A_1280 : vector<16xf32>
      %xor3A_1282 = arith.constant 2 : i32
      %xor3A_1283 = vector.broadcast %xor3A_1282 : i32 to vector<16xi32>
      %xor3A_1284 = arith.xori %iota3A_1253, %xor3A_1283 : vector<16xi32>
      %lt3A_1285 = arith.constant 0 : i32
      %lt3A_1286 = vector.broadcast %lt3A_1285 : i32 to vector<16xi32>
      %lt3A_1287 = arith.cmpi slt, %xor3A_1284, %lt3A_1286 : vector<16xi32>
      %add3A_1288 = arith.constant 16 : i32
      %add3A_1289 = vector.broadcast %add3A_1288 : i32 to vector<16xi32>
      %add3A_1290 = arith.addi %xor3A_1284, %add3A_1289 : vector<16xi32>
      %select_n3A_1291 = arith.select %lt3A_1287, %add3A_1290, %xor3A_1284 : vector<16xi1>, vector<16xi32>
      %broadcast_in_dim3A_1292 = vector.shape_cast %select_n3A_1291 : vector<16xi32> to vector<16x1xi32>
      %gather3A_1293 = vector.shape_cast %broadcast_in_dim3A_1292 : vector<16x1xi32> to vector<16xi32>
      %gather3A_1294 = tpu.dynamic_gather %add3A_1281[%gather3A_1293] in [0] : vector<16xf32>, vector<16xi32> -> vector<16xf32>
      %add3A_1295 = arith.addf %add3A_1281, %gather3A_1294 : vector<16xf32>
      %xor3A_1296 = arith.constant 1 : i32
      %xor3A_1297 = vector.broadcast %xor3A_1296 : i32 to vector<16xi32>
      %xor3A_1298 = arith.xori %iota3A_1253, %xor3A_1297 : vector<16xi32>
      %lt3A_1299 = arith.constant 0 : i32
      %lt3A_1300 = vector.broadcast %lt3A_1299 : i32 to vector<16xi32>
      %lt3A_1301 = arith.cmpi slt, %xor3A_1298, %lt3A_1300 : vector<16xi32>
      %add3A_1302 = arith.constant 16 : i32
      %add3A_1303 = vector.broadcast %add3A_1302 : i32 to vector<16xi32>
      %add3A_1304 = arith.addi %xor3A_1298, %add3A_1303 : vector<16xi32>
      %select_n3A_1305 = arith.select %lt3A_1301, %add3A_1304, %xor3A_1298 : vector<16xi1>, vector<16xi32>
      %broadcast_in_dim3A_1306 = vector.shape_cast %select_n3A_1305 : vector<16xi32> to vector<16x1xi32>
      %gather3A_1307 = vector.shape_cast %broadcast_in_dim3A_1306 : vector<16x1xi32> to vector<16xi32>
      %gather3A_1308 = tpu.dynamic_gather %add3A_1295[%gather3A_1307] in [0] : vector<16xf32>, vector<16xi32> -> vector<16xf32>
      %add3A_1309 = arith.addf %add3A_1295, %gather3A_1308 : vector<16xf32>
      %eq3A_1310 = arith.constant 8 : i32
      %eq3A_1311 = vector.broadcast %eq3A_1310 : i32 to vector<16xi32>
      %eq3A_1312 = arith.cmpi eq, %iota3A, %eq3A_1311 : vector<16xi32>
      %select_n3A_1313 = arith.select %eq3A_1312, %add3A_1309, %select_n3A_1169 : vector<16xi1>, vector<16xf32>
      %mul3A_1314 = arith.constant 16 : i32
      %mul3A_1315 = arith.muli %scan3A_22, %mul3A_1314 : i32
      %add3A_1316 = arith.constant 9 : i32
      %add3A_1317 = arith.addi %mul3A_1315, %add3A_1316 : i32
      %get3A_1318 = arith.index_cast %add3A_1317 : i32 to index
      %get3A_1319 = arith.constant 0 : index
      %get3A_1320 = tpu.vector_load %arg12[%get3A_1318, %get3A_1319] {strides = array<i32>} : memref<128x128xf32, #tpu.memory_space<vmem>>, vector<1x16xf32>,
      %get3A_1321 = vector.shape_cast %get3A_1320 : vector<1x16xf32> to vector<16xf32>
      %get3A_1322 = arith.index_cast %add3A_1317 : i32 to index
      %get3A_1323 = arith.constant 16 : index
      %get3A_1324 = tpu.vector_load %arg12[%get3A_1322, %get3A_1323] {strides = array<i32>} : memref<128x128xf32, #tpu.memory_space<vmem>>, vector<1x16xf32>,
      %get3A_1325 = vector.shape_cast %get3A_1324 : vector<1x16xf32> to vector<16xf32>
      %get3A_1326 = arith.index_cast %add3A_1317 : i32 to index
      %get3A_1327 = arith.constant 32 : index
      %get3A_1328 = tpu.vector_load %arg12[%get3A_1326, %get3A_1327] {strides = array<i32>} : memref<128x128xf32, #tpu.memory_space<vmem>>, vector<1x16xf32>,
      %get3A_1329 = vector.shape_cast %get3A_1328 : vector<1x16xf32> to vector<16xf32>
      %get3A_1330 = arith.index_cast %add3A_1317 : i32 to index
      %get3A_1331 = arith.constant 48 : index
      %get3A_1332 = tpu.vector_load %arg12[%get3A_1330, %get3A_1331] {strides = array<i32>} : memref<128x128xf32, #tpu.memory_space<vmem>>, vector<1x16xf32>,
      %get3A_1333 = vector.shape_cast %get3A_1332 : vector<1x16xf32> to vector<16xf32>
      %get3A_1334 = arith.index_cast %add3A_1317 : i32 to index
      %get3A_1335 = arith.constant 64 : index
      %get3A_1336 = tpu.vector_load %arg12[%get3A_1334, %get3A_1335] {strides = array<i32>} : memref<128x128xf32, #tpu.memory_space<vmem>>, vector<1x16xf32>,
      %get3A_1337 = vector.shape_cast %get3A_1336 : vector<1x16xf32> to vector<16xf32>
      %get3A_1338 = arith.index_cast %add3A_1317 : i32 to index
      %get3A_1339 = arith.constant 80 : index
      %get3A_1340 = tpu.vector_load %arg12[%get3A_1338, %get3A_1339] {strides = array<i32>} : memref<128x128xf32, #tpu.memory_space<vmem>>, vector<1x16xf32>,
      %get3A_1341 = vector.shape_cast %get3A_1340 : vector<1x16xf32> to vector<16xf32>
      %get3A_1342 = arith.index_cast %add3A_1317 : i32 to index
      %get3A_1343 = arith.constant 96 : index
      %get3A_1344 = tpu.vector_load %arg12[%get3A_1342, %get3A_1343] {strides = array<i32>} : memref<128x128xf32, #tpu.memory_space<vmem>>, vector<1x16xf32>,
      %get3A_1345 = vector.shape_cast %get3A_1344 : vector<1x16xf32> to vector<16xf32>
      %get3A_1346 = arith.index_cast %add3A_1317 : i32 to index
      %get3A_1347 = arith.constant 112 : index
      %get3A_1348 = tpu.vector_load %arg12[%get3A_1346, %get3A_1347] {strides = array<i32>} : memref<128x128xf32, #tpu.memory_space<vmem>>, vector<1x16xf32>,
      %get3A_1349 = vector.shape_cast %get3A_1348 : vector<1x16xf32> to vector<16xf32>
      %get3A_1350 = arith.index_cast %add3A_1317 : i32 to index
      %get3A_1351 = arith.constant 0 : index
      %get3A_1352 = tpu.vector_load %arg13[%get3A_1350, %get3A_1351] {strides = array<i32>} : memref<128x128xf32, #tpu.memory_space<vmem>>, vector<1x16xf32>,
      %get3A_1353 = vector.shape_cast %get3A_1352 : vector<1x16xf32> to vector<16xf32>
      %mul3A_1354 = arith.mulf %get3A_1353, %get3A_1321 : vector<16xf32>
      %get3A_1355 = arith.index_cast %add3A_1317 : i32 to index
      %get3A_1356 = arith.constant 16 : index
      %get3A_1357 = tpu.vector_load %arg13[%get3A_1355, %get3A_1356] {strides = array<i32>} : memref<128x128xf32, #tpu.memory_space<vmem>>, vector<1x16xf32>,
      %get3A_1358 = vector.shape_cast %get3A_1357 : vector<1x16xf32> to vector<16xf32>
      %mul3A_1359 = arith.mulf %get3A_1358, %get3A_1325 : vector<16xf32>
      %add3A_1360 = arith.addf %mul3A_1354, %mul3A_1359 : vector<16xf32>
      %get3A_1361 = arith.index_cast %add3A_1317 : i32 to index
      %get3A_1362 = arith.constant 32 : index
      %get3A_1363 = tpu.vector_load %arg13[%get3A_1361, %get3A_1362] {strides = array<i32>} : memref<128x128xf32, #tpu.memory_space<vmem>>, vector<1x16xf32>,
      %get3A_1364 = vector.shape_cast %get3A_1363 : vector<1x16xf32> to vector<16xf32>
      %mul3A_1365 = arith.mulf %get3A_1364, %get3A_1329 : vector<16xf32>
      %add3A_1366 = arith.addf %add3A_1360, %mul3A_1365 : vector<16xf32>
      %get3A_1367 = arith.index_cast %add3A_1317 : i32 to index
      %get3A_1368 = arith.constant 48 : index
      %get3A_1369 = tpu.vector_load %arg13[%get3A_1367, %get3A_1368] {strides = array<i32>} : memref<128x128xf32, #tpu.memory_space<vmem>>, vector<1x16xf32>,
      %get3A_1370 = vector.shape_cast %get3A_1369 : vector<1x16xf32> to vector<16xf32>
      %mul3A_1371 = arith.mulf %get3A_1370, %get3A_1333 : vector<16xf32>
      %add3A_1372 = arith.addf %add3A_1366, %mul3A_1371 : vector<16xf32>
      %get3A_1373 = arith.index_cast %add3A_1317 : i32 to index
      %get3A_1374 = arith.constant 64 : index
      %get3A_1375 = tpu.vector_load %arg13[%get3A_1373, %get3A_1374] {strides = array<i32>} : memref<128x128xf32, #tpu.memory_space<vmem>>, vector<1x16xf32>,
      %get3A_1376 = vector.shape_cast %get3A_1375 : vector<1x16xf32> to vector<16xf32>
      %mul3A_1377 = arith.mulf %get3A_1376, %get3A_1337 : vector<16xf32>
      %add3A_1378 = arith.addf %add3A_1372, %mul3A_1377 : vector<16xf32>
      %get3A_1379 = arith.index_cast %add3A_1317 : i32 to index
      %get3A_1380 = arith.constant 80 : index
      %get3A_1381 = tpu.vector_load %arg13[%get3A_1379, %get3A_1380] {strides = array<i32>} : memref<128x128xf32, #tpu.memory_space<vmem>>, vector<1x16xf32>,
      %get3A_1382 = vector.shape_cast %get3A_1381 : vector<1x16xf32> to vector<16xf32>
      %mul3A_1383 = arith.mulf %get3A_1382, %get3A_1341 : vector<16xf32>
      %add3A_1384 = arith.addf %add3A_1378, %mul3A_1383 : vector<16xf32>
      %get3A_1385 = arith.index_cast %add3A_1317 : i32 to index
      %get3A_1386 = arith.constant 96 : index
      %get3A_1387 = tpu.vector_load %arg13[%get3A_1385, %get3A_1386] {strides = array<i32>} : memref<128x128xf32, #tpu.memory_space<vmem>>, vector<1x16xf32>,
      %get3A_1388 = vector.shape_cast %get3A_1387 : vector<1x16xf32> to vector<16xf32>
      %mul3A_1389 = arith.mulf %get3A_1388, %get3A_1345 : vector<16xf32>
      %add3A_1390 = arith.addf %add3A_1384, %mul3A_1389 : vector<16xf32>
      %get3A_1391 = arith.index_cast %add3A_1317 : i32 to index
      %get3A_1392 = arith.constant 112 : index
      %get3A_1393 = tpu.vector_load %arg13[%get3A_1391, %get3A_1392] {strides = array<i32>} : memref<128x128xf32, #tpu.memory_space<vmem>>, vector<1x16xf32>,
      %get3A_1394 = vector.shape_cast %get3A_1393 : vector<1x16xf32> to vector<16xf32>
      %mul3A_1395 = arith.mulf %get3A_1394, %get3A_1349 : vector<16xf32>
      %add3A_1396 = arith.addf %add3A_1390, %mul3A_1395 : vector<16xf32>
      %iota3A_1397 = tpu.iota {dimensions = array<i32: 0>} : vector<16xi32>
      %xor3A_1398 = arith.constant 8 : i32
      %xor3A_1399 = vector.broadcast %xor3A_1398 : i32 to vector<16xi32>
      %xor3A_1400 = arith.xori %iota3A_1397, %xor3A_1399 : vector<16xi32>
      %lt3A_1401 = arith.constant 0 : i32
      %lt3A_1402 = vector.broadcast %lt3A_1401 : i32 to vector<16xi32>
      %lt3A_1403 = arith.cmpi slt, %xor3A_1400, %lt3A_1402 : vector<16xi32>
      %add3A_1404 = arith.constant 16 : i32
      %add3A_1405 = vector.broadcast %add3A_1404 : i32 to vector<16xi32>
      %add3A_1406 = arith.addi %xor3A_1400, %add3A_1405 : vector<16xi32>
      %select_n3A_1407 = arith.select %lt3A_1403, %add3A_1406, %xor3A_1400 : vector<16xi1>, vector<16xi32>
      %broadcast_in_dim3A_1408 = vector.shape_cast %select_n3A_1407 : vector<16xi32> to vector<16x1xi32>
      %gather3A_1409 = vector.shape_cast %broadcast_in_dim3A_1408 : vector<16x1xi32> to vector<16xi32>
      %gather3A_1410 = tpu.dynamic_gather %add3A_1396[%gather3A_1409] in [0] : vector<16xf32>, vector<16xi32> -> vector<16xf32>
      %add3A_1411 = arith.addf %add3A_1396, %gather3A_1410 : vector<16xf32>
      %xor3A_1412 = arith.constant 4 : i32
      %xor3A_1413 = vector.broadcast %xor3A_1412 : i32 to vector<16xi32>
      %xor3A_1414 = arith.xori %iota3A_1397, %xor3A_1413 : vector<16xi32>
      %lt3A_1415 = arith.constant 0 : i32
      %lt3A_1416 = vector.broadcast %lt3A_1415 : i32 to vector<16xi32>
      %lt3A_1417 = arith.cmpi slt, %xor3A_1414, %lt3A_1416 : vector<16xi32>
      %add3A_1418 = arith.constant 16 : i32
      %add3A_1419 = vector.broadcast %add3A_1418 : i32 to vector<16xi32>
      %add3A_1420 = arith.addi %xor3A_1414, %add3A_1419 : vector<16xi32>
      %select_n3A_1421 = arith.select %lt3A_1417, %add3A_1420, %xor3A_1414 : vector<16xi1>, vector<16xi32>
      %broadcast_in_dim3A_1422 = vector.shape_cast %select_n3A_1421 : vector<16xi32> to vector<16x1xi32>
      %gather3A_1423 = vector.shape_cast %broadcast_in_dim3A_1422 : vector<16x1xi32> to vector<16xi32>
      %gather3A_1424 = tpu.dynamic_gather %add3A_1411[%gather3A_1423] in [0] : vector<16xf32>, vector<16xi32> -> vector<16xf32>
      %add3A_1425 = arith.addf %add3A_1411, %gather3A_1424 : vector<16xf32>
      %xor3A_1426 = arith.constant 2 : i32
      %xor3A_1427 = vector.broadcast %xor3A_1426 : i32 to vector<16xi32>
      %xor3A_1428 = arith.xori %iota3A_1397, %xor3A_1427 : vector<16xi32>
      %lt3A_1429 = arith.constant 0 : i32
      %lt3A_1430 = vector.broadcast %lt3A_1429 : i32 to vector<16xi32>
      %lt3A_1431 = arith.cmpi slt, %xor3A_1428, %lt3A_1430 : vector<16xi32>
      %add3A_1432 = arith.constant 16 : i32
      %add3A_1433 = vector.broadcast %add3A_1432 : i32 to vector<16xi32>
      %add3A_1434 = arith.addi %xor3A_1428, %add3A_1433 : vector<16xi32>
      %select_n3A_1435 = arith.select %lt3A_1431, %add3A_1434, %xor3A_1428 : vector<16xi1>, vector<16xi32>
      %broadcast_in_dim3A_1436 = vector.shape_cast %select_n3A_1435 : vector<16xi32> to vector<16x1xi32>
      %gather3A_1437 = vector.shape_cast %broadcast_in_dim3A_1436 : vector<16x1xi32> to vector<16xi32>
      %gather3A_1438 = tpu.dynamic_gather %add3A_1425[%gather3A_1437] in [0] : vector<16xf32>, vector<16xi32> -> vector<16xf32>
      %add3A_1439 = arith.addf %add3A_1425, %gather3A_1438 : vector<16xf32>
      %xor3A_1440 = arith.constant 1 : i32
      %xor3A_1441 = vector.broadcast %xor3A_1440 : i32 to vector<16xi32>
      %xor3A_1442 = arith.xori %iota3A_1397, %xor3A_1441 : vector<16xi32>
      %lt3A_1443 = arith.constant 0 : i32
      %lt3A_1444 = vector.broadcast %lt3A_1443 : i32 to vector<16xi32>
      %lt3A_1445 = arith.cmpi slt, %xor3A_1442, %lt3A_1444 : vector<16xi32>
      %add3A_1446 = arith.constant 16 : i32
      %add3A_1447 = vector.broadcast %add3A_1446 : i32 to vector<16xi32>
      %add3A_1448 = arith.addi %xor3A_1442, %add3A_1447 : vector<16xi32>
      %select_n3A_1449 = arith.select %lt3A_1445, %add3A_1448, %xor3A_1442 : vector<16xi1>, vector<16xi32>
      %broadcast_in_dim3A_1450 = vector.shape_cast %select_n3A_1449 : vector<16xi32> to vector<16x1xi32>
      %gather3A_1451 = vector.shape_cast %broadcast_in_dim3A_1450 : vector<16x1xi32> to vector<16xi32>
      %gather3A_1452 = tpu.dynamic_gather %add3A_1439[%gather3A_1451] in [0] : vector<16xf32>, vector<16xi32> -> vector<16xf32>
      %add3A_1453 = arith.addf %add3A_1439, %gather3A_1452 : vector<16xf32>
      %eq3A_1454 = arith.constant 9 : i32
      %eq3A_1455 = vector.broadcast %eq3A_1454 : i32 to vector<16xi32>
      %eq3A_1456 = arith.cmpi eq, %iota3A, %eq3A_1455 : vector<16xi32>
      %select_n3A_1457 = arith.select %eq3A_1456, %add3A_1453, %select_n3A_1313 : vector<16xi1>, vector<16xf32>
      %mul3A_1458 = arith.constant 16 : i32
      %mul3A_1459 = arith.muli %scan3A_22, %mul3A_1458 : i32
      %add3A_1460 = arith.constant 10 : i32
      %add3A_1461 = arith.addi %mul3A_1459, %add3A_1460 : i32
      %get3A_1462 = arith.index_cast %add3A_1461 : i32 to index
      %get3A_1463 = arith.constant 0 : index
      %get3A_1464 = tpu.vector_load %arg12[%get3A_1462, %get3A_1463] {strides = array<i32>} : memref<128x128xf32, #tpu.memory_space<vmem>>, vector<1x16xf32>,
      %get3A_1465 = vector.shape_cast %get3A_1464 : vector<1x16xf32> to vector<16xf32>
      %get3A_1466 = arith.index_cast %add3A_1461 : i32 to index
      %get3A_1467 = arith.constant 16 : index
      %get3A_1468 = tpu.vector_load %arg12[%get3A_1466, %get3A_1467] {strides = array<i32>} : memref<128x128xf32, #tpu.memory_space<vmem>>, vector<1x16xf32>,
      %get3A_1469 = vector.shape_cast %get3A_1468 : vector<1x16xf32> to vector<16xf32>
      %get3A_1470 = arith.index_cast %add3A_1461 : i32 to index
      %get3A_1471 = arith.constant 32 : index
      %get3A_1472 = tpu.vector_load %arg12[%get3A_1470, %get3A_1471] {strides = array<i32>} : memref<128x128xf32, #tpu.memory_space<vmem>>, vector<1x16xf32>,
      %get3A_1473 = vector.shape_cast %get3A_1472 : vector<1x16xf32> to vector<16xf32>
      %get3A_1474 = arith.index_cast %add3A_1461 : i32 to index
      %get3A_1475 = arith.constant 48 : index
      %get3A_1476 = tpu.vector_load %arg12[%get3A_1474, %get3A_1475] {strides = array<i32>} : memref<128x128xf32, #tpu.memory_space<vmem>>, vector<1x16xf32>,
      %get3A_1477 = vector.shape_cast %get3A_1476 : vector<1x16xf32> to vector<16xf32>
      %get3A_1478 = arith.index_cast %add3A_1461 : i32 to index
      %get3A_1479 = arith.constant 64 : index
      %get3A_1480 = tpu.vector_load %arg12[%get3A_1478, %get3A_1479] {strides = array<i32>} : memref<128x128xf32, #tpu.memory_space<vmem>>, vector<1x16xf32>,
      %get3A_1481 = vector.shape_cast %get3A_1480 : vector<1x16xf32> to vector<16xf32>
      %get3A_1482 = arith.index_cast %add3A_1461 : i32 to index
      %get3A_1483 = arith.constant 80 : index
      %get3A_1484 = tpu.vector_load %arg12[%get3A_1482, %get3A_1483] {strides = array<i32>} : memref<128x128xf32, #tpu.memory_space<vmem>>, vector<1x16xf32>,
      %get3A_1485 = vector.shape_cast %get3A_1484 : vector<1x16xf32> to vector<16xf32>
      %get3A_1486 = arith.index_cast %add3A_1461 : i32 to index
      %get3A_1487 = arith.constant 96 : index
      %get3A_1488 = tpu.vector_load %arg12[%get3A_1486, %get3A_1487] {strides = array<i32>} : memref<128x128xf32, #tpu.memory_space<vmem>>, vector<1x16xf32>,
      %get3A_1489 = vector.shape_cast %get3A_1488 : vector<1x16xf32> to vector<16xf32>
      %get3A_1490 = arith.index_cast %add3A_1461 : i32 to index
      %get3A_1491 = arith.constant 112 : index
      %get3A_1492 = tpu.vector_load %arg12[%get3A_1490, %get3A_1491] {strides = array<i32>} : memref<128x128xf32, #tpu.memory_space<vmem>>, vector<1x16xf32>,
      %get3A_1493 = vector.shape_cast %get3A_1492 : vector<1x16xf32> to vector<16xf32>
      %get3A_1494 = arith.index_cast %add3A_1461 : i32 to index
      %get3A_1495 = arith.constant 0 : index
      %get3A_1496 = tpu.vector_load %arg13[%get3A_1494, %get3A_1495] {strides = array<i32>} : memref<128x128xf32, #tpu.memory_space<vmem>>, vector<1x16xf32>,
      %get3A_1497 = vector.shape_cast %get3A_1496 : vector<1x16xf32> to vector<16xf32>
      %mul3A_1498 = arith.mulf %get3A_1497, %get3A_1465 : vector<16xf32>
      %get3A_1499 = arith.index_cast %add3A_1461 : i32 to index
      %get3A_1500 = arith.constant 16 : index
      %get3A_1501 = tpu.vector_load %arg13[%get3A_1499, %get3A_1500] {strides = array<i32>} : memref<128x128xf32, #tpu.memory_space<vmem>>, vector<1x16xf32>,
      %get3A_1502 = vector.shape_cast %get3A_1501 : vector<1x16xf32> to vector<16xf32>
      %mul3A_1503 = arith.mulf %get3A_1502, %get3A_1469 : vector<16xf32>
      %add3A_1504 = arith.addf %mul3A_1498, %mul3A_1503 : vector<16xf32>
      %get3A_1505 = arith.index_cast %add3A_1461 : i32 to index
      %get3A_1506 = arith.constant 32 : index
      %get3A_1507 = tpu.vector_load %arg13[%get3A_1505, %get3A_1506] {strides = array<i32>} : memref<128x128xf32, #tpu.memory_space<vmem>>, vector<1x16xf32>,
      %get3A_1508 = vector.shape_cast %get3A_1507 : vector<1x16xf32> to vector<16xf32>
      %mul3A_1509 = arith.mulf %get3A_1508, %get3A_1473 : vector<16xf32>
      %add3A_1510 = arith.addf %add3A_1504, %mul3A_1509 : vector<16xf32>
      %get3A_1511 = arith.index_cast %add3A_1461 : i32 to index
      %get3A_1512 = arith.constant 48 : index
      %get3A_1513 = tpu.vector_load %arg13[%get3A_1511, %get3A_1512] {strides = array<i32>} : memref<128x128xf32, #tpu.memory_space<vmem>>, vector<1x16xf32>,
      %get3A_1514 = vector.shape_cast %get3A_1513 : vector<1x16xf32> to vector<16xf32>
      %mul3A_1515 = arith.mulf %get3A_1514, %get3A_1477 : vector<16xf32>
      %add3A_1516 = arith.addf %add3A_1510, %mul3A_1515 : vector<16xf32>
      %get3A_1517 = arith.index_cast %add3A_1461 : i32 to index
      %get3A_1518 = arith.constant 64 : index
      %get3A_1519 = tpu.vector_load %arg13[%get3A_1517, %get3A_1518] {strides = array<i32>} : memref<128x128xf32, #tpu.memory_space<vmem>>, vector<1x16xf32>,
      %get3A_1520 = vector.shape_cast %get3A_1519 : vector<1x16xf32> to vector<16xf32>
      %mul3A_1521 = arith.mulf %get3A_1520, %get3A_1481 : vector<16xf32>
      %add3A_1522 = arith.addf %add3A_1516, %mul3A_1521 : vector<16xf32>
      %get3A_1523 = arith.index_cast %add3A_1461 : i32 to index
      %get3A_1524 = arith.constant 80 : index
      %get3A_1525 = tpu.vector_load %arg13[%get3A_1523, %get3A_1524] {strides = array<i32>} : memref<128x128xf32, #tpu.memory_space<vmem>>, vector<1x16xf32>,
      %get3A_1526 = vector.shape_cast %get3A_1525 : vector<1x16xf32> to vector<16xf32>
      %mul3A_1527 = arith.mulf %get3A_1526, %get3A_1485 : vector<16xf32>
      %add3A_1528 = arith.addf %add3A_1522, %mul3A_1527 : vector<16xf32>
      %get3A_1529 = arith.index_cast %add3A_1461 : i32 to index
      %get3A_1530 = arith.constant 96 : index
      %get3A_1531 = tpu.vector_load %arg13[%get3A_1529, %get3A_1530] {strides = array<i32>} : memref<128x128xf32, #tpu.memory_space<vmem>>, vector<1x16xf32>,
      %get3A_1532 = vector.shape_cast %get3A_1531 : vector<1x16xf32> to vector<16xf32>
      %mul3A_1533 = arith.mulf %get3A_1532, %get3A_1489 : vector<16xf32>
      %add3A_1534 = arith.addf %add3A_1528, %mul3A_1533 : vector<16xf32>
      %get3A_1535 = arith.index_cast %add3A_1461 : i32 to index
      %get3A_1536 = arith.constant 112 : index
      %get3A_1537 = tpu.vector_load %arg13[%get3A_1535, %get3A_1536] {strides = array<i32>} : memref<128x128xf32, #tpu.memory_space<vmem>>, vector<1x16xf32>,
      %get3A_1538 = vector.shape_cast %get3A_1537 : vector<1x16xf32> to vector<16xf32>
      %mul3A_1539 = arith.mulf %get3A_1538, %get3A_1493 : vector<16xf32>
      %add3A_1540 = arith.addf %add3A_1534, %mul3A_1539 : vector<16xf32>
      %iota3A_1541 = tpu.iota {dimensions = array<i32: 0>} : vector<16xi32>
      %xor3A_1542 = arith.constant 8 : i32
      %xor3A_1543 = vector.broadcast %xor3A_1542 : i32 to vector<16xi32>
      %xor3A_1544 = arith.xori %iota3A_1541, %xor3A_1543 : vector<16xi32>
      %lt3A_1545 = arith.constant 0 : i32
      %lt3A_1546 = vector.broadcast %lt3A_1545 : i32 to vector<16xi32>
      %lt3A_1547 = arith.cmpi slt, %xor3A_1544, %lt3A_1546 : vector<16xi32>
      %add3A_1548 = arith.constant 16 : i32
      %add3A_1549 = vector.broadcast %add3A_1548 : i32 to vector<16xi32>
      %add3A_1550 = arith.addi %xor3A_1544, %add3A_1549 : vector<16xi32>
      %select_n3A_1551 = arith.select %lt3A_1547, %add3A_1550, %xor3A_1544 : vector<16xi1>, vector<16xi32>
      %broadcast_in_dim3A_1552 = vector.shape_cast %select_n3A_1551 : vector<16xi32> to vector<16x1xi32>
      %gather3A_1553 = vector.shape_cast %broadcast_in_dim3A_1552 : vector<16x1xi32> to vector<16xi32>
      %gather3A_1554 = tpu.dynamic_gather %add3A_1540[%gather3A_1553] in [0] : vector<16xf32>, vector<16xi32> -> vector<16xf32>
      %add3A_1555 = arith.addf %add3A_1540, %gather3A_1554 : vector<16xf32>
      %xor3A_1556 = arith.constant 4 : i32
      %xor3A_1557 = vector.broadcast %xor3A_1556 : i32 to vector<16xi32>
      %xor3A_1558 = arith.xori %iota3A_1541, %xor3A_1557 : vector<16xi32>
      %lt3A_1559 = arith.constant 0 : i32
      %lt3A_1560 = vector.broadcast %lt3A_1559 : i32 to vector<16xi32>
      %lt3A_1561 = arith.cmpi slt, %xor3A_1558, %lt3A_1560 : vector<16xi32>
      %add3A_1562 = arith.constant 16 : i32
      %add3A_1563 = vector.broadcast %add3A_1562 : i32 to vector<16xi32>
      %add3A_1564 = arith.addi %xor3A_1558, %add3A_1563 : vector<16xi32>
      %select_n3A_1565 = arith.select %lt3A_1561, %add3A_1564, %xor3A_1558 : vector<16xi1>, vector<16xi32>
      %broadcast_in_dim3A_1566 = vector.shape_cast %select_n3A_1565 : vector<16xi32> to vector<16x1xi32>
      %gather3A_1567 = vector.shape_cast %broadcast_in_dim3A_1566 : vector<16x1xi32> to vector<16xi32>
      %gather3A_1568 = tpu.dynamic_gather %add3A_1555[%gather3A_1567] in [0] : vector<16xf32>, vector<16xi32> -> vector<16xf32>
      %add3A_1569 = arith.addf %add3A_1555, %gather3A_1568 : vector<16xf32>
      %xor3A_1570 = arith.constant 2 : i32
      %xor3A_1571 = vector.broadcast %xor3A_1570 : i32 to vector<16xi32>
      %xor3A_1572 = arith.xori %iota3A_1541, %xor3A_1571 : vector<16xi32>
      %lt3A_1573 = arith.constant 0 : i32
      %lt3A_1574 = vector.broadcast %lt3A_1573 : i32 to vector<16xi32>
      %lt3A_1575 = arith.cmpi slt, %xor3A_1572, %lt3A_1574 : vector<16xi32>
      %add3A_1576 = arith.constant 16 : i32
      %add3A_1577 = vector.broadcast %add3A_1576 : i32 to vector<16xi32>
      %add3A_1578 = arith.addi %xor3A_1572, %add3A_1577 : vector<16xi32>
      %select_n3A_1579 = arith.select %lt3A_1575, %add3A_1578, %xor3A_1572 : vector<16xi1>, vector<16xi32>
      %broadcast_in_dim3A_1580 = vector.shape_cast %select_n3A_1579 : vector<16xi32> to vector<16x1xi32>
      %gather3A_1581 = vector.shape_cast %broadcast_in_dim3A_1580 : vector<16x1xi32> to vector<16xi32>
      %gather3A_1582 = tpu.dynamic_gather %add3A_1569[%gather3A_1581] in [0] : vector<16xf32>, vector<16xi32> -> vector<16xf32>
      %add3A_1583 = arith.addf %add3A_1569, %gather3A_1582 : vector<16xf32>
      %xor3A_1584 = arith.constant 1 : i32
      %xor3A_1585 = vector.broadcast %xor3A_1584 : i32 to vector<16xi32>
      %xor3A_1586 = arith.xori %iota3A_1541, %xor3A_1585 : vector<16xi32>
      %lt3A_1587 = arith.constant 0 : i32
      %lt3A_1588 = vector.broadcast %lt3A_1587 : i32 to vector<16xi32>
      %lt3A_1589 = arith.cmpi slt, %xor3A_1586, %lt3A_1588 : vector<16xi32>
      %add3A_1590 = arith.constant 16 : i32
      %add3A_1591 = vector.broadcast %add3A_1590 : i32 to vector<16xi32>
      %add3A_1592 = arith.addi %xor3A_1586, %add3A_1591 : vector<16xi32>
      %select_n3A_1593 = arith.select %lt3A_1589, %add3A_1592, %xor3A_1586 : vector<16xi1>, vector<16xi32>
      %broadcast_in_dim3A_1594 = vector.shape_cast %select_n3A_1593 : vector<16xi32> to vector<16x1xi32>
      %gather3A_1595 = vector.shape_cast %broadcast_in_dim3A_1594 : vector<16x1xi32> to vector<16xi32>
      %gather3A_1596 = tpu.dynamic_gather %add3A_1583[%gather3A_1595] in [0] : vector<16xf32>, vector<16xi32> -> vector<16xf32>
      %add3A_1597 = arith.addf %add3A_1583, %gather3A_1596 : vector<16xf32>
      %eq3A_1598 = arith.constant 10 : i32
      %eq3A_1599 = vector.broadcast %eq3A_1598 : i32 to vector<16xi32>
      %eq3A_1600 = arith.cmpi eq, %iota3A, %eq3A_1599 : vector<16xi32>
      %select_n3A_1601 = arith.select %eq3A_1600, %add3A_1597, %select_n3A_1457 : vector<16xi1>, vector<16xf32>
      %mul3A_1602 = arith.constant 16 : i32
      %mul3A_1603 = arith.muli %scan3A_22, %mul3A_1602 : i32
      %add3A_1604 = arith.constant 11 : i32
      %add3A_1605 = arith.addi %mul3A_1603, %add3A_1604 : i32
      %get3A_1606 = arith.index_cast %add3A_1605 : i32 to index
      %get3A_1607 = arith.constant 0 : index
      %get3A_1608 = tpu.vector_load %arg12[%get3A_1606, %get3A_1607] {strides = array<i32>} : memref<128x128xf32, #tpu.memory_space<vmem>>, vector<1x16xf32>,
      %get3A_1609 = vector.shape_cast %get3A_1608 : vector<1x16xf32> to vector<16xf32>
      %get3A_1610 = arith.index_cast %add3A_1605 : i32 to index
      %get3A_1611 = arith.constant 16 : index
      %get3A_1612 = tpu.vector_load %arg12[%get3A_1610, %get3A_1611] {strides = array<i32>} : memref<128x128xf32, #tpu.memory_space<vmem>>, vector<1x16xf32>,
      %get3A_1613 = vector.shape_cast %get3A_1612 : vector<1x16xf32> to vector<16xf32>
      %get3A_1614 = arith.index_cast %add3A_1605 : i32 to index
      %get3A_1615 = arith.constant 32 : index
      %get3A_1616 = tpu.vector_load %arg12[%get3A_1614, %get3A_1615] {strides = array<i32>} : memref<128x128xf32, #tpu.memory_space<vmem>>, vector<1x16xf32>,
      %get3A_1617 = vector.shape_cast %get3A_1616 : vector<1x16xf32> to vector<16xf32>
      %get3A_1618 = arith.index_cast %add3A_1605 : i32 to index
      %get3A_1619 = arith.constant 48 : index
      %get3A_1620 = tpu.vector_load %arg12[%get3A_1618, %get3A_1619] {strides = array<i32>} : memref<128x128xf32, #tpu.memory_space<vmem>>, vector<1x16xf32>,
      %get3A_1621 = vector.shape_cast %get3A_1620 : vector<1x16xf32> to vector<16xf32>
      %get3A_1622 = arith.index_cast %add3A_1605 : i32 to index
      %get3A_1623 = arith.constant 64 : index
      %get3A_1624 = tpu.vector_load %arg12[%get3A_1622, %get3A_1623] {strides = array<i32>} : memref<128x128xf32, #tpu.memory_space<vmem>>, vector<1x16xf32>,
      %get3A_1625 = vector.shape_cast %get3A_1624 : vector<1x16xf32> to vector<16xf32>
      %get3A_1626 = arith.index_cast %add3A_1605 : i32 to index
      %get3A_1627 = arith.constant 80 : index
      %get3A_1628 = tpu.vector_load %arg12[%get3A_1626, %get3A_1627] {strides = array<i32>} : memref<128x128xf32, #tpu.memory_space<vmem>>, vector<1x16xf32>,
      %get3A_1629 = vector.shape_cast %get3A_1628 : vector<1x16xf32> to vector<16xf32>
      %get3A_1630 = arith.index_cast %add3A_1605 : i32 to index
      %get3A_1631 = arith.constant 96 : index
      %get3A_1632 = tpu.vector_load %arg12[%get3A_1630, %get3A_1631] {strides = array<i32>} : memref<128x128xf32, #tpu.memory_space<vmem>>, vector<1x16xf32>,
      %get3A_1633 = vector.shape_cast %get3A_1632 : vector<1x16xf32> to vector<16xf32>
      %get3A_1634 = arith.index_cast %add3A_1605 : i32 to index
      %get3A_1635 = arith.constant 112 : index
      %get3A_1636 = tpu.vector_load %arg12[%get3A_1634, %get3A_1635] {strides = array<i32>} : memref<128x128xf32, #tpu.memory_space<vmem>>, vector<1x16xf32>,
      %get3A_1637 = vector.shape_cast %get3A_1636 : vector<1x16xf32> to vector<16xf32>
      %get3A_1638 = arith.index_cast %add3A_1605 : i32 to index
      %get3A_1639 = arith.constant 0 : index
      %get3A_1640 = tpu.vector_load %arg13[%get3A_1638, %get3A_1639] {strides = array<i32>} : memref<128x128xf32, #tpu.memory_space<vmem>>, vector<1x16xf32>,
      %get3A_1641 = vector.shape_cast %get3A_1640 : vector<1x16xf32> to vector<16xf32>
      %mul3A_1642 = arith.mulf %get3A_1641, %get3A_1609 : vector<16xf32>
      %get3A_1643 = arith.index_cast %add3A_1605 : i32 to index
      %get3A_1644 = arith.constant 16 : index
      %get3A_1645 = tpu.vector_load %arg13[%get3A_1643, %get3A_1644] {strides = array<i32>} : memref<128x128xf32, #tpu.memory_space<vmem>>, vector<1x16xf32>,
      %get3A_1646 = vector.shape_cast %get3A_1645 : vector<1x16xf32> to vector<16xf32>
      %mul3A_1647 = arith.mulf %get3A_1646, %get3A_1613 : vector<16xf32>
      %add3A_1648 = arith.addf %mul3A_1642, %mul3A_1647 : vector<16xf32>
      %get3A_1649 = arith.index_cast %add3A_1605 : i32 to index
      %get3A_1650 = arith.constant 32 : index
      %get3A_1651 = tpu.vector_load %arg13[%get3A_1649, %get3A_1650] {strides = array<i32>} : memref<128x128xf32, #tpu.memory_space<vmem>>, vector<1x16xf32>,
      %get3A_1652 = vector.shape_cast %get3A_1651 : vector<1x16xf32> to vector<16xf32>
      %mul3A_1653 = arith.mulf %get3A_1652, %get3A_1617 : vector<16xf32>
      %add3A_1654 = arith.addf %add3A_1648, %mul3A_1653 : vector<16xf32>
      %get3A_1655 = arith.index_cast %add3A_1605 : i32 to index
      %get3A_1656 = arith.constant 48 : index
      %get3A_1657 = tpu.vector_load %arg13[%get3A_1655, %get3A_1656] {strides = array<i32>} : memref<128x128xf32, #tpu.memory_space<vmem>>, vector<1x16xf32>,
      %get3A_1658 = vector.shape_cast %get3A_1657 : vector<1x16xf32> to vector<16xf32>
      %mul3A_1659 = arith.mulf %get3A_1658, %get3A_1621 : vector<16xf32>
      %add3A_1660 = arith.addf %add3A_1654, %mul3A_1659 : vector<16xf32>
      %get3A_1661 = arith.index_cast %add3A_1605 : i32 to index
      %get3A_1662 = arith.constant 64 : index
      %get3A_1663 = tpu.vector_load %arg13[%get3A_1661, %get3A_1662] {strides = array<i32>} : memref<128x128xf32, #tpu.memory_space<vmem>>, vector<1x16xf32>,
      %get3A_1664 = vector.shape_cast %get3A_1663 : vector<1x16xf32> to vector<16xf32>
      %mul3A_1665 = arith.mulf %get3A_1664, %get3A_1625 : vector<16xf32>
      %add3A_1666 = arith.addf %add3A_1660, %mul3A_1665 : vector<16xf32>
      %get3A_1667 = arith.index_cast %add3A_1605 : i32 to index
      %get3A_1668 = arith.constant 80 : index
      %get3A_1669 = tpu.vector_load %arg13[%get3A_1667, %get3A_1668] {strides = array<i32>} : memref<128x128xf32, #tpu.memory_space<vmem>>, vector<1x16xf32>,
      %get3A_1670 = vector.shape_cast %get3A_1669 : vector<1x16xf32> to vector<16xf32>
      %mul3A_1671 = arith.mulf %get3A_1670, %get3A_1629 : vector<16xf32>
      %add3A_1672 = arith.addf %add3A_1666, %mul3A_1671 : vector<16xf32>
      %get3A_1673 = arith.index_cast %add3A_1605 : i32 to index
      %get3A_1674 = arith.constant 96 : index
      %get3A_1675 = tpu.vector_load %arg13[%get3A_1673, %get3A_1674] {strides = array<i32>} : memref<128x128xf32, #tpu.memory_space<vmem>>, vector<1x16xf32>,
      %get3A_1676 = vector.shape_cast %get3A_1675 : vector<1x16xf32> to vector<16xf32>
      %mul3A_1677 = arith.mulf %get3A_1676, %get3A_1633 : vector<16xf32>
      %add3A_1678 = arith.addf %add3A_1672, %mul3A_1677 : vector<16xf32>
      %get3A_1679 = arith.index_cast %add3A_1605 : i32 to index
      %get3A_1680 = arith.constant 112 : index
      %get3A_1681 = tpu.vector_load %arg13[%get3A_1679, %get3A_1680] {strides = array<i32>} : memref<128x128xf32, #tpu.memory_space<vmem>>, vector<1x16xf32>,
      %get3A_1682 = vector.shape_cast %get3A_1681 : vector<1x16xf32> to vector<16xf32>
      %mul3A_1683 = arith.mulf %get3A_1682, %get3A_1637 : vector<16xf32>
      %add3A_1684 = arith.addf %add3A_1678, %mul3A_1683 : vector<16xf32>
      %iota3A_1685 = tpu.iota {dimensions = array<i32: 0>} : vector<16xi32>
      %xor3A_1686 = arith.constant 8 : i32
      %xor3A_1687 = vector.broadcast %xor3A_1686 : i32 to vector<16xi32>
      %xor3A_1688 = arith.xori %iota3A_1685, %xor3A_1687 : vector<16xi32>
      %lt3A_1689 = arith.constant 0 : i32
      %lt3A_1690 = vector.broadcast %lt3A_1689 : i32 to vector<16xi32>
      %lt3A_1691 = arith.cmpi slt, %xor3A_1688, %lt3A_1690 : vector<16xi32>
      %add3A_1692 = arith.constant 16 : i32
      %add3A_1693 = vector.broadcast %add3A_1692 : i32 to vector<16xi32>
      %add3A_1694 = arith.addi %xor3A_1688, %add3A_1693 : vector<16xi32>
      %select_n3A_1695 = arith.select %lt3A_1691, %add3A_1694, %xor3A_1688 : vector<16xi1>, vector<16xi32>
      %broadcast_in_dim3A_1696 = vector.shape_cast %select_n3A_1695 : vector<16xi32> to vector<16x1xi32>
      %gather3A_1697 = vector.shape_cast %broadcast_in_dim3A_1696 : vector<16x1xi32> to vector<16xi32>
      %gather3A_1698 = tpu.dynamic_gather %add3A_1684[%gather3A_1697] in [0] : vector<16xf32>, vector<16xi32> -> vector<16xf32>
      %add3A_1699 = arith.addf %add3A_1684, %gather3A_1698 : vector<16xf32>
      %xor3A_1700 = arith.constant 4 : i32
      %xor3A_1701 = vector.broadcast %xor3A_1700 : i32 to vector<16xi32>
      %xor3A_1702 = arith.xori %iota3A_1685, %xor3A_1701 : vector<16xi32>
      %lt3A_1703 = arith.constant 0 : i32
      %lt3A_1704 = vector.broadcast %lt3A_1703 : i32 to vector<16xi32>
      %lt3A_1705 = arith.cmpi slt, %xor3A_1702, %lt3A_1704 : vector<16xi32>
      %add3A_1706 = arith.constant 16 : i32
      %add3A_1707 = vector.broadcast %add3A_1706 : i32 to vector<16xi32>
      %add3A_1708 = arith.addi %xor3A_1702, %add3A_1707 : vector<16xi32>
      %select_n3A_1709 = arith.select %lt3A_1705, %add3A_1708, %xor3A_1702 : vector<16xi1>, vector<16xi32>
      %broadcast_in_dim3A_1710 = vector.shape_cast %select_n3A_1709 : vector<16xi32> to vector<16x1xi32>
      %gather3A_1711 = vector.shape_cast %broadcast_in_dim3A_1710 : vector<16x1xi32> to vector<16xi32>
      %gather3A_1712 = tpu.dynamic_gather %add3A_1699[%gather3A_1711] in [0] : vector<16xf32>, vector<16xi32> -> vector<16xf32>
      %add3A_1713 = arith.addf %add3A_1699, %gather3A_1712 : vector<16xf32>
      %xor3A_1714 = arith.constant 2 : i32
      %xor3A_1715 = vector.broadcast %xor3A_1714 : i32 to vector<16xi32>
      %xor3A_1716 = arith.xori %iota3A_1685, %xor3A_1715 : vector<16xi32>
      %lt3A_1717 = arith.constant 0 : i32
      %lt3A_1718 = vector.broadcast %lt3A_1717 : i32 to vector<16xi32>
      %lt3A_1719 = arith.cmpi slt, %xor3A_1716, %lt3A_1718 : vector<16xi32>
      %add3A_1720 = arith.constant 16 : i32
      %add3A_1721 = vector.broadcast %add3A_1720 : i32 to vector<16xi32>
      %add3A_1722 = arith.addi %xor3A_1716, %add3A_1721 : vector<16xi32>
      %select_n3A_1723 = arith.select %lt3A_1719, %add3A_1722, %xor3A_1716 : vector<16xi1>, vector<16xi32>
      %broadcast_in_dim3A_1724 = vector.shape_cast %select_n3A_1723 : vector<16xi32> to vector<16x1xi32>
      %gather3A_1725 = vector.shape_cast %broadcast_in_dim3A_1724 : vector<16x1xi32> to vector<16xi32>
      %gather3A_1726 = tpu.dynamic_gather %add3A_1713[%gather3A_1725] in [0] : vector<16xf32>, vector<16xi32> -> vector<16xf32>
      %add3A_1727 = arith.addf %add3A_1713, %gather3A_1726 : vector<16xf32>
      %xor3A_1728 = arith.constant 1 : i32
      %xor3A_1729 = vector.broadcast %xor3A_1728 : i32 to vector<16xi32>
      %xor3A_1730 = arith.xori %iota3A_1685, %xor3A_1729 : vector<16xi32>
      %lt3A_1731 = arith.constant 0 : i32
      %lt3A_1732 = vector.broadcast %lt3A_1731 : i32 to vector<16xi32>
      %lt3A_1733 = arith.cmpi slt, %xor3A_1730, %lt3A_1732 : vector<16xi32>
      %add3A_1734 = arith.constant 16 : i32
      %add3A_1735 = vector.broadcast %add3A_1734 : i32 to vector<16xi32>
      %add3A_1736 = arith.addi %xor3A_1730, %add3A_1735 : vector<16xi32>
      %select_n3A_1737 = arith.select %lt3A_1733, %add3A_1736, %xor3A_1730 : vector<16xi1>, vector<16xi32>
      %broadcast_in_dim3A_1738 = vector.shape_cast %select_n3A_1737 : vector<16xi32> to vector<16x1xi32>
      %gather3A_1739 = vector.shape_cast %broadcast_in_dim3A_1738 : vector<16x1xi32> to vector<16xi32>
      %gather3A_1740 = tpu.dynamic_gather %add3A_1727[%gather3A_1739] in [0] : vector<16xf32>, vector<16xi32> -> vector<16xf32>
      %add3A_1741 = arith.addf %add3A_1727, %gather3A_1740 : vector<16xf32>
      %eq3A_1742 = arith.constant 11 : i32
      %eq3A_1743 = vector.broadcast %eq3A_1742 : i32 to vector<16xi32>
      %eq3A_1744 = arith.cmpi eq, %iota3A, %eq3A_1743 : vector<16xi32>
      %select_n3A_1745 = arith.select %eq3A_1744, %add3A_1741, %select_n3A_1601 : vector<16xi1>, vector<16xf32>
      %mul3A_1746 = arith.constant 16 : i32
      %mul3A_1747 = arith.muli %scan3A_22, %mul3A_1746 : i32
      %add3A_1748 = arith.constant 12 : i32
      %add3A_1749 = arith.addi %mul3A_1747, %add3A_1748 : i32
      %get3A_1750 = arith.index_cast %add3A_1749 : i32 to index
      %get3A_1751 = arith.constant 0 : index
      %get3A_1752 = tpu.vector_load %arg12[%get3A_1750, %get3A_1751] {strides = array<i32>} : memref<128x128xf32, #tpu.memory_space<vmem>>, vector<1x16xf32>,
      %get3A_1753 = vector.shape_cast %get3A_1752 : vector<1x16xf32> to vector<16xf32>
      %get3A_1754 = arith.index_cast %add3A_1749 : i32 to index
      %get3A_1755 = arith.constant 16 : index
      %get3A_1756 = tpu.vector_load %arg12[%get3A_1754, %get3A_1755] {strides = array<i32>} : memref<128x128xf32, #tpu.memory_space<vmem>>, vector<1x16xf32>,
      %get3A_1757 = vector.shape_cast %get3A_1756 : vector<1x16xf32> to vector<16xf32>
      %get3A_1758 = arith.index_cast %add3A_1749 : i32 to index
      %get3A_1759 = arith.constant 32 : index
      %get3A_1760 = tpu.vector_load %arg12[%get3A_1758, %get3A_1759] {strides = array<i32>} : memref<128x128xf32, #tpu.memory_space<vmem>>, vector<1x16xf32>,
      %get3A_1761 = vector.shape_cast %get3A_1760 : vector<1x16xf32> to vector<16xf32>
      %get3A_1762 = arith.index_cast %add3A_1749 : i32 to index
      %get3A_1763 = arith.constant 48 : index
      %get3A_1764 = tpu.vector_load %arg12[%get3A_1762, %get3A_1763] {strides = array<i32>} : memref<128x128xf32, #tpu.memory_space<vmem>>, vector<1x16xf32>,
      %get3A_1765 = vector.shape_cast %get3A_1764 : vector<1x16xf32> to vector<16xf32>
      %get3A_1766 = arith.index_cast %add3A_1749 : i32 to index
      %get3A_1767 = arith.constant 64 : index
      %get3A_1768 = tpu.vector_load %arg12[%get3A_1766, %get3A_1767] {strides = array<i32>} : memref<128x128xf32, #tpu.memory_space<vmem>>, vector<1x16xf32>,
      %get3A_1769 = vector.shape_cast %get3A_1768 : vector<1x16xf32> to vector<16xf32>
      %get3A_1770 = arith.index_cast %add3A_1749 : i32 to index
      %get3A_1771 = arith.constant 80 : index
      %get3A_1772 = tpu.vector_load %arg12[%get3A_1770, %get3A_1771] {strides = array<i32>} : memref<128x128xf32, #tpu.memory_space<vmem>>, vector<1x16xf32>,
      %get3A_1773 = vector.shape_cast %get3A_1772 : vector<1x16xf32> to vector<16xf32>
      %get3A_1774 = arith.index_cast %add3A_1749 : i32 to index
      %get3A_1775 = arith.constant 96 : index
      %get3A_1776 = tpu.vector_load %arg12[%get3A_1774, %get3A_1775] {strides = array<i32>} : memref<128x128xf32, #tpu.memory_space<vmem>>, vector<1x16xf32>,
      %get3A_1777 = vector.shape_cast %get3A_1776 : vector<1x16xf32> to vector<16xf32>
      %get3A_1778 = arith.index_cast %add3A_1749 : i32 to index
      %get3A_1779 = arith.constant 112 : index
      %get3A_1780 = tpu.vector_load %arg12[%get3A_1778, %get3A_1779] {strides = array<i32>} : memref<128x128xf32, #tpu.memory_space<vmem>>, vector<1x16xf32>,
      %get3A_1781 = vector.shape_cast %get3A_1780 : vector<1x16xf32> to vector<16xf32>
      %get3A_1782 = arith.index_cast %add3A_1749 : i32 to index
      %get3A_1783 = arith.constant 0 : index
      %get3A_1784 = tpu.vector_load %arg13[%get3A_1782, %get3A_1783] {strides = array<i32>} : memref<128x128xf32, #tpu.memory_space<vmem>>, vector<1x16xf32>,
      %get3A_1785 = vector.shape_cast %get3A_1784 : vector<1x16xf32> to vector<16xf32>
      %mul3A_1786 = arith.mulf %get3A_1785, %get3A_1753 : vector<16xf32>
      %get3A_1787 = arith.index_cast %add3A_1749 : i32 to index
      %get3A_1788 = arith.constant 16 : index
      %get3A_1789 = tpu.vector_load %arg13[%get3A_1787, %get3A_1788] {strides = array<i32>} : memref<128x128xf32, #tpu.memory_space<vmem>>, vector<1x16xf32>,
      %get3A_1790 = vector.shape_cast %get3A_1789 : vector<1x16xf32> to vector<16xf32>
      %mul3A_1791 = arith.mulf %get3A_1790, %get3A_1757 : vector<16xf32>
      %add3A_1792 = arith.addf %mul3A_1786, %mul3A_1791 : vector<16xf32>
      %get3A_1793 = arith.index_cast %add3A_1749 : i32 to index
      %get3A_1794 = arith.constant 32 : index
      %get3A_1795 = tpu.vector_load %arg13[%get3A_1793, %get3A_1794] {strides = array<i32>} : memref<128x128xf32, #tpu.memory_space<vmem>>, vector<1x16xf32>,
      %get3A_1796 = vector.shape_cast %get3A_1795 : vector<1x16xf32> to vector<16xf32>
      %mul3A_1797 = arith.mulf %get3A_1796, %get3A_1761 : vector<16xf32>
      %add3A_1798 = arith.addf %add3A_1792, %mul3A_1797 : vector<16xf32>
      %get3A_1799 = arith.index_cast %add3A_1749 : i32 to index
      %get3A_1800 = arith.constant 48 : index
      %get3A_1801 = tpu.vector_load %arg13[%get3A_1799, %get3A_1800] {strides = array<i32>} : memref<128x128xf32, #tpu.memory_space<vmem>>, vector<1x16xf32>,
      %get3A_1802 = vector.shape_cast %get3A_1801 : vector<1x16xf32> to vector<16xf32>
      %mul3A_1803 = arith.mulf %get3A_1802, %get3A_1765 : vector<16xf32>
      %add3A_1804 = arith.addf %add3A_1798, %mul3A_1803 : vector<16xf32>
      %get3A_1805 = arith.index_cast %add3A_1749 : i32 to index
      %get3A_1806 = arith.constant 64 : index
      %get3A_1807 = tpu.vector_load %arg13[%get3A_1805, %get3A_1806] {strides = array<i32>} : memref<128x128xf32, #tpu.memory_space<vmem>>, vector<1x16xf32>,
      %get3A_1808 = vector.shape_cast %get3A_1807 : vector<1x16xf32> to vector<16xf32>
      %mul3A_1809 = arith.mulf %get3A_1808, %get3A_1769 : vector<16xf32>
      %add3A_1810 = arith.addf %add3A_1804, %mul3A_1809 : vector<16xf32>
      %get3A_1811 = arith.index_cast %add3A_1749 : i32 to index
      %get3A_1812 = arith.constant 80 : index
      %get3A_1813 = tpu.vector_load %arg13[%get3A_1811, %get3A_1812] {strides = array<i32>} : memref<128x128xf32, #tpu.memory_space<vmem>>, vector<1x16xf32>,
      %get3A_1814 = vector.shape_cast %get3A_1813 : vector<1x16xf32> to vector<16xf32>
      %mul3A_1815 = arith.mulf %get3A_1814, %get3A_1773 : vector<16xf32>
      %add3A_1816 = arith.addf %add3A_1810, %mul3A_1815 : vector<16xf32>
      %get3A_1817 = arith.index_cast %add3A_1749 : i32 to index
      %get3A_1818 = arith.constant 96 : index
      %get3A_1819 = tpu.vector_load %arg13[%get3A_1817, %get3A_1818] {strides = array<i32>} : memref<128x128xf32, #tpu.memory_space<vmem>>, vector<1x16xf32>,
      %get3A_1820 = vector.shape_cast %get3A_1819 : vector<1x16xf32> to vector<16xf32>
      %mul3A_1821 = arith.mulf %get3A_1820, %get3A_1777 : vector<16xf32>
      %add3A_1822 = arith.addf %add3A_1816, %mul3A_1821 : vector<16xf32>
      %get3A_1823 = arith.index_cast %add3A_1749 : i32 to index
      %get3A_1824 = arith.constant 112 : index
      %get3A_1825 = tpu.vector_load %arg13[%get3A_1823, %get3A_1824] {strides = array<i32>} : memref<128x128xf32, #tpu.memory_space<vmem>>, vector<1x16xf32>,
      %get3A_1826 = vector.shape_cast %get3A_1825 : vector<1x16xf32> to vector<16xf32>
      %mul3A_1827 = arith.mulf %get3A_1826, %get3A_1781 : vector<16xf32>
      %add3A_1828 = arith.addf %add3A_1822, %mul3A_1827 : vector<16xf32>
      %iota3A_1829 = tpu.iota {dimensions = array<i32: 0>} : vector<16xi32>
      %xor3A_1830 = arith.constant 8 : i32
      %xor3A_1831 = vector.broadcast %xor3A_1830 : i32 to vector<16xi32>
      %xor3A_1832 = arith.xori %iota3A_1829, %xor3A_1831 : vector<16xi32>
      %lt3A_1833 = arith.constant 0 : i32
      %lt3A_1834 = vector.broadcast %lt3A_1833 : i32 to vector<16xi32>
      %lt3A_1835 = arith.cmpi slt, %xor3A_1832, %lt3A_1834 : vector<16xi32>
      %add3A_1836 = arith.constant 16 : i32
      %add3A_1837 = vector.broadcast %add3A_1836 : i32 to vector<16xi32>
      %add3A_1838 = arith.addi %xor3A_1832, %add3A_1837 : vector<16xi32>
      %select_n3A_1839 = arith.select %lt3A_1835, %add3A_1838, %xor3A_1832 : vector<16xi1>, vector<16xi32>
      %broadcast_in_dim3A_1840 = vector.shape_cast %select_n3A_1839 : vector<16xi32> to vector<16x1xi32>
      %gather3A_1841 = vector.shape_cast %broadcast_in_dim3A_1840 : vector<16x1xi32> to vector<16xi32>
      %gather3A_1842 = tpu.dynamic_gather %add3A_1828[%gather3A_1841] in [0] : vector<16xf32>, vector<16xi32> -> vector<16xf32>
      %add3A_1843 = arith.addf %add3A_1828, %gather3A_1842 : vector<16xf32>
      %xor3A_1844 = arith.constant 4 : i32
      %xor3A_1845 = vector.broadcast %xor3A_1844 : i32 to vector<16xi32>
      %xor3A_1846 = arith.xori %iota3A_1829, %xor3A_1845 : vector<16xi32>
      %lt3A_1847 = arith.constant 0 : i32
      %lt3A_1848 = vector.broadcast %lt3A_1847 : i32 to vector<16xi32>
      %lt3A_1849 = arith.cmpi slt, %xor3A_1846, %lt3A_1848 : vector<16xi32>
      %add3A_1850 = arith.constant 16 : i32
      %add3A_1851 = vector.broadcast %add3A_1850 : i32 to vector<16xi32>
      %add3A_1852 = arith.addi %xor3A_1846, %add3A_1851 : vector<16xi32>
      %select_n3A_1853 = arith.select %lt3A_1849, %add3A_1852, %xor3A_1846 : vector<16xi1>, vector<16xi32>
      %broadcast_in_dim3A_1854 = vector.shape_cast %select_n3A_1853 : vector<16xi32> to vector<16x1xi32>
      %gather3A_1855 = vector.shape_cast %broadcast_in_dim3A_1854 : vector<16x1xi32> to vector<16xi32>
      %gather3A_1856 = tpu.dynamic_gather %add3A_1843[%gather3A_1855] in [0] : vector<16xf32>, vector<16xi32> -> vector<16xf32>
      %add3A_1857 = arith.addf %add3A_1843, %gather3A_1856 : vector<16xf32>
      %xor3A_1858 = arith.constant 2 : i32
      %xor3A_1859 = vector.broadcast %xor3A_1858 : i32 to vector<16xi32>
      %xor3A_1860 = arith.xori %iota3A_1829, %xor3A_1859 : vector<16xi32>
      %lt3A_1861 = arith.constant 0 : i32
      %lt3A_1862 = vector.broadcast %lt3A_1861 : i32 to vector<16xi32>
      %lt3A_1863 = arith.cmpi slt, %xor3A_1860, %lt3A_1862 : vector<16xi32>
      %add3A_1864 = arith.constant 16 : i32
      %add3A_1865 = vector.broadcast %add3A_1864 : i32 to vector<16xi32>
      %add3A_1866 = arith.addi %xor3A_1860, %add3A_1865 : vector<16xi32>
      %select_n3A_1867 = arith.select %lt3A_1863, %add3A_1866, %xor3A_1860 : vector<16xi1>, vector<16xi32>
      %broadcast_in_dim3A_1868 = vector.shape_cast %select_n3A_1867 : vector<16xi32> to vector<16x1xi32>
      %gather3A_1869 = vector.shape_cast %broadcast_in_dim3A_1868 : vector<16x1xi32> to vector<16xi32>
      %gather3A_1870 = tpu.dynamic_gather %add3A_1857[%gather3A_1869] in [0] : vector<16xf32>, vector<16xi32> -> vector<16xf32>
      %add3A_1871 = arith.addf %add3A_1857, %gather3A_1870 : vector<16xf32>
      %xor3A_1872 = arith.constant 1 : i32
      %xor3A_1873 = vector.broadcast %xor3A_1872 : i32 to vector<16xi32>
      %xor3A_1874 = arith.xori %iota3A_1829, %xor3A_1873 : vector<16xi32>
      %lt3A_1875 = arith.constant 0 : i32
      %lt3A_1876 = vector.broadcast %lt3A_1875 : i32 to vector<16xi32>
      %lt3A_1877 = arith.cmpi slt, %xor3A_1874, %lt3A_1876 : vector<16xi32>
      %add3A_1878 = arith.constant 16 : i32
      %add3A_1879 = vector.broadcast %add3A_1878 : i32 to vector<16xi32>
      %add3A_1880 = arith.addi %xor3A_1874, %add3A_1879 : vector<16xi32>
      %select_n3A_1881 = arith.select %lt3A_1877, %add3A_1880, %xor3A_1874 : vector<16xi1>, vector<16xi32>
      %broadcast_in_dim3A_1882 = vector.shape_cast %select_n3A_1881 : vector<16xi32> to vector<16x1xi32>
      %gather3A_1883 = vector.shape_cast %broadcast_in_dim3A_1882 : vector<16x1xi32> to vector<16xi32>
      %gather3A_1884 = tpu.dynamic_gather %add3A_1871[%gather3A_1883] in [0] : vector<16xf32>, vector<16xi32> -> vector<16xf32>
      %add3A_1885 = arith.addf %add3A_1871, %gather3A_1884 : vector<16xf32>
      %eq3A_1886 = arith.constant 12 : i32
      %eq3A_1887 = vector.broadcast %eq3A_1886 : i32 to vector<16xi32>
      %eq3A_1888 = arith.cmpi eq, %iota3A, %eq3A_1887 : vector<16xi32>
      %select_n3A_1889 = arith.select %eq3A_1888, %add3A_1885, %select_n3A_1745 : vector<16xi1>, vector<16xf32>
      %mul3A_1890 = arith.constant 16 : i32
      %mul3A_1891 = arith.muli %scan3A_22, %mul3A_1890 : i32
      %add3A_1892 = arith.constant 13 : i32
      %add3A_1893 = arith.addi %mul3A_1891, %add3A_1892 : i32
      %get3A_1894 = arith.index_cast %add3A_1893 : i32 to index
      %get3A_1895 = arith.constant 0 : index
      %get3A_1896 = tpu.vector_load %arg12[%get3A_1894, %get3A_1895] {strides = array<i32>} : memref<128x128xf32, #tpu.memory_space<vmem>>, vector<1x16xf32>,
      %get3A_1897 = vector.shape_cast %get3A_1896 : vector<1x16xf32> to vector<16xf32>
      %get3A_1898 = arith.index_cast %add3A_1893 : i32 to index
      %get3A_1899 = arith.constant 16 : index
      %get3A_1900 = tpu.vector_load %arg12[%get3A_1898, %get3A_1899] {strides = array<i32>} : memref<128x128xf32, #tpu.memory_space<vmem>>, vector<1x16xf32>,
      %get3A_1901 = vector.shape_cast %get3A_1900 : vector<1x16xf32> to vector<16xf32>
      %get3A_1902 = arith.index_cast %add3A_1893 : i32 to index
      %get3A_1903 = arith.constant 32 : index
      %get3A_1904 = tpu.vector_load %arg12[%get3A_1902, %get3A_1903] {strides = array<i32>} : memref<128x128xf32, #tpu.memory_space<vmem>>, vector<1x16xf32>,
      %get3A_1905 = vector.shape_cast %get3A_1904 : vector<1x16xf32> to vector<16xf32>
      %get3A_1906 = arith.index_cast %add3A_1893 : i32 to index
      %get3A_1907 = arith.constant 48 : index
      %get3A_1908 = tpu.vector_load %arg12[%get3A_1906, %get3A_1907] {strides = array<i32>} : memref<128x128xf32, #tpu.memory_space<vmem>>, vector<1x16xf32>,
      %get3A_1909 = vector.shape_cast %get3A_1908 : vector<1x16xf32> to vector<16xf32>
      %get3A_1910 = arith.index_cast %add3A_1893 : i32 to index
      %get3A_1911 = arith.constant 64 : index
      %get3A_1912 = tpu.vector_load %arg12[%get3A_1910, %get3A_1911] {strides = array<i32>} : memref<128x128xf32, #tpu.memory_space<vmem>>, vector<1x16xf32>,
      %get3A_1913 = vector.shape_cast %get3A_1912 : vector<1x16xf32> to vector<16xf32>
      %get3A_1914 = arith.index_cast %add3A_1893 : i32 to index
      %get3A_1915 = arith.constant 80 : index
      %get3A_1916 = tpu.vector_load %arg12[%get3A_1914, %get3A_1915] {strides = array<i32>} : memref<128x128xf32, #tpu.memory_space<vmem>>, vector<1x16xf32>,
      %get3A_1917 = vector.shape_cast %get3A_1916 : vector<1x16xf32> to vector<16xf32>
      %get3A_1918 = arith.index_cast %add3A_1893 : i32 to index
      %get3A_1919 = arith.constant 96 : index
      %get3A_1920 = tpu.vector_load %arg12[%get3A_1918, %get3A_1919] {strides = array<i32>} : memref<128x128xf32, #tpu.memory_space<vmem>>, vector<1x16xf32>,
      %get3A_1921 = vector.shape_cast %get3A_1920 : vector<1x16xf32> to vector<16xf32>
      %get3A_1922 = arith.index_cast %add3A_1893 : i32 to index
      %get3A_1923 = arith.constant 112 : index
      %get3A_1924 = tpu.vector_load %arg12[%get3A_1922, %get3A_1923] {strides = array<i32>} : memref<128x128xf32, #tpu.memory_space<vmem>>, vector<1x16xf32>,
      %get3A_1925 = vector.shape_cast %get3A_1924 : vector<1x16xf32> to vector<16xf32>
      %get3A_1926 = arith.index_cast %add3A_1893 : i32 to index
      %get3A_1927 = arith.constant 0 : index
      %get3A_1928 = tpu.vector_load %arg13[%get3A_1926, %get3A_1927] {strides = array<i32>} : memref<128x128xf32, #tpu.memory_space<vmem>>, vector<1x16xf32>,
      %get3A_1929 = vector.shape_cast %get3A_1928 : vector<1x16xf32> to vector<16xf32>
      %mul3A_1930 = arith.mulf %get3A_1929, %get3A_1897 : vector<16xf32>
      %get3A_1931 = arith.index_cast %add3A_1893 : i32 to index
      %get3A_1932 = arith.constant 16 : index
      %get3A_1933 = tpu.vector_load %arg13[%get3A_1931, %get3A_1932] {strides = array<i32>} : memref<128x128xf32, #tpu.memory_space<vmem>>, vector<1x16xf32>,
      %get3A_1934 = vector.shape_cast %get3A_1933 : vector<1x16xf32> to vector<16xf32>
      %mul3A_1935 = arith.mulf %get3A_1934, %get3A_1901 : vector<16xf32>
      %add3A_1936 = arith.addf %mul3A_1930, %mul3A_1935 : vector<16xf32>
      %get3A_1937 = arith.index_cast %add3A_1893 : i32 to index
      %get3A_1938 = arith.constant 32 : index
      %get3A_1939 = tpu.vector_load %arg13[%get3A_1937, %get3A_1938] {strides = array<i32>} : memref<128x128xf32, #tpu.memory_space<vmem>>, vector<1x16xf32>,
      %get3A_1940 = vector.shape_cast %get3A_1939 : vector<1x16xf32> to vector<16xf32>
      %mul3A_1941 = arith.mulf %get3A_1940, %get3A_1905 : vector<16xf32>
      %add3A_1942 = arith.addf %add3A_1936, %mul3A_1941 : vector<16xf32>
      %get3A_1943 = arith.index_cast %add3A_1893 : i32 to index
      %get3A_1944 = arith.constant 48 : index
      %get3A_1945 = tpu.vector_load %arg13[%get3A_1943, %get3A_1944] {strides = array<i32>} : memref<128x128xf32, #tpu.memory_space<vmem>>, vector<1x16xf32>,
      %get3A_1946 = vector.shape_cast %get3A_1945 : vector<1x16xf32> to vector<16xf32>
      %mul3A_1947 = arith.mulf %get3A_1946, %get3A_1909 : vector<16xf32>
      %add3A_1948 = arith.addf %add3A_1942, %mul3A_1947 : vector<16xf32>
      %get3A_1949 = arith.index_cast %add3A_1893 : i32 to index
      %get3A_1950 = arith.constant 64 : index
      %get3A_1951 = tpu.vector_load %arg13[%get3A_1949, %get3A_1950] {strides = array<i32>} : memref<128x128xf32, #tpu.memory_space<vmem>>, vector<1x16xf32>,
      %get3A_1952 = vector.shape_cast %get3A_1951 : vector<1x16xf32> to vector<16xf32>
      %mul3A_1953 = arith.mulf %get3A_1952, %get3A_1913 : vector<16xf32>
      %add3A_1954 = arith.addf %add3A_1948, %mul3A_1953 : vector<16xf32>
      %get3A_1955 = arith.index_cast %add3A_1893 : i32 to index
      %get3A_1956 = arith.constant 80 : index
      %get3A_1957 = tpu.vector_load %arg13[%get3A_1955, %get3A_1956] {strides = array<i32>} : memref<128x128xf32, #tpu.memory_space<vmem>>, vector<1x16xf32>,
      %get3A_1958 = vector.shape_cast %get3A_1957 : vector<1x16xf32> to vector<16xf32>
      %mul3A_1959 = arith.mulf %get3A_1958, %get3A_1917 : vector<16xf32>
      %add3A_1960 = arith.addf %add3A_1954, %mul3A_1959 : vector<16xf32>
      %get3A_1961 = arith.index_cast %add3A_1893 : i32 to index
      %get3A_1962 = arith.constant 96 : index
      %get3A_1963 = tpu.vector_load %arg13[%get3A_1961, %get3A_1962] {strides = array<i32>} : memref<128x128xf32, #tpu.memory_space<vmem>>, vector<1x16xf32>,
      %get3A_1964 = vector.shape_cast %get3A_1963 : vector<1x16xf32> to vector<16xf32>
      %mul3A_1965 = arith.mulf %get3A_1964, %get3A_1921 : vector<16xf32>
      %add3A_1966 = arith.addf %add3A_1960, %mul3A_1965 : vector<16xf32>
      %get3A_1967 = arith.index_cast %add3A_1893 : i32 to index
      %get3A_1968 = arith.constant 112 : index
      %get3A_1969 = tpu.vector_load %arg13[%get3A_1967, %get3A_1968] {strides = array<i32>} : memref<128x128xf32, #tpu.memory_space<vmem>>, vector<1x16xf32>,
      %get3A_1970 = vector.shape_cast %get3A_1969 : vector<1x16xf32> to vector<16xf32>
      %mul3A_1971 = arith.mulf %get3A_1970, %get3A_1925 : vector<16xf32>
      %add3A_1972 = arith.addf %add3A_1966, %mul3A_1971 : vector<16xf32>
      %iota3A_1973 = tpu.iota {dimensions = array<i32: 0>} : vector<16xi32>
      %xor3A_1974 = arith.constant 8 : i32
      %xor3A_1975 = vector.broadcast %xor3A_1974 : i32 to vector<16xi32>
      %xor3A_1976 = arith.xori %iota3A_1973, %xor3A_1975 : vector<16xi32>
      %lt3A_1977 = arith.constant 0 : i32
      %lt3A_1978 = vector.broadcast %lt3A_1977 : i32 to vector<16xi32>
      %lt3A_1979 = arith.cmpi slt, %xor3A_1976, %lt3A_1978 : vector<16xi32>
      %add3A_1980 = arith.constant 16 : i32
      %add3A_1981 = vector.broadcast %add3A_1980 : i32 to vector<16xi32>
      %add3A_1982 = arith.addi %xor3A_1976, %add3A_1981 : vector<16xi32>
      %select_n3A_1983 = arith.select %lt3A_1979, %add3A_1982, %xor3A_1976 : vector<16xi1>, vector<16xi32>
      %broadcast_in_dim3A_1984 = vector.shape_cast %select_n3A_1983 : vector<16xi32> to vector<16x1xi32>
      %gather3A_1985 = vector.shape_cast %broadcast_in_dim3A_1984 : vector<16x1xi32> to vector<16xi32>
      %gather3A_1986 = tpu.dynamic_gather %add3A_1972[%gather3A_1985] in [0] : vector<16xf32>, vector<16xi32> -> vector<16xf32>
      %add3A_1987 = arith.addf %add3A_1972, %gather3A_1986 : vector<16xf32>
      %xor3A_1988 = arith.constant 4 : i32
      %xor3A_1989 = vector.broadcast %xor3A_1988 : i32 to vector<16xi32>
      %xor3A_1990 = arith.xori %iota3A_1973, %xor3A_1989 : vector<16xi32>
      %lt3A_1991 = arith.constant 0 : i32
      %lt3A_1992 = vector.broadcast %lt3A_1991 : i32 to vector<16xi32>
      %lt3A_1993 = arith.cmpi slt, %xor3A_1990, %lt3A_1992 : vector<16xi32>
      %add3A_1994 = arith.constant 16 : i32
      %add3A_1995 = vector.broadcast %add3A_1994 : i32 to vector<16xi32>
      %add3A_1996 = arith.addi %xor3A_1990, %add3A_1995 : vector<16xi32>
      %select_n3A_1997 = arith.select %lt3A_1993, %add3A_1996, %xor3A_1990 : vector<16xi1>, vector<16xi32>
      %broadcast_in_dim3A_1998 = vector.shape_cast %select_n3A_1997 : vector<16xi32> to vector<16x1xi32>
      %gather3A_1999 = vector.shape_cast %broadcast_in_dim3A_1998 : vector<16x1xi32> to vector<16xi32>
      %gather3A_2000 = tpu.dynamic_gather %add3A_1987[%gather3A_1999] in [0] : vector<16xf32>, vector<16xi32> -> vector<16xf32>
      %add3A_2001 = arith.addf %add3A_1987, %gather3A_2000 : vector<16xf32>
      %xor3A_2002 = arith.constant 2 : i32
      %xor3A_2003 = vector.broadcast %xor3A_2002 : i32 to vector<16xi32>
      %xor3A_2004 = arith.xori %iota3A_1973, %xor3A_2003 : vector<16xi32>
      %lt3A_2005 = arith.constant 0 : i32
      %lt3A_2006 = vector.broadcast %lt3A_2005 : i32 to vector<16xi32>
      %lt3A_2007 = arith.cmpi slt, %xor3A_2004, %lt3A_2006 : vector<16xi32>
      %add3A_2008 = arith.constant 16 : i32
      %add3A_2009 = vector.broadcast %add3A_2008 : i32 to vector<16xi32>
      %add3A_2010 = arith.addi %xor3A_2004, %add3A_2009 : vector<16xi32>
      %select_n3A_2011 = arith.select %lt3A_2007, %add3A_2010, %xor3A_2004 : vector<16xi1>, vector<16xi32>
      %broadcast_in_dim3A_2012 = vector.shape_cast %select_n3A_2011 : vector<16xi32> to vector<16x1xi32>
      %gather3A_2013 = vector.shape_cast %broadcast_in_dim3A_2012 : vector<16x1xi32> to vector<16xi32>
      %gather3A_2014 = tpu.dynamic_gather %add3A_2001[%gather3A_2013] in [0] : vector<16xf32>, vector<16xi32> -> vector<16xf32>
      %add3A_2015 = arith.addf %add3A_2001, %gather3A_2014 : vector<16xf32>
      %xor3A_2016 = arith.constant 1 : i32
      %xor3A_2017 = vector.broadcast %xor3A_2016 : i32 to vector<16xi32>
      %xor3A_2018 = arith.xori %iota3A_1973, %xor3A_2017 : vector<16xi32>
      %lt3A_2019 = arith.constant 0 : i32
      %lt3A_2020 = vector.broadcast %lt3A_2019 : i32 to vector<16xi32>
      %lt3A_2021 = arith.cmpi slt, %xor3A_2018, %lt3A_2020 : vector<16xi32>
      %add3A_2022 = arith.constant 16 : i32
      %add3A_2023 = vector.broadcast %add3A_2022 : i32 to vector<16xi32>
      %add3A_2024 = arith.addi %xor3A_2018, %add3A_2023 : vector<16xi32>
      %select_n3A_2025 = arith.select %lt3A_2021, %add3A_2024, %xor3A_2018 : vector<16xi1>, vector<16xi32>
      %broadcast_in_dim3A_2026 = vector.shape_cast %select_n3A_2025 : vector<16xi32> to vector<16x1xi32>
      %gather3A_2027 = vector.shape_cast %broadcast_in_dim3A_2026 : vector<16x1xi32> to vector<16xi32>
      %gather3A_2028 = tpu.dynamic_gather %add3A_2015[%gather3A_2027] in [0] : vector<16xf32>, vector<16xi32> -> vector<16xf32>
      %add3A_2029 = arith.addf %add3A_2015, %gather3A_2028 : vector<16xf32>
      %eq3A_2030 = arith.constant 13 : i32
      %eq3A_2031 = vector.broadcast %eq3A_2030 : i32 to vector<16xi32>
      %eq3A_2032 = arith.cmpi eq, %iota3A, %eq3A_2031 : vector<16xi32>
      %select_n3A_2033 = arith.select %eq3A_2032, %add3A_2029, %select_n3A_1889 : vector<16xi1>, vector<16xf32>
      %mul3A_2034 = arith.constant 16 : i32
      %mul3A_2035 = arith.muli %scan3A_22, %mul3A_2034 : i32
      %add3A_2036 = arith.constant 14 : i32
      %add3A_2037 = arith.addi %mul3A_2035, %add3A_2036 : i32
      %get3A_2038 = arith.index_cast %add3A_2037 : i32 to index
      %get3A_2039 = arith.constant 0 : index
      %get3A_2040 = tpu.vector_load %arg12[%get3A_2038, %get3A_2039] {strides = array<i32>} : memref<128x128xf32, #tpu.memory_space<vmem>>, vector<1x16xf32>,
      %get3A_2041 = vector.shape_cast %get3A_2040 : vector<1x16xf32> to vector<16xf32>
      %get3A_2042 = arith.index_cast %add3A_2037 : i32 to index
      %get3A_2043 = arith.constant 16 : index
      %get3A_2044 = tpu.vector_load %arg12[%get3A_2042, %get3A_2043] {strides = array<i32>} : memref<128x128xf32, #tpu.memory_space<vmem>>, vector<1x16xf32>,
      %get3A_2045 = vector.shape_cast %get3A_2044 : vector<1x16xf32> to vector<16xf32>
      %get3A_2046 = arith.index_cast %add3A_2037 : i32 to index
      %get3A_2047 = arith.constant 32 : index
      %get3A_2048 = tpu.vector_load %arg12[%get3A_2046, %get3A_2047] {strides = array<i32>} : memref<128x128xf32, #tpu.memory_space<vmem>>, vector<1x16xf32>,
      %get3A_2049 = vector.shape_cast %get3A_2048 : vector<1x16xf32> to vector<16xf32>
      %get3A_2050 = arith.index_cast %add3A_2037 : i32 to index
      %get3A_2051 = arith.constant 48 : index
      %get3A_2052 = tpu.vector_load %arg12[%get3A_2050, %get3A_2051] {strides = array<i32>} : memref<128x128xf32, #tpu.memory_space<vmem>>, vector<1x16xf32>,
      %get3A_2053 = vector.shape_cast %get3A_2052 : vector<1x16xf32> to vector<16xf32>
      %get3A_2054 = arith.index_cast %add3A_2037 : i32 to index
      %get3A_2055 = arith.constant 64 : index
      %get3A_2056 = tpu.vector_load %arg12[%get3A_2054, %get3A_2055] {strides = array<i32>} : memref<128x128xf32, #tpu.memory_space<vmem>>, vector<1x16xf32>,
      %get3A_2057 = vector.shape_cast %get3A_2056 : vector<1x16xf32> to vector<16xf32>
      %get3A_2058 = arith.index_cast %add3A_2037 : i32 to index
      %get3A_2059 = arith.constant 80 : index
      %get3A_2060 = tpu.vector_load %arg12[%get3A_2058, %get3A_2059] {strides = array<i32>} : memref<128x128xf32, #tpu.memory_space<vmem>>, vector<1x16xf32>,
      %get3A_2061 = vector.shape_cast %get3A_2060 : vector<1x16xf32> to vector<16xf32>
      %get3A_2062 = arith.index_cast %add3A_2037 : i32 to index
      %get3A_2063 = arith.constant 96 : index
      %get3A_2064 = tpu.vector_load %arg12[%get3A_2062, %get3A_2063] {strides = array<i32>} : memref<128x128xf32, #tpu.memory_space<vmem>>, vector<1x16xf32>,
      %get3A_2065 = vector.shape_cast %get3A_2064 : vector<1x16xf32> to vector<16xf32>
      %get3A_2066 = arith.index_cast %add3A_2037 : i32 to index
      %get3A_2067 = arith.constant 112 : index
      %get3A_2068 = tpu.vector_load %arg12[%get3A_2066, %get3A_2067] {strides = array<i32>} : memref<128x128xf32, #tpu.memory_space<vmem>>, vector<1x16xf32>,
      %get3A_2069 = vector.shape_cast %get3A_2068 : vector<1x16xf32> to vector<16xf32>
      %get3A_2070 = arith.index_cast %add3A_2037 : i32 to index
      %get3A_2071 = arith.constant 0 : index
      %get3A_2072 = tpu.vector_load %arg13[%get3A_2070, %get3A_2071] {strides = array<i32>} : memref<128x128xf32, #tpu.memory_space<vmem>>, vector<1x16xf32>,
      %get3A_2073 = vector.shape_cast %get3A_2072 : vector<1x16xf32> to vector<16xf32>
      %mul3A_2074 = arith.mulf %get3A_2073, %get3A_2041 : vector<16xf32>
      %get3A_2075 = arith.index_cast %add3A_2037 : i32 to index
      %get3A_2076 = arith.constant 16 : index
      %get3A_2077 = tpu.vector_load %arg13[%get3A_2075, %get3A_2076] {strides = array<i32>} : memref<128x128xf32, #tpu.memory_space<vmem>>, vector<1x16xf32>,
      %get3A_2078 = vector.shape_cast %get3A_2077 : vector<1x16xf32> to vector<16xf32>
      %mul3A_2079 = arith.mulf %get3A_2078, %get3A_2045 : vector<16xf32>
      %add3A_2080 = arith.addf %mul3A_2074, %mul3A_2079 : vector<16xf32>
      %get3A_2081 = arith.index_cast %add3A_2037 : i32 to index
      %get3A_2082 = arith.constant 32 : index
      %get3A_2083 = tpu.vector_load %arg13[%get3A_2081, %get3A_2082] {strides = array<i32>} : memref<128x128xf32, #tpu.memory_space<vmem>>, vector<1x16xf32>,
      %get3A_2084 = vector.shape_cast %get3A_2083 : vector<1x16xf32> to vector<16xf32>
      %mul3A_2085 = arith.mulf %get3A_2084, %get3A_2049 : vector<16xf32>
      %add3A_2086 = arith.addf %add3A_2080, %mul3A_2085 : vector<16xf32>
      %get3A_2087 = arith.index_cast %add3A_2037 : i32 to index
      %get3A_2088 = arith.constant 48 : index
      %get3A_2089 = tpu.vector_load %arg13[%get3A_2087, %get3A_2088] {strides = array<i32>} : memref<128x128xf32, #tpu.memory_space<vmem>>, vector<1x16xf32>,
      %get3A_2090 = vector.shape_cast %get3A_2089 : vector<1x16xf32> to vector<16xf32>
      %mul3A_2091 = arith.mulf %get3A_2090, %get3A_2053 : vector<16xf32>
      %add3A_2092 = arith.addf %add3A_2086, %mul3A_2091 : vector<16xf32>
      %get3A_2093 = arith.index_cast %add3A_2037 : i32 to index
      %get3A_2094 = arith.constant 64 : index
      %get3A_2095 = tpu.vector_load %arg13[%get3A_2093, %get3A_2094] {strides = array<i32>} : memref<128x128xf32, #tpu.memory_space<vmem>>, vector<1x16xf32>,
      %get3A_2096 = vector.shape_cast %get3A_2095 : vector<1x16xf32> to vector<16xf32>
      %mul3A_2097 = arith.mulf %get3A_2096, %get3A_2057 : vector<16xf32>
      %add3A_2098 = arith.addf %add3A_2092, %mul3A_2097 : vector<16xf32>
      %get3A_2099 = arith.index_cast %add3A_2037 : i32 to index
      %get3A_2100 = arith.constant 80 : index
      %get3A_2101 = tpu.vector_load %arg13[%get3A_2099, %get3A_2100] {strides = array<i32>} : memref<128x128xf32, #tpu.memory_space<vmem>>, vector<1x16xf32>,
      %get3A_2102 = vector.shape_cast %get3A_2101 : vector<1x16xf32> to vector<16xf32>
      %mul3A_2103 = arith.mulf %get3A_2102, %get3A_2061 : vector<16xf32>
      %add3A_2104 = arith.addf %add3A_2098, %mul3A_2103 : vector<16xf32>
      %get3A_2105 = arith.index_cast %add3A_2037 : i32 to index
      %get3A_2106 = arith.constant 96 : index
      %get3A_2107 = tpu.vector_load %arg13[%get3A_2105, %get3A_2106] {strides = array<i32>} : memref<128x128xf32, #tpu.memory_space<vmem>>, vector<1x16xf32>,
      %get3A_2108 = vector.shape_cast %get3A_2107 : vector<1x16xf32> to vector<16xf32>
      %mul3A_2109 = arith.mulf %get3A_2108, %get3A_2065 : vector<16xf32>
      %add3A_2110 = arith.addf %add3A_2104, %mul3A_2109 : vector<16xf32>
      %get3A_2111 = arith.index_cast %add3A_2037 : i32 to index
      %get3A_2112 = arith.constant 112 : index
      %get3A_2113 = tpu.vector_load %arg13[%get3A_2111, %get3A_2112] {strides = array<i32>} : memref<128x128xf32, #tpu.memory_space<vmem>>, vector<1x16xf32>,
      %get3A_2114 = vector.shape_cast %get3A_2113 : vector<1x16xf32> to vector<16xf32>
      %mul3A_2115 = arith.mulf %get3A_2114, %get3A_2069 : vector<16xf32>
      %add3A_2116 = arith.addf %add3A_2110, %mul3A_2115 : vector<16xf32>
      %iota3A_2117 = tpu.iota {dimensions = array<i32: 0>} : vector<16xi32>
      %xor3A_2118 = arith.constant 8 : i32
      %xor3A_2119 = vector.broadcast %xor3A_2118 : i32 to vector<16xi32>
      %xor3A_2120 = arith.xori %iota3A_2117, %xor3A_2119 : vector<16xi32>
      %lt3A_2121 = arith.constant 0 : i32
      %lt3A_2122 = vector.broadcast %lt3A_2121 : i32 to vector<16xi32>
      %lt3A_2123 = arith.cmpi slt, %xor3A_2120, %lt3A_2122 : vector<16xi32>
      %add3A_2124 = arith.constant 16 : i32
      %add3A_2125 = vector.broadcast %add3A_2124 : i32 to vector<16xi32>
      %add3A_2126 = arith.addi %xor3A_2120, %add3A_2125 : vector<16xi32>
      %select_n3A_2127 = arith.select %lt3A_2123, %add3A_2126, %xor3A_2120 : vector<16xi1>, vector<16xi32>
      %broadcast_in_dim3A_2128 = vector.shape_cast %select_n3A_2127 : vector<16xi32> to vector<16x1xi32>
      %gather3A_2129 = vector.shape_cast %broadcast_in_dim3A_2128 : vector<16x1xi32> to vector<16xi32>
      %gather3A_2130 = tpu.dynamic_gather %add3A_2116[%gather3A_2129] in [0] : vector<16xf32>, vector<16xi32> -> vector<16xf32>
      %add3A_2131 = arith.addf %add3A_2116, %gather3A_2130 : vector<16xf32>
      %xor3A_2132 = arith.constant 4 : i32
      %xor3A_2133 = vector.broadcast %xor3A_2132 : i32 to vector<16xi32>
      %xor3A_2134 = arith.xori %iota3A_2117, %xor3A_2133 : vector<16xi32>
      %lt3A_2135 = arith.constant 0 : i32
      %lt3A_2136 = vector.broadcast %lt3A_2135 : i32 to vector<16xi32>
      %lt3A_2137 = arith.cmpi slt, %xor3A_2134, %lt3A_2136 : vector<16xi32>
      %add3A_2138 = arith.constant 16 : i32
      %add3A_2139 = vector.broadcast %add3A_2138 : i32 to vector<16xi32>
      %add3A_2140 = arith.addi %xor3A_2134, %add3A_2139 : vector<16xi32>
      %select_n3A_2141 = arith.select %lt3A_2137, %add3A_2140, %xor3A_2134 : vector<16xi1>, vector<16xi32>
      %broadcast_in_dim3A_2142 = vector.shape_cast %select_n3A_2141 : vector<16xi32> to vector<16x1xi32>
      %gather3A_2143 = vector.shape_cast %broadcast_in_dim3A_2142 : vector<16x1xi32> to vector<16xi32>
      %gather3A_2144 = tpu.dynamic_gather %add3A_2131[%gather3A_2143] in [0] : vector<16xf32>, vector<16xi32> -> vector<16xf32>
      %add3A_2145 = arith.addf %add3A_2131, %gather3A_2144 : vector<16xf32>
      %xor3A_2146 = arith.constant 2 : i32
      %xor3A_2147 = vector.broadcast %xor3A_2146 : i32 to vector<16xi32>
      %xor3A_2148 = arith.xori %iota3A_2117, %xor3A_2147 : vector<16xi32>
      %lt3A_2149 = arith.constant 0 : i32
      %lt3A_2150 = vector.broadcast %lt3A_2149 : i32 to vector<16xi32>
      %lt3A_2151 = arith.cmpi slt, %xor3A_2148, %lt3A_2150 : vector<16xi32>
      %add3A_2152 = arith.constant 16 : i32
      %add3A_2153 = vector.broadcast %add3A_2152 : i32 to vector<16xi32>
      %add3A_2154 = arith.addi %xor3A_2148, %add3A_2153 : vector<16xi32>
      %select_n3A_2155 = arith.select %lt3A_2151, %add3A_2154, %xor3A_2148 : vector<16xi1>, vector<16xi32>
      %broadcast_in_dim3A_2156 = vector.shape_cast %select_n3A_2155 : vector<16xi32> to vector<16x1xi32>
      %gather3A_2157 = vector.shape_cast %broadcast_in_dim3A_2156 : vector<16x1xi32> to vector<16xi32>
      %gather3A_2158 = tpu.dynamic_gather %add3A_2145[%gather3A_2157] in [0] : vector<16xf32>, vector<16xi32> -> vector<16xf32>
      %add3A_2159 = arith.addf %add3A_2145, %gather3A_2158 : vector<16xf32>
      %xor3A_2160 = arith.constant 1 : i32
      %xor3A_2161 = vector.broadcast %xor3A_2160 : i32 to vector<16xi32>
      %xor3A_2162 = arith.xori %iota3A_2117, %xor3A_2161 : vector<16xi32>
      %lt3A_2163 = arith.constant 0 : i32
      %lt3A_2164 = vector.broadcast %lt3A_2163 : i32 to vector<16xi32>
      %lt3A_2165 = arith.cmpi slt, %xor3A_2162, %lt3A_2164 : vector<16xi32>
      %add3A_2166 = arith.constant 16 : i32
      %add3A_2167 = vector.broadcast %add3A_2166 : i32 to vector<16xi32>
      %add3A_2168 = arith.addi %xor3A_2162, %add3A_2167 : vector<16xi32>
      %select_n3A_2169 = arith.select %lt3A_2165, %add3A_2168, %xor3A_2162 : vector<16xi1>, vector<16xi32>
      %broadcast_in_dim3A_2170 = vector.shape_cast %select_n3A_2169 : vector<16xi32> to vector<16x1xi32>
      %gather3A_2171 = vector.shape_cast %broadcast_in_dim3A_2170 : vector<16x1xi32> to vector<16xi32>
      %gather3A_2172 = tpu.dynamic_gather %add3A_2159[%gather3A_2171] in [0] : vector<16xf32>, vector<16xi32> -> vector<16xf32>
      %add3A_2173 = arith.addf %add3A_2159, %gather3A_2172 : vector<16xf32>
      %eq3A_2174 = arith.constant 14 : i32
      %eq3A_2175 = vector.broadcast %eq3A_2174 : i32 to vector<16xi32>
      %eq3A_2176 = arith.cmpi eq, %iota3A, %eq3A_2175 : vector<16xi32>
      %select_n3A_2177 = arith.select %eq3A_2176, %add3A_2173, %select_n3A_2033 : vector<16xi1>, vector<16xf32>
      %mul3A_2178 = arith.constant 16 : i32
      %mul3A_2179 = arith.muli %scan3A_22, %mul3A_2178 : i32
      %add3A_2180 = arith.constant 15 : i32
      %add3A_2181 = arith.addi %mul3A_2179, %add3A_2180 : i32
      %get3A_2182 = arith.index_cast %add3A_2181 : i32 to index
      %get3A_2183 = arith.constant 0 : index
      %get3A_2184 = tpu.vector_load %arg12[%get3A_2182, %get3A_2183] {strides = array<i32>} : memref<128x128xf32, #tpu.memory_space<vmem>>, vector<1x16xf32>,
      %get3A_2185 = vector.shape_cast %get3A_2184 : vector<1x16xf32> to vector<16xf32>
      %get3A_2186 = arith.index_cast %add3A_2181 : i32 to index
      %get3A_2187 = arith.constant 16 : index
      %get3A_2188 = tpu.vector_load %arg12[%get3A_2186, %get3A_2187] {strides = array<i32>} : memref<128x128xf32, #tpu.memory_space<vmem>>, vector<1x16xf32>,
      %get3A_2189 = vector.shape_cast %get3A_2188 : vector<1x16xf32> to vector<16xf32>
      %get3A_2190 = arith.index_cast %add3A_2181 : i32 to index
      %get3A_2191 = arith.constant 32 : index
      %get3A_2192 = tpu.vector_load %arg12[%get3A_2190, %get3A_2191] {strides = array<i32>} : memref<128x128xf32, #tpu.memory_space<vmem>>, vector<1x16xf32>,
      %get3A_2193 = vector.shape_cast %get3A_2192 : vector<1x16xf32> to vector<16xf32>
      %get3A_2194 = arith.index_cast %add3A_2181 : i32 to index
      %get3A_2195 = arith.constant 48 : index
      %get3A_2196 = tpu.vector_load %arg12[%get3A_2194, %get3A_2195] {strides = array<i32>} : memref<128x128xf32, #tpu.memory_space<vmem>>, vector<1x16xf32>,
      %get3A_2197 = vector.shape_cast %get3A_2196 : vector<1x16xf32> to vector<16xf32>
      %get3A_2198 = arith.index_cast %add3A_2181 : i32 to index
      %get3A_2199 = arith.constant 64 : index
      %get3A_2200 = tpu.vector_load %arg12[%get3A_2198, %get3A_2199] {strides = array<i32>} : memref<128x128xf32, #tpu.memory_space<vmem>>, vector<1x16xf32>,
      %get3A_2201 = vector.shape_cast %get3A_2200 : vector<1x16xf32> to vector<16xf32>
      %get3A_2202 = arith.index_cast %add3A_2181 : i32 to index
      %get3A_2203 = arith.constant 80 : index
      %get3A_2204 = tpu.vector_load %arg12[%get3A_2202, %get3A_2203] {strides = array<i32>} : memref<128x128xf32, #tpu.memory_space<vmem>>, vector<1x16xf32>,
      %get3A_2205 = vector.shape_cast %get3A_2204 : vector<1x16xf32> to vector<16xf32>
      %get3A_2206 = arith.index_cast %add3A_2181 : i32 to index
      %get3A_2207 = arith.constant 96 : index
      %get3A_2208 = tpu.vector_load %arg12[%get3A_2206, %get3A_2207] {strides = array<i32>} : memref<128x128xf32, #tpu.memory_space<vmem>>, vector<1x16xf32>,
      %get3A_2209 = vector.shape_cast %get3A_2208 : vector<1x16xf32> to vector<16xf32>
      %get3A_2210 = arith.index_cast %add3A_2181 : i32 to index
      %get3A_2211 = arith.constant 112 : index
      %get3A_2212 = tpu.vector_load %arg12[%get3A_2210, %get3A_2211] {strides = array<i32>} : memref<128x128xf32, #tpu.memory_space<vmem>>, vector<1x16xf32>,
      %get3A_2213 = vector.shape_cast %get3A_2212 : vector<1x16xf32> to vector<16xf32>
      %get3A_2214 = arith.index_cast %add3A_2181 : i32 to index
      %get3A_2215 = arith.constant 0 : index
      %get3A_2216 = tpu.vector_load %arg13[%get3A_2214, %get3A_2215] {strides = array<i32>} : memref<128x128xf32, #tpu.memory_space<vmem>>, vector<1x16xf32>,
      %get3A_2217 = vector.shape_cast %get3A_2216 : vector<1x16xf32> to vector<16xf32>
      %mul3A_2218 = arith.mulf %get3A_2217, %get3A_2185 : vector<16xf32>
      %get3A_2219 = arith.index_cast %add3A_2181 : i32 to index
      %get3A_2220 = arith.constant 16 : index
      %get3A_2221 = tpu.vector_load %arg13[%get3A_2219, %get3A_2220] {strides = array<i32>} : memref<128x128xf32, #tpu.memory_space<vmem>>, vector<1x16xf32>,
      %get3A_2222 = vector.shape_cast %get3A_2221 : vector<1x16xf32> to vector<16xf32>
      %mul3A_2223 = arith.mulf %get3A_2222, %get3A_2189 : vector<16xf32>
      %add3A_2224 = arith.addf %mul3A_2218, %mul3A_2223 : vector<16xf32>
      %get3A_2225 = arith.index_cast %add3A_2181 : i32 to index
      %get3A_2226 = arith.constant 32 : index
      %get3A_2227 = tpu.vector_load %arg13[%get3A_2225, %get3A_2226] {strides = array<i32>} : memref<128x128xf32, #tpu.memory_space<vmem>>, vector<1x16xf32>,
      %get3A_2228 = vector.shape_cast %get3A_2227 : vector<1x16xf32> to vector<16xf32>
      %mul3A_2229 = arith.mulf %get3A_2228, %get3A_2193 : vector<16xf32>
      %add3A_2230 = arith.addf %add3A_2224, %mul3A_2229 : vector<16xf32>
      %get3A_2231 = arith.index_cast %add3A_2181 : i32 to index
      %get3A_2232 = arith.constant 48 : index
      %get3A_2233 = tpu.vector_load %arg13[%get3A_2231, %get3A_2232] {strides = array<i32>} : memref<128x128xf32, #tpu.memory_space<vmem>>, vector<1x16xf32>,
      %get3A_2234 = vector.shape_cast %get3A_2233 : vector<1x16xf32> to vector<16xf32>
      %mul3A_2235 = arith.mulf %get3A_2234, %get3A_2197 : vector<16xf32>
      %add3A_2236 = arith.addf %add3A_2230, %mul3A_2235 : vector<16xf32>
      %get3A_2237 = arith.index_cast %add3A_2181 : i32 to index
      %get3A_2238 = arith.constant 64 : index
      %get3A_2239 = tpu.vector_load %arg13[%get3A_2237, %get3A_2238] {strides = array<i32>} : memref<128x128xf32, #tpu.memory_space<vmem>>, vector<1x16xf32>,
      %get3A_2240 = vector.shape_cast %get3A_2239 : vector<1x16xf32> to vector<16xf32>
      %mul3A_2241 = arith.mulf %get3A_2240, %get3A_2201 : vector<16xf32>
      %add3A_2242 = arith.addf %add3A_2236, %mul3A_2241 : vector<16xf32>
      %get3A_2243 = arith.index_cast %add3A_2181 : i32 to index
      %get3A_2244 = arith.constant 80 : index
      %get3A_2245 = tpu.vector_load %arg13[%get3A_2243, %get3A_2244] {strides = array<i32>} : memref<128x128xf32, #tpu.memory_space<vmem>>, vector<1x16xf32>,
      %get3A_2246 = vector.shape_cast %get3A_2245 : vector<1x16xf32> to vector<16xf32>
      %mul3A_2247 = arith.mulf %get3A_2246, %get3A_2205 : vector<16xf32>
      %add3A_2248 = arith.addf %add3A_2242, %mul3A_2247 : vector<16xf32>
      %get3A_2249 = arith.index_cast %add3A_2181 : i32 to index
      %get3A_2250 = arith.constant 96 : index
      %get3A_2251 = tpu.vector_load %arg13[%get3A_2249, %get3A_2250] {strides = array<i32>} : memref<128x128xf32, #tpu.memory_space<vmem>>, vector<1x16xf32>,
      %get3A_2252 = vector.shape_cast %get3A_2251 : vector<1x16xf32> to vector<16xf32>
      %mul3A_2253 = arith.mulf %get3A_2252, %get3A_2209 : vector<16xf32>
      %add3A_2254 = arith.addf %add3A_2248, %mul3A_2253 : vector<16xf32>
      %get3A_2255 = arith.index_cast %add3A_2181 : i32 to index
      %get3A_2256 = arith.constant 112 : index
      %get3A_2257 = tpu.vector_load %arg13[%get3A_2255, %get3A_2256] {strides = array<i32>} : memref<128x128xf32, #tpu.memory_space<vmem>>, vector<1x16xf32>,
      %get3A_2258 = vector.shape_cast %get3A_2257 : vector<1x16xf32> to vector<16xf32>
      %mul3A_2259 = arith.mulf %get3A_2258, %get3A_2213 : vector<16xf32>
      %add3A_2260 = arith.addf %add3A_2254, %mul3A_2259 : vector<16xf32>
      %iota3A_2261 = tpu.iota {dimensions = array<i32: 0>} : vector<16xi32>
      %xor3A_2262 = arith.constant 8 : i32
      %xor3A_2263 = vector.broadcast %xor3A_2262 : i32 to vector<16xi32>
      %xor3A_2264 = arith.xori %iota3A_2261, %xor3A_2263 : vector<16xi32>
      %lt3A_2265 = arith.constant 0 : i32
      %lt3A_2266 = vector.broadcast %lt3A_2265 : i32 to vector<16xi32>
      %lt3A_2267 = arith.cmpi slt, %xor3A_2264, %lt3A_2266 : vector<16xi32>
      %add3A_2268 = arith.constant 16 : i32
      %add3A_2269 = vector.broadcast %add3A_2268 : i32 to vector<16xi32>
      %add3A_2270 = arith.addi %xor3A_2264, %add3A_2269 : vector<16xi32>
      %select_n3A_2271 = arith.select %lt3A_2267, %add3A_2270, %xor3A_2264 : vector<16xi1>, vector<16xi32>
      %broadcast_in_dim3A_2272 = vector.shape_cast %select_n3A_2271 : vector<16xi32> to vector<16x1xi32>
      %gather3A_2273 = vector.shape_cast %broadcast_in_dim3A_2272 : vector<16x1xi32> to vector<16xi32>
      %gather3A_2274 = tpu.dynamic_gather %add3A_2260[%gather3A_2273] in [0] : vector<16xf32>, vector<16xi32> -> vector<16xf32>
      %add3A_2275 = arith.addf %add3A_2260, %gather3A_2274 : vector<16xf32>
      %xor3A_2276 = arith.constant 4 : i32
      %xor3A_2277 = vector.broadcast %xor3A_2276 : i32 to vector<16xi32>
      %xor3A_2278 = arith.xori %iota3A_2261, %xor3A_2277 : vector<16xi32>
      %lt3A_2279 = arith.constant 0 : i32
      %lt3A_2280 = vector.broadcast %lt3A_2279 : i32 to vector<16xi32>
      %lt3A_2281 = arith.cmpi slt, %xor3A_2278, %lt3A_2280 : vector<16xi32>
      %add3A_2282 = arith.constant 16 : i32
      %add3A_2283 = vector.broadcast %add3A_2282 : i32 to vector<16xi32>
      %add3A_2284 = arith.addi %xor3A_2278, %add3A_2283 : vector<16xi32>
      %select_n3A_2285 = arith.select %lt3A_2281, %add3A_2284, %xor3A_2278 : vector<16xi1>, vector<16xi32>
      %broadcast_in_dim3A_2286 = vector.shape_cast %select_n3A_2285 : vector<16xi32> to vector<16x1xi32>
      %gather3A_2287 = vector.shape_cast %broadcast_in_dim3A_2286 : vector<16x1xi32> to vector<16xi32>
      %gather3A_2288 = tpu.dynamic_gather %add3A_2275[%gather3A_2287] in [0] : vector<16xf32>, vector<16xi32> -> vector<16xf32>
      %add3A_2289 = arith.addf %add3A_2275, %gather3A_2288 : vector<16xf32>
      %xor3A_2290 = arith.constant 2 : i32
      %xor3A_2291 = vector.broadcast %xor3A_2290 : i32 to vector<16xi32>
      %xor3A_2292 = arith.xori %iota3A_2261, %xor3A_2291 : vector<16xi32>
      %lt3A_2293 = arith.constant 0 : i32
      %lt3A_2294 = vector.broadcast %lt3A_2293 : i32 to vector<16xi32>
      %lt3A_2295 = arith.cmpi slt, %xor3A_2292, %lt3A_2294 : vector<16xi32>
      %add3A_2296 = arith.constant 16 : i32
      %add3A_2297 = vector.broadcast %add3A_2296 : i32 to vector<16xi32>
      %add3A_2298 = arith.addi %xor3A_2292, %add3A_2297 : vector<16xi32>
      %select_n3A_2299 = arith.select %lt3A_2295, %add3A_2298, %xor3A_2292 : vector<16xi1>, vector<16xi32>
      %broadcast_in_dim3A_2300 = vector.shape_cast %select_n3A_2299 : vector<16xi32> to vector<16x1xi32>
      %gather3A_2301 = vector.shape_cast %broadcast_in_dim3A_2300 : vector<16x1xi32> to vector<16xi32>
      %gather3A_2302 = tpu.dynamic_gather %add3A_2289[%gather3A_2301] in [0] : vector<16xf32>, vector<16xi32> -> vector<16xf32>
      %add3A_2303 = arith.addf %add3A_2289, %gather3A_2302 : vector<16xf32>
      %xor3A_2304 = arith.constant 1 : i32
      %xor3A_2305 = vector.broadcast %xor3A_2304 : i32 to vector<16xi32>
      %xor3A_2306 = arith.xori %iota3A_2261, %xor3A_2305 : vector<16xi32>
      %lt3A_2307 = arith.constant 0 : i32
      %lt3A_2308 = vector.broadcast %lt3A_2307 : i32 to vector<16xi32>
      %lt3A_2309 = arith.cmpi slt, %xor3A_2306, %lt3A_2308 : vector<16xi32>
      %add3A_2310 = arith.constant 16 : i32
      %add3A_2311 = vector.broadcast %add3A_2310 : i32 to vector<16xi32>
      %add3A_2312 = arith.addi %xor3A_2306, %add3A_2311 : vector<16xi32>
      %select_n3A_2313 = arith.select %lt3A_2309, %add3A_2312, %xor3A_2306 : vector<16xi1>, vector<16xi32>
      %broadcast_in_dim3A_2314 = vector.shape_cast %select_n3A_2313 : vector<16xi32> to vector<16x1xi32>
      %gather3A_2315 = vector.shape_cast %broadcast_in_dim3A_2314 : vector<16x1xi32> to vector<16xi32>
      %gather3A_2316 = tpu.dynamic_gather %add3A_2303[%gather3A_2315] in [0] : vector<16xf32>, vector<16xi32> -> vector<16xf32>
      %add3A_2317 = arith.addf %add3A_2303, %gather3A_2316 : vector<16xf32>
      %eq3A_2318 = arith.constant 15 : i32
      %eq3A_2319 = vector.broadcast %eq3A_2318 : i32 to vector<16xi32>
      %eq3A_2320 = arith.cmpi eq, %iota3A, %eq3A_2319 : vector<16xi32>
      %select_n3A_2321 = arith.select %eq3A_2320, %add3A_2317, %select_n3A_2177 : vector<16xi1>, vector<16xf32>
      %mul3A_2322 = arith.constant 16 : i32
      %mul3A_2323 = arith.muli %scan3A_22, %mul3A_2322 : i32
      %swap3A = arith.index_cast %mul3A_2323 : i32 to index
      %swap3A_2324 = tpu.vector_load %arg15[%swap3A] {strides = array<i32>} : memref<128xf32, #tpu.memory_space<vmem>>, vector<16xf32>,
      %swap3A_2325 = vector.shape_cast %swap3A_2324 : vector<16xf32> to vector<16xf32>
      %swap3A_2326 = vector.shape_cast %select_n3A_2321 : vector<16xf32> to vector<16xf32>
      tpu.vector_store %arg15[%swap3A], %swap3A_2326 {strides = array<i32>} : memref<128xf32, #tpu.memory_space<vmem>>, vector<16xf32>,
    }
    %scan3A_16 = arith.constant 8 : i32
    "tpu.region"() ({
      %run_scoped3A = tpu.sem_alloc : memref<!tpu.dma_semaphore, #tpu.memory_space<semaphore_mem>>
      %dma_start3A_22 = tpu.memref_slice %arg7[%mul3A_2] : memref<4096xf32, #tpu.memory_space<hbm>> -> memref<128xf32, #tpu.memory_space<hbm>>
      %dma_start3A_23 = tpu.memref_slice %arg7[%mul3A_2] : memref<4096xf32, #tpu.memory_space<hbm>> -> memref<128xf32, #tpu.memory_space<hbm>>
      tpu.enqueue_dma source(%arg15 : memref<128xf32, #tpu.memory_space<vmem>>) target(%dma_start3A_23 : memref<128xf32, #tpu.memory_space<hbm>>) target_semaphore(%run_scoped3A : memref<!tpu.dma_semaphore, #tpu.memory_space<semaphore_mem>>)
      %dma_wait3A_24 = tpu.memref_slice %arg7[%mul3A_2] : memref<4096xf32, #tpu.memory_space<hbm>> -> memref<128xf32, #tpu.memory_space<hbm>>
      %dma_wait3A_25 = tpu.memref_slice %arg7[%mul3A_2] : memref<4096xf32, #tpu.memory_space<hbm>> -> memref<128xf32, #tpu.memory_space<hbm>>
      tpu.wait_dma2 semaphore(%run_scoped3A : memref<!tpu.dma_semaphore, #tpu.memory_space<semaphore_mem>>) src(%arg15 : memref<128xf32, #tpu.memory_space<vmem>>) dst(%dma_wait3A_25 : memref<128xf32, #tpu.memory_space<hbm>>)
      tpu.yield
    }) : () -> ()
    %scan3A_17 = arith.constant 0 : i32
    %scan3A_18 = arith.constant 16 : i32
    %scan3A_19 = arith.addi %scan3A_17, %scan3A_18 : i32
    %scan3A_20 = arith.constant 1 : i32
    scf.for %scan3A_22 = %scan3A_17 to %scan3A_19 step %scan3A_20  : i32 {
      %mul3A_23 = arith.constant 64 : i32
      %mul3A_24 = arith.muli %add3A, %mul3A_23 : i32
      %mul3A_25 = arith.constant 4 : i32
      %mul3A_26 = arith.muli %scan3A_22, %mul3A_25 : i32
      %add3A_27 = arith.addi %mul3A_24, %mul3A_26 : i32
      "tpu.region"() ({
        %run_scoped3A = tpu.sem_alloc : memref<!tpu.dma_semaphore, #tpu.memory_space<semaphore_mem>>
        %dma_start3A_118 = arith.constant 0 : i32
        %dma_start3A_119 = tpu.memref_slice %arg4[%add3A_27, %dma_start3A_118] : memref<2048x128xi32, #tpu.memory_space<hbm>> -> memref<4x128xi32, #tpu.memory_space<hbm>>
        %dma_start3A_120 = arith.constant 0 : i32
        %dma_start3A_121 = tpu.memref_slice %arg4[%add3A_27, %dma_start3A_120] : memref<2048x128xi32, #tpu.memory_space<hbm>> -> memref<4x128xi32, #tpu.memory_space<hbm>>
        tpu.enqueue_dma source(%dma_start3A_121 : memref<4x128xi32, #tpu.memory_space<hbm>>) target(%arg11 : memref<4x128xi32, #tpu.memory_space<vmem>>) target_semaphore(%run_scoped3A : memref<!tpu.dma_semaphore, #tpu.memory_space<semaphore_mem>>)
        %dma_wait3A_122 = arith.constant 0 : i32
        %dma_wait3A_123 = tpu.memref_slice %arg4[%add3A_27, %dma_wait3A_122] : memref<2048x128xi32, #tpu.memory_space<hbm>> -> memref<4x128xi32, #tpu.memory_space<hbm>>
        %dma_wait3A_124 = arith.constant 0 : i32
        %dma_wait3A_125 = tpu.memref_slice %arg4[%add3A_27, %dma_wait3A_124] : memref<2048x128xi32, #tpu.memory_space<hbm>> -> memref<4x128xi32, #tpu.memory_space<hbm>>
        tpu.wait_dma2 semaphore(%run_scoped3A : memref<!tpu.dma_semaphore, #tpu.memory_space<semaphore_mem>>) src(%dma_wait3A_125 : memref<4x128xi32, #tpu.memory_space<hbm>>) dst(%arg11 : memref<4x128xi32, #tpu.memory_space<vmem>>)
        tpu.yield
      }) : () -> ()
      %dma_start3A_28 = arith.constant 0 : i32
      %dma_start3A_29 = arith.constant 0 : i32
      %dma_start3A_30 = arith.constant 0 : i32
      %dma_start3A_31 = tpu.memref_slice %arg14[%dma_start3A_29, %dma_start3A_30] : memref<512x128xf32, #tpu.memory_space<vmem>> -> memref<128x128xf32, #tpu.memory_space<vmem>>
      %dma_start3A_32 = arith.constant 0 : i32
      %dma_start3A_33 = tpu.memref_slice %arg11[%dma_start3A_28, %dma_start3A_32] : memref<4x128xi32, #tpu.memory_space<vmem>> -> memref<1x128xi32, #tpu.memory_space<vmem>>
      %dma_start3A_34 = tpu.memref_squeeze %dma_start3A_33 : memref<1x128xi32, #tpu.memory_space<vmem>> -> memref<128xi32, #tpu.memory_space<vmem>>
      %dma_start3A_35 = arith.constant 0 : i32
      %dma_start3A_36 = arith.constant 0 : i32
      %dma_start3A_37 = tpu.memref_slice %arg6[%dma_start3A_35, %dma_start3A_36] : memref<100000x128xf32, #tpu.memory_space<hbm>> -> memref<100000x128xf32, #tpu.memory_space<hbm>>
      tpu.enqueue_indirect_dma source(%dma_start3A_37 : memref<100000x128xf32, #tpu.memory_space<hbm>>) target(%dma_start3A_31 : memref<128x128xf32, #tpu.memory_space<vmem>>) offsets(%dma_start3A_34 : memref<128xi32, #tpu.memory_space<vmem>>) semaphore(%arg17 : memref<!tpu.dma_semaphore, #tpu.memory_space<semaphore_mem>>)
      %dma_start3A_38 = arith.constant 1 : i32
      %dma_start3A_39 = arith.constant 128 : i32
      %dma_start3A_40 = arith.constant 0 : i32
      %dma_start3A_41 = tpu.memref_slice %arg14[%dma_start3A_39, %dma_start3A_40] : memref<512x128xf32, #tpu.memory_space<vmem>> -> memref<128x128xf32, #tpu.memory_space<vmem>>
      %dma_start3A_42 = arith.constant 0 : i32
      %dma_start3A_43 = tpu.memref_slice %arg11[%dma_start3A_38, %dma_start3A_42] : memref<4x128xi32, #tpu.memory_space<vmem>> -> memref<1x128xi32, #tpu.memory_space<vmem>>
      %dma_start3A_44 = tpu.memref_squeeze %dma_start3A_43 : memref<1x128xi32, #tpu.memory_space<vmem>> -> memref<128xi32, #tpu.memory_space<vmem>>
      %dma_start3A_45 = arith.constant 0 : i32
      %dma_start3A_46 = arith.constant 0 : i32
      %dma_start3A_47 = tpu.memref_slice %arg6[%dma_start3A_45, %dma_start3A_46] : memref<100000x128xf32, #tpu.memory_space<hbm>> -> memref<100000x128xf32, #tpu.memory_space<hbm>>
      tpu.enqueue_indirect_dma source(%dma_start3A_47 : memref<100000x128xf32, #tpu.memory_space<hbm>>) target(%dma_start3A_41 : memref<128x128xf32, #tpu.memory_space<vmem>>) offsets(%dma_start3A_44 : memref<128xi32, #tpu.memory_space<vmem>>) semaphore(%arg17 : memref<!tpu.dma_semaphore, #tpu.memory_space<semaphore_mem>>)
      %dma_start3A_48 = arith.constant 2 : i32
      %dma_start3A_49 = arith.constant 256 : i32
      %dma_start3A_50 = arith.constant 0 : i32
      %dma_start3A_51 = tpu.memref_slice %arg14[%dma_start3A_49, %dma_start3A_50] : memref<512x128xf32, #tpu.memory_space<vmem>> -> memref<128x128xf32, #tpu.memory_space<vmem>>
      %dma_start3A_52 = arith.constant 0 : i32
      %dma_start3A_53 = tpu.memref_slice %arg11[%dma_start3A_48, %dma_start3A_52] : memref<4x128xi32, #tpu.memory_space<vmem>> -> memref<1x128xi32, #tpu.memory_space<vmem>>
      %dma_start3A_54 = tpu.memref_squeeze %dma_start3A_53 : memref<1x128xi32, #tpu.memory_space<vmem>> -> memref<128xi32, #tpu.memory_space<vmem>>
      %dma_start3A_55 = arith.constant 0 : i32
      %dma_start3A_56 = arith.constant 0 : i32
      %dma_start3A_57 = tpu.memref_slice %arg6[%dma_start3A_55, %dma_start3A_56] : memref<100000x128xf32, #tpu.memory_space<hbm>> -> memref<100000x128xf32, #tpu.memory_space<hbm>>
      tpu.enqueue_indirect_dma source(%dma_start3A_57 : memref<100000x128xf32, #tpu.memory_space<hbm>>) target(%dma_start3A_51 : memref<128x128xf32, #tpu.memory_space<vmem>>) offsets(%dma_start3A_54 : memref<128xi32, #tpu.memory_space<vmem>>) semaphore(%arg17 : memref<!tpu.dma_semaphore, #tpu.memory_space<semaphore_mem>>)
      %dma_start3A_58 = arith.constant 3 : i32
      %dma_start3A_59 = arith.constant 384 : i32
      %dma_start3A_60 = arith.constant 0 : i32
      %dma_start3A_61 = tpu.memref_slice %arg14[%dma_start3A_59, %dma_start3A_60] : memref<512x128xf32, #tpu.memory_space<vmem>> -> memref<128x128xf32, #tpu.memory_space<vmem>>
      %dma_start3A_62 = arith.constant 0 : i32
      %dma_start3A_63 = tpu.memref_slice %arg11[%dma_start3A_58, %dma_start3A_62] : memref<4x128xi32, #tpu.memory_space<vmem>> -> memref<1x128xi32, #tpu.memory_space<vmem>>
      %dma_start3A_64 = tpu.memref_squeeze %dma_start3A_63 : memref<1x128xi32, #tpu.memory_space<vmem>> -> memref<128xi32, #tpu.memory_space<vmem>>
      %dma_start3A_65 = arith.constant 0 : i32
      %dma_start3A_66 = arith.constant 0 : i32
      %dma_start3A_67 = tpu.memref_slice %arg6[%dma_start3A_65, %dma_start3A_66] : memref<100000x128xf32, #tpu.memory_space<hbm>> -> memref<100000x128xf32, #tpu.memory_space<hbm>>
      tpu.enqueue_indirect_dma source(%dma_start3A_67 : memref<100000x128xf32, #tpu.memory_space<hbm>>) target(%dma_start3A_61 : memref<128x128xf32, #tpu.memory_space<vmem>>) offsets(%dma_start3A_64 : memref<128xi32, #tpu.memory_space<vmem>>) semaphore(%arg17 : memref<!tpu.dma_semaphore, #tpu.memory_space<semaphore_mem>>)
      %dma_wait3A_68 = arith.constant 0 : i32
      %dma_wait3A_69 = arith.constant 0 : i32
      %dma_wait3A_70 = arith.constant 0 : i32
      %dma_wait3A_71 = tpu.memref_slice %arg14[%dma_wait3A_69, %dma_wait3A_70] : memref<512x128xf32, #tpu.memory_space<vmem>> -> memref<128x128xf32, #tpu.memory_space<vmem>>
      %dma_wait3A_72 = arith.constant 0 : i32
      %dma_wait3A_73 = tpu.memref_slice %arg11[%dma_wait3A_68, %dma_wait3A_72] : memref<4x128xi32, #tpu.memory_space<vmem>> -> memref<1x128xi32, #tpu.memory_space<vmem>>
      %dma_wait3A_74 = tpu.memref_squeeze %dma_wait3A_73 : memref<1x128xi32, #tpu.memory_space<vmem>> -> memref<128xi32, #tpu.memory_space<vmem>>
      %dma_wait3A_75 = arith.constant 0 : i32
      %dma_wait3A_76 = arith.constant 0 : i32
      %dma_wait3A_77 = tpu.memref_slice %arg6[%dma_wait3A_75, %dma_wait3A_76] : memref<100000x128xf32, #tpu.memory_space<hbm>> -> memref<100000x128xf32, #tpu.memory_space<hbm>>
      tpu.wait_indirect_dma semaphore(%arg17 : memref<!tpu.dma_semaphore, #tpu.memory_space<semaphore_mem>>) src(%dma_wait3A_77 : memref<100000x128xf32, #tpu.memory_space<hbm>>) dst(%dma_wait3A_71 : memref<128x128xf32, #tpu.memory_space<vmem>>)
      %dma_wait3A_78 = arith.constant 1 : i32
      %dma_wait3A_79 = arith.constant 128 : i32
      %dma_wait3A_80 = arith.constant 0 : i32
      %dma_wait3A_81 = tpu.memref_slice %arg14[%dma_wait3A_79, %dma_wait3A_80] : memref<512x128xf32, #tpu.memory_space<vmem>> -> memref<128x128xf32, #tpu.memory_space<vmem>>
      %dma_wait3A_82 = arith.constant 0 : i32
      %dma_wait3A_83 = tpu.memref_slice %arg11[%dma_wait3A_78, %dma_wait3A_82] : memref<4x128xi32, #tpu.memory_space<vmem>> -> memref<1x128xi32, #tpu.memory_space<vmem>>
      %dma_wait3A_84 = tpu.memref_squeeze %dma_wait3A_83 : memref<1x128xi32, #tpu.memory_space<vmem>> -> memref<128xi32, #tpu.memory_space<vmem>>
      %dma_wait3A_85 = arith.constant 0 : i32
      %dma_wait3A_86 = arith.constant 0 : i32
      %dma_wait3A_87 = tpu.memref_slice %arg6[%dma_wait3A_85, %dma_wait3A_86] : memref<100000x128xf32, #tpu.memory_space<hbm>> -> memref<100000x128xf32, #tpu.memory_space<hbm>>
      tpu.wait_indirect_dma semaphore(%arg17 : memref<!tpu.dma_semaphore, #tpu.memory_space<semaphore_mem>>) src(%dma_wait3A_87 : memref<100000x128xf32, #tpu.memory_space<hbm>>) dst(%dma_wait3A_81 : memref<128x128xf32, #tpu.memory_space<vmem>>)
      %dma_wait3A_88 = arith.constant 2 : i32
      %dma_wait3A_89 = arith.constant 256 : i32
      %dma_wait3A_90 = arith.constant 0 : i32
      %dma_wait3A_91 = tpu.memref_slice %arg14[%dma_wait3A_89, %dma_wait3A_90] : memref<512x128xf32, #tpu.memory_space<vmem>> -> memref<128x128xf32, #tpu.memory_space<vmem>>
      %dma_wait3A_92 = arith.constant 0 : i32
      %dma_wait3A_93 = tpu.memref_slice %arg11[%dma_wait3A_88, %dma_wait3A_92] : memref<4x128xi32, #tpu.memory_space<vmem>> -> memref<1x128xi32, #tpu.memory_space<vmem>>
      %dma_wait3A_94 = tpu.memref_squeeze %dma_wait3A_93 : memref<1x128xi32, #tpu.memory_space<vmem>> -> memref<128xi32, #tpu.memory_space<vmem>>
      %dma_wait3A_95 = arith.constant 0 : i32
      %dma_wait3A_96 = arith.constant 0 : i32
      %dma_wait3A_97 = tpu.memref_slice %arg6[%dma_wait3A_95, %dma_wait3A_96] : memref<100000x128xf32, #tpu.memory_space<hbm>> -> memref<100000x128xf32, #tpu.memory_space<hbm>>
      tpu.wait_indirect_dma semaphore(%arg17 : memref<!tpu.dma_semaphore, #tpu.memory_space<semaphore_mem>>) src(%dma_wait3A_97 : memref<100000x128xf32, #tpu.memory_space<hbm>>) dst(%dma_wait3A_91 : memref<128x128xf32, #tpu.memory_space<vmem>>)
      %dma_wait3A_98 = arith.constant 3 : i32
      %dma_wait3A_99 = arith.constant 384 : i32
      %dma_wait3A_100 = arith.constant 0 : i32
      %dma_wait3A_101 = tpu.memref_slice %arg14[%dma_wait3A_99, %dma_wait3A_100] : memref<512x128xf32, #tpu.memory_space<vmem>> -> memref<128x128xf32, #tpu.memory_space<vmem>>
      %dma_wait3A_102 = arith.constant 0 : i32
      %dma_wait3A_103 = tpu.memref_slice %arg11[%dma_wait3A_98, %dma_wait3A_102] : memref<4x128xi32, #tpu.memory_space<vmem>> -> memref<1x128xi32, #tpu.memory_space<vmem>>
      %dma_wait3A_104 = tpu.memref_squeeze %dma_wait3A_103 : memref<1x128xi32, #tpu.memory_space<vmem>> -> memref<128xi32, #tpu.memory_space<vmem>>
      %dma_wait3A_105 = arith.constant 0 : i32
      %dma_wait3A_106 = arith.constant 0 : i32
      %dma_wait3A_107 = tpu.memref_slice %arg6[%dma_wait3A_105, %dma_wait3A_106] : memref<100000x128xf32, #tpu.memory_space<hbm>> -> memref<100000x128xf32, #tpu.memory_space<hbm>>
      tpu.wait_indirect_dma semaphore(%arg17 : memref<!tpu.dma_semaphore, #tpu.memory_space<semaphore_mem>>) src(%dma_wait3A_107 : memref<100000x128xf32, #tpu.memory_space<hbm>>) dst(%dma_wait3A_101 : memref<128x128xf32, #tpu.memory_space<vmem>>)
      %scan3A_108 = arith.constant 0 : i32
      %scan3A_109 = arith.constant 8 : i32
      %scan3A_110 = arith.addi %scan3A_108, %scan3A_109 : i32
      %scan3A_111 = arith.constant 1 : i32
      scf.for %scan3A_118 = %scan3A_108 to %scan3A_110 step %scan3A_111  : i32 {
        %mul3A_119 = arith.constant 8 : i32
        %mul3A_120 = arith.muli %scan3A_22, %mul3A_119 : i32
        %add3A_121 = arith.addi %mul3A_120, %scan3A_118 : i32
        %get3A = arith.index_cast %add3A_121 : i32 to index
        %get3A_122 = arith.constant 0 : index
        %get3A_123 = tpu.vector_load %arg12[%get3A, %get3A_122] {strides = array<i32>} : memref<128x128xf32, #tpu.memory_space<vmem>>, vector<1x16xf32>,
        %get3A_124 = vector.shape_cast %get3A_123 : vector<1x16xf32> to vector<16xf32>
        %get3A_125 = arith.index_cast %add3A_121 : i32 to index
        %get3A_126 = arith.constant 16 : index
        %get3A_127 = tpu.vector_load %arg12[%get3A_125, %get3A_126] {strides = array<i32>} : memref<128x128xf32, #tpu.memory_space<vmem>>, vector<1x16xf32>,
        %get3A_128 = vector.shape_cast %get3A_127 : vector<1x16xf32> to vector<16xf32>
        %get3A_129 = arith.index_cast %add3A_121 : i32 to index
        %get3A_130 = arith.constant 32 : index
        %get3A_131 = tpu.vector_load %arg12[%get3A_129, %get3A_130] {strides = array<i32>} : memref<128x128xf32, #tpu.memory_space<vmem>>, vector<1x16xf32>,
        %get3A_132 = vector.shape_cast %get3A_131 : vector<1x16xf32> to vector<16xf32>
        %get3A_133 = arith.index_cast %add3A_121 : i32 to index
        %get3A_134 = arith.constant 48 : index
        %get3A_135 = tpu.vector_load %arg12[%get3A_133, %get3A_134] {strides = array<i32>} : memref<128x128xf32, #tpu.memory_space<vmem>>, vector<1x16xf32>,
        %get3A_136 = vector.shape_cast %get3A_135 : vector<1x16xf32> to vector<16xf32>
        %get3A_137 = arith.index_cast %add3A_121 : i32 to index
        %get3A_138 = arith.constant 64 : index
        %get3A_139 = tpu.vector_load %arg12[%get3A_137, %get3A_138] {strides = array<i32>} : memref<128x128xf32, #tpu.memory_space<vmem>>, vector<1x16xf32>,
        %get3A_140 = vector.shape_cast %get3A_139 : vector<1x16xf32> to vector<16xf32>
        %get3A_141 = arith.index_cast %add3A_121 : i32 to index
        %get3A_142 = arith.constant 80 : index
        %get3A_143 = tpu.vector_load %arg12[%get3A_141, %get3A_142] {strides = array<i32>} : memref<128x128xf32, #tpu.memory_space<vmem>>, vector<1x16xf32>,
        %get3A_144 = vector.shape_cast %get3A_143 : vector<1x16xf32> to vector<16xf32>
        %get3A_145 = arith.index_cast %add3A_121 : i32 to index
        %get3A_146 = arith.constant 96 : index
        %get3A_147 = tpu.vector_load %arg12[%get3A_145, %get3A_146] {strides = array<i32>} : memref<128x128xf32, #tpu.memory_space<vmem>>, vector<1x16xf32>,
        %get3A_148 = vector.shape_cast %get3A_147 : vector<1x16xf32> to vector<16xf32>
        %get3A_149 = arith.index_cast %add3A_121 : i32 to index
        %get3A_150 = arith.constant 112 : index
        %get3A_151 = tpu.vector_load %arg12[%get3A_149, %get3A_150] {strides = array<i32>} : memref<128x128xf32, #tpu.memory_space<vmem>>, vector<1x16xf32>,
        %get3A_152 = vector.shape_cast %get3A_151 : vector<1x16xf32> to vector<16xf32>
        %scan3A_153 = arith.constant 0 : i32
        %scan3A_154 = arith.constant 4 : i32
        %scan3A_155 = arith.addi %scan3A_153, %scan3A_154 : i32
        %scan3A_156 = arith.constant 1 : i32
        scf.for %scan3A_158 = %scan3A_153 to %scan3A_155 step %scan3A_156  : i32 {
          %broadcast_in_dim3A = arith.constant 0.000000e+00 : f32
          %broadcast_in_dim3A_159 = vector.broadcast %broadcast_in_dim3A : f32 to vector<16xf32>
          %mul3A_160 = arith.constant 64 : i32
          %mul3A_161 = arith.muli %scan3A_118, %mul3A_160 : i32
          %mul3A_162 = arith.constant 16 : i32
          %mul3A_163 = arith.muli %scan3A_158, %mul3A_162 : i32
          %add3A_164 = arith.addi %mul3A_161, %mul3A_163 : i32
          %add3A_165 = arith.constant 0 : i32
          %add3A_166 = arith.addi %add3A_164, %add3A_165 : i32
          %get3A_167 = arith.index_cast %add3A_166 : i32 to index
          %get3A_168 = arith.constant 0 : index
          %get3A_169 = tpu.vector_load %arg14[%get3A_167, %get3A_168] {strides = array<i32>} : memref<512x128xf32, #tpu.memory_space<vmem>>, vector<1x16xf32>,
          %get3A_170 = vector.shape_cast %get3A_169 : vector<1x16xf32> to vector<16xf32>
          %mul3A_171 = arith.mulf %get3A_170, %get3A_124 : vector<16xf32>
          %get3A_172 = arith.index_cast %add3A_166 : i32 to index
          %get3A_173 = arith.constant 16 : index
          %get3A_174 = tpu.vector_load %arg14[%get3A_172, %get3A_173] {strides = array<i32>} : memref<512x128xf32, #tpu.memory_space<vmem>>, vector<1x16xf32>,
          %get3A_175 = vector.shape_cast %get3A_174 : vector<1x16xf32> to vector<16xf32>
          %mul3A_176 = arith.mulf %get3A_175, %get3A_128 : vector<16xf32>
          %add3A_177 = arith.addf %mul3A_171, %mul3A_176 : vector<16xf32>
          %get3A_178 = arith.index_cast %add3A_166 : i32 to index
          %get3A_179 = arith.constant 32 : index
          %get3A_180 = tpu.vector_load %arg14[%get3A_178, %get3A_179] {strides = array<i32>} : memref<512x128xf32, #tpu.memory_space<vmem>>, vector<1x16xf32>,
          %get3A_181 = vector.shape_cast %get3A_180 : vector<1x16xf32> to vector<16xf32>
          %mul3A_182 = arith.mulf %get3A_181, %get3A_132 : vector<16xf32>
          %add3A_183 = arith.addf %add3A_177, %mul3A_182 : vector<16xf32>
          %get3A_184 = arith.index_cast %add3A_166 : i32 to index
          %get3A_185 = arith.constant 48 : index
          %get3A_186 = tpu.vector_load %arg14[%get3A_184, %get3A_185] {strides = array<i32>} : memref<512x128xf32, #tpu.memory_space<vmem>>, vector<1x16xf32>,
          %get3A_187 = vector.shape_cast %get3A_186 : vector<1x16xf32> to vector<16xf32>
          %mul3A_188 = arith.mulf %get3A_187, %get3A_136 : vector<16xf32>
          %add3A_189 = arith.addf %add3A_183, %mul3A_188 : vector<16xf32>
          %get3A_190 = arith.index_cast %add3A_166 : i32 to index
          %get3A_191 = arith.constant 64 : index
          %get3A_192 = tpu.vector_load %arg14[%get3A_190, %get3A_191] {strides = array<i32>} : memref<512x128xf32, #tpu.memory_space<vmem>>, vector<1x16xf32>,
          %get3A_193 = vector.shape_cast %get3A_192 : vector<1x16xf32> to vector<16xf32>
          %mul3A_194 = arith.mulf %get3A_193, %get3A_140 : vector<16xf32>
          %add3A_195 = arith.addf %add3A_189, %mul3A_194 : vector<16xf32>
          %get3A_196 = arith.index_cast %add3A_166 : i32 to index
          %get3A_197 = arith.constant 80 : index
          %get3A_198 = tpu.vector_load %arg14[%get3A_196, %get3A_197] {strides = array<i32>} : memref<512x128xf32, #tpu.memory_space<vmem>>, vector<1x16xf32>,
          %get3A_199 = vector.shape_cast %get3A_198 : vector<1x16xf32> to vector<16xf32>
          %mul3A_200 = arith.mulf %get3A_199, %get3A_144 : vector<16xf32>
          %add3A_201 = arith.addf %add3A_195, %mul3A_200 : vector<16xf32>
          %get3A_202 = arith.index_cast %add3A_166 : i32 to index
          %get3A_203 = arith.constant 96 : index
          %get3A_204 = tpu.vector_load %arg14[%get3A_202, %get3A_203] {strides = array<i32>} : memref<512x128xf32, #tpu.memory_space<vmem>>, vector<1x16xf32>,
          %get3A_205 = vector.shape_cast %get3A_204 : vector<1x16xf32> to vector<16xf32>
          %mul3A_206 = arith.mulf %get3A_205, %get3A_148 : vector<16xf32>
          %add3A_207 = arith.addf %add3A_201, %mul3A_206 : vector<16xf32>
          %get3A_208 = arith.index_cast %add3A_166 : i32 to index
          %get3A_209 = arith.constant 112 : index
          %get3A_210 = tpu.vector_load %arg14[%get3A_208, %get3A_209] {strides = array<i32>} : memref<512x128xf32, #tpu.memory_space<vmem>>, vector<1x16xf32>,
          %get3A_211 = vector.shape_cast %get3A_210 : vector<1x16xf32> to vector<16xf32>
          %mul3A_212 = arith.mulf %get3A_211, %get3A_152 : vector<16xf32>
          %add3A_213 = arith.addf %add3A_207, %mul3A_212 : vector<16xf32>
          %iota3A_214 = tpu.iota {dimensions = array<i32: 0>} : vector<16xi32>
          %xor3A = arith.constant 8 : i32
          %xor3A_215 = vector.broadcast %xor3A : i32 to vector<16xi32>
          %xor3A_216 = arith.xori %iota3A_214, %xor3A_215 : vector<16xi32>
          %lt3A = arith.constant 0 : i32
          %lt3A_217 = vector.broadcast %lt3A : i32 to vector<16xi32>
          %lt3A_218 = arith.cmpi slt, %xor3A_216, %lt3A_217 : vector<16xi32>
          %add3A_219 = arith.constant 16 : i32
          %add3A_220 = vector.broadcast %add3A_219 : i32 to vector<16xi32>
          %add3A_221 = arith.addi %xor3A_216, %add3A_220 : vector<16xi32>
          %select_n3A = arith.select %lt3A_218, %add3A_221, %xor3A_216 : vector<16xi1>, vector<16xi32>
          %broadcast_in_dim3A_222 = vector.shape_cast %select_n3A : vector<16xi32> to vector<16x1xi32>
          %gather3A = vector.shape_cast %broadcast_in_dim3A_222 : vector<16x1xi32> to vector<16xi32>
          %gather3A_223 = tpu.dynamic_gather %add3A_213[%gather3A] in [0] : vector<16xf32>, vector<16xi32> -> vector<16xf32>
          %add3A_224 = arith.addf %add3A_213, %gather3A_223 : vector<16xf32>
          %xor3A_225 = arith.constant 4 : i32
          %xor3A_226 = vector.broadcast %xor3A_225 : i32 to vector<16xi32>
          %xor3A_227 = arith.xori %iota3A_214, %xor3A_226 : vector<16xi32>
          %lt3A_228 = arith.constant 0 : i32
          %lt3A_229 = vector.broadcast %lt3A_228 : i32 to vector<16xi32>
          %lt3A_230 = arith.cmpi slt, %xor3A_227, %lt3A_229 : vector<16xi32>
          %add3A_231 = arith.constant 16 : i32
          %add3A_232 = vector.broadcast %add3A_231 : i32 to vector<16xi32>
          %add3A_233 = arith.addi %xor3A_227, %add3A_232 : vector<16xi32>
          %select_n3A_234 = arith.select %lt3A_230, %add3A_233, %xor3A_227 : vector<16xi1>, vector<16xi32>
          %broadcast_in_dim3A_235 = vector.shape_cast %select_n3A_234 : vector<16xi32> to vector<16x1xi32>
          %gather3A_236 = vector.shape_cast %broadcast_in_dim3A_235 : vector<16x1xi32> to vector<16xi32>
          %gather3A_237 = tpu.dynamic_gather %add3A_224[%gather3A_236] in [0] : vector<16xf32>, vector<16xi32> -> vector<16xf32>
          %add3A_238 = arith.addf %add3A_224, %gather3A_237 : vector<16xf32>
          %xor3A_239 = arith.constant 2 : i32
          %xor3A_240 = vector.broadcast %xor3A_239 : i32 to vector<16xi32>
          %xor3A_241 = arith.xori %iota3A_214, %xor3A_240 : vector<16xi32>
          %lt3A_242 = arith.constant 0 : i32
          %lt3A_243 = vector.broadcast %lt3A_242 : i32 to vector<16xi32>
          %lt3A_244 = arith.cmpi slt, %xor3A_241, %lt3A_243 : vector<16xi32>
          %add3A_245 = arith.constant 16 : i32
          %add3A_246 = vector.broadcast %add3A_245 : i32 to vector<16xi32>
          %add3A_247 = arith.addi %xor3A_241, %add3A_246 : vector<16xi32>
          %select_n3A_248 = arith.select %lt3A_244, %add3A_247, %xor3A_241 : vector<16xi1>, vector<16xi32>
          %broadcast_in_dim3A_249 = vector.shape_cast %select_n3A_248 : vector<16xi32> to vector<16x1xi32>
          %gather3A_250 = vector.shape_cast %broadcast_in_dim3A_249 : vector<16x1xi32> to vector<16xi32>
          %gather3A_251 = tpu.dynamic_gather %add3A_238[%gather3A_250] in [0] : vector<16xf32>, vector<16xi32> -> vector<16xf32>
          %add3A_252 = arith.addf %add3A_238, %gather3A_251 : vector<16xf32>
          %xor3A_253 = arith.constant 1 : i32
          %xor3A_254 = vector.broadcast %xor3A_253 : i32 to vector<16xi32>
          %xor3A_255 = arith.xori %iota3A_214, %xor3A_254 : vector<16xi32>
          %lt3A_256 = arith.constant 0 : i32
          %lt3A_257 = vector.broadcast %lt3A_256 : i32 to vector<16xi32>
          %lt3A_258 = arith.cmpi slt, %xor3A_255, %lt3A_257 : vector<16xi32>
          %add3A_259 = arith.constant 16 : i32
          %add3A_260 = vector.broadcast %add3A_259 : i32 to vector<16xi32>
          %add3A_261 = arith.addi %xor3A_255, %add3A_260 : vector<16xi32>
          %select_n3A_262 = arith.select %lt3A_258, %add3A_261, %xor3A_255 : vector<16xi1>, vector<16xi32>
          %broadcast_in_dim3A_263 = vector.shape_cast %select_n3A_262 : vector<16xi32> to vector<16x1xi32>
          %gather3A_264 = vector.shape_cast %broadcast_in_dim3A_263 : vector<16x1xi32> to vector<16xi32>
          %gather3A_265 = tpu.dynamic_gather %add3A_252[%gather3A_264] in [0] : vector<16xf32>, vector<16xi32> -> vector<16xf32>
          %add3A_266 = arith.addf %add3A_252, %gather3A_265 : vector<16xf32>
          %eq3A = arith.constant 0 : i32
          %eq3A_267 = vector.broadcast %eq3A : i32 to vector<16xi32>
          %eq3A_268 = arith.cmpi eq, %iota3A, %eq3A_267 : vector<16xi32>
          %select_n3A_269 = arith.select %eq3A_268, %add3A_266, %broadcast_in_dim3A_159 : vector<16xi1>, vector<16xf32>
          %mul3A_270 = arith.constant 64 : i32
          %mul3A_271 = arith.muli %scan3A_118, %mul3A_270 : i32
          %mul3A_272 = arith.constant 16 : i32
          %mul3A_273 = arith.muli %scan3A_158, %mul3A_272 : i32
          %add3A_274 = arith.addi %mul3A_271, %mul3A_273 : i32
          %add3A_275 = arith.constant 1 : i32
          %add3A_276 = arith.addi %add3A_274, %add3A_275 : i32
          %get3A_277 = arith.index_cast %add3A_276 : i32 to index
          %get3A_278 = arith.constant 0 : index
          %get3A_279 = tpu.vector_load %arg14[%get3A_277, %get3A_278] {strides = array<i32>} : memref<512x128xf32, #tpu.memory_space<vmem>>, vector<1x16xf32>,
          %get3A_280 = vector.shape_cast %get3A_279 : vector<1x16xf32> to vector<16xf32>
          %mul3A_281 = arith.mulf %get3A_280, %get3A_124 : vector<16xf32>
          %get3A_282 = arith.index_cast %add3A_276 : i32 to index
          %get3A_283 = arith.constant 16 : index
          %get3A_284 = tpu.vector_load %arg14[%get3A_282, %get3A_283] {strides = array<i32>} : memref<512x128xf32, #tpu.memory_space<vmem>>, vector<1x16xf32>,
          %get3A_285 = vector.shape_cast %get3A_284 : vector<1x16xf32> to vector<16xf32>
          %mul3A_286 = arith.mulf %get3A_285, %get3A_128 : vector<16xf32>
          %add3A_287 = arith.addf %mul3A_281, %mul3A_286 : vector<16xf32>
          %get3A_288 = arith.index_cast %add3A_276 : i32 to index
          %get3A_289 = arith.constant 32 : index
          %get3A_290 = tpu.vector_load %arg14[%get3A_288, %get3A_289] {strides = array<i32>} : memref<512x128xf32, #tpu.memory_space<vmem>>, vector<1x16xf32>,
          %get3A_291 = vector.shape_cast %get3A_290 : vector<1x16xf32> to vector<16xf32>
          %mul3A_292 = arith.mulf %get3A_291, %get3A_132 : vector<16xf32>
          %add3A_293 = arith.addf %add3A_287, %mul3A_292 : vector<16xf32>
          %get3A_294 = arith.index_cast %add3A_276 : i32 to index
          %get3A_295 = arith.constant 48 : index
          %get3A_296 = tpu.vector_load %arg14[%get3A_294, %get3A_295] {strides = array<i32>} : memref<512x128xf32, #tpu.memory_space<vmem>>, vector<1x16xf32>,
          %get3A_297 = vector.shape_cast %get3A_296 : vector<1x16xf32> to vector<16xf32>
          %mul3A_298 = arith.mulf %get3A_297, %get3A_136 : vector<16xf32>
          %add3A_299 = arith.addf %add3A_293, %mul3A_298 : vector<16xf32>
          %get3A_300 = arith.index_cast %add3A_276 : i32 to index
          %get3A_301 = arith.constant 64 : index
          %get3A_302 = tpu.vector_load %arg14[%get3A_300, %get3A_301] {strides = array<i32>} : memref<512x128xf32, #tpu.memory_space<vmem>>, vector<1x16xf32>,
          %get3A_303 = vector.shape_cast %get3A_302 : vector<1x16xf32> to vector<16xf32>
          %mul3A_304 = arith.mulf %get3A_303, %get3A_140 : vector<16xf32>
          %add3A_305 = arith.addf %add3A_299, %mul3A_304 : vector<16xf32>
          %get3A_306 = arith.index_cast %add3A_276 : i32 to index
          %get3A_307 = arith.constant 80 : index
          %get3A_308 = tpu.vector_load %arg14[%get3A_306, %get3A_307] {strides = array<i32>} : memref<512x128xf32, #tpu.memory_space<vmem>>, vector<1x16xf32>,
          %get3A_309 = vector.shape_cast %get3A_308 : vector<1x16xf32> to vector<16xf32>
          %mul3A_310 = arith.mulf %get3A_309, %get3A_144 : vector<16xf32>
          %add3A_311 = arith.addf %add3A_305, %mul3A_310 : vector<16xf32>
          %get3A_312 = arith.index_cast %add3A_276 : i32 to index
          %get3A_313 = arith.constant 96 : index
          %get3A_314 = tpu.vector_load %arg14[%get3A_312, %get3A_313] {strides = array<i32>} : memref<512x128xf32, #tpu.memory_space<vmem>>, vector<1x16xf32>,
          %get3A_315 = vector.shape_cast %get3A_314 : vector<1x16xf32> to vector<16xf32>
          %mul3A_316 = arith.mulf %get3A_315, %get3A_148 : vector<16xf32>
          %add3A_317 = arith.addf %add3A_311, %mul3A_316 : vector<16xf32>
          %get3A_318 = arith.index_cast %add3A_276 : i32 to index
          %get3A_319 = arith.constant 112 : index
          %get3A_320 = tpu.vector_load %arg14[%get3A_318, %get3A_319] {strides = array<i32>} : memref<512x128xf32, #tpu.memory_space<vmem>>, vector<1x16xf32>,
          %get3A_321 = vector.shape_cast %get3A_320 : vector<1x16xf32> to vector<16xf32>
          %mul3A_322 = arith.mulf %get3A_321, %get3A_152 : vector<16xf32>
          %add3A_323 = arith.addf %add3A_317, %mul3A_322 : vector<16xf32>
          %iota3A_324 = tpu.iota {dimensions = array<i32: 0>} : vector<16xi32>
          %xor3A_325 = arith.constant 8 : i32
          %xor3A_326 = vector.broadcast %xor3A_325 : i32 to vector<16xi32>
          %xor3A_327 = arith.xori %iota3A_324, %xor3A_326 : vector<16xi32>
          %lt3A_328 = arith.constant 0 : i32
          %lt3A_329 = vector.broadcast %lt3A_328 : i32 to vector<16xi32>
          %lt3A_330 = arith.cmpi slt, %xor3A_327, %lt3A_329 : vector<16xi32>
          %add3A_331 = arith.constant 16 : i32
          %add3A_332 = vector.broadcast %add3A_331 : i32 to vector<16xi32>
          %add3A_333 = arith.addi %xor3A_327, %add3A_332 : vector<16xi32>
          %select_n3A_334 = arith.select %lt3A_330, %add3A_333, %xor3A_327 : vector<16xi1>, vector<16xi32>
          %broadcast_in_dim3A_335 = vector.shape_cast %select_n3A_334 : vector<16xi32> to vector<16x1xi32>
          %gather3A_336 = vector.shape_cast %broadcast_in_dim3A_335 : vector<16x1xi32> to vector<16xi32>
          %gather3A_337 = tpu.dynamic_gather %add3A_323[%gather3A_336] in [0] : vector<16xf32>, vector<16xi32> -> vector<16xf32>
          %add3A_338 = arith.addf %add3A_323, %gather3A_337 : vector<16xf32>
          %xor3A_339 = arith.constant 4 : i32
          %xor3A_340 = vector.broadcast %xor3A_339 : i32 to vector<16xi32>
          %xor3A_341 = arith.xori %iota3A_324, %xor3A_340 : vector<16xi32>
          %lt3A_342 = arith.constant 0 : i32
          %lt3A_343 = vector.broadcast %lt3A_342 : i32 to vector<16xi32>
          %lt3A_344 = arith.cmpi slt, %xor3A_341, %lt3A_343 : vector<16xi32>
          %add3A_345 = arith.constant 16 : i32
          %add3A_346 = vector.broadcast %add3A_345 : i32 to vector<16xi32>
          %add3A_347 = arith.addi %xor3A_341, %add3A_346 : vector<16xi32>
          %select_n3A_348 = arith.select %lt3A_344, %add3A_347, %xor3A_341 : vector<16xi1>, vector<16xi32>
          %broadcast_in_dim3A_349 = vector.shape_cast %select_n3A_348 : vector<16xi32> to vector<16x1xi32>
          %gather3A_350 = vector.shape_cast %broadcast_in_dim3A_349 : vector<16x1xi32> to vector<16xi32>
          %gather3A_351 = tpu.dynamic_gather %add3A_338[%gather3A_350] in [0] : vector<16xf32>, vector<16xi32> -> vector<16xf32>
          %add3A_352 = arith.addf %add3A_338, %gather3A_351 : vector<16xf32>
          %xor3A_353 = arith.constant 2 : i32
          %xor3A_354 = vector.broadcast %xor3A_353 : i32 to vector<16xi32>
          %xor3A_355 = arith.xori %iota3A_324, %xor3A_354 : vector<16xi32>
          %lt3A_356 = arith.constant 0 : i32
          %lt3A_357 = vector.broadcast %lt3A_356 : i32 to vector<16xi32>
          %lt3A_358 = arith.cmpi slt, %xor3A_355, %lt3A_357 : vector<16xi32>
          %add3A_359 = arith.constant 16 : i32
          %add3A_360 = vector.broadcast %add3A_359 : i32 to vector<16xi32>
          %add3A_361 = arith.addi %xor3A_355, %add3A_360 : vector<16xi32>
          %select_n3A_362 = arith.select %lt3A_358, %add3A_361, %xor3A_355 : vector<16xi1>, vector<16xi32>
          %broadcast_in_dim3A_363 = vector.shape_cast %select_n3A_362 : vector<16xi32> to vector<16x1xi32>
          %gather3A_364 = vector.shape_cast %broadcast_in_dim3A_363 : vector<16x1xi32> to vector<16xi32>
          %gather3A_365 = tpu.dynamic_gather %add3A_352[%gather3A_364] in [0] : vector<16xf32>, vector<16xi32> -> vector<16xf32>
          %add3A_366 = arith.addf %add3A_352, %gather3A_365 : vector<16xf32>
          %xor3A_367 = arith.constant 1 : i32
          %xor3A_368 = vector.broadcast %xor3A_367 : i32 to vector<16xi32>
          %xor3A_369 = arith.xori %iota3A_324, %xor3A_368 : vector<16xi32>
          %lt3A_370 = arith.constant 0 : i32
          %lt3A_371 = vector.broadcast %lt3A_370 : i32 to vector<16xi32>
          %lt3A_372 = arith.cmpi slt, %xor3A_369, %lt3A_371 : vector<16xi32>
          %add3A_373 = arith.constant 16 : i32
          %add3A_374 = vector.broadcast %add3A_373 : i32 to vector<16xi32>
          %add3A_375 = arith.addi %xor3A_369, %add3A_374 : vector<16xi32>
          %select_n3A_376 = arith.select %lt3A_372, %add3A_375, %xor3A_369 : vector<16xi1>, vector<16xi32>
          %broadcast_in_dim3A_377 = vector.shape_cast %select_n3A_376 : vector<16xi32> to vector<16x1xi32>
          %gather3A_378 = vector.shape_cast %broadcast_in_dim3A_377 : vector<16x1xi32> to vector<16xi32>
          %gather3A_379 = tpu.dynamic_gather %add3A_366[%gather3A_378] in [0] : vector<16xf32>, vector<16xi32> -> vector<16xf32>
          %add3A_380 = arith.addf %add3A_366, %gather3A_379 : vector<16xf32>
          %eq3A_381 = arith.constant 1 : i32
          %eq3A_382 = vector.broadcast %eq3A_381 : i32 to vector<16xi32>
          %eq3A_383 = arith.cmpi eq, %iota3A, %eq3A_382 : vector<16xi32>
          %select_n3A_384 = arith.select %eq3A_383, %add3A_380, %select_n3A_269 : vector<16xi1>, vector<16xf32>
          %mul3A_385 = arith.constant 64 : i32
          %mul3A_386 = arith.muli %scan3A_118, %mul3A_385 : i32
          %mul3A_387 = arith.constant 16 : i32
          %mul3A_388 = arith.muli %scan3A_158, %mul3A_387 : i32
          %add3A_389 = arith.addi %mul3A_386, %mul3A_388 : i32
          %add3A_390 = arith.constant 2 : i32
          %add3A_391 = arith.addi %add3A_389, %add3A_390 : i32
          %get3A_392 = arith.index_cast %add3A_391 : i32 to index
          %get3A_393 = arith.constant 0 : index
          %get3A_394 = tpu.vector_load %arg14[%get3A_392, %get3A_393] {strides = array<i32>} : memref<512x128xf32, #tpu.memory_space<vmem>>, vector<1x16xf32>,
          %get3A_395 = vector.shape_cast %get3A_394 : vector<1x16xf32> to vector<16xf32>
          %mul3A_396 = arith.mulf %get3A_395, %get3A_124 : vector<16xf32>
          %get3A_397 = arith.index_cast %add3A_391 : i32 to index
          %get3A_398 = arith.constant 16 : index
          %get3A_399 = tpu.vector_load %arg14[%get3A_397, %get3A_398] {strides = array<i32>} : memref<512x128xf32, #tpu.memory_space<vmem>>, vector<1x16xf32>,
          %get3A_400 = vector.shape_cast %get3A_399 : vector<1x16xf32> to vector<16xf32>
          %mul3A_401 = arith.mulf %get3A_400, %get3A_128 : vector<16xf32>
          %add3A_402 = arith.addf %mul3A_396, %mul3A_401 : vector<16xf32>
          %get3A_403 = arith.index_cast %add3A_391 : i32 to index
          %get3A_404 = arith.constant 32 : index
          %get3A_405 = tpu.vector_load %arg14[%get3A_403, %get3A_404] {strides = array<i32>} : memref<512x128xf32, #tpu.memory_space<vmem>>, vector<1x16xf32>,
          %get3A_406 = vector.shape_cast %get3A_405 : vector<1x16xf32> to vector<16xf32>
          %mul3A_407 = arith.mulf %get3A_406, %get3A_132 : vector<16xf32>
          %add3A_408 = arith.addf %add3A_402, %mul3A_407 : vector<16xf32>
          %get3A_409 = arith.index_cast %add3A_391 : i32 to index
          %get3A_410 = arith.constant 48 : index
          %get3A_411 = tpu.vector_load %arg14[%get3A_409, %get3A_410] {strides = array<i32>} : memref<512x128xf32, #tpu.memory_space<vmem>>, vector<1x16xf32>,
          %get3A_412 = vector.shape_cast %get3A_411 : vector<1x16xf32> to vector<16xf32>
          %mul3A_413 = arith.mulf %get3A_412, %get3A_136 : vector<16xf32>
          %add3A_414 = arith.addf %add3A_408, %mul3A_413 : vector<16xf32>
          %get3A_415 = arith.index_cast %add3A_391 : i32 to index
          %get3A_416 = arith.constant 64 : index
          %get3A_417 = tpu.vector_load %arg14[%get3A_415, %get3A_416] {strides = array<i32>} : memref<512x128xf32, #tpu.memory_space<vmem>>, vector<1x16xf32>,
          %get3A_418 = vector.shape_cast %get3A_417 : vector<1x16xf32> to vector<16xf32>
          %mul3A_419 = arith.mulf %get3A_418, %get3A_140 : vector<16xf32>
          %add3A_420 = arith.addf %add3A_414, %mul3A_419 : vector<16xf32>
          %get3A_421 = arith.index_cast %add3A_391 : i32 to index
          %get3A_422 = arith.constant 80 : index
          %get3A_423 = tpu.vector_load %arg14[%get3A_421, %get3A_422] {strides = array<i32>} : memref<512x128xf32, #tpu.memory_space<vmem>>, vector<1x16xf32>,
          %get3A_424 = vector.shape_cast %get3A_423 : vector<1x16xf32> to vector<16xf32>
          %mul3A_425 = arith.mulf %get3A_424, %get3A_144 : vector<16xf32>
          %add3A_426 = arith.addf %add3A_420, %mul3A_425 : vector<16xf32>
          %get3A_427 = arith.index_cast %add3A_391 : i32 to index
          %get3A_428 = arith.constant 96 : index
          %get3A_429 = tpu.vector_load %arg14[%get3A_427, %get3A_428] {strides = array<i32>} : memref<512x128xf32, #tpu.memory_space<vmem>>, vector<1x16xf32>,
          %get3A_430 = vector.shape_cast %get3A_429 : vector<1x16xf32> to vector<16xf32>
          %mul3A_431 = arith.mulf %get3A_430, %get3A_148 : vector<16xf32>
          %add3A_432 = arith.addf %add3A_426, %mul3A_431 : vector<16xf32>
          %get3A_433 = arith.index_cast %add3A_391 : i32 to index
          %get3A_434 = arith.constant 112 : index
          %get3A_435 = tpu.vector_load %arg14[%get3A_433, %get3A_434] {strides = array<i32>} : memref<512x128xf32, #tpu.memory_space<vmem>>, vector<1x16xf32>,
          %get3A_436 = vector.shape_cast %get3A_435 : vector<1x16xf32> to vector<16xf32>
          %mul3A_437 = arith.mulf %get3A_436, %get3A_152 : vector<16xf32>
          %add3A_438 = arith.addf %add3A_432, %mul3A_437 : vector<16xf32>
          %iota3A_439 = tpu.iota {dimensions = array<i32: 0>} : vector<16xi32>
          %xor3A_440 = arith.constant 8 : i32
          %xor3A_441 = vector.broadcast %xor3A_440 : i32 to vector<16xi32>
          %xor3A_442 = arith.xori %iota3A_439, %xor3A_441 : vector<16xi32>
          %lt3A_443 = arith.constant 0 : i32
          %lt3A_444 = vector.broadcast %lt3A_443 : i32 to vector<16xi32>
          %lt3A_445 = arith.cmpi slt, %xor3A_442, %lt3A_444 : vector<16xi32>
          %add3A_446 = arith.constant 16 : i32
          %add3A_447 = vector.broadcast %add3A_446 : i32 to vector<16xi32>
          %add3A_448 = arith.addi %xor3A_442, %add3A_447 : vector<16xi32>
          %select_n3A_449 = arith.select %lt3A_445, %add3A_448, %xor3A_442 : vector<16xi1>, vector<16xi32>
          %broadcast_in_dim3A_450 = vector.shape_cast %select_n3A_449 : vector<16xi32> to vector<16x1xi32>
          %gather3A_451 = vector.shape_cast %broadcast_in_dim3A_450 : vector<16x1xi32> to vector<16xi32>
          %gather3A_452 = tpu.dynamic_gather %add3A_438[%gather3A_451] in [0] : vector<16xf32>, vector<16xi32> -> vector<16xf32>
          %add3A_453 = arith.addf %add3A_438, %gather3A_452 : vector<16xf32>
          %xor3A_454 = arith.constant 4 : i32
          %xor3A_455 = vector.broadcast %xor3A_454 : i32 to vector<16xi32>
          %xor3A_456 = arith.xori %iota3A_439, %xor3A_455 : vector<16xi32>
          %lt3A_457 = arith.constant 0 : i32
          %lt3A_458 = vector.broadcast %lt3A_457 : i32 to vector<16xi32>
          %lt3A_459 = arith.cmpi slt, %xor3A_456, %lt3A_458 : vector<16xi32>
          %add3A_460 = arith.constant 16 : i32
          %add3A_461 = vector.broadcast %add3A_460 : i32 to vector<16xi32>
          %add3A_462 = arith.addi %xor3A_456, %add3A_461 : vector<16xi32>
          %select_n3A_463 = arith.select %lt3A_459, %add3A_462, %xor3A_456 : vector<16xi1>, vector<16xi32>
          %broadcast_in_dim3A_464 = vector.shape_cast %select_n3A_463 : vector<16xi32> to vector<16x1xi32>
          %gather3A_465 = vector.shape_cast %broadcast_in_dim3A_464 : vector<16x1xi32> to vector<16xi32>
          %gather3A_466 = tpu.dynamic_gather %add3A_453[%gather3A_465] in [0] : vector<16xf32>, vector<16xi32> -> vector<16xf32>
          %add3A_467 = arith.addf %add3A_453, %gather3A_466 : vector<16xf32>
          %xor3A_468 = arith.constant 2 : i32
          %xor3A_469 = vector.broadcast %xor3A_468 : i32 to vector<16xi32>
          %xor3A_470 = arith.xori %iota3A_439, %xor3A_469 : vector<16xi32>
          %lt3A_471 = arith.constant 0 : i32
          %lt3A_472 = vector.broadcast %lt3A_471 : i32 to vector<16xi32>
          %lt3A_473 = arith.cmpi slt, %xor3A_470, %lt3A_472 : vector<16xi32>
          %add3A_474 = arith.constant 16 : i32
          %add3A_475 = vector.broadcast %add3A_474 : i32 to vector<16xi32>
          %add3A_476 = arith.addi %xor3A_470, %add3A_475 : vector<16xi32>
          %select_n3A_477 = arith.select %lt3A_473, %add3A_476, %xor3A_470 : vector<16xi1>, vector<16xi32>
          %broadcast_in_dim3A_478 = vector.shape_cast %select_n3A_477 : vector<16xi32> to vector<16x1xi32>
          %gather3A_479 = vector.shape_cast %broadcast_in_dim3A_478 : vector<16x1xi32> to vector<16xi32>
          %gather3A_480 = tpu.dynamic_gather %add3A_467[%gather3A_479] in [0] : vector<16xf32>, vector<16xi32> -> vector<16xf32>
          %add3A_481 = arith.addf %add3A_467, %gather3A_480 : vector<16xf32>
          %xor3A_482 = arith.constant 1 : i32
          %xor3A_483 = vector.broadcast %xor3A_482 : i32 to vector<16xi32>
          %xor3A_484 = arith.xori %iota3A_439, %xor3A_483 : vector<16xi32>
          %lt3A_485 = arith.constant 0 : i32
          %lt3A_486 = vector.broadcast %lt3A_485 : i32 to vector<16xi32>
          %lt3A_487 = arith.cmpi slt, %xor3A_484, %lt3A_486 : vector<16xi32>
          %add3A_488 = arith.constant 16 : i32
          %add3A_489 = vector.broadcast %add3A_488 : i32 to vector<16xi32>
          %add3A_490 = arith.addi %xor3A_484, %add3A_489 : vector<16xi32>
          %select_n3A_491 = arith.select %lt3A_487, %add3A_490, %xor3A_484 : vector<16xi1>, vector<16xi32>
          %broadcast_in_dim3A_492 = vector.shape_cast %select_n3A_491 : vector<16xi32> to vector<16x1xi32>
          %gather3A_493 = vector.shape_cast %broadcast_in_dim3A_492 : vector<16x1xi32> to vector<16xi32>
          %gather3A_494 = tpu.dynamic_gather %add3A_481[%gather3A_493] in [0] : vector<16xf32>, vector<16xi32> -> vector<16xf32>
          %add3A_495 = arith.addf %add3A_481, %gather3A_494 : vector<16xf32>
          %eq3A_496 = arith.constant 2 : i32
          %eq3A_497 = vector.broadcast %eq3A_496 : i32 to vector<16xi32>
          %eq3A_498 = arith.cmpi eq, %iota3A, %eq3A_497 : vector<16xi32>
          %select_n3A_499 = arith.select %eq3A_498, %add3A_495, %select_n3A_384 : vector<16xi1>, vector<16xf32>
          %mul3A_500 = arith.constant 64 : i32
          %mul3A_501 = arith.muli %scan3A_118, %mul3A_500 : i32
          %mul3A_502 = arith.constant 16 : i32
          %mul3A_503 = arith.muli %scan3A_158, %mul3A_502 : i32
          %add3A_504 = arith.addi %mul3A_501, %mul3A_503 : i32
          %add3A_505 = arith.constant 3 : i32
          %add3A_506 = arith.addi %add3A_504, %add3A_505 : i32
          %get3A_507 = arith.index_cast %add3A_506 : i32 to index
          %get3A_508 = arith.constant 0 : index
          %get3A_509 = tpu.vector_load %arg14[%get3A_507, %get3A_508] {strides = array<i32>} : memref<512x128xf32, #tpu.memory_space<vmem>>, vector<1x16xf32>,
          %get3A_510 = vector.shape_cast %get3A_509 : vector<1x16xf32> to vector<16xf32>
          %mul3A_511 = arith.mulf %get3A_510, %get3A_124 : vector<16xf32>
          %get3A_512 = arith.index_cast %add3A_506 : i32 to index
          %get3A_513 = arith.constant 16 : index
          %get3A_514 = tpu.vector_load %arg14[%get3A_512, %get3A_513] {strides = array<i32>} : memref<512x128xf32, #tpu.memory_space<vmem>>, vector<1x16xf32>,
          %get3A_515 = vector.shape_cast %get3A_514 : vector<1x16xf32> to vector<16xf32>
          %mul3A_516 = arith.mulf %get3A_515, %get3A_128 : vector<16xf32>
          %add3A_517 = arith.addf %mul3A_511, %mul3A_516 : vector<16xf32>
          %get3A_518 = arith.index_cast %add3A_506 : i32 to index
          %get3A_519 = arith.constant 32 : index
          %get3A_520 = tpu.vector_load %arg14[%get3A_518, %get3A_519] {strides = array<i32>} : memref<512x128xf32, #tpu.memory_space<vmem>>, vector<1x16xf32>,
          %get3A_521 = vector.shape_cast %get3A_520 : vector<1x16xf32> to vector<16xf32>
          %mul3A_522 = arith.mulf %get3A_521, %get3A_132 : vector<16xf32>
          %add3A_523 = arith.addf %add3A_517, %mul3A_522 : vector<16xf32>
          %get3A_524 = arith.index_cast %add3A_506 : i32 to index
          %get3A_525 = arith.constant 48 : index
          %get3A_526 = tpu.vector_load %arg14[%get3A_524, %get3A_525] {strides = array<i32>} : memref<512x128xf32, #tpu.memory_space<vmem>>, vector<1x16xf32>,
          %get3A_527 = vector.shape_cast %get3A_526 : vector<1x16xf32> to vector<16xf32>
          %mul3A_528 = arith.mulf %get3A_527, %get3A_136 : vector<16xf32>
          %add3A_529 = arith.addf %add3A_523, %mul3A_528 : vector<16xf32>
          %get3A_530 = arith.index_cast %add3A_506 : i32 to index
          %get3A_531 = arith.constant 64 : index
          %get3A_532 = tpu.vector_load %arg14[%get3A_530, %get3A_531] {strides = array<i32>} : memref<512x128xf32, #tpu.memory_space<vmem>>, vector<1x16xf32>,
          %get3A_533 = vector.shape_cast %get3A_532 : vector<1x16xf32> to vector<16xf32>
          %mul3A_534 = arith.mulf %get3A_533, %get3A_140 : vector<16xf32>
          %add3A_535 = arith.addf %add3A_529, %mul3A_534 : vector<16xf32>
          %get3A_536 = arith.index_cast %add3A_506 : i32 to index
          %get3A_537 = arith.constant 80 : index
          %get3A_538 = tpu.vector_load %arg14[%get3A_536, %get3A_537] {strides = array<i32>} : memref<512x128xf32, #tpu.memory_space<vmem>>, vector<1x16xf32>,
          %get3A_539 = vector.shape_cast %get3A_538 : vector<1x16xf32> to vector<16xf32>
          %mul3A_540 = arith.mulf %get3A_539, %get3A_144 : vector<16xf32>
          %add3A_541 = arith.addf %add3A_535, %mul3A_540 : vector<16xf32>
          %get3A_542 = arith.index_cast %add3A_506 : i32 to index
          %get3A_543 = arith.constant 96 : index
          %get3A_544 = tpu.vector_load %arg14[%get3A_542, %get3A_543] {strides = array<i32>} : memref<512x128xf32, #tpu.memory_space<vmem>>, vector<1x16xf32>,
          %get3A_545 = vector.shape_cast %get3A_544 : vector<1x16xf32> to vector<16xf32>
          %mul3A_546 = arith.mulf %get3A_545, %get3A_148 : vector<16xf32>
          %add3A_547 = arith.addf %add3A_541, %mul3A_546 : vector<16xf32>
          %get3A_548 = arith.index_cast %add3A_506 : i32 to index
          %get3A_549 = arith.constant 112 : index
          %get3A_550 = tpu.vector_load %arg14[%get3A_548, %get3A_549] {strides = array<i32>} : memref<512x128xf32, #tpu.memory_space<vmem>>, vector<1x16xf32>,
          %get3A_551 = vector.shape_cast %get3A_550 : vector<1x16xf32> to vector<16xf32>
          %mul3A_552 = arith.mulf %get3A_551, %get3A_152 : vector<16xf32>
          %add3A_553 = arith.addf %add3A_547, %mul3A_552 : vector<16xf32>
          %iota3A_554 = tpu.iota {dimensions = array<i32: 0>} : vector<16xi32>
          %xor3A_555 = arith.constant 8 : i32
          %xor3A_556 = vector.broadcast %xor3A_555 : i32 to vector<16xi32>
          %xor3A_557 = arith.xori %iota3A_554, %xor3A_556 : vector<16xi32>
          %lt3A_558 = arith.constant 0 : i32
          %lt3A_559 = vector.broadcast %lt3A_558 : i32 to vector<16xi32>
          %lt3A_560 = arith.cmpi slt, %xor3A_557, %lt3A_559 : vector<16xi32>
          %add3A_561 = arith.constant 16 : i32
          %add3A_562 = vector.broadcast %add3A_561 : i32 to vector<16xi32>
          %add3A_563 = arith.addi %xor3A_557, %add3A_562 : vector<16xi32>
          %select_n3A_564 = arith.select %lt3A_560, %add3A_563, %xor3A_557 : vector<16xi1>, vector<16xi32>
          %broadcast_in_dim3A_565 = vector.shape_cast %select_n3A_564 : vector<16xi32> to vector<16x1xi32>
          %gather3A_566 = vector.shape_cast %broadcast_in_dim3A_565 : vector<16x1xi32> to vector<16xi32>
          %gather3A_567 = tpu.dynamic_gather %add3A_553[%gather3A_566] in [0] : vector<16xf32>, vector<16xi32> -> vector<16xf32>
          %add3A_568 = arith.addf %add3A_553, %gather3A_567 : vector<16xf32>
          %xor3A_569 = arith.constant 4 : i32
          %xor3A_570 = vector.broadcast %xor3A_569 : i32 to vector<16xi32>
          %xor3A_571 = arith.xori %iota3A_554, %xor3A_570 : vector<16xi32>
          %lt3A_572 = arith.constant 0 : i32
          %lt3A_573 = vector.broadcast %lt3A_572 : i32 to vector<16xi32>
          %lt3A_574 = arith.cmpi slt, %xor3A_571, %lt3A_573 : vector<16xi32>
          %add3A_575 = arith.constant 16 : i32
          %add3A_576 = vector.broadcast %add3A_575 : i32 to vector<16xi32>
          %add3A_577 = arith.addi %xor3A_571, %add3A_576 : vector<16xi32>
          %select_n3A_578 = arith.select %lt3A_574, %add3A_577, %xor3A_571 : vector<16xi1>, vector<16xi32>
          %broadcast_in_dim3A_579 = vector.shape_cast %select_n3A_578 : vector<16xi32> to vector<16x1xi32>
          %gather3A_580 = vector.shape_cast %broadcast_in_dim3A_579 : vector<16x1xi32> to vector<16xi32>
          %gather3A_581 = tpu.dynamic_gather %add3A_568[%gather3A_580] in [0] : vector<16xf32>, vector<16xi32> -> vector<16xf32>
          %add3A_582 = arith.addf %add3A_568, %gather3A_581 : vector<16xf32>
          %xor3A_583 = arith.constant 2 : i32
          %xor3A_584 = vector.broadcast %xor3A_583 : i32 to vector<16xi32>
          %xor3A_585 = arith.xori %iota3A_554, %xor3A_584 : vector<16xi32>
          %lt3A_586 = arith.constant 0 : i32
          %lt3A_587 = vector.broadcast %lt3A_586 : i32 to vector<16xi32>
          %lt3A_588 = arith.cmpi slt, %xor3A_585, %lt3A_587 : vector<16xi32>
          %add3A_589 = arith.constant 16 : i32
          %add3A_590 = vector.broadcast %add3A_589 : i32 to vector<16xi32>
          %add3A_591 = arith.addi %xor3A_585, %add3A_590 : vector<16xi32>
          %select_n3A_592 = arith.select %lt3A_588, %add3A_591, %xor3A_585 : vector<16xi1>, vector<16xi32>
          %broadcast_in_dim3A_593 = vector.shape_cast %select_n3A_592 : vector<16xi32> to vector<16x1xi32>
          %gather3A_594 = vector.shape_cast %broadcast_in_dim3A_593 : vector<16x1xi32> to vector<16xi32>
          %gather3A_595 = tpu.dynamic_gather %add3A_582[%gather3A_594] in [0] : vector<16xf32>, vector<16xi32> -> vector<16xf32>
          %add3A_596 = arith.addf %add3A_582, %gather3A_595 : vector<16xf32>
          %xor3A_597 = arith.constant 1 : i32
          %xor3A_598 = vector.broadcast %xor3A_597 : i32 to vector<16xi32>
          %xor3A_599 = arith.xori %iota3A_554, %xor3A_598 : vector<16xi32>
          %lt3A_600 = arith.constant 0 : i32
          %lt3A_601 = vector.broadcast %lt3A_600 : i32 to vector<16xi32>
          %lt3A_602 = arith.cmpi slt, %xor3A_599, %lt3A_601 : vector<16xi32>
          %add3A_603 = arith.constant 16 : i32
          %add3A_604 = vector.broadcast %add3A_603 : i32 to vector<16xi32>
          %add3A_605 = arith.addi %xor3A_599, %add3A_604 : vector<16xi32>
          %select_n3A_606 = arith.select %lt3A_602, %add3A_605, %xor3A_599 : vector<16xi1>, vector<16xi32>
          %broadcast_in_dim3A_607 = vector.shape_cast %select_n3A_606 : vector<16xi32> to vector<16x1xi32>
          %gather3A_608 = vector.shape_cast %broadcast_in_dim3A_607 : vector<16x1xi32> to vector<16xi32>
          %gather3A_609 = tpu.dynamic_gather %add3A_596[%gather3A_608] in [0] : vector<16xf32>, vector<16xi32> -> vector<16xf32>
          %add3A_610 = arith.addf %add3A_596, %gather3A_609 : vector<16xf32>
          %eq3A_611 = arith.constant 3 : i32
          %eq3A_612 = vector.broadcast %eq3A_611 : i32 to vector<16xi32>
          %eq3A_613 = arith.cmpi eq, %iota3A, %eq3A_612 : vector<16xi32>
          %select_n3A_614 = arith.select %eq3A_613, %add3A_610, %select_n3A_499 : vector<16xi1>, vector<16xf32>
          %mul3A_615 = arith.constant 64 : i32
          %mul3A_616 = arith.muli %scan3A_118, %mul3A_615 : i32
          %mul3A_617 = arith.constant 16 : i32
          %mul3A_618 = arith.muli %scan3A_158, %mul3A_617 : i32
          %add3A_619 = arith.addi %mul3A_616, %mul3A_618 : i32
          %add3A_620 = arith.constant 4 : i32
          %add3A_621 = arith.addi %add3A_619, %add3A_620 : i32
          %get3A_622 = arith.index_cast %add3A_621 : i32 to index
          %get3A_623 = arith.constant 0 : index
          %get3A_624 = tpu.vector_load %arg14[%get3A_622, %get3A_623] {strides = array<i32>} : memref<512x128xf32, #tpu.memory_space<vmem>>, vector<1x16xf32>,
          %get3A_625 = vector.shape_cast %get3A_624 : vector<1x16xf32> to vector<16xf32>
          %mul3A_626 = arith.mulf %get3A_625, %get3A_124 : vector<16xf32>
          %get3A_627 = arith.index_cast %add3A_621 : i32 to index
          %get3A_628 = arith.constant 16 : index
          %get3A_629 = tpu.vector_load %arg14[%get3A_627, %get3A_628] {strides = array<i32>} : memref<512x128xf32, #tpu.memory_space<vmem>>, vector<1x16xf32>,
          %get3A_630 = vector.shape_cast %get3A_629 : vector<1x16xf32> to vector<16xf32>
          %mul3A_631 = arith.mulf %get3A_630, %get3A_128 : vector<16xf32>
          %add3A_632 = arith.addf %mul3A_626, %mul3A_631 : vector<16xf32>
          %get3A_633 = arith.index_cast %add3A_621 : i32 to index
          %get3A_634 = arith.constant 32 : index
          %get3A_635 = tpu.vector_load %arg14[%get3A_633, %get3A_634] {strides = array<i32>} : memref<512x128xf32, #tpu.memory_space<vmem>>, vector<1x16xf32>,
          %get3A_636 = vector.shape_cast %get3A_635 : vector<1x16xf32> to vector<16xf32>
          %mul3A_637 = arith.mulf %get3A_636, %get3A_132 : vector<16xf32>
          %add3A_638 = arith.addf %add3A_632, %mul3A_637 : vector<16xf32>
          %get3A_639 = arith.index_cast %add3A_621 : i32 to index
          %get3A_640 = arith.constant 48 : index
          %get3A_641 = tpu.vector_load %arg14[%get3A_639, %get3A_640] {strides = array<i32>} : memref<512x128xf32, #tpu.memory_space<vmem>>, vector<1x16xf32>,
          %get3A_642 = vector.shape_cast %get3A_641 : vector<1x16xf32> to vector<16xf32>
          %mul3A_643 = arith.mulf %get3A_642, %get3A_136 : vector<16xf32>
          %add3A_644 = arith.addf %add3A_638, %mul3A_643 : vector<16xf32>
          %get3A_645 = arith.index_cast %add3A_621 : i32 to index
          %get3A_646 = arith.constant 64 : index
          %get3A_647 = tpu.vector_load %arg14[%get3A_645, %get3A_646] {strides = array<i32>} : memref<512x128xf32, #tpu.memory_space<vmem>>, vector<1x16xf32>,
          %get3A_648 = vector.shape_cast %get3A_647 : vector<1x16xf32> to vector<16xf32>
          %mul3A_649 = arith.mulf %get3A_648, %get3A_140 : vector<16xf32>
          %add3A_650 = arith.addf %add3A_644, %mul3A_649 : vector<16xf32>
          %get3A_651 = arith.index_cast %add3A_621 : i32 to index
          %get3A_652 = arith.constant 80 : index
          %get3A_653 = tpu.vector_load %arg14[%get3A_651, %get3A_652] {strides = array<i32>} : memref<512x128xf32, #tpu.memory_space<vmem>>, vector<1x16xf32>,
          %get3A_654 = vector.shape_cast %get3A_653 : vector<1x16xf32> to vector<16xf32>
          %mul3A_655 = arith.mulf %get3A_654, %get3A_144 : vector<16xf32>
          %add3A_656 = arith.addf %add3A_650, %mul3A_655 : vector<16xf32>
          %get3A_657 = arith.index_cast %add3A_621 : i32 to index
          %get3A_658 = arith.constant 96 : index
          %get3A_659 = tpu.vector_load %arg14[%get3A_657, %get3A_658] {strides = array<i32>} : memref<512x128xf32, #tpu.memory_space<vmem>>, vector<1x16xf32>,
          %get3A_660 = vector.shape_cast %get3A_659 : vector<1x16xf32> to vector<16xf32>
          %mul3A_661 = arith.mulf %get3A_660, %get3A_148 : vector<16xf32>
          %add3A_662 = arith.addf %add3A_656, %mul3A_661 : vector<16xf32>
          %get3A_663 = arith.index_cast %add3A_621 : i32 to index
          %get3A_664 = arith.constant 112 : index
          %get3A_665 = tpu.vector_load %arg14[%get3A_663, %get3A_664] {strides = array<i32>} : memref<512x128xf32, #tpu.memory_space<vmem>>, vector<1x16xf32>,
          %get3A_666 = vector.shape_cast %get3A_665 : vector<1x16xf32> to vector<16xf32>
          %mul3A_667 = arith.mulf %get3A_666, %get3A_152 : vector<16xf32>
          %add3A_668 = arith.addf %add3A_662, %mul3A_667 : vector<16xf32>
          %iota3A_669 = tpu.iota {dimensions = array<i32: 0>} : vector<16xi32>
          %xor3A_670 = arith.constant 8 : i32
          %xor3A_671 = vector.broadcast %xor3A_670 : i32 to vector<16xi32>
          %xor3A_672 = arith.xori %iota3A_669, %xor3A_671 : vector<16xi32>
          %lt3A_673 = arith.constant 0 : i32
          %lt3A_674 = vector.broadcast %lt3A_673 : i32 to vector<16xi32>
          %lt3A_675 = arith.cmpi slt, %xor3A_672, %lt3A_674 : vector<16xi32>
          %add3A_676 = arith.constant 16 : i32
          %add3A_677 = vector.broadcast %add3A_676 : i32 to vector<16xi32>
          %add3A_678 = arith.addi %xor3A_672, %add3A_677 : vector<16xi32>
          %select_n3A_679 = arith.select %lt3A_675, %add3A_678, %xor3A_672 : vector<16xi1>, vector<16xi32>
          %broadcast_in_dim3A_680 = vector.shape_cast %select_n3A_679 : vector<16xi32> to vector<16x1xi32>
          %gather3A_681 = vector.shape_cast %broadcast_in_dim3A_680 : vector<16x1xi32> to vector<16xi32>
          %gather3A_682 = tpu.dynamic_gather %add3A_668[%gather3A_681] in [0] : vector<16xf32>, vector<16xi32> -> vector<16xf32>
          %add3A_683 = arith.addf %add3A_668, %gather3A_682 : vector<16xf32>
          %xor3A_684 = arith.constant 4 : i32
          %xor3A_685 = vector.broadcast %xor3A_684 : i32 to vector<16xi32>
          %xor3A_686 = arith.xori %iota3A_669, %xor3A_685 : vector<16xi32>
          %lt3A_687 = arith.constant 0 : i32
          %lt3A_688 = vector.broadcast %lt3A_687 : i32 to vector<16xi32>
          %lt3A_689 = arith.cmpi slt, %xor3A_686, %lt3A_688 : vector<16xi32>
          %add3A_690 = arith.constant 16 : i32
          %add3A_691 = vector.broadcast %add3A_690 : i32 to vector<16xi32>
          %add3A_692 = arith.addi %xor3A_686, %add3A_691 : vector<16xi32>
          %select_n3A_693 = arith.select %lt3A_689, %add3A_692, %xor3A_686 : vector<16xi1>, vector<16xi32>
          %broadcast_in_dim3A_694 = vector.shape_cast %select_n3A_693 : vector<16xi32> to vector<16x1xi32>
          %gather3A_695 = vector.shape_cast %broadcast_in_dim3A_694 : vector<16x1xi32> to vector<16xi32>
          %gather3A_696 = tpu.dynamic_gather %add3A_683[%gather3A_695] in [0] : vector<16xf32>, vector<16xi32> -> vector<16xf32>
          %add3A_697 = arith.addf %add3A_683, %gather3A_696 : vector<16xf32>
          %xor3A_698 = arith.constant 2 : i32
          %xor3A_699 = vector.broadcast %xor3A_698 : i32 to vector<16xi32>
          %xor3A_700 = arith.xori %iota3A_669, %xor3A_699 : vector<16xi32>
          %lt3A_701 = arith.constant 0 : i32
          %lt3A_702 = vector.broadcast %lt3A_701 : i32 to vector<16xi32>
          %lt3A_703 = arith.cmpi slt, %xor3A_700, %lt3A_702 : vector<16xi32>
          %add3A_704 = arith.constant 16 : i32
          %add3A_705 = vector.broadcast %add3A_704 : i32 to vector<16xi32>
          %add3A_706 = arith.addi %xor3A_700, %add3A_705 : vector<16xi32>
          %select_n3A_707 = arith.select %lt3A_703, %add3A_706, %xor3A_700 : vector<16xi1>, vector<16xi32>
          %broadcast_in_dim3A_708 = vector.shape_cast %select_n3A_707 : vector<16xi32> to vector<16x1xi32>
          %gather3A_709 = vector.shape_cast %broadcast_in_dim3A_708 : vector<16x1xi32> to vector<16xi32>
          %gather3A_710 = tpu.dynamic_gather %add3A_697[%gather3A_709] in [0] : vector<16xf32>, vector<16xi32> -> vector<16xf32>
          %add3A_711 = arith.addf %add3A_697, %gather3A_710 : vector<16xf32>
          %xor3A_712 = arith.constant 1 : i32
          %xor3A_713 = vector.broadcast %xor3A_712 : i32 to vector<16xi32>
          %xor3A_714 = arith.xori %iota3A_669, %xor3A_713 : vector<16xi32>
          %lt3A_715 = arith.constant 0 : i32
          %lt3A_716 = vector.broadcast %lt3A_715 : i32 to vector<16xi32>
          %lt3A_717 = arith.cmpi slt, %xor3A_714, %lt3A_716 : vector<16xi32>
          %add3A_718 = arith.constant 16 : i32
          %add3A_719 = vector.broadcast %add3A_718 : i32 to vector<16xi32>
          %add3A_720 = arith.addi %xor3A_714, %add3A_719 : vector<16xi32>
          %select_n3A_721 = arith.select %lt3A_717, %add3A_720, %xor3A_714 : vector<16xi1>, vector<16xi32>
          %broadcast_in_dim3A_722 = vector.shape_cast %select_n3A_721 : vector<16xi32> to vector<16x1xi32>
          %gather3A_723 = vector.shape_cast %broadcast_in_dim3A_722 : vector<16x1xi32> to vector<16xi32>
          %gather3A_724 = tpu.dynamic_gather %add3A_711[%gather3A_723] in [0] : vector<16xf32>, vector<16xi32> -> vector<16xf32>
          %add3A_725 = arith.addf %add3A_711, %gather3A_724 : vector<16xf32>
          %eq3A_726 = arith.constant 4 : i32
          %eq3A_727 = vector.broadcast %eq3A_726 : i32 to vector<16xi32>
          %eq3A_728 = arith.cmpi eq, %iota3A, %eq3A_727 : vector<16xi32>
          %select_n3A_729 = arith.select %eq3A_728, %add3A_725, %select_n3A_614 : vector<16xi1>, vector<16xf32>
          %mul3A_730 = arith.constant 64 : i32
          %mul3A_731 = arith.muli %scan3A_118, %mul3A_730 : i32
          %mul3A_732 = arith.constant 16 : i32
          %mul3A_733 = arith.muli %scan3A_158, %mul3A_732 : i32
          %add3A_734 = arith.addi %mul3A_731, %mul3A_733 : i32
          %add3A_735 = arith.constant 5 : i32
          %add3A_736 = arith.addi %add3A_734, %add3A_735 : i32
          %get3A_737 = arith.index_cast %add3A_736 : i32 to index
          %get3A_738 = arith.constant 0 : index
          %get3A_739 = tpu.vector_load %arg14[%get3A_737, %get3A_738] {strides = array<i32>} : memref<512x128xf32, #tpu.memory_space<vmem>>, vector<1x16xf32>,
          %get3A_740 = vector.shape_cast %get3A_739 : vector<1x16xf32> to vector<16xf32>
          %mul3A_741 = arith.mulf %get3A_740, %get3A_124 : vector<16xf32>
          %get3A_742 = arith.index_cast %add3A_736 : i32 to index
          %get3A_743 = arith.constant 16 : index
          %get3A_744 = tpu.vector_load %arg14[%get3A_742, %get3A_743] {strides = array<i32>} : memref<512x128xf32, #tpu.memory_space<vmem>>, vector<1x16xf32>,
          %get3A_745 = vector.shape_cast %get3A_744 : vector<1x16xf32> to vector<16xf32>
          %mul3A_746 = arith.mulf %get3A_745, %get3A_128 : vector<16xf32>
          %add3A_747 = arith.addf %mul3A_741, %mul3A_746 : vector<16xf32>
          %get3A_748 = arith.index_cast %add3A_736 : i32 to index
          %get3A_749 = arith.constant 32 : index
          %get3A_750 = tpu.vector_load %arg14[%get3A_748, %get3A_749] {strides = array<i32>} : memref<512x128xf32, #tpu.memory_space<vmem>>, vector<1x16xf32>,
          %get3A_751 = vector.shape_cast %get3A_750 : vector<1x16xf32> to vector<16xf32>
          %mul3A_752 = arith.mulf %get3A_751, %get3A_132 : vector<16xf32>
          %add3A_753 = arith.addf %add3A_747, %mul3A_752 : vector<16xf32>
          %get3A_754 = arith.index_cast %add3A_736 : i32 to index
          %get3A_755 = arith.constant 48 : index
          %get3A_756 = tpu.vector_load %arg14[%get3A_754, %get3A_755] {strides = array<i32>} : memref<512x128xf32, #tpu.memory_space<vmem>>, vector<1x16xf32>,
          %get3A_757 = vector.shape_cast %get3A_756 : vector<1x16xf32> to vector<16xf32>
          %mul3A_758 = arith.mulf %get3A_757, %get3A_136 : vector<16xf32>
          %add3A_759 = arith.addf %add3A_753, %mul3A_758 : vector<16xf32>
          %get3A_760 = arith.index_cast %add3A_736 : i32 to index
          %get3A_761 = arith.constant 64 : index
          %get3A_762 = tpu.vector_load %arg14[%get3A_760, %get3A_761] {strides = array<i32>} : memref<512x128xf32, #tpu.memory_space<vmem>>, vector<1x16xf32>,
          %get3A_763 = vector.shape_cast %get3A_762 : vector<1x16xf32> to vector<16xf32>
          %mul3A_764 = arith.mulf %get3A_763, %get3A_140 : vector<16xf32>
          %add3A_765 = arith.addf %add3A_759, %mul3A_764 : vector<16xf32>
          %get3A_766 = arith.index_cast %add3A_736 : i32 to index
          %get3A_767 = arith.constant 80 : index
          %get3A_768 = tpu.vector_load %arg14[%get3A_766, %get3A_767] {strides = array<i32>} : memref<512x128xf32, #tpu.memory_space<vmem>>, vector<1x16xf32>,
          %get3A_769 = vector.shape_cast %get3A_768 : vector<1x16xf32> to vector<16xf32>
          %mul3A_770 = arith.mulf %get3A_769, %get3A_144 : vector<16xf32>
          %add3A_771 = arith.addf %add3A_765, %mul3A_770 : vector<16xf32>
          %get3A_772 = arith.index_cast %add3A_736 : i32 to index
          %get3A_773 = arith.constant 96 : index
          %get3A_774 = tpu.vector_load %arg14[%get3A_772, %get3A_773] {strides = array<i32>} : memref<512x128xf32, #tpu.memory_space<vmem>>, vector<1x16xf32>,
          %get3A_775 = vector.shape_cast %get3A_774 : vector<1x16xf32> to vector<16xf32>
          %mul3A_776 = arith.mulf %get3A_775, %get3A_148 : vector<16xf32>
          %add3A_777 = arith.addf %add3A_771, %mul3A_776 : vector<16xf32>
          %get3A_778 = arith.index_cast %add3A_736 : i32 to index
          %get3A_779 = arith.constant 112 : index
          %get3A_780 = tpu.vector_load %arg14[%get3A_778, %get3A_779] {strides = array<i32>} : memref<512x128xf32, #tpu.memory_space<vmem>>, vector<1x16xf32>,
          %get3A_781 = vector.shape_cast %get3A_780 : vector<1x16xf32> to vector<16xf32>
          %mul3A_782 = arith.mulf %get3A_781, %get3A_152 : vector<16xf32>
          %add3A_783 = arith.addf %add3A_777, %mul3A_782 : vector<16xf32>
          %iota3A_784 = tpu.iota {dimensions = array<i32: 0>} : vector<16xi32>
          %xor3A_785 = arith.constant 8 : i32
          %xor3A_786 = vector.broadcast %xor3A_785 : i32 to vector<16xi32>
          %xor3A_787 = arith.xori %iota3A_784, %xor3A_786 : vector<16xi32>
          %lt3A_788 = arith.constant 0 : i32
          %lt3A_789 = vector.broadcast %lt3A_788 : i32 to vector<16xi32>
          %lt3A_790 = arith.cmpi slt, %xor3A_787, %lt3A_789 : vector<16xi32>
          %add3A_791 = arith.constant 16 : i32
          %add3A_792 = vector.broadcast %add3A_791 : i32 to vector<16xi32>
          %add3A_793 = arith.addi %xor3A_787, %add3A_792 : vector<16xi32>
          %select_n3A_794 = arith.select %lt3A_790, %add3A_793, %xor3A_787 : vector<16xi1>, vector<16xi32>
          %broadcast_in_dim3A_795 = vector.shape_cast %select_n3A_794 : vector<16xi32> to vector<16x1xi32>
          %gather3A_796 = vector.shape_cast %broadcast_in_dim3A_795 : vector<16x1xi32> to vector<16xi32>
          %gather3A_797 = tpu.dynamic_gather %add3A_783[%gather3A_796] in [0] : vector<16xf32>, vector<16xi32> -> vector<16xf32>
          %add3A_798 = arith.addf %add3A_783, %gather3A_797 : vector<16xf32>
          %xor3A_799 = arith.constant 4 : i32
          %xor3A_800 = vector.broadcast %xor3A_799 : i32 to vector<16xi32>
          %xor3A_801 = arith.xori %iota3A_784, %xor3A_800 : vector<16xi32>
          %lt3A_802 = arith.constant 0 : i32
          %lt3A_803 = vector.broadcast %lt3A_802 : i32 to vector<16xi32>
          %lt3A_804 = arith.cmpi slt, %xor3A_801, %lt3A_803 : vector<16xi32>
          %add3A_805 = arith.constant 16 : i32
          %add3A_806 = vector.broadcast %add3A_805 : i32 to vector<16xi32>
          %add3A_807 = arith.addi %xor3A_801, %add3A_806 : vector<16xi32>
          %select_n3A_808 = arith.select %lt3A_804, %add3A_807, %xor3A_801 : vector<16xi1>, vector<16xi32>
          %broadcast_in_dim3A_809 = vector.shape_cast %select_n3A_808 : vector<16xi32> to vector<16x1xi32>
          %gather3A_810 = vector.shape_cast %broadcast_in_dim3A_809 : vector<16x1xi32> to vector<16xi32>
          %gather3A_811 = tpu.dynamic_gather %add3A_798[%gather3A_810] in [0] : vector<16xf32>, vector<16xi32> -> vector<16xf32>
          %add3A_812 = arith.addf %add3A_798, %gather3A_811 : vector<16xf32>
          %xor3A_813 = arith.constant 2 : i32
          %xor3A_814 = vector.broadcast %xor3A_813 : i32 to vector<16xi32>
          %xor3A_815 = arith.xori %iota3A_784, %xor3A_814 : vector<16xi32>
          %lt3A_816 = arith.constant 0 : i32
          %lt3A_817 = vector.broadcast %lt3A_816 : i32 to vector<16xi32>
          %lt3A_818 = arith.cmpi slt, %xor3A_815, %lt3A_817 : vector<16xi32>
          %add3A_819 = arith.constant 16 : i32
          %add3A_820 = vector.broadcast %add3A_819 : i32 to vector<16xi32>
          %add3A_821 = arith.addi %xor3A_815, %add3A_820 : vector<16xi32>
          %select_n3A_822 = arith.select %lt3A_818, %add3A_821, %xor3A_815 : vector<16xi1>, vector<16xi32>
          %broadcast_in_dim3A_823 = vector.shape_cast %select_n3A_822 : vector<16xi32> to vector<16x1xi32>
          %gather3A_824 = vector.shape_cast %broadcast_in_dim3A_823 : vector<16x1xi32> to vector<16xi32>
          %gather3A_825 = tpu.dynamic_gather %add3A_812[%gather3A_824] in [0] : vector<16xf32>, vector<16xi32> -> vector<16xf32>
          %add3A_826 = arith.addf %add3A_812, %gather3A_825 : vector<16xf32>
          %xor3A_827 = arith.constant 1 : i32
          %xor3A_828 = vector.broadcast %xor3A_827 : i32 to vector<16xi32>
          %xor3A_829 = arith.xori %iota3A_784, %xor3A_828 : vector<16xi32>
          %lt3A_830 = arith.constant 0 : i32
          %lt3A_831 = vector.broadcast %lt3A_830 : i32 to vector<16xi32>
          %lt3A_832 = arith.cmpi slt, %xor3A_829, %lt3A_831 : vector<16xi32>
          %add3A_833 = arith.constant 16 : i32
          %add3A_834 = vector.broadcast %add3A_833 : i32 to vector<16xi32>
          %add3A_835 = arith.addi %xor3A_829, %add3A_834 : vector<16xi32>
          %select_n3A_836 = arith.select %lt3A_832, %add3A_835, %xor3A_829 : vector<16xi1>, vector<16xi32>
          %broadcast_in_dim3A_837 = vector.shape_cast %select_n3A_836 : vector<16xi32> to vector<16x1xi32>
          %gather3A_838 = vector.shape_cast %broadcast_in_dim3A_837 : vector<16x1xi32> to vector<16xi32>
          %gather3A_839 = tpu.dynamic_gather %add3A_826[%gather3A_838] in [0] : vector<16xf32>, vector<16xi32> -> vector<16xf32>
          %add3A_840 = arith.addf %add3A_826, %gather3A_839 : vector<16xf32>
          %eq3A_841 = arith.constant 5 : i32
          %eq3A_842 = vector.broadcast %eq3A_841 : i32 to vector<16xi32>
          %eq3A_843 = arith.cmpi eq, %iota3A, %eq3A_842 : vector<16xi32>
          %select_n3A_844 = arith.select %eq3A_843, %add3A_840, %select_n3A_729 : vector<16xi1>, vector<16xf32>
          %mul3A_845 = arith.constant 64 : i32
          %mul3A_846 = arith.muli %scan3A_118, %mul3A_845 : i32
          %mul3A_847 = arith.constant 16 : i32
          %mul3A_848 = arith.muli %scan3A_158, %mul3A_847 : i32
          %add3A_849 = arith.addi %mul3A_846, %mul3A_848 : i32
          %add3A_850 = arith.constant 6 : i32
          %add3A_851 = arith.addi %add3A_849, %add3A_850 : i32
          %get3A_852 = arith.index_cast %add3A_851 : i32 to index
          %get3A_853 = arith.constant 0 : index
          %get3A_854 = tpu.vector_load %arg14[%get3A_852, %get3A_853] {strides = array<i32>} : memref<512x128xf32, #tpu.memory_space<vmem>>, vector<1x16xf32>,
          %get3A_855 = vector.shape_cast %get3A_854 : vector<1x16xf32> to vector<16xf32>
          %mul3A_856 = arith.mulf %get3A_855, %get3A_124 : vector<16xf32>
          %get3A_857 = arith.index_cast %add3A_851 : i32 to index
          %get3A_858 = arith.constant 16 : index
          %get3A_859 = tpu.vector_load %arg14[%get3A_857, %get3A_858] {strides = array<i32>} : memref<512x128xf32, #tpu.memory_space<vmem>>, vector<1x16xf32>,
          %get3A_860 = vector.shape_cast %get3A_859 : vector<1x16xf32> to vector<16xf32>
          %mul3A_861 = arith.mulf %get3A_860, %get3A_128 : vector<16xf32>
          %add3A_862 = arith.addf %mul3A_856, %mul3A_861 : vector<16xf32>
          %get3A_863 = arith.index_cast %add3A_851 : i32 to index
          %get3A_864 = arith.constant 32 : index
          %get3A_865 = tpu.vector_load %arg14[%get3A_863, %get3A_864] {strides = array<i32>} : memref<512x128xf32, #tpu.memory_space<vmem>>, vector<1x16xf32>,
          %get3A_866 = vector.shape_cast %get3A_865 : vector<1x16xf32> to vector<16xf32>
          %mul3A_867 = arith.mulf %get3A_866, %get3A_132 : vector<16xf32>
          %add3A_868 = arith.addf %add3A_862, %mul3A_867 : vector<16xf32>
          %get3A_869 = arith.index_cast %add3A_851 : i32 to index
          %get3A_870 = arith.constant 48 : index
          %get3A_871 = tpu.vector_load %arg14[%get3A_869, %get3A_870] {strides = array<i32>} : memref<512x128xf32, #tpu.memory_space<vmem>>, vector<1x16xf32>,
          %get3A_872 = vector.shape_cast %get3A_871 : vector<1x16xf32> to vector<16xf32>
          %mul3A_873 = arith.mulf %get3A_872, %get3A_136 : vector<16xf32>
          %add3A_874 = arith.addf %add3A_868, %mul3A_873 : vector<16xf32>
          %get3A_875 = arith.index_cast %add3A_851 : i32 to index
          %get3A_876 = arith.constant 64 : index
          %get3A_877 = tpu.vector_load %arg14[%get3A_875, %get3A_876] {strides = array<i32>} : memref<512x128xf32, #tpu.memory_space<vmem>>, vector<1x16xf32>,
          %get3A_878 = vector.shape_cast %get3A_877 : vector<1x16xf32> to vector<16xf32>
          %mul3A_879 = arith.mulf %get3A_878, %get3A_140 : vector<16xf32>
          %add3A_880 = arith.addf %add3A_874, %mul3A_879 : vector<16xf32>
          %get3A_881 = arith.index_cast %add3A_851 : i32 to index
          %get3A_882 = arith.constant 80 : index
          %get3A_883 = tpu.vector_load %arg14[%get3A_881, %get3A_882] {strides = array<i32>} : memref<512x128xf32, #tpu.memory_space<vmem>>, vector<1x16xf32>,
          %get3A_884 = vector.shape_cast %get3A_883 : vector<1x16xf32> to vector<16xf32>
          %mul3A_885 = arith.mulf %get3A_884, %get3A_144 : vector<16xf32>
          %add3A_886 = arith.addf %add3A_880, %mul3A_885 : vector<16xf32>
          %get3A_887 = arith.index_cast %add3A_851 : i32 to index
          %get3A_888 = arith.constant 96 : index
          %get3A_889 = tpu.vector_load %arg14[%get3A_887, %get3A_888] {strides = array<i32>} : memref<512x128xf32, #tpu.memory_space<vmem>>, vector<1x16xf32>,
          %get3A_890 = vector.shape_cast %get3A_889 : vector<1x16xf32> to vector<16xf32>
          %mul3A_891 = arith.mulf %get3A_890, %get3A_148 : vector<16xf32>
          %add3A_892 = arith.addf %add3A_886, %mul3A_891 : vector<16xf32>
          %get3A_893 = arith.index_cast %add3A_851 : i32 to index
          %get3A_894 = arith.constant 112 : index
          %get3A_895 = tpu.vector_load %arg14[%get3A_893, %get3A_894] {strides = array<i32>} : memref<512x128xf32, #tpu.memory_space<vmem>>, vector<1x16xf32>,
          %get3A_896 = vector.shape_cast %get3A_895 : vector<1x16xf32> to vector<16xf32>
          %mul3A_897 = arith.mulf %get3A_896, %get3A_152 : vector<16xf32>
          %add3A_898 = arith.addf %add3A_892, %mul3A_897 : vector<16xf32>
          %iota3A_899 = tpu.iota {dimensions = array<i32: 0>} : vector<16xi32>
          %xor3A_900 = arith.constant 8 : i32
          %xor3A_901 = vector.broadcast %xor3A_900 : i32 to vector<16xi32>
          %xor3A_902 = arith.xori %iota3A_899, %xor3A_901 : vector<16xi32>
          %lt3A_903 = arith.constant 0 : i32
          %lt3A_904 = vector.broadcast %lt3A_903 : i32 to vector<16xi32>
          %lt3A_905 = arith.cmpi slt, %xor3A_902, %lt3A_904 : vector<16xi32>
          %add3A_906 = arith.constant 16 : i32
          %add3A_907 = vector.broadcast %add3A_906 : i32 to vector<16xi32>
          %add3A_908 = arith.addi %xor3A_902, %add3A_907 : vector<16xi32>
          %select_n3A_909 = arith.select %lt3A_905, %add3A_908, %xor3A_902 : vector<16xi1>, vector<16xi32>
          %broadcast_in_dim3A_910 = vector.shape_cast %select_n3A_909 : vector<16xi32> to vector<16x1xi32>
          %gather3A_911 = vector.shape_cast %broadcast_in_dim3A_910 : vector<16x1xi32> to vector<16xi32>
          %gather3A_912 = tpu.dynamic_gather %add3A_898[%gather3A_911] in [0] : vector<16xf32>, vector<16xi32> -> vector<16xf32>
          %add3A_913 = arith.addf %add3A_898, %gather3A_912 : vector<16xf32>
          %xor3A_914 = arith.constant 4 : i32
          %xor3A_915 = vector.broadcast %xor3A_914 : i32 to vector<16xi32>
          %xor3A_916 = arith.xori %iota3A_899, %xor3A_915 : vector<16xi32>
          %lt3A_917 = arith.constant 0 : i32
          %lt3A_918 = vector.broadcast %lt3A_917 : i32 to vector<16xi32>
          %lt3A_919 = arith.cmpi slt, %xor3A_916, %lt3A_918 : vector<16xi32>
          %add3A_920 = arith.constant 16 : i32
          %add3A_921 = vector.broadcast %add3A_920 : i32 to vector<16xi32>
          %add3A_922 = arith.addi %xor3A_916, %add3A_921 : vector<16xi32>
          %select_n3A_923 = arith.select %lt3A_919, %add3A_922, %xor3A_916 : vector<16xi1>, vector<16xi32>
          %broadcast_in_dim3A_924 = vector.shape_cast %select_n3A_923 : vector<16xi32> to vector<16x1xi32>
          %gather3A_925 = vector.shape_cast %broadcast_in_dim3A_924 : vector<16x1xi32> to vector<16xi32>
          %gather3A_926 = tpu.dynamic_gather %add3A_913[%gather3A_925] in [0] : vector<16xf32>, vector<16xi32> -> vector<16xf32>
          %add3A_927 = arith.addf %add3A_913, %gather3A_926 : vector<16xf32>
          %xor3A_928 = arith.constant 2 : i32
          %xor3A_929 = vector.broadcast %xor3A_928 : i32 to vector<16xi32>
          %xor3A_930 = arith.xori %iota3A_899, %xor3A_929 : vector<16xi32>
          %lt3A_931 = arith.constant 0 : i32
          %lt3A_932 = vector.broadcast %lt3A_931 : i32 to vector<16xi32>
          %lt3A_933 = arith.cmpi slt, %xor3A_930, %lt3A_932 : vector<16xi32>
          %add3A_934 = arith.constant 16 : i32
          %add3A_935 = vector.broadcast %add3A_934 : i32 to vector<16xi32>
          %add3A_936 = arith.addi %xor3A_930, %add3A_935 : vector<16xi32>
          %select_n3A_937 = arith.select %lt3A_933, %add3A_936, %xor3A_930 : vector<16xi1>, vector<16xi32>
          %broadcast_in_dim3A_938 = vector.shape_cast %select_n3A_937 : vector<16xi32> to vector<16x1xi32>
          %gather3A_939 = vector.shape_cast %broadcast_in_dim3A_938 : vector<16x1xi32> to vector<16xi32>
          %gather3A_940 = tpu.dynamic_gather %add3A_927[%gather3A_939] in [0] : vector<16xf32>, vector<16xi32> -> vector<16xf32>
          %add3A_941 = arith.addf %add3A_927, %gather3A_940 : vector<16xf32>
          %xor3A_942 = arith.constant 1 : i32
          %xor3A_943 = vector.broadcast %xor3A_942 : i32 to vector<16xi32>
          %xor3A_944 = arith.xori %iota3A_899, %xor3A_943 : vector<16xi32>
          %lt3A_945 = arith.constant 0 : i32
          %lt3A_946 = vector.broadcast %lt3A_945 : i32 to vector<16xi32>
          %lt3A_947 = arith.cmpi slt, %xor3A_944, %lt3A_946 : vector<16xi32>
          %add3A_948 = arith.constant 16 : i32
          %add3A_949 = vector.broadcast %add3A_948 : i32 to vector<16xi32>
          %add3A_950 = arith.addi %xor3A_944, %add3A_949 : vector<16xi32>
          %select_n3A_951 = arith.select %lt3A_947, %add3A_950, %xor3A_944 : vector<16xi1>, vector<16xi32>
          %broadcast_in_dim3A_952 = vector.shape_cast %select_n3A_951 : vector<16xi32> to vector<16x1xi32>
          %gather3A_953 = vector.shape_cast %broadcast_in_dim3A_952 : vector<16x1xi32> to vector<16xi32>
          %gather3A_954 = tpu.dynamic_gather %add3A_941[%gather3A_953] in [0] : vector<16xf32>, vector<16xi32> -> vector<16xf32>
          %add3A_955 = arith.addf %add3A_941, %gather3A_954 : vector<16xf32>
          %eq3A_956 = arith.constant 6 : i32
          %eq3A_957 = vector.broadcast %eq3A_956 : i32 to vector<16xi32>
          %eq3A_958 = arith.cmpi eq, %iota3A, %eq3A_957 : vector<16xi32>
          %select_n3A_959 = arith.select %eq3A_958, %add3A_955, %select_n3A_844 : vector<16xi1>, vector<16xf32>
          %mul3A_960 = arith.constant 64 : i32
          %mul3A_961 = arith.muli %scan3A_118, %mul3A_960 : i32
          %mul3A_962 = arith.constant 16 : i32
          %mul3A_963 = arith.muli %scan3A_158, %mul3A_962 : i32
          %add3A_964 = arith.addi %mul3A_961, %mul3A_963 : i32
          %add3A_965 = arith.constant 7 : i32
          %add3A_966 = arith.addi %add3A_964, %add3A_965 : i32
          %get3A_967 = arith.index_cast %add3A_966 : i32 to index
          %get3A_968 = arith.constant 0 : index
          %get3A_969 = tpu.vector_load %arg14[%get3A_967, %get3A_968] {strides = array<i32>} : memref<512x128xf32, #tpu.memory_space<vmem>>, vector<1x16xf32>,
          %get3A_970 = vector.shape_cast %get3A_969 : vector<1x16xf32> to vector<16xf32>
          %mul3A_971 = arith.mulf %get3A_970, %get3A_124 : vector<16xf32>
          %get3A_972 = arith.index_cast %add3A_966 : i32 to index
          %get3A_973 = arith.constant 16 : index
          %get3A_974 = tpu.vector_load %arg14[%get3A_972, %get3A_973] {strides = array<i32>} : memref<512x128xf32, #tpu.memory_space<vmem>>, vector<1x16xf32>,
          %get3A_975 = vector.shape_cast %get3A_974 : vector<1x16xf32> to vector<16xf32>
          %mul3A_976 = arith.mulf %get3A_975, %get3A_128 : vector<16xf32>
          %add3A_977 = arith.addf %mul3A_971, %mul3A_976 : vector<16xf32>
          %get3A_978 = arith.index_cast %add3A_966 : i32 to index
          %get3A_979 = arith.constant 32 : index
          %get3A_980 = tpu.vector_load %arg14[%get3A_978, %get3A_979] {strides = array<i32>} : memref<512x128xf32, #tpu.memory_space<vmem>>, vector<1x16xf32>,
          %get3A_981 = vector.shape_cast %get3A_980 : vector<1x16xf32> to vector<16xf32>
          %mul3A_982 = arith.mulf %get3A_981, %get3A_132 : vector<16xf32>
          %add3A_983 = arith.addf %add3A_977, %mul3A_982 : vector<16xf32>
          %get3A_984 = arith.index_cast %add3A_966 : i32 to index
          %get3A_985 = arith.constant 48 : index
          %get3A_986 = tpu.vector_load %arg14[%get3A_984, %get3A_985] {strides = array<i32>} : memref<512x128xf32, #tpu.memory_space<vmem>>, vector<1x16xf32>,
          %get3A_987 = vector.shape_cast %get3A_986 : vector<1x16xf32> to vector<16xf32>
          %mul3A_988 = arith.mulf %get3A_987, %get3A_136 : vector<16xf32>
          %add3A_989 = arith.addf %add3A_983, %mul3A_988 : vector<16xf32>
          %get3A_990 = arith.index_cast %add3A_966 : i32 to index
          %get3A_991 = arith.constant 64 : index
          %get3A_992 = tpu.vector_load %arg14[%get3A_990, %get3A_991] {strides = array<i32>} : memref<512x128xf32, #tpu.memory_space<vmem>>, vector<1x16xf32>,
          %get3A_993 = vector.shape_cast %get3A_992 : vector<1x16xf32> to vector<16xf32>
          %mul3A_994 = arith.mulf %get3A_993, %get3A_140 : vector<16xf32>
          %add3A_995 = arith.addf %add3A_989, %mul3A_994 : vector<16xf32>
          %get3A_996 = arith.index_cast %add3A_966 : i32 to index
          %get3A_997 = arith.constant 80 : index
          %get3A_998 = tpu.vector_load %arg14[%get3A_996, %get3A_997] {strides = array<i32>} : memref<512x128xf32, #tpu.memory_space<vmem>>, vector<1x16xf32>,
          %get3A_999 = vector.shape_cast %get3A_998 : vector<1x16xf32> to vector<16xf32>
          %mul3A_1000 = arith.mulf %get3A_999, %get3A_144 : vector<16xf32>
          %add3A_1001 = arith.addf %add3A_995, %mul3A_1000 : vector<16xf32>
          %get3A_1002 = arith.index_cast %add3A_966 : i32 to index
          %get3A_1003 = arith.constant 96 : index
          %get3A_1004 = tpu.vector_load %arg14[%get3A_1002, %get3A_1003] {strides = array<i32>} : memref<512x128xf32, #tpu.memory_space<vmem>>, vector<1x16xf32>,
          %get3A_1005 = vector.shape_cast %get3A_1004 : vector<1x16xf32> to vector<16xf32>
          %mul3A_1006 = arith.mulf %get3A_1005, %get3A_148 : vector<16xf32>
          %add3A_1007 = arith.addf %add3A_1001, %mul3A_1006 : vector<16xf32>
          %get3A_1008 = arith.index_cast %add3A_966 : i32 to index
          %get3A_1009 = arith.constant 112 : index
          %get3A_1010 = tpu.vector_load %arg14[%get3A_1008, %get3A_1009] {strides = array<i32>} : memref<512x128xf32, #tpu.memory_space<vmem>>, vector<1x16xf32>,
          %get3A_1011 = vector.shape_cast %get3A_1010 : vector<1x16xf32> to vector<16xf32>
          %mul3A_1012 = arith.mulf %get3A_1011, %get3A_152 : vector<16xf32>
          %add3A_1013 = arith.addf %add3A_1007, %mul3A_1012 : vector<16xf32>
          %iota3A_1014 = tpu.iota {dimensions = array<i32: 0>} : vector<16xi32>
          %xor3A_1015 = arith.constant 8 : i32
          %xor3A_1016 = vector.broadcast %xor3A_1015 : i32 to vector<16xi32>
          %xor3A_1017 = arith.xori %iota3A_1014, %xor3A_1016 : vector<16xi32>
          %lt3A_1018 = arith.constant 0 : i32
          %lt3A_1019 = vector.broadcast %lt3A_1018 : i32 to vector<16xi32>
          %lt3A_1020 = arith.cmpi slt, %xor3A_1017, %lt3A_1019 : vector<16xi32>
          %add3A_1021 = arith.constant 16 : i32
          %add3A_1022 = vector.broadcast %add3A_1021 : i32 to vector<16xi32>
          %add3A_1023 = arith.addi %xor3A_1017, %add3A_1022 : vector<16xi32>
          %select_n3A_1024 = arith.select %lt3A_1020, %add3A_1023, %xor3A_1017 : vector<16xi1>, vector<16xi32>
          %broadcast_in_dim3A_1025 = vector.shape_cast %select_n3A_1024 : vector<16xi32> to vector<16x1xi32>
          %gather3A_1026 = vector.shape_cast %broadcast_in_dim3A_1025 : vector<16x1xi32> to vector<16xi32>
          %gather3A_1027 = tpu.dynamic_gather %add3A_1013[%gather3A_1026] in [0] : vector<16xf32>, vector<16xi32> -> vector<16xf32>
          %add3A_1028 = arith.addf %add3A_1013, %gather3A_1027 : vector<16xf32>
          %xor3A_1029 = arith.constant 4 : i32
          %xor3A_1030 = vector.broadcast %xor3A_1029 : i32 to vector<16xi32>
          %xor3A_1031 = arith.xori %iota3A_1014, %xor3A_1030 : vector<16xi32>
          %lt3A_1032 = arith.constant 0 : i32
          %lt3A_1033 = vector.broadcast %lt3A_1032 : i32 to vector<16xi32>
          %lt3A_1034 = arith.cmpi slt, %xor3A_1031, %lt3A_1033 : vector<16xi32>
          %add3A_1035 = arith.constant 16 : i32
          %add3A_1036 = vector.broadcast %add3A_1035 : i32 to vector<16xi32>
          %add3A_1037 = arith.addi %xor3A_1031, %add3A_1036 : vector<16xi32>
          %select_n3A_1038 = arith.select %lt3A_1034, %add3A_1037, %xor3A_1031 : vector<16xi1>, vector<16xi32>
          %broadcast_in_dim3A_1039 = vector.shape_cast %select_n3A_1038 : vector<16xi32> to vector<16x1xi32>
          %gather3A_1040 = vector.shape_cast %broadcast_in_dim3A_1039 : vector<16x1xi32> to vector<16xi32>
          %gather3A_1041 = tpu.dynamic_gather %add3A_1028[%gather3A_1040] in [0] : vector<16xf32>, vector<16xi32> -> vector<16xf32>
          %add3A_1042 = arith.addf %add3A_1028, %gather3A_1041 : vector<16xf32>
          %xor3A_1043 = arith.constant 2 : i32
          %xor3A_1044 = vector.broadcast %xor3A_1043 : i32 to vector<16xi32>
          %xor3A_1045 = arith.xori %iota3A_1014, %xor3A_1044 : vector<16xi32>
          %lt3A_1046 = arith.constant 0 : i32
          %lt3A_1047 = vector.broadcast %lt3A_1046 : i32 to vector<16xi32>
          %lt3A_1048 = arith.cmpi slt, %xor3A_1045, %lt3A_1047 : vector<16xi32>
          %add3A_1049 = arith.constant 16 : i32
          %add3A_1050 = vector.broadcast %add3A_1049 : i32 to vector<16xi32>
          %add3A_1051 = arith.addi %xor3A_1045, %add3A_1050 : vector<16xi32>
          %select_n3A_1052 = arith.select %lt3A_1048, %add3A_1051, %xor3A_1045 : vector<16xi1>, vector<16xi32>
          %broadcast_in_dim3A_1053 = vector.shape_cast %select_n3A_1052 : vector<16xi32> to vector<16x1xi32>
          %gather3A_1054 = vector.shape_cast %broadcast_in_dim3A_1053 : vector<16x1xi32> to vector<16xi32>
          %gather3A_1055 = tpu.dynamic_gather %add3A_1042[%gather3A_1054] in [0] : vector<16xf32>, vector<16xi32> -> vector<16xf32>
          %add3A_1056 = arith.addf %add3A_1042, %gather3A_1055 : vector<16xf32>
          %xor3A_1057 = arith.constant 1 : i32
          %xor3A_1058 = vector.broadcast %xor3A_1057 : i32 to vector<16xi32>
          %xor3A_1059 = arith.xori %iota3A_1014, %xor3A_1058 : vector<16xi32>
          %lt3A_1060 = arith.constant 0 : i32
          %lt3A_1061 = vector.broadcast %lt3A_1060 : i32 to vector<16xi32>
          %lt3A_1062 = arith.cmpi slt, %xor3A_1059, %lt3A_1061 : vector<16xi32>
          %add3A_1063 = arith.constant 16 : i32
          %add3A_1064 = vector.broadcast %add3A_1063 : i32 to vector<16xi32>
          %add3A_1065 = arith.addi %xor3A_1059, %add3A_1064 : vector<16xi32>
          %select_n3A_1066 = arith.select %lt3A_1062, %add3A_1065, %xor3A_1059 : vector<16xi1>, vector<16xi32>
          %broadcast_in_dim3A_1067 = vector.shape_cast %select_n3A_1066 : vector<16xi32> to vector<16x1xi32>
          %gather3A_1068 = vector.shape_cast %broadcast_in_dim3A_1067 : vector<16x1xi32> to vector<16xi32>
          %gather3A_1069 = tpu.dynamic_gather %add3A_1056[%gather3A_1068] in [0] : vector<16xf32>, vector<16xi32> -> vector<16xf32>
          %add3A_1070 = arith.addf %add3A_1056, %gather3A_1069 : vector<16xf32>
          %eq3A_1071 = arith.constant 7 : i32
          %eq3A_1072 = vector.broadcast %eq3A_1071 : i32 to vector<16xi32>
          %eq3A_1073 = arith.cmpi eq, %iota3A, %eq3A_1072 : vector<16xi32>
          %select_n3A_1074 = arith.select %eq3A_1073, %add3A_1070, %select_n3A_959 : vector<16xi1>, vector<16xf32>
          %mul3A_1075 = arith.constant 64 : i32
          %mul3A_1076 = arith.muli %scan3A_118, %mul3A_1075 : i32
          %mul3A_1077 = arith.constant 16 : i32
          %mul3A_1078 = arith.muli %scan3A_158, %mul3A_1077 : i32
          %add3A_1079 = arith.addi %mul3A_1076, %mul3A_1078 : i32
          %add3A_1080 = arith.constant 8 : i32
          %add3A_1081 = arith.addi %add3A_1079, %add3A_1080 : i32
          %get3A_1082 = arith.index_cast %add3A_1081 : i32 to index
          %get3A_1083 = arith.constant 0 : index
          %get3A_1084 = tpu.vector_load %arg14[%get3A_1082, %get3A_1083] {strides = array<i32>} : memref<512x128xf32, #tpu.memory_space<vmem>>, vector<1x16xf32>,
          %get3A_1085 = vector.shape_cast %get3A_1084 : vector<1x16xf32> to vector<16xf32>
          %mul3A_1086 = arith.mulf %get3A_1085, %get3A_124 : vector<16xf32>
          %get3A_1087 = arith.index_cast %add3A_1081 : i32 to index
          %get3A_1088 = arith.constant 16 : index
          %get3A_1089 = tpu.vector_load %arg14[%get3A_1087, %get3A_1088] {strides = array<i32>} : memref<512x128xf32, #tpu.memory_space<vmem>>, vector<1x16xf32>,
          %get3A_1090 = vector.shape_cast %get3A_1089 : vector<1x16xf32> to vector<16xf32>
          %mul3A_1091 = arith.mulf %get3A_1090, %get3A_128 : vector<16xf32>
          %add3A_1092 = arith.addf %mul3A_1086, %mul3A_1091 : vector<16xf32>
          %get3A_1093 = arith.index_cast %add3A_1081 : i32 to index
          %get3A_1094 = arith.constant 32 : index
          %get3A_1095 = tpu.vector_load %arg14[%get3A_1093, %get3A_1094] {strides = array<i32>} : memref<512x128xf32, #tpu.memory_space<vmem>>, vector<1x16xf32>,
          %get3A_1096 = vector.shape_cast %get3A_1095 : vector<1x16xf32> to vector<16xf32>
          %mul3A_1097 = arith.mulf %get3A_1096, %get3A_132 : vector<16xf32>
          %add3A_1098 = arith.addf %add3A_1092, %mul3A_1097 : vector<16xf32>
          %get3A_1099 = arith.index_cast %add3A_1081 : i32 to index
          %get3A_1100 = arith.constant 48 : index
          %get3A_1101 = tpu.vector_load %arg14[%get3A_1099, %get3A_1100] {strides = array<i32>} : memref<512x128xf32, #tpu.memory_space<vmem>>, vector<1x16xf32>,
          %get3A_1102 = vector.shape_cast %get3A_1101 : vector<1x16xf32> to vector<16xf32>
          %mul3A_1103 = arith.mulf %get3A_1102, %get3A_136 : vector<16xf32>
          %add3A_1104 = arith.addf %add3A_1098, %mul3A_1103 : vector<16xf32>
          %get3A_1105 = arith.index_cast %add3A_1081 : i32 to index
          %get3A_1106 = arith.constant 64 : index
          %get3A_1107 = tpu.vector_load %arg14[%get3A_1105, %get3A_1106] {strides = array<i32>} : memref<512x128xf32, #tpu.memory_space<vmem>>, vector<1x16xf32>,
          %get3A_1108 = vector.shape_cast %get3A_1107 : vector<1x16xf32> to vector<16xf32>
          %mul3A_1109 = arith.mulf %get3A_1108, %get3A_140 : vector<16xf32>
          %add3A_1110 = arith.addf %add3A_1104, %mul3A_1109 : vector<16xf32>
          %get3A_1111 = arith.index_cast %add3A_1081 : i32 to index
          %get3A_1112 = arith.constant 80 : index
          %get3A_1113 = tpu.vector_load %arg14[%get3A_1111, %get3A_1112] {strides = array<i32>} : memref<512x128xf32, #tpu.memory_space<vmem>>, vector<1x16xf32>,
          %get3A_1114 = vector.shape_cast %get3A_1113 : vector<1x16xf32> to vector<16xf32>
          %mul3A_1115 = arith.mulf %get3A_1114, %get3A_144 : vector<16xf32>
          %add3A_1116 = arith.addf %add3A_1110, %mul3A_1115 : vector<16xf32>
          %get3A_1117 = arith.index_cast %add3A_1081 : i32 to index
          %get3A_1118 = arith.constant 96 : index
          %get3A_1119 = tpu.vector_load %arg14[%get3A_1117, %get3A_1118] {strides = array<i32>} : memref<512x128xf32, #tpu.memory_space<vmem>>, vector<1x16xf32>,
          %get3A_1120 = vector.shape_cast %get3A_1119 : vector<1x16xf32> to vector<16xf32>
          %mul3A_1121 = arith.mulf %get3A_1120, %get3A_148 : vector<16xf32>
          %add3A_1122 = arith.addf %add3A_1116, %mul3A_1121 : vector<16xf32>
          %get3A_1123 = arith.index_cast %add3A_1081 : i32 to index
          %get3A_1124 = arith.constant 112 : index
          %get3A_1125 = tpu.vector_load %arg14[%get3A_1123, %get3A_1124] {strides = array<i32>} : memref<512x128xf32, #tpu.memory_space<vmem>>, vector<1x16xf32>,
          %get3A_1126 = vector.shape_cast %get3A_1125 : vector<1x16xf32> to vector<16xf32>
          %mul3A_1127 = arith.mulf %get3A_1126, %get3A_152 : vector<16xf32>
          %add3A_1128 = arith.addf %add3A_1122, %mul3A_1127 : vector<16xf32>
          %iota3A_1129 = tpu.iota {dimensions = array<i32: 0>} : vector<16xi32>
          %xor3A_1130 = arith.constant 8 : i32
          %xor3A_1131 = vector.broadcast %xor3A_1130 : i32 to vector<16xi32>
          %xor3A_1132 = arith.xori %iota3A_1129, %xor3A_1131 : vector<16xi32>
          %lt3A_1133 = arith.constant 0 : i32
          %lt3A_1134 = vector.broadcast %lt3A_1133 : i32 to vector<16xi32>
          %lt3A_1135 = arith.cmpi slt, %xor3A_1132, %lt3A_1134 : vector<16xi32>
          %add3A_1136 = arith.constant 16 : i32
          %add3A_1137 = vector.broadcast %add3A_1136 : i32 to vector<16xi32>
          %add3A_1138 = arith.addi %xor3A_1132, %add3A_1137 : vector<16xi32>
          %select_n3A_1139 = arith.select %lt3A_1135, %add3A_1138, %xor3A_1132 : vector<16xi1>, vector<16xi32>
          %broadcast_in_dim3A_1140 = vector.shape_cast %select_n3A_1139 : vector<16xi32> to vector<16x1xi32>
          %gather3A_1141 = vector.shape_cast %broadcast_in_dim3A_1140 : vector<16x1xi32> to vector<16xi32>
          %gather3A_1142 = tpu.dynamic_gather %add3A_1128[%gather3A_1141] in [0] : vector<16xf32>, vector<16xi32> -> vector<16xf32>
          %add3A_1143 = arith.addf %add3A_1128, %gather3A_1142 : vector<16xf32>
          %xor3A_1144 = arith.constant 4 : i32
          %xor3A_1145 = vector.broadcast %xor3A_1144 : i32 to vector<16xi32>
          %xor3A_1146 = arith.xori %iota3A_1129, %xor3A_1145 : vector<16xi32>
          %lt3A_1147 = arith.constant 0 : i32
          %lt3A_1148 = vector.broadcast %lt3A_1147 : i32 to vector<16xi32>
          %lt3A_1149 = arith.cmpi slt, %xor3A_1146, %lt3A_1148 : vector<16xi32>
          %add3A_1150 = arith.constant 16 : i32
          %add3A_1151 = vector.broadcast %add3A_1150 : i32 to vector<16xi32>
          %add3A_1152 = arith.addi %xor3A_1146, %add3A_1151 : vector<16xi32>
          %select_n3A_1153 = arith.select %lt3A_1149, %add3A_1152, %xor3A_1146 : vector<16xi1>, vector<16xi32>
          %broadcast_in_dim3A_1154 = vector.shape_cast %select_n3A_1153 : vector<16xi32> to vector<16x1xi32>
          %gather3A_1155 = vector.shape_cast %broadcast_in_dim3A_1154 : vector<16x1xi32> to vector<16xi32>
          %gather3A_1156 = tpu.dynamic_gather %add3A_1143[%gather3A_1155] in [0] : vector<16xf32>, vector<16xi32> -> vector<16xf32>
          %add3A_1157 = arith.addf %add3A_1143, %gather3A_1156 : vector<16xf32>
          %xor3A_1158 = arith.constant 2 : i32
          %xor3A_1159 = vector.broadcast %xor3A_1158 : i32 to vector<16xi32>
          %xor3A_1160 = arith.xori %iota3A_1129, %xor3A_1159 : vector<16xi32>
          %lt3A_1161 = arith.constant 0 : i32
          %lt3A_1162 = vector.broadcast %lt3A_1161 : i32 to vector<16xi32>
          %lt3A_1163 = arith.cmpi slt, %xor3A_1160, %lt3A_1162 : vector<16xi32>
          %add3A_1164 = arith.constant 16 : i32
          %add3A_1165 = vector.broadcast %add3A_1164 : i32 to vector<16xi32>
          %add3A_1166 = arith.addi %xor3A_1160, %add3A_1165 : vector<16xi32>
          %select_n3A_1167 = arith.select %lt3A_1163, %add3A_1166, %xor3A_1160 : vector<16xi1>, vector<16xi32>
          %broadcast_in_dim3A_1168 = vector.shape_cast %select_n3A_1167 : vector<16xi32> to vector<16x1xi32>
          %gather3A_1169 = vector.shape_cast %broadcast_in_dim3A_1168 : vector<16x1xi32> to vector<16xi32>
          %gather3A_1170 = tpu.dynamic_gather %add3A_1157[%gather3A_1169] in [0] : vector<16xf32>, vector<16xi32> -> vector<16xf32>
          %add3A_1171 = arith.addf %add3A_1157, %gather3A_1170 : vector<16xf32>
          %xor3A_1172 = arith.constant 1 : i32
          %xor3A_1173 = vector.broadcast %xor3A_1172 : i32 to vector<16xi32>
          %xor3A_1174 = arith.xori %iota3A_1129, %xor3A_1173 : vector<16xi32>
          %lt3A_1175 = arith.constant 0 : i32
          %lt3A_1176 = vector.broadcast %lt3A_1175 : i32 to vector<16xi32>
          %lt3A_1177 = arith.cmpi slt, %xor3A_1174, %lt3A_1176 : vector<16xi32>
          %add3A_1178 = arith.constant 16 : i32
          %add3A_1179 = vector.broadcast %add3A_1178 : i32 to vector<16xi32>
          %add3A_1180 = arith.addi %xor3A_1174, %add3A_1179 : vector<16xi32>
          %select_n3A_1181 = arith.select %lt3A_1177, %add3A_1180, %xor3A_1174 : vector<16xi1>, vector<16xi32>
          %broadcast_in_dim3A_1182 = vector.shape_cast %select_n3A_1181 : vector<16xi32> to vector<16x1xi32>
          %gather3A_1183 = vector.shape_cast %broadcast_in_dim3A_1182 : vector<16x1xi32> to vector<16xi32>
          %gather3A_1184 = tpu.dynamic_gather %add3A_1171[%gather3A_1183] in [0] : vector<16xf32>, vector<16xi32> -> vector<16xf32>
          %add3A_1185 = arith.addf %add3A_1171, %gather3A_1184 : vector<16xf32>
          %eq3A_1186 = arith.constant 8 : i32
          %eq3A_1187 = vector.broadcast %eq3A_1186 : i32 to vector<16xi32>
          %eq3A_1188 = arith.cmpi eq, %iota3A, %eq3A_1187 : vector<16xi32>
          %select_n3A_1189 = arith.select %eq3A_1188, %add3A_1185, %select_n3A_1074 : vector<16xi1>, vector<16xf32>
          %mul3A_1190 = arith.constant 64 : i32
          %mul3A_1191 = arith.muli %scan3A_118, %mul3A_1190 : i32
          %mul3A_1192 = arith.constant 16 : i32
          %mul3A_1193 = arith.muli %scan3A_158, %mul3A_1192 : i32
          %add3A_1194 = arith.addi %mul3A_1191, %mul3A_1193 : i32
          %add3A_1195 = arith.constant 9 : i32
          %add3A_1196 = arith.addi %add3A_1194, %add3A_1195 : i32
          %get3A_1197 = arith.index_cast %add3A_1196 : i32 to index
          %get3A_1198 = arith.constant 0 : index
          %get3A_1199 = tpu.vector_load %arg14[%get3A_1197, %get3A_1198] {strides = array<i32>} : memref<512x128xf32, #tpu.memory_space<vmem>>, vector<1x16xf32>,
          %get3A_1200 = vector.shape_cast %get3A_1199 : vector<1x16xf32> to vector<16xf32>
          %mul3A_1201 = arith.mulf %get3A_1200, %get3A_124 : vector<16xf32>
          %get3A_1202 = arith.index_cast %add3A_1196 : i32 to index
          %get3A_1203 = arith.constant 16 : index
          %get3A_1204 = tpu.vector_load %arg14[%get3A_1202, %get3A_1203] {strides = array<i32>} : memref<512x128xf32, #tpu.memory_space<vmem>>, vector<1x16xf32>,
          %get3A_1205 = vector.shape_cast %get3A_1204 : vector<1x16xf32> to vector<16xf32>
          %mul3A_1206 = arith.mulf %get3A_1205, %get3A_128 : vector<16xf32>
          %add3A_1207 = arith.addf %mul3A_1201, %mul3A_1206 : vector<16xf32>
          %get3A_1208 = arith.index_cast %add3A_1196 : i32 to index
          %get3A_1209 = arith.constant 32 : index
          %get3A_1210 = tpu.vector_load %arg14[%get3A_1208, %get3A_1209] {strides = array<i32>} : memref<512x128xf32, #tpu.memory_space<vmem>>, vector<1x16xf32>,
          %get3A_1211 = vector.shape_cast %get3A_1210 : vector<1x16xf32> to vector<16xf32>
          %mul3A_1212 = arith.mulf %get3A_1211, %get3A_132 : vector<16xf32>
          %add3A_1213 = arith.addf %add3A_1207, %mul3A_1212 : vector<16xf32>
          %get3A_1214 = arith.index_cast %add3A_1196 : i32 to index
          %get3A_1215 = arith.constant 48 : index
          %get3A_1216 = tpu.vector_load %arg14[%get3A_1214, %get3A_1215] {strides = array<i32>} : memref<512x128xf32, #tpu.memory_space<vmem>>, vector<1x16xf32>,
          %get3A_1217 = vector.shape_cast %get3A_1216 : vector<1x16xf32> to vector<16xf32>
          %mul3A_1218 = arith.mulf %get3A_1217, %get3A_136 : vector<16xf32>
          %add3A_1219 = arith.addf %add3A_1213, %mul3A_1218 : vector<16xf32>
          %get3A_1220 = arith.index_cast %add3A_1196 : i32 to index
          %get3A_1221 = arith.constant 64 : index
          %get3A_1222 = tpu.vector_load %arg14[%get3A_1220, %get3A_1221] {strides = array<i32>} : memref<512x128xf32, #tpu.memory_space<vmem>>, vector<1x16xf32>,
          %get3A_1223 = vector.shape_cast %get3A_1222 : vector<1x16xf32> to vector<16xf32>
          %mul3A_1224 = arith.mulf %get3A_1223, %get3A_140 : vector<16xf32>
          %add3A_1225 = arith.addf %add3A_1219, %mul3A_1224 : vector<16xf32>
          %get3A_1226 = arith.index_cast %add3A_1196 : i32 to index
          %get3A_1227 = arith.constant 80 : index
          %get3A_1228 = tpu.vector_load %arg14[%get3A_1226, %get3A_1227] {strides = array<i32>} : memref<512x128xf32, #tpu.memory_space<vmem>>, vector<1x16xf32>,
          %get3A_1229 = vector.shape_cast %get3A_1228 : vector<1x16xf32> to vector<16xf32>
          %mul3A_1230 = arith.mulf %get3A_1229, %get3A_144 : vector<16xf32>
          %add3A_1231 = arith.addf %add3A_1225, %mul3A_1230 : vector<16xf32>
          %get3A_1232 = arith.index_cast %add3A_1196 : i32 to index
          %get3A_1233 = arith.constant 96 : index
          %get3A_1234 = tpu.vector_load %arg14[%get3A_1232, %get3A_1233] {strides = array<i32>} : memref<512x128xf32, #tpu.memory_space<vmem>>, vector<1x16xf32>,
          %get3A_1235 = vector.shape_cast %get3A_1234 : vector<1x16xf32> to vector<16xf32>
          %mul3A_1236 = arith.mulf %get3A_1235, %get3A_148 : vector<16xf32>
          %add3A_1237 = arith.addf %add3A_1231, %mul3A_1236 : vector<16xf32>
          %get3A_1238 = arith.index_cast %add3A_1196 : i32 to index
          %get3A_1239 = arith.constant 112 : index
          %get3A_1240 = tpu.vector_load %arg14[%get3A_1238, %get3A_1239] {strides = array<i32>} : memref<512x128xf32, #tpu.memory_space<vmem>>, vector<1x16xf32>,
          %get3A_1241 = vector.shape_cast %get3A_1240 : vector<1x16xf32> to vector<16xf32>
          %mul3A_1242 = arith.mulf %get3A_1241, %get3A_152 : vector<16xf32>
          %add3A_1243 = arith.addf %add3A_1237, %mul3A_1242 : vector<16xf32>
          %iota3A_1244 = tpu.iota {dimensions = array<i32: 0>} : vector<16xi32>
          %xor3A_1245 = arith.constant 8 : i32
          %xor3A_1246 = vector.broadcast %xor3A_1245 : i32 to vector<16xi32>
          %xor3A_1247 = arith.xori %iota3A_1244, %xor3A_1246 : vector<16xi32>
          %lt3A_1248 = arith.constant 0 : i32
          %lt3A_1249 = vector.broadcast %lt3A_1248 : i32 to vector<16xi32>
          %lt3A_1250 = arith.cmpi slt, %xor3A_1247, %lt3A_1249 : vector<16xi32>
          %add3A_1251 = arith.constant 16 : i32
          %add3A_1252 = vector.broadcast %add3A_1251 : i32 to vector<16xi32>
          %add3A_1253 = arith.addi %xor3A_1247, %add3A_1252 : vector<16xi32>
          %select_n3A_1254 = arith.select %lt3A_1250, %add3A_1253, %xor3A_1247 : vector<16xi1>, vector<16xi32>
          %broadcast_in_dim3A_1255 = vector.shape_cast %select_n3A_1254 : vector<16xi32> to vector<16x1xi32>
          %gather3A_1256 = vector.shape_cast %broadcast_in_dim3A_1255 : vector<16x1xi32> to vector<16xi32>
          %gather3A_1257 = tpu.dynamic_gather %add3A_1243[%gather3A_1256] in [0] : vector<16xf32>, vector<16xi32> -> vector<16xf32>
          %add3A_1258 = arith.addf %add3A_1243, %gather3A_1257 : vector<16xf32>
          %xor3A_1259 = arith.constant 4 : i32
          %xor3A_1260 = vector.broadcast %xor3A_1259 : i32 to vector<16xi32>
          %xor3A_1261 = arith.xori %iota3A_1244, %xor3A_1260 : vector<16xi32>
          %lt3A_1262 = arith.constant 0 : i32
          %lt3A_1263 = vector.broadcast %lt3A_1262 : i32 to vector<16xi32>
          %lt3A_1264 = arith.cmpi slt, %xor3A_1261, %lt3A_1263 : vector<16xi32>
          %add3A_1265 = arith.constant 16 : i32
          %add3A_1266 = vector.broadcast %add3A_1265 : i32 to vector<16xi32>
          %add3A_1267 = arith.addi %xor3A_1261, %add3A_1266 : vector<16xi32>
          %select_n3A_1268 = arith.select %lt3A_1264, %add3A_1267, %xor3A_1261 : vector<16xi1>, vector<16xi32>
          %broadcast_in_dim3A_1269 = vector.shape_cast %select_n3A_1268 : vector<16xi32> to vector<16x1xi32>
          %gather3A_1270 = vector.shape_cast %broadcast_in_dim3A_1269 : vector<16x1xi32> to vector<16xi32>
          %gather3A_1271 = tpu.dynamic_gather %add3A_1258[%gather3A_1270] in [0] : vector<16xf32>, vector<16xi32> -> vector<16xf32>
          %add3A_1272 = arith.addf %add3A_1258, %gather3A_1271 : vector<16xf32>
          %xor3A_1273 = arith.constant 2 : i32
          %xor3A_1274 = vector.broadcast %xor3A_1273 : i32 to vector<16xi32>
          %xor3A_1275 = arith.xori %iota3A_1244, %xor3A_1274 : vector<16xi32>
          %lt3A_1276 = arith.constant 0 : i32
          %lt3A_1277 = vector.broadcast %lt3A_1276 : i32 to vector<16xi32>
          %lt3A_1278 = arith.cmpi slt, %xor3A_1275, %lt3A_1277 : vector<16xi32>
          %add3A_1279 = arith.constant 16 : i32
          %add3A_1280 = vector.broadcast %add3A_1279 : i32 to vector<16xi32>
          %add3A_1281 = arith.addi %xor3A_1275, %add3A_1280 : vector<16xi32>
          %select_n3A_1282 = arith.select %lt3A_1278, %add3A_1281, %xor3A_1275 : vector<16xi1>, vector<16xi32>
          %broadcast_in_dim3A_1283 = vector.shape_cast %select_n3A_1282 : vector<16xi32> to vector<16x1xi32>
          %gather3A_1284 = vector.shape_cast %broadcast_in_dim3A_1283 : vector<16x1xi32> to vector<16xi32>
          %gather3A_1285 = tpu.dynamic_gather %add3A_1272[%gather3A_1284] in [0] : vector<16xf32>, vector<16xi32> -> vector<16xf32>
          %add3A_1286 = arith.addf %add3A_1272, %gather3A_1285 : vector<16xf32>
          %xor3A_1287 = arith.constant 1 : i32
          %xor3A_1288 = vector.broadcast %xor3A_1287 : i32 to vector<16xi32>
          %xor3A_1289 = arith.xori %iota3A_1244, %xor3A_1288 : vector<16xi32>
          %lt3A_1290 = arith.constant 0 : i32
          %lt3A_1291 = vector.broadcast %lt3A_1290 : i32 to vector<16xi32>
          %lt3A_1292 = arith.cmpi slt, %xor3A_1289, %lt3A_1291 : vector<16xi32>
          %add3A_1293 = arith.constant 16 : i32
          %add3A_1294 = vector.broadcast %add3A_1293 : i32 to vector<16xi32>
          %add3A_1295 = arith.addi %xor3A_1289, %add3A_1294 : vector<16xi32>
          %select_n3A_1296 = arith.select %lt3A_1292, %add3A_1295, %xor3A_1289 : vector<16xi1>, vector<16xi32>
          %broadcast_in_dim3A_1297 = vector.shape_cast %select_n3A_1296 : vector<16xi32> to vector<16x1xi32>
          %gather3A_1298 = vector.shape_cast %broadcast_in_dim3A_1297 : vector<16x1xi32> to vector<16xi32>
          %gather3A_1299 = tpu.dynamic_gather %add3A_1286[%gather3A_1298] in [0] : vector<16xf32>, vector<16xi32> -> vector<16xf32>
          %add3A_1300 = arith.addf %add3A_1286, %gather3A_1299 : vector<16xf32>
          %eq3A_1301 = arith.constant 9 : i32
          %eq3A_1302 = vector.broadcast %eq3A_1301 : i32 to vector<16xi32>
          %eq3A_1303 = arith.cmpi eq, %iota3A, %eq3A_1302 : vector<16xi32>
          %select_n3A_1304 = arith.select %eq3A_1303, %add3A_1300, %select_n3A_1189 : vector<16xi1>, vector<16xf32>
          %mul3A_1305 = arith.constant 64 : i32
          %mul3A_1306 = arith.muli %scan3A_118, %mul3A_1305 : i32
          %mul3A_1307 = arith.constant 16 : i32
          %mul3A_1308 = arith.muli %scan3A_158, %mul3A_1307 : i32
          %add3A_1309 = arith.addi %mul3A_1306, %mul3A_1308 : i32
          %add3A_1310 = arith.constant 10 : i32
          %add3A_1311 = arith.addi %add3A_1309, %add3A_1310 : i32
          %get3A_1312 = arith.index_cast %add3A_1311 : i32 to index
          %get3A_1313 = arith.constant 0 : index
          %get3A_1314 = tpu.vector_load %arg14[%get3A_1312, %get3A_1313] {strides = array<i32>} : memref<512x128xf32, #tpu.memory_space<vmem>>, vector<1x16xf32>,
          %get3A_1315 = vector.shape_cast %get3A_1314 : vector<1x16xf32> to vector<16xf32>
          %mul3A_1316 = arith.mulf %get3A_1315, %get3A_124 : vector<16xf32>
          %get3A_1317 = arith.index_cast %add3A_1311 : i32 to index
          %get3A_1318 = arith.constant 16 : index
          %get3A_1319 = tpu.vector_load %arg14[%get3A_1317, %get3A_1318] {strides = array<i32>} : memref<512x128xf32, #tpu.memory_space<vmem>>, vector<1x16xf32>,
          %get3A_1320 = vector.shape_cast %get3A_1319 : vector<1x16xf32> to vector<16xf32>
          %mul3A_1321 = arith.mulf %get3A_1320, %get3A_128 : vector<16xf32>
          %add3A_1322 = arith.addf %mul3A_1316, %mul3A_1321 : vector<16xf32>
          %get3A_1323 = arith.index_cast %add3A_1311 : i32 to index
          %get3A_1324 = arith.constant 32 : index
          %get3A_1325 = tpu.vector_load %arg14[%get3A_1323, %get3A_1324] {strides = array<i32>} : memref<512x128xf32, #tpu.memory_space<vmem>>, vector<1x16xf32>,
          %get3A_1326 = vector.shape_cast %get3A_1325 : vector<1x16xf32> to vector<16xf32>
          %mul3A_1327 = arith.mulf %get3A_1326, %get3A_132 : vector<16xf32>
          %add3A_1328 = arith.addf %add3A_1322, %mul3A_1327 : vector<16xf32>
          %get3A_1329 = arith.index_cast %add3A_1311 : i32 to index
          %get3A_1330 = arith.constant 48 : index
          %get3A_1331 = tpu.vector_load %arg14[%get3A_1329, %get3A_1330] {strides = array<i32>} : memref<512x128xf32, #tpu.memory_space<vmem>>, vector<1x16xf32>,
          %get3A_1332 = vector.shape_cast %get3A_1331 : vector<1x16xf32> to vector<16xf32>
          %mul3A_1333 = arith.mulf %get3A_1332, %get3A_136 : vector<16xf32>
          %add3A_1334 = arith.addf %add3A_1328, %mul3A_1333 : vector<16xf32>
          %get3A_1335 = arith.index_cast %add3A_1311 : i32 to index
          %get3A_1336 = arith.constant 64 : index
          %get3A_1337 = tpu.vector_load %arg14[%get3A_1335, %get3A_1336] {strides = array<i32>} : memref<512x128xf32, #tpu.memory_space<vmem>>, vector<1x16xf32>,
          %get3A_1338 = vector.shape_cast %get3A_1337 : vector<1x16xf32> to vector<16xf32>
          %mul3A_1339 = arith.mulf %get3A_1338, %get3A_140 : vector<16xf32>
          %add3A_1340 = arith.addf %add3A_1334, %mul3A_1339 : vector<16xf32>
          %get3A_1341 = arith.index_cast %add3A_1311 : i32 to index
          %get3A_1342 = arith.constant 80 : index
          %get3A_1343 = tpu.vector_load %arg14[%get3A_1341, %get3A_1342] {strides = array<i32>} : memref<512x128xf32, #tpu.memory_space<vmem>>, vector<1x16xf32>,
          %get3A_1344 = vector.shape_cast %get3A_1343 : vector<1x16xf32> to vector<16xf32>
          %mul3A_1345 = arith.mulf %get3A_1344, %get3A_144 : vector<16xf32>
          %add3A_1346 = arith.addf %add3A_1340, %mul3A_1345 : vector<16xf32>
          %get3A_1347 = arith.index_cast %add3A_1311 : i32 to index
          %get3A_1348 = arith.constant 96 : index
          %get3A_1349 = tpu.vector_load %arg14[%get3A_1347, %get3A_1348] {strides = array<i32>} : memref<512x128xf32, #tpu.memory_space<vmem>>, vector<1x16xf32>,
          %get3A_1350 = vector.shape_cast %get3A_1349 : vector<1x16xf32> to vector<16xf32>
          %mul3A_1351 = arith.mulf %get3A_1350, %get3A_148 : vector<16xf32>
          %add3A_1352 = arith.addf %add3A_1346, %mul3A_1351 : vector<16xf32>
          %get3A_1353 = arith.index_cast %add3A_1311 : i32 to index
          %get3A_1354 = arith.constant 112 : index
          %get3A_1355 = tpu.vector_load %arg14[%get3A_1353, %get3A_1354] {strides = array<i32>} : memref<512x128xf32, #tpu.memory_space<vmem>>, vector<1x16xf32>,
          %get3A_1356 = vector.shape_cast %get3A_1355 : vector<1x16xf32> to vector<16xf32>
          %mul3A_1357 = arith.mulf %get3A_1356, %get3A_152 : vector<16xf32>
          %add3A_1358 = arith.addf %add3A_1352, %mul3A_1357 : vector<16xf32>
          %iota3A_1359 = tpu.iota {dimensions = array<i32: 0>} : vector<16xi32>
          %xor3A_1360 = arith.constant 8 : i32
          %xor3A_1361 = vector.broadcast %xor3A_1360 : i32 to vector<16xi32>
          %xor3A_1362 = arith.xori %iota3A_1359, %xor3A_1361 : vector<16xi32>
          %lt3A_1363 = arith.constant 0 : i32
          %lt3A_1364 = vector.broadcast %lt3A_1363 : i32 to vector<16xi32>
          %lt3A_1365 = arith.cmpi slt, %xor3A_1362, %lt3A_1364 : vector<16xi32>
          %add3A_1366 = arith.constant 16 : i32
          %add3A_1367 = vector.broadcast %add3A_1366 : i32 to vector<16xi32>
          %add3A_1368 = arith.addi %xor3A_1362, %add3A_1367 : vector<16xi32>
          %select_n3A_1369 = arith.select %lt3A_1365, %add3A_1368, %xor3A_1362 : vector<16xi1>, vector<16xi32>
          %broadcast_in_dim3A_1370 = vector.shape_cast %select_n3A_1369 : vector<16xi32> to vector<16x1xi32>
          %gather3A_1371 = vector.shape_cast %broadcast_in_dim3A_1370 : vector<16x1xi32> to vector<16xi32>
          %gather3A_1372 = tpu.dynamic_gather %add3A_1358[%gather3A_1371] in [0] : vector<16xf32>, vector<16xi32> -> vector<16xf32>
          %add3A_1373 = arith.addf %add3A_1358, %gather3A_1372 : vector<16xf32>
          %xor3A_1374 = arith.constant 4 : i32
          %xor3A_1375 = vector.broadcast %xor3A_1374 : i32 to vector<16xi32>
          %xor3A_1376 = arith.xori %iota3A_1359, %xor3A_1375 : vector<16xi32>
          %lt3A_1377 = arith.constant 0 : i32
          %lt3A_1378 = vector.broadcast %lt3A_1377 : i32 to vector<16xi32>
          %lt3A_1379 = arith.cmpi slt, %xor3A_1376, %lt3A_1378 : vector<16xi32>
          %add3A_1380 = arith.constant 16 : i32
          %add3A_1381 = vector.broadcast %add3A_1380 : i32 to vector<16xi32>
          %add3A_1382 = arith.addi %xor3A_1376, %add3A_1381 : vector<16xi32>
          %select_n3A_1383 = arith.select %lt3A_1379, %add3A_1382, %xor3A_1376 : vector<16xi1>, vector<16xi32>
          %broadcast_in_dim3A_1384 = vector.shape_cast %select_n3A_1383 : vector<16xi32> to vector<16x1xi32>
          %gather3A_1385 = vector.shape_cast %broadcast_in_dim3A_1384 : vector<16x1xi32> to vector<16xi32>
          %gather3A_1386 = tpu.dynamic_gather %add3A_1373[%gather3A_1385] in [0] : vector<16xf32>, vector<16xi32> -> vector<16xf32>
          %add3A_1387 = arith.addf %add3A_1373, %gather3A_1386 : vector<16xf32>
          %xor3A_1388 = arith.constant 2 : i32
          %xor3A_1389 = vector.broadcast %xor3A_1388 : i32 to vector<16xi32>
          %xor3A_1390 = arith.xori %iota3A_1359, %xor3A_1389 : vector<16xi32>
          %lt3A_1391 = arith.constant 0 : i32
          %lt3A_1392 = vector.broadcast %lt3A_1391 : i32 to vector<16xi32>
          %lt3A_1393 = arith.cmpi slt, %xor3A_1390, %lt3A_1392 : vector<16xi32>
          %add3A_1394 = arith.constant 16 : i32
          %add3A_1395 = vector.broadcast %add3A_1394 : i32 to vector<16xi32>
          %add3A_1396 = arith.addi %xor3A_1390, %add3A_1395 : vector<16xi32>
          %select_n3A_1397 = arith.select %lt3A_1393, %add3A_1396, %xor3A_1390 : vector<16xi1>, vector<16xi32>
          %broadcast_in_dim3A_1398 = vector.shape_cast %select_n3A_1397 : vector<16xi32> to vector<16x1xi32>
          %gather3A_1399 = vector.shape_cast %broadcast_in_dim3A_1398 : vector<16x1xi32> to vector<16xi32>
          %gather3A_1400 = tpu.dynamic_gather %add3A_1387[%gather3A_1399] in [0] : vector<16xf32>, vector<16xi32> -> vector<16xf32>
          %add3A_1401 = arith.addf %add3A_1387, %gather3A_1400 : vector<16xf32>
          %xor3A_1402 = arith.constant 1 : i32
          %xor3A_1403 = vector.broadcast %xor3A_1402 : i32 to vector<16xi32>
          %xor3A_1404 = arith.xori %iota3A_1359, %xor3A_1403 : vector<16xi32>
          %lt3A_1405 = arith.constant 0 : i32
          %lt3A_1406 = vector.broadcast %lt3A_1405 : i32 to vector<16xi32>
          %lt3A_1407 = arith.cmpi slt, %xor3A_1404, %lt3A_1406 : vector<16xi32>
          %add3A_1408 = arith.constant 16 : i32
          %add3A_1409 = vector.broadcast %add3A_1408 : i32 to vector<16xi32>
          %add3A_1410 = arith.addi %xor3A_1404, %add3A_1409 : vector<16xi32>
          %select_n3A_1411 = arith.select %lt3A_1407, %add3A_1410, %xor3A_1404 : vector<16xi1>, vector<16xi32>
          %broadcast_in_dim3A_1412 = vector.shape_cast %select_n3A_1411 : vector<16xi32> to vector<16x1xi32>
          %gather3A_1413 = vector.shape_cast %broadcast_in_dim3A_1412 : vector<16x1xi32> to vector<16xi32>
          %gather3A_1414 = tpu.dynamic_gather %add3A_1401[%gather3A_1413] in [0] : vector<16xf32>, vector<16xi32> -> vector<16xf32>
          %add3A_1415 = arith.addf %add3A_1401, %gather3A_1414 : vector<16xf32>
          %eq3A_1416 = arith.constant 10 : i32
          %eq3A_1417 = vector.broadcast %eq3A_1416 : i32 to vector<16xi32>
          %eq3A_1418 = arith.cmpi eq, %iota3A, %eq3A_1417 : vector<16xi32>
          %select_n3A_1419 = arith.select %eq3A_1418, %add3A_1415, %select_n3A_1304 : vector<16xi1>, vector<16xf32>
          %mul3A_1420 = arith.constant 64 : i32
          %mul3A_1421 = arith.muli %scan3A_118, %mul3A_1420 : i32
          %mul3A_1422 = arith.constant 16 : i32
          %mul3A_1423 = arith.muli %scan3A_158, %mul3A_1422 : i32
          %add3A_1424 = arith.addi %mul3A_1421, %mul3A_1423 : i32
          %add3A_1425 = arith.constant 11 : i32
          %add3A_1426 = arith.addi %add3A_1424, %add3A_1425 : i32
          %get3A_1427 = arith.index_cast %add3A_1426 : i32 to index
          %get3A_1428 = arith.constant 0 : index
          %get3A_1429 = tpu.vector_load %arg14[%get3A_1427, %get3A_1428] {strides = array<i32>} : memref<512x128xf32, #tpu.memory_space<vmem>>, vector<1x16xf32>,
          %get3A_1430 = vector.shape_cast %get3A_1429 : vector<1x16xf32> to vector<16xf32>
          %mul3A_1431 = arith.mulf %get3A_1430, %get3A_124 : vector<16xf32>
          %get3A_1432 = arith.index_cast %add3A_1426 : i32 to index
          %get3A_1433 = arith.constant 16 : index
          %get3A_1434 = tpu.vector_load %arg14[%get3A_1432, %get3A_1433] {strides = array<i32>} : memref<512x128xf32, #tpu.memory_space<vmem>>, vector<1x16xf32>,
          %get3A_1435 = vector.shape_cast %get3A_1434 : vector<1x16xf32> to vector<16xf32>
          %mul3A_1436 = arith.mulf %get3A_1435, %get3A_128 : vector<16xf32>
          %add3A_1437 = arith.addf %mul3A_1431, %mul3A_1436 : vector<16xf32>
          %get3A_1438 = arith.index_cast %add3A_1426 : i32 to index
          %get3A_1439 = arith.constant 32 : index
          %get3A_1440 = tpu.vector_load %arg14[%get3A_1438, %get3A_1439] {strides = array<i32>} : memref<512x128xf32, #tpu.memory_space<vmem>>, vector<1x16xf32>,
          %get3A_1441 = vector.shape_cast %get3A_1440 : vector<1x16xf32> to vector<16xf32>
          %mul3A_1442 = arith.mulf %get3A_1441, %get3A_132 : vector<16xf32>
          %add3A_1443 = arith.addf %add3A_1437, %mul3A_1442 : vector<16xf32>
          %get3A_1444 = arith.index_cast %add3A_1426 : i32 to index
          %get3A_1445 = arith.constant 48 : index
          %get3A_1446 = tpu.vector_load %arg14[%get3A_1444, %get3A_1445] {strides = array<i32>} : memref<512x128xf32, #tpu.memory_space<vmem>>, vector<1x16xf32>,
          %get3A_1447 = vector.shape_cast %get3A_1446 : vector<1x16xf32> to vector<16xf32>
          %mul3A_1448 = arith.mulf %get3A_1447, %get3A_136 : vector<16xf32>
          %add3A_1449 = arith.addf %add3A_1443, %mul3A_1448 : vector<16xf32>
          %get3A_1450 = arith.index_cast %add3A_1426 : i32 to index
          %get3A_1451 = arith.constant 64 : index
          %get3A_1452 = tpu.vector_load %arg14[%get3A_1450, %get3A_1451] {strides = array<i32>} : memref<512x128xf32, #tpu.memory_space<vmem>>, vector<1x16xf32>,
          %get3A_1453 = vector.shape_cast %get3A_1452 : vector<1x16xf32> to vector<16xf32>
          %mul3A_1454 = arith.mulf %get3A_1453, %get3A_140 : vector<16xf32>
          %add3A_1455 = arith.addf %add3A_1449, %mul3A_1454 : vector<16xf32>
          %get3A_1456 = arith.index_cast %add3A_1426 : i32 to index
          %get3A_1457 = arith.constant 80 : index
          %get3A_1458 = tpu.vector_load %arg14[%get3A_1456, %get3A_1457] {strides = array<i32>} : memref<512x128xf32, #tpu.memory_space<vmem>>, vector<1x16xf32>,
          %get3A_1459 = vector.shape_cast %get3A_1458 : vector<1x16xf32> to vector<16xf32>
          %mul3A_1460 = arith.mulf %get3A_1459, %get3A_144 : vector<16xf32>
          %add3A_1461 = arith.addf %add3A_1455, %mul3A_1460 : vector<16xf32>
          %get3A_1462 = arith.index_cast %add3A_1426 : i32 to index
          %get3A_1463 = arith.constant 96 : index
          %get3A_1464 = tpu.vector_load %arg14[%get3A_1462, %get3A_1463] {strides = array<i32>} : memref<512x128xf32, #tpu.memory_space<vmem>>, vector<1x16xf32>,
          %get3A_1465 = vector.shape_cast %get3A_1464 : vector<1x16xf32> to vector<16xf32>
          %mul3A_1466 = arith.mulf %get3A_1465, %get3A_148 : vector<16xf32>
          %add3A_1467 = arith.addf %add3A_1461, %mul3A_1466 : vector<16xf32>
          %get3A_1468 = arith.index_cast %add3A_1426 : i32 to index
          %get3A_1469 = arith.constant 112 : index
          %get3A_1470 = tpu.vector_load %arg14[%get3A_1468, %get3A_1469] {strides = array<i32>} : memref<512x128xf32, #tpu.memory_space<vmem>>, vector<1x16xf32>,
          %get3A_1471 = vector.shape_cast %get3A_1470 : vector<1x16xf32> to vector<16xf32>
          %mul3A_1472 = arith.mulf %get3A_1471, %get3A_152 : vector<16xf32>
          %add3A_1473 = arith.addf %add3A_1467, %mul3A_1472 : vector<16xf32>
          %iota3A_1474 = tpu.iota {dimensions = array<i32: 0>} : vector<16xi32>
          %xor3A_1475 = arith.constant 8 : i32
          %xor3A_1476 = vector.broadcast %xor3A_1475 : i32 to vector<16xi32>
          %xor3A_1477 = arith.xori %iota3A_1474, %xor3A_1476 : vector<16xi32>
          %lt3A_1478 = arith.constant 0 : i32
          %lt3A_1479 = vector.broadcast %lt3A_1478 : i32 to vector<16xi32>
          %lt3A_1480 = arith.cmpi slt, %xor3A_1477, %lt3A_1479 : vector<16xi32>
          %add3A_1481 = arith.constant 16 : i32
          %add3A_1482 = vector.broadcast %add3A_1481 : i32 to vector<16xi32>
          %add3A_1483 = arith.addi %xor3A_1477, %add3A_1482 : vector<16xi32>
          %select_n3A_1484 = arith.select %lt3A_1480, %add3A_1483, %xor3A_1477 : vector<16xi1>, vector<16xi32>
          %broadcast_in_dim3A_1485 = vector.shape_cast %select_n3A_1484 : vector<16xi32> to vector<16x1xi32>
          %gather3A_1486 = vector.shape_cast %broadcast_in_dim3A_1485 : vector<16x1xi32> to vector<16xi32>
          %gather3A_1487 = tpu.dynamic_gather %add3A_1473[%gather3A_1486] in [0] : vector<16xf32>, vector<16xi32> -> vector<16xf32>
          %add3A_1488 = arith.addf %add3A_1473, %gather3A_1487 : vector<16xf32>
          %xor3A_1489 = arith.constant 4 : i32
          %xor3A_1490 = vector.broadcast %xor3A_1489 : i32 to vector<16xi32>
          %xor3A_1491 = arith.xori %iota3A_1474, %xor3A_1490 : vector<16xi32>
          %lt3A_1492 = arith.constant 0 : i32
          %lt3A_1493 = vector.broadcast %lt3A_1492 : i32 to vector<16xi32>
          %lt3A_1494 = arith.cmpi slt, %xor3A_1491, %lt3A_1493 : vector<16xi32>
          %add3A_1495 = arith.constant 16 : i32
          %add3A_1496 = vector.broadcast %add3A_1495 : i32 to vector<16xi32>
          %add3A_1497 = arith.addi %xor3A_1491, %add3A_1496 : vector<16xi32>
          %select_n3A_1498 = arith.select %lt3A_1494, %add3A_1497, %xor3A_1491 : vector<16xi1>, vector<16xi32>
          %broadcast_in_dim3A_1499 = vector.shape_cast %select_n3A_1498 : vector<16xi32> to vector<16x1xi32>
          %gather3A_1500 = vector.shape_cast %broadcast_in_dim3A_1499 : vector<16x1xi32> to vector<16xi32>
          %gather3A_1501 = tpu.dynamic_gather %add3A_1488[%gather3A_1500] in [0] : vector<16xf32>, vector<16xi32> -> vector<16xf32>
          %add3A_1502 = arith.addf %add3A_1488, %gather3A_1501 : vector<16xf32>
          %xor3A_1503 = arith.constant 2 : i32
          %xor3A_1504 = vector.broadcast %xor3A_1503 : i32 to vector<16xi32>
          %xor3A_1505 = arith.xori %iota3A_1474, %xor3A_1504 : vector<16xi32>
          %lt3A_1506 = arith.constant 0 : i32
          %lt3A_1507 = vector.broadcast %lt3A_1506 : i32 to vector<16xi32>
          %lt3A_1508 = arith.cmpi slt, %xor3A_1505, %lt3A_1507 : vector<16xi32>
          %add3A_1509 = arith.constant 16 : i32
          %add3A_1510 = vector.broadcast %add3A_1509 : i32 to vector<16xi32>
          %add3A_1511 = arith.addi %xor3A_1505, %add3A_1510 : vector<16xi32>
          %select_n3A_1512 = arith.select %lt3A_1508, %add3A_1511, %xor3A_1505 : vector<16xi1>, vector<16xi32>
          %broadcast_in_dim3A_1513 = vector.shape_cast %select_n3A_1512 : vector<16xi32> to vector<16x1xi32>
          %gather3A_1514 = vector.shape_cast %broadcast_in_dim3A_1513 : vector<16x1xi32> to vector<16xi32>
          %gather3A_1515 = tpu.dynamic_gather %add3A_1502[%gather3A_1514] in [0] : vector<16xf32>, vector<16xi32> -> vector<16xf32>
          %add3A_1516 = arith.addf %add3A_1502, %gather3A_1515 : vector<16xf32>
          %xor3A_1517 = arith.constant 1 : i32
          %xor3A_1518 = vector.broadcast %xor3A_1517 : i32 to vector<16xi32>
          %xor3A_1519 = arith.xori %iota3A_1474, %xor3A_1518 : vector<16xi32>
          %lt3A_1520 = arith.constant 0 : i32
          %lt3A_1521 = vector.broadcast %lt3A_1520 : i32 to vector<16xi32>
          %lt3A_1522 = arith.cmpi slt, %xor3A_1519, %lt3A_1521 : vector<16xi32>
          %add3A_1523 = arith.constant 16 : i32
          %add3A_1524 = vector.broadcast %add3A_1523 : i32 to vector<16xi32>
          %add3A_1525 = arith.addi %xor3A_1519, %add3A_1524 : vector<16xi32>
          %select_n3A_1526 = arith.select %lt3A_1522, %add3A_1525, %xor3A_1519 : vector<16xi1>, vector<16xi32>
          %broadcast_in_dim3A_1527 = vector.shape_cast %select_n3A_1526 : vector<16xi32> to vector<16x1xi32>
          %gather3A_1528 = vector.shape_cast %broadcast_in_dim3A_1527 : vector<16x1xi32> to vector<16xi32>
          %gather3A_1529 = tpu.dynamic_gather %add3A_1516[%gather3A_1528] in [0] : vector<16xf32>, vector<16xi32> -> vector<16xf32>
          %add3A_1530 = arith.addf %add3A_1516, %gather3A_1529 : vector<16xf32>
          %eq3A_1531 = arith.constant 11 : i32
          %eq3A_1532 = vector.broadcast %eq3A_1531 : i32 to vector<16xi32>
          %eq3A_1533 = arith.cmpi eq, %iota3A, %eq3A_1532 : vector<16xi32>
          %select_n3A_1534 = arith.select %eq3A_1533, %add3A_1530, %select_n3A_1419 : vector<16xi1>, vector<16xf32>
          %mul3A_1535 = arith.constant 64 : i32
          %mul3A_1536 = arith.muli %scan3A_118, %mul3A_1535 : i32
          %mul3A_1537 = arith.constant 16 : i32
          %mul3A_1538 = arith.muli %scan3A_158, %mul3A_1537 : i32
          %add3A_1539 = arith.addi %mul3A_1536, %mul3A_1538 : i32
          %add3A_1540 = arith.constant 12 : i32
          %add3A_1541 = arith.addi %add3A_1539, %add3A_1540 : i32
          %get3A_1542 = arith.index_cast %add3A_1541 : i32 to index
          %get3A_1543 = arith.constant 0 : index
          %get3A_1544 = tpu.vector_load %arg14[%get3A_1542, %get3A_1543] {strides = array<i32>} : memref<512x128xf32, #tpu.memory_space<vmem>>, vector<1x16xf32>,
          %get3A_1545 = vector.shape_cast %get3A_1544 : vector<1x16xf32> to vector<16xf32>
          %mul3A_1546 = arith.mulf %get3A_1545, %get3A_124 : vector<16xf32>
          %get3A_1547 = arith.index_cast %add3A_1541 : i32 to index
          %get3A_1548 = arith.constant 16 : index
          %get3A_1549 = tpu.vector_load %arg14[%get3A_1547, %get3A_1548] {strides = array<i32>} : memref<512x128xf32, #tpu.memory_space<vmem>>, vector<1x16xf32>,
          %get3A_1550 = vector.shape_cast %get3A_1549 : vector<1x16xf32> to vector<16xf32>
          %mul3A_1551 = arith.mulf %get3A_1550, %get3A_128 : vector<16xf32>
          %add3A_1552 = arith.addf %mul3A_1546, %mul3A_1551 : vector<16xf32>
          %get3A_1553 = arith.index_cast %add3A_1541 : i32 to index
          %get3A_1554 = arith.constant 32 : index
          %get3A_1555 = tpu.vector_load %arg14[%get3A_1553, %get3A_1554] {strides = array<i32>} : memref<512x128xf32, #tpu.memory_space<vmem>>, vector<1x16xf32>,
          %get3A_1556 = vector.shape_cast %get3A_1555 : vector<1x16xf32> to vector<16xf32>
          %mul3A_1557 = arith.mulf %get3A_1556, %get3A_132 : vector<16xf32>
          %add3A_1558 = arith.addf %add3A_1552, %mul3A_1557 : vector<16xf32>
          %get3A_1559 = arith.index_cast %add3A_1541 : i32 to index
          %get3A_1560 = arith.constant 48 : index
          %get3A_1561 = tpu.vector_load %arg14[%get3A_1559, %get3A_1560] {strides = array<i32>} : memref<512x128xf32, #tpu.memory_space<vmem>>, vector<1x16xf32>,
          %get3A_1562 = vector.shape_cast %get3A_1561 : vector<1x16xf32> to vector<16xf32>
          %mul3A_1563 = arith.mulf %get3A_1562, %get3A_136 : vector<16xf32>
          %add3A_1564 = arith.addf %add3A_1558, %mul3A_1563 : vector<16xf32>
          %get3A_1565 = arith.index_cast %add3A_1541 : i32 to index
          %get3A_1566 = arith.constant 64 : index
          %get3A_1567 = tpu.vector_load %arg14[%get3A_1565, %get3A_1566] {strides = array<i32>} : memref<512x128xf32, #tpu.memory_space<vmem>>, vector<1x16xf32>,
          %get3A_1568 = vector.shape_cast %get3A_1567 : vector<1x16xf32> to vector<16xf32>
          %mul3A_1569 = arith.mulf %get3A_1568, %get3A_140 : vector<16xf32>
          %add3A_1570 = arith.addf %add3A_1564, %mul3A_1569 : vector<16xf32>
          %get3A_1571 = arith.index_cast %add3A_1541 : i32 to index
          %get3A_1572 = arith.constant 80 : index
          %get3A_1573 = tpu.vector_load %arg14[%get3A_1571, %get3A_1572] {strides = array<i32>} : memref<512x128xf32, #tpu.memory_space<vmem>>, vector<1x16xf32>,
          %get3A_1574 = vector.shape_cast %get3A_1573 : vector<1x16xf32> to vector<16xf32>
          %mul3A_1575 = arith.mulf %get3A_1574, %get3A_144 : vector<16xf32>
          %add3A_1576 = arith.addf %add3A_1570, %mul3A_1575 : vector<16xf32>
          %get3A_1577 = arith.index_cast %add3A_1541 : i32 to index
          %get3A_1578 = arith.constant 96 : index
          %get3A_1579 = tpu.vector_load %arg14[%get3A_1577, %get3A_1578] {strides = array<i32>} : memref<512x128xf32, #tpu.memory_space<vmem>>, vector<1x16xf32>,
          %get3A_1580 = vector.shape_cast %get3A_1579 : vector<1x16xf32> to vector<16xf32>
          %mul3A_1581 = arith.mulf %get3A_1580, %get3A_148 : vector<16xf32>
          %add3A_1582 = arith.addf %add3A_1576, %mul3A_1581 : vector<16xf32>
          %get3A_1583 = arith.index_cast %add3A_1541 : i32 to index
          %get3A_1584 = arith.constant 112 : index
          %get3A_1585 = tpu.vector_load %arg14[%get3A_1583, %get3A_1584] {strides = array<i32>} : memref<512x128xf32, #tpu.memory_space<vmem>>, vector<1x16xf32>,
          %get3A_1586 = vector.shape_cast %get3A_1585 : vector<1x16xf32> to vector<16xf32>
          %mul3A_1587 = arith.mulf %get3A_1586, %get3A_152 : vector<16xf32>
          %add3A_1588 = arith.addf %add3A_1582, %mul3A_1587 : vector<16xf32>
          %iota3A_1589 = tpu.iota {dimensions = array<i32: 0>} : vector<16xi32>
          %xor3A_1590 = arith.constant 8 : i32
          %xor3A_1591 = vector.broadcast %xor3A_1590 : i32 to vector<16xi32>
          %xor3A_1592 = arith.xori %iota3A_1589, %xor3A_1591 : vector<16xi32>
          %lt3A_1593 = arith.constant 0 : i32
          %lt3A_1594 = vector.broadcast %lt3A_1593 : i32 to vector<16xi32>
          %lt3A_1595 = arith.cmpi slt, %xor3A_1592, %lt3A_1594 : vector<16xi32>
          %add3A_1596 = arith.constant 16 : i32
          %add3A_1597 = vector.broadcast %add3A_1596 : i32 to vector<16xi32>
          %add3A_1598 = arith.addi %xor3A_1592, %add3A_1597 : vector<16xi32>
          %select_n3A_1599 = arith.select %lt3A_1595, %add3A_1598, %xor3A_1592 : vector<16xi1>, vector<16xi32>
          %broadcast_in_dim3A_1600 = vector.shape_cast %select_n3A_1599 : vector<16xi32> to vector<16x1xi32>
          %gather3A_1601 = vector.shape_cast %broadcast_in_dim3A_1600 : vector<16x1xi32> to vector<16xi32>
          %gather3A_1602 = tpu.dynamic_gather %add3A_1588[%gather3A_1601] in [0] : vector<16xf32>, vector<16xi32> -> vector<16xf32>
          %add3A_1603 = arith.addf %add3A_1588, %gather3A_1602 : vector<16xf32>
          %xor3A_1604 = arith.constant 4 : i32
          %xor3A_1605 = vector.broadcast %xor3A_1604 : i32 to vector<16xi32>
          %xor3A_1606 = arith.xori %iota3A_1589, %xor3A_1605 : vector<16xi32>
          %lt3A_1607 = arith.constant 0 : i32
          %lt3A_1608 = vector.broadcast %lt3A_1607 : i32 to vector<16xi32>
          %lt3A_1609 = arith.cmpi slt, %xor3A_1606, %lt3A_1608 : vector<16xi32>
          %add3A_1610 = arith.constant 16 : i32
          %add3A_1611 = vector.broadcast %add3A_1610 : i32 to vector<16xi32>
          %add3A_1612 = arith.addi %xor3A_1606, %add3A_1611 : vector<16xi32>
          %select_n3A_1613 = arith.select %lt3A_1609, %add3A_1612, %xor3A_1606 : vector<16xi1>, vector<16xi32>
          %broadcast_in_dim3A_1614 = vector.shape_cast %select_n3A_1613 : vector<16xi32> to vector<16x1xi32>
          %gather3A_1615 = vector.shape_cast %broadcast_in_dim3A_1614 : vector<16x1xi32> to vector<16xi32>
          %gather3A_1616 = tpu.dynamic_gather %add3A_1603[%gather3A_1615] in [0] : vector<16xf32>, vector<16xi32> -> vector<16xf32>
          %add3A_1617 = arith.addf %add3A_1603, %gather3A_1616 : vector<16xf32>
          %xor3A_1618 = arith.constant 2 : i32
          %xor3A_1619 = vector.broadcast %xor3A_1618 : i32 to vector<16xi32>
          %xor3A_1620 = arith.xori %iota3A_1589, %xor3A_1619 : vector<16xi32>
          %lt3A_1621 = arith.constant 0 : i32
          %lt3A_1622 = vector.broadcast %lt3A_1621 : i32 to vector<16xi32>
          %lt3A_1623 = arith.cmpi slt, %xor3A_1620, %lt3A_1622 : vector<16xi32>
          %add3A_1624 = arith.constant 16 : i32
          %add3A_1625 = vector.broadcast %add3A_1624 : i32 to vector<16xi32>
          %add3A_1626 = arith.addi %xor3A_1620, %add3A_1625 : vector<16xi32>
          %select_n3A_1627 = arith.select %lt3A_1623, %add3A_1626, %xor3A_1620 : vector<16xi1>, vector<16xi32>
          %broadcast_in_dim3A_1628 = vector.shape_cast %select_n3A_1627 : vector<16xi32> to vector<16x1xi32>
          %gather3A_1629 = vector.shape_cast %broadcast_in_dim3A_1628 : vector<16x1xi32> to vector<16xi32>
          %gather3A_1630 = tpu.dynamic_gather %add3A_1617[%gather3A_1629] in [0] : vector<16xf32>, vector<16xi32> -> vector<16xf32>
          %add3A_1631 = arith.addf %add3A_1617, %gather3A_1630 : vector<16xf32>
          %xor3A_1632 = arith.constant 1 : i32
          %xor3A_1633 = vector.broadcast %xor3A_1632 : i32 to vector<16xi32>
          %xor3A_1634 = arith.xori %iota3A_1589, %xor3A_1633 : vector<16xi32>
          %lt3A_1635 = arith.constant 0 : i32
          %lt3A_1636 = vector.broadcast %lt3A_1635 : i32 to vector<16xi32>
          %lt3A_1637 = arith.cmpi slt, %xor3A_1634, %lt3A_1636 : vector<16xi32>
          %add3A_1638 = arith.constant 16 : i32
          %add3A_1639 = vector.broadcast %add3A_1638 : i32 to vector<16xi32>
          %add3A_1640 = arith.addi %xor3A_1634, %add3A_1639 : vector<16xi32>
          %select_n3A_1641 = arith.select %lt3A_1637, %add3A_1640, %xor3A_1634 : vector<16xi1>, vector<16xi32>
          %broadcast_in_dim3A_1642 = vector.shape_cast %select_n3A_1641 : vector<16xi32> to vector<16x1xi32>
          %gather3A_1643 = vector.shape_cast %broadcast_in_dim3A_1642 : vector<16x1xi32> to vector<16xi32>
          %gather3A_1644 = tpu.dynamic_gather %add3A_1631[%gather3A_1643] in [0] : vector<16xf32>, vector<16xi32> -> vector<16xf32>
          %add3A_1645 = arith.addf %add3A_1631, %gather3A_1644 : vector<16xf32>
          %eq3A_1646 = arith.constant 12 : i32
          %eq3A_1647 = vector.broadcast %eq3A_1646 : i32 to vector<16xi32>
          %eq3A_1648 = arith.cmpi eq, %iota3A, %eq3A_1647 : vector<16xi32>
          %select_n3A_1649 = arith.select %eq3A_1648, %add3A_1645, %select_n3A_1534 : vector<16xi1>, vector<16xf32>
          %mul3A_1650 = arith.constant 64 : i32
          %mul3A_1651 = arith.muli %scan3A_118, %mul3A_1650 : i32
          %mul3A_1652 = arith.constant 16 : i32
          %mul3A_1653 = arith.muli %scan3A_158, %mul3A_1652 : i32
          %add3A_1654 = arith.addi %mul3A_1651, %mul3A_1653 : i32
          %add3A_1655 = arith.constant 13 : i32
          %add3A_1656 = arith.addi %add3A_1654, %add3A_1655 : i32
          %get3A_1657 = arith.index_cast %add3A_1656 : i32 to index
          %get3A_1658 = arith.constant 0 : index
          %get3A_1659 = tpu.vector_load %arg14[%get3A_1657, %get3A_1658] {strides = array<i32>} : memref<512x128xf32, #tpu.memory_space<vmem>>, vector<1x16xf32>,
          %get3A_1660 = vector.shape_cast %get3A_1659 : vector<1x16xf32> to vector<16xf32>
          %mul3A_1661 = arith.mulf %get3A_1660, %get3A_124 : vector<16xf32>
          %get3A_1662 = arith.index_cast %add3A_1656 : i32 to index
          %get3A_1663 = arith.constant 16 : index
          %get3A_1664 = tpu.vector_load %arg14[%get3A_1662, %get3A_1663] {strides = array<i32>} : memref<512x128xf32, #tpu.memory_space<vmem>>, vector<1x16xf32>,
          %get3A_1665 = vector.shape_cast %get3A_1664 : vector<1x16xf32> to vector<16xf32>
          %mul3A_1666 = arith.mulf %get3A_1665, %get3A_128 : vector<16xf32>
          %add3A_1667 = arith.addf %mul3A_1661, %mul3A_1666 : vector<16xf32>
          %get3A_1668 = arith.index_cast %add3A_1656 : i32 to index
          %get3A_1669 = arith.constant 32 : index
          %get3A_1670 = tpu.vector_load %arg14[%get3A_1668, %get3A_1669] {strides = array<i32>} : memref<512x128xf32, #tpu.memory_space<vmem>>, vector<1x16xf32>,
          %get3A_1671 = vector.shape_cast %get3A_1670 : vector<1x16xf32> to vector<16xf32>
          %mul3A_1672 = arith.mulf %get3A_1671, %get3A_132 : vector<16xf32>
          %add3A_1673 = arith.addf %add3A_1667, %mul3A_1672 : vector<16xf32>
          %get3A_1674 = arith.index_cast %add3A_1656 : i32 to index
          %get3A_1675 = arith.constant 48 : index
          %get3A_1676 = tpu.vector_load %arg14[%get3A_1674, %get3A_1675] {strides = array<i32>} : memref<512x128xf32, #tpu.memory_space<vmem>>, vector<1x16xf32>,
          %get3A_1677 = vector.shape_cast %get3A_1676 : vector<1x16xf32> to vector<16xf32>
          %mul3A_1678 = arith.mulf %get3A_1677, %get3A_136 : vector<16xf32>
          %add3A_1679 = arith.addf %add3A_1673, %mul3A_1678 : vector<16xf32>
          %get3A_1680 = arith.index_cast %add3A_1656 : i32 to index
          %get3A_1681 = arith.constant 64 : index
          %get3A_1682 = tpu.vector_load %arg14[%get3A_1680, %get3A_1681] {strides = array<i32>} : memref<512x128xf32, #tpu.memory_space<vmem>>, vector<1x16xf32>,
          %get3A_1683 = vector.shape_cast %get3A_1682 : vector<1x16xf32> to vector<16xf32>
          %mul3A_1684 = arith.mulf %get3A_1683, %get3A_140 : vector<16xf32>
          %add3A_1685 = arith.addf %add3A_1679, %mul3A_1684 : vector<16xf32>
          %get3A_1686 = arith.index_cast %add3A_1656 : i32 to index
          %get3A_1687 = arith.constant 80 : index
          %get3A_1688 = tpu.vector_load %arg14[%get3A_1686, %get3A_1687] {strides = array<i32>} : memref<512x128xf32, #tpu.memory_space<vmem>>, vector<1x16xf32>,
          %get3A_1689 = vector.shape_cast %get3A_1688 : vector<1x16xf32> to vector<16xf32>
          %mul3A_1690 = arith.mulf %get3A_1689, %get3A_144 : vector<16xf32>
          %add3A_1691 = arith.addf %add3A_1685, %mul3A_1690 : vector<16xf32>
          %get3A_1692 = arith.index_cast %add3A_1656 : i32 to index
          %get3A_1693 = arith.constant 96 : index
          %get3A_1694 = tpu.vector_load %arg14[%get3A_1692, %get3A_1693] {strides = array<i32>} : memref<512x128xf32, #tpu.memory_space<vmem>>, vector<1x16xf32>,
          %get3A_1695 = vector.shape_cast %get3A_1694 : vector<1x16xf32> to vector<16xf32>
          %mul3A_1696 = arith.mulf %get3A_1695, %get3A_148 : vector<16xf32>
          %add3A_1697 = arith.addf %add3A_1691, %mul3A_1696 : vector<16xf32>
          %get3A_1698 = arith.index_cast %add3A_1656 : i32 to index
          %get3A_1699 = arith.constant 112 : index
          %get3A_1700 = tpu.vector_load %arg14[%get3A_1698, %get3A_1699] {strides = array<i32>} : memref<512x128xf32, #tpu.memory_space<vmem>>, vector<1x16xf32>,
          %get3A_1701 = vector.shape_cast %get3A_1700 : vector<1x16xf32> to vector<16xf32>
          %mul3A_1702 = arith.mulf %get3A_1701, %get3A_152 : vector<16xf32>
          %add3A_1703 = arith.addf %add3A_1697, %mul3A_1702 : vector<16xf32>
          %iota3A_1704 = tpu.iota {dimensions = array<i32: 0>} : vector<16xi32>
          %xor3A_1705 = arith.constant 8 : i32
          %xor3A_1706 = vector.broadcast %xor3A_1705 : i32 to vector<16xi32>
          %xor3A_1707 = arith.xori %iota3A_1704, %xor3A_1706 : vector<16xi32>
          %lt3A_1708 = arith.constant 0 : i32
          %lt3A_1709 = vector.broadcast %lt3A_1708 : i32 to vector<16xi32>
          %lt3A_1710 = arith.cmpi slt, %xor3A_1707, %lt3A_1709 : vector<16xi32>
          %add3A_1711 = arith.constant 16 : i32
          %add3A_1712 = vector.broadcast %add3A_1711 : i32 to vector<16xi32>
          %add3A_1713 = arith.addi %xor3A_1707, %add3A_1712 : vector<16xi32>
          %select_n3A_1714 = arith.select %lt3A_1710, %add3A_1713, %xor3A_1707 : vector<16xi1>, vector<16xi32>
          %broadcast_in_dim3A_1715 = vector.shape_cast %select_n3A_1714 : vector<16xi32> to vector<16x1xi32>
          %gather3A_1716 = vector.shape_cast %broadcast_in_dim3A_1715 : vector<16x1xi32> to vector<16xi32>
          %gather3A_1717 = tpu.dynamic_gather %add3A_1703[%gather3A_1716] in [0] : vector<16xf32>, vector<16xi32> -> vector<16xf32>
          %add3A_1718 = arith.addf %add3A_1703, %gather3A_1717 : vector<16xf32>
          %xor3A_1719 = arith.constant 4 : i32
          %xor3A_1720 = vector.broadcast %xor3A_1719 : i32 to vector<16xi32>
          %xor3A_1721 = arith.xori %iota3A_1704, %xor3A_1720 : vector<16xi32>
          %lt3A_1722 = arith.constant 0 : i32
          %lt3A_1723 = vector.broadcast %lt3A_1722 : i32 to vector<16xi32>
          %lt3A_1724 = arith.cmpi slt, %xor3A_1721, %lt3A_1723 : vector<16xi32>
          %add3A_1725 = arith.constant 16 : i32
          %add3A_1726 = vector.broadcast %add3A_1725 : i32 to vector<16xi32>
          %add3A_1727 = arith.addi %xor3A_1721, %add3A_1726 : vector<16xi32>
          %select_n3A_1728 = arith.select %lt3A_1724, %add3A_1727, %xor3A_1721 : vector<16xi1>, vector<16xi32>
          %broadcast_in_dim3A_1729 = vector.shape_cast %select_n3A_1728 : vector<16xi32> to vector<16x1xi32>
          %gather3A_1730 = vector.shape_cast %broadcast_in_dim3A_1729 : vector<16x1xi32> to vector<16xi32>
          %gather3A_1731 = tpu.dynamic_gather %add3A_1718[%gather3A_1730] in [0] : vector<16xf32>, vector<16xi32> -> vector<16xf32>
          %add3A_1732 = arith.addf %add3A_1718, %gather3A_1731 : vector<16xf32>
          %xor3A_1733 = arith.constant 2 : i32
          %xor3A_1734 = vector.broadcast %xor3A_1733 : i32 to vector<16xi32>
          %xor3A_1735 = arith.xori %iota3A_1704, %xor3A_1734 : vector<16xi32>
          %lt3A_1736 = arith.constant 0 : i32
          %lt3A_1737 = vector.broadcast %lt3A_1736 : i32 to vector<16xi32>
          %lt3A_1738 = arith.cmpi slt, %xor3A_1735, %lt3A_1737 : vector<16xi32>
          %add3A_1739 = arith.constant 16 : i32
          %add3A_1740 = vector.broadcast %add3A_1739 : i32 to vector<16xi32>
          %add3A_1741 = arith.addi %xor3A_1735, %add3A_1740 : vector<16xi32>
          %select_n3A_1742 = arith.select %lt3A_1738, %add3A_1741, %xor3A_1735 : vector<16xi1>, vector<16xi32>
          %broadcast_in_dim3A_1743 = vector.shape_cast %select_n3A_1742 : vector<16xi32> to vector<16x1xi32>
          %gather3A_1744 = vector.shape_cast %broadcast_in_dim3A_1743 : vector<16x1xi32> to vector<16xi32>
          %gather3A_1745 = tpu.dynamic_gather %add3A_1732[%gather3A_1744] in [0] : vector<16xf32>, vector<16xi32> -> vector<16xf32>
          %add3A_1746 = arith.addf %add3A_1732, %gather3A_1745 : vector<16xf32>
          %xor3A_1747 = arith.constant 1 : i32
          %xor3A_1748 = vector.broadcast %xor3A_1747 : i32 to vector<16xi32>
          %xor3A_1749 = arith.xori %iota3A_1704, %xor3A_1748 : vector<16xi32>
          %lt3A_1750 = arith.constant 0 : i32
          %lt3A_1751 = vector.broadcast %lt3A_1750 : i32 to vector<16xi32>
          %lt3A_1752 = arith.cmpi slt, %xor3A_1749, %lt3A_1751 : vector<16xi32>
          %add3A_1753 = arith.constant 16 : i32
          %add3A_1754 = vector.broadcast %add3A_1753 : i32 to vector<16xi32>
          %add3A_1755 = arith.addi %xor3A_1749, %add3A_1754 : vector<16xi32>
          %select_n3A_1756 = arith.select %lt3A_1752, %add3A_1755, %xor3A_1749 : vector<16xi1>, vector<16xi32>
          %broadcast_in_dim3A_1757 = vector.shape_cast %select_n3A_1756 : vector<16xi32> to vector<16x1xi32>
          %gather3A_1758 = vector.shape_cast %broadcast_in_dim3A_1757 : vector<16x1xi32> to vector<16xi32>
          %gather3A_1759 = tpu.dynamic_gather %add3A_1746[%gather3A_1758] in [0] : vector<16xf32>, vector<16xi32> -> vector<16xf32>
          %add3A_1760 = arith.addf %add3A_1746, %gather3A_1759 : vector<16xf32>
          %eq3A_1761 = arith.constant 13 : i32
          %eq3A_1762 = vector.broadcast %eq3A_1761 : i32 to vector<16xi32>
          %eq3A_1763 = arith.cmpi eq, %iota3A, %eq3A_1762 : vector<16xi32>
          %select_n3A_1764 = arith.select %eq3A_1763, %add3A_1760, %select_n3A_1649 : vector<16xi1>, vector<16xf32>
          %mul3A_1765 = arith.constant 64 : i32
          %mul3A_1766 = arith.muli %scan3A_118, %mul3A_1765 : i32
          %mul3A_1767 = arith.constant 16 : i32
          %mul3A_1768 = arith.muli %scan3A_158, %mul3A_1767 : i32
          %add3A_1769 = arith.addi %mul3A_1766, %mul3A_1768 : i32
          %add3A_1770 = arith.constant 14 : i32
          %add3A_1771 = arith.addi %add3A_1769, %add3A_1770 : i32
          %get3A_1772 = arith.index_cast %add3A_1771 : i32 to index
          %get3A_1773 = arith.constant 0 : index
          %get3A_1774 = tpu.vector_load %arg14[%get3A_1772, %get3A_1773] {strides = array<i32>} : memref<512x128xf32, #tpu.memory_space<vmem>>, vector<1x16xf32>,
          %get3A_1775 = vector.shape_cast %get3A_1774 : vector<1x16xf32> to vector<16xf32>
          %mul3A_1776 = arith.mulf %get3A_1775, %get3A_124 : vector<16xf32>
          %get3A_1777 = arith.index_cast %add3A_1771 : i32 to index
          %get3A_1778 = arith.constant 16 : index
          %get3A_1779 = tpu.vector_load %arg14[%get3A_1777, %get3A_1778] {strides = array<i32>} : memref<512x128xf32, #tpu.memory_space<vmem>>, vector<1x16xf32>,
          %get3A_1780 = vector.shape_cast %get3A_1779 : vector<1x16xf32> to vector<16xf32>
          %mul3A_1781 = arith.mulf %get3A_1780, %get3A_128 : vector<16xf32>
          %add3A_1782 = arith.addf %mul3A_1776, %mul3A_1781 : vector<16xf32>
          %get3A_1783 = arith.index_cast %add3A_1771 : i32 to index
          %get3A_1784 = arith.constant 32 : index
          %get3A_1785 = tpu.vector_load %arg14[%get3A_1783, %get3A_1784] {strides = array<i32>} : memref<512x128xf32, #tpu.memory_space<vmem>>, vector<1x16xf32>,
          %get3A_1786 = vector.shape_cast %get3A_1785 : vector<1x16xf32> to vector<16xf32>
          %mul3A_1787 = arith.mulf %get3A_1786, %get3A_132 : vector<16xf32>
          %add3A_1788 = arith.addf %add3A_1782, %mul3A_1787 : vector<16xf32>
          %get3A_1789 = arith.index_cast %add3A_1771 : i32 to index
          %get3A_1790 = arith.constant 48 : index
          %get3A_1791 = tpu.vector_load %arg14[%get3A_1789, %get3A_1790] {strides = array<i32>} : memref<512x128xf32, #tpu.memory_space<vmem>>, vector<1x16xf32>,
          %get3A_1792 = vector.shape_cast %get3A_1791 : vector<1x16xf32> to vector<16xf32>
          %mul3A_1793 = arith.mulf %get3A_1792, %get3A_136 : vector<16xf32>
          %add3A_1794 = arith.addf %add3A_1788, %mul3A_1793 : vector<16xf32>
          %get3A_1795 = arith.index_cast %add3A_1771 : i32 to index
          %get3A_1796 = arith.constant 64 : index
          %get3A_1797 = tpu.vector_load %arg14[%get3A_1795, %get3A_1796] {strides = array<i32>} : memref<512x128xf32, #tpu.memory_space<vmem>>, vector<1x16xf32>,
          %get3A_1798 = vector.shape_cast %get3A_1797 : vector<1x16xf32> to vector<16xf32>
          %mul3A_1799 = arith.mulf %get3A_1798, %get3A_140 : vector<16xf32>
          %add3A_1800 = arith.addf %add3A_1794, %mul3A_1799 : vector<16xf32>
          %get3A_1801 = arith.index_cast %add3A_1771 : i32 to index
          %get3A_1802 = arith.constant 80 : index
          %get3A_1803 = tpu.vector_load %arg14[%get3A_1801, %get3A_1802] {strides = array<i32>} : memref<512x128xf32, #tpu.memory_space<vmem>>, vector<1x16xf32>,
          %get3A_1804 = vector.shape_cast %get3A_1803 : vector<1x16xf32> to vector<16xf32>
          %mul3A_1805 = arith.mulf %get3A_1804, %get3A_144 : vector<16xf32>
          %add3A_1806 = arith.addf %add3A_1800, %mul3A_1805 : vector<16xf32>
          %get3A_1807 = arith.index_cast %add3A_1771 : i32 to index
          %get3A_1808 = arith.constant 96 : index
          %get3A_1809 = tpu.vector_load %arg14[%get3A_1807, %get3A_1808] {strides = array<i32>} : memref<512x128xf32, #tpu.memory_space<vmem>>, vector<1x16xf32>,
          %get3A_1810 = vector.shape_cast %get3A_1809 : vector<1x16xf32> to vector<16xf32>
          %mul3A_1811 = arith.mulf %get3A_1810, %get3A_148 : vector<16xf32>
          %add3A_1812 = arith.addf %add3A_1806, %mul3A_1811 : vector<16xf32>
          %get3A_1813 = arith.index_cast %add3A_1771 : i32 to index
          %get3A_1814 = arith.constant 112 : index
          %get3A_1815 = tpu.vector_load %arg14[%get3A_1813, %get3A_1814] {strides = array<i32>} : memref<512x128xf32, #tpu.memory_space<vmem>>, vector<1x16xf32>,
          %get3A_1816 = vector.shape_cast %get3A_1815 : vector<1x16xf32> to vector<16xf32>
          %mul3A_1817 = arith.mulf %get3A_1816, %get3A_152 : vector<16xf32>
          %add3A_1818 = arith.addf %add3A_1812, %mul3A_1817 : vector<16xf32>
          %iota3A_1819 = tpu.iota {dimensions = array<i32: 0>} : vector<16xi32>
          %xor3A_1820 = arith.constant 8 : i32
          %xor3A_1821 = vector.broadcast %xor3A_1820 : i32 to vector<16xi32>
          %xor3A_1822 = arith.xori %iota3A_1819, %xor3A_1821 : vector<16xi32>
          %lt3A_1823 = arith.constant 0 : i32
          %lt3A_1824 = vector.broadcast %lt3A_1823 : i32 to vector<16xi32>
          %lt3A_1825 = arith.cmpi slt, %xor3A_1822, %lt3A_1824 : vector<16xi32>
          %add3A_1826 = arith.constant 16 : i32
          %add3A_1827 = vector.broadcast %add3A_1826 : i32 to vector<16xi32>
          %add3A_1828 = arith.addi %xor3A_1822, %add3A_1827 : vector<16xi32>
          %select_n3A_1829 = arith.select %lt3A_1825, %add3A_1828, %xor3A_1822 : vector<16xi1>, vector<16xi32>
          %broadcast_in_dim3A_1830 = vector.shape_cast %select_n3A_1829 : vector<16xi32> to vector<16x1xi32>
          %gather3A_1831 = vector.shape_cast %broadcast_in_dim3A_1830 : vector<16x1xi32> to vector<16xi32>
          %gather3A_1832 = tpu.dynamic_gather %add3A_1818[%gather3A_1831] in [0] : vector<16xf32>, vector<16xi32> -> vector<16xf32>
          %add3A_1833 = arith.addf %add3A_1818, %gather3A_1832 : vector<16xf32>
          %xor3A_1834 = arith.constant 4 : i32
          %xor3A_1835 = vector.broadcast %xor3A_1834 : i32 to vector<16xi32>
          %xor3A_1836 = arith.xori %iota3A_1819, %xor3A_1835 : vector<16xi32>
          %lt3A_1837 = arith.constant 0 : i32
          %lt3A_1838 = vector.broadcast %lt3A_1837 : i32 to vector<16xi32>
          %lt3A_1839 = arith.cmpi slt, %xor3A_1836, %lt3A_1838 : vector<16xi32>
          %add3A_1840 = arith.constant 16 : i32
          %add3A_1841 = vector.broadcast %add3A_1840 : i32 to vector<16xi32>
          %add3A_1842 = arith.addi %xor3A_1836, %add3A_1841 : vector<16xi32>
          %select_n3A_1843 = arith.select %lt3A_1839, %add3A_1842, %xor3A_1836 : vector<16xi1>, vector<16xi32>
          %broadcast_in_dim3A_1844 = vector.shape_cast %select_n3A_1843 : vector<16xi32> to vector<16x1xi32>
          %gather3A_1845 = vector.shape_cast %broadcast_in_dim3A_1844 : vector<16x1xi32> to vector<16xi32>
          %gather3A_1846 = tpu.dynamic_gather %add3A_1833[%gather3A_1845] in [0] : vector<16xf32>, vector<16xi32> -> vector<16xf32>
          %add3A_1847 = arith.addf %add3A_1833, %gather3A_1846 : vector<16xf32>
          %xor3A_1848 = arith.constant 2 : i32
          %xor3A_1849 = vector.broadcast %xor3A_1848 : i32 to vector<16xi32>
          %xor3A_1850 = arith.xori %iota3A_1819, %xor3A_1849 : vector<16xi32>
          %lt3A_1851 = arith.constant 0 : i32
          %lt3A_1852 = vector.broadcast %lt3A_1851 : i32 to vector<16xi32>
          %lt3A_1853 = arith.cmpi slt, %xor3A_1850, %lt3A_1852 : vector<16xi32>
          %add3A_1854 = arith.constant 16 : i32
          %add3A_1855 = vector.broadcast %add3A_1854 : i32 to vector<16xi32>
          %add3A_1856 = arith.addi %xor3A_1850, %add3A_1855 : vector<16xi32>
          %select_n3A_1857 = arith.select %lt3A_1853, %add3A_1856, %xor3A_1850 : vector<16xi1>, vector<16xi32>
          %broadcast_in_dim3A_1858 = vector.shape_cast %select_n3A_1857 : vector<16xi32> to vector<16x1xi32>
          %gather3A_1859 = vector.shape_cast %broadcast_in_dim3A_1858 : vector<16x1xi32> to vector<16xi32>
          %gather3A_1860 = tpu.dynamic_gather %add3A_1847[%gather3A_1859] in [0] : vector<16xf32>, vector<16xi32> -> vector<16xf32>
          %add3A_1861 = arith.addf %add3A_1847, %gather3A_1860 : vector<16xf32>
          %xor3A_1862 = arith.constant 1 : i32
          %xor3A_1863 = vector.broadcast %xor3A_1862 : i32 to vector<16xi32>
          %xor3A_1864 = arith.xori %iota3A_1819, %xor3A_1863 : vector<16xi32>
          %lt3A_1865 = arith.constant 0 : i32
          %lt3A_1866 = vector.broadcast %lt3A_1865 : i32 to vector<16xi32>
          %lt3A_1867 = arith.cmpi slt, %xor3A_1864, %lt3A_1866 : vector<16xi32>
          %add3A_1868 = arith.constant 16 : i32
          %add3A_1869 = vector.broadcast %add3A_1868 : i32 to vector<16xi32>
          %add3A_1870 = arith.addi %xor3A_1864, %add3A_1869 : vector<16xi32>
          %select_n3A_1871 = arith.select %lt3A_1867, %add3A_1870, %xor3A_1864 : vector<16xi1>, vector<16xi32>
          %broadcast_in_dim3A_1872 = vector.shape_cast %select_n3A_1871 : vector<16xi32> to vector<16x1xi32>
          %gather3A_1873 = vector.shape_cast %broadcast_in_dim3A_1872 : vector<16x1xi32> to vector<16xi32>
          %gather3A_1874 = tpu.dynamic_gather %add3A_1861[%gather3A_1873] in [0] : vector<16xf32>, vector<16xi32> -> vector<16xf32>
          %add3A_1875 = arith.addf %add3A_1861, %gather3A_1874 : vector<16xf32>
          %eq3A_1876 = arith.constant 14 : i32
          %eq3A_1877 = vector.broadcast %eq3A_1876 : i32 to vector<16xi32>
          %eq3A_1878 = arith.cmpi eq, %iota3A, %eq3A_1877 : vector<16xi32>
          %select_n3A_1879 = arith.select %eq3A_1878, %add3A_1875, %select_n3A_1764 : vector<16xi1>, vector<16xf32>
          %mul3A_1880 = arith.constant 64 : i32
          %mul3A_1881 = arith.muli %scan3A_118, %mul3A_1880 : i32
          %mul3A_1882 = arith.constant 16 : i32
          %mul3A_1883 = arith.muli %scan3A_158, %mul3A_1882 : i32
          %add3A_1884 = arith.addi %mul3A_1881, %mul3A_1883 : i32
          %add3A_1885 = arith.constant 15 : i32
          %add3A_1886 = arith.addi %add3A_1884, %add3A_1885 : i32
          %get3A_1887 = arith.index_cast %add3A_1886 : i32 to index
          %get3A_1888 = arith.constant 0 : index
          %get3A_1889 = tpu.vector_load %arg14[%get3A_1887, %get3A_1888] {strides = array<i32>} : memref<512x128xf32, #tpu.memory_space<vmem>>, vector<1x16xf32>,
          %get3A_1890 = vector.shape_cast %get3A_1889 : vector<1x16xf32> to vector<16xf32>
          %mul3A_1891 = arith.mulf %get3A_1890, %get3A_124 : vector<16xf32>
          %get3A_1892 = arith.index_cast %add3A_1886 : i32 to index
          %get3A_1893 = arith.constant 16 : index
          %get3A_1894 = tpu.vector_load %arg14[%get3A_1892, %get3A_1893] {strides = array<i32>} : memref<512x128xf32, #tpu.memory_space<vmem>>, vector<1x16xf32>,
          %get3A_1895 = vector.shape_cast %get3A_1894 : vector<1x16xf32> to vector<16xf32>
          %mul3A_1896 = arith.mulf %get3A_1895, %get3A_128 : vector<16xf32>
          %add3A_1897 = arith.addf %mul3A_1891, %mul3A_1896 : vector<16xf32>
          %get3A_1898 = arith.index_cast %add3A_1886 : i32 to index
          %get3A_1899 = arith.constant 32 : index
          %get3A_1900 = tpu.vector_load %arg14[%get3A_1898, %get3A_1899] {strides = array<i32>} : memref<512x128xf32, #tpu.memory_space<vmem>>, vector<1x16xf32>,
          %get3A_1901 = vector.shape_cast %get3A_1900 : vector<1x16xf32> to vector<16xf32>
          %mul3A_1902 = arith.mulf %get3A_1901, %get3A_132 : vector<16xf32>
          %add3A_1903 = arith.addf %add3A_1897, %mul3A_1902 : vector<16xf32>
          %get3A_1904 = arith.index_cast %add3A_1886 : i32 to index
          %get3A_1905 = arith.constant 48 : index
          %get3A_1906 = tpu.vector_load %arg14[%get3A_1904, %get3A_1905] {strides = array<i32>} : memref<512x128xf32, #tpu.memory_space<vmem>>, vector<1x16xf32>,
          %get3A_1907 = vector.shape_cast %get3A_1906 : vector<1x16xf32> to vector<16xf32>
          %mul3A_1908 = arith.mulf %get3A_1907, %get3A_136 : vector<16xf32>
          %add3A_1909 = arith.addf %add3A_1903, %mul3A_1908 : vector<16xf32>
          %get3A_1910 = arith.index_cast %add3A_1886 : i32 to index
          %get3A_1911 = arith.constant 64 : index
          %get3A_1912 = tpu.vector_load %arg14[%get3A_1910, %get3A_1911] {strides = array<i32>} : memref<512x128xf32, #tpu.memory_space<vmem>>, vector<1x16xf32>,
          %get3A_1913 = vector.shape_cast %get3A_1912 : vector<1x16xf32> to vector<16xf32>
          %mul3A_1914 = arith.mulf %get3A_1913, %get3A_140 : vector<16xf32>
          %add3A_1915 = arith.addf %add3A_1909, %mul3A_1914 : vector<16xf32>
          %get3A_1916 = arith.index_cast %add3A_1886 : i32 to index
          %get3A_1917 = arith.constant 80 : index
          %get3A_1918 = tpu.vector_load %arg14[%get3A_1916, %get3A_1917] {strides = array<i32>} : memref<512x128xf32, #tpu.memory_space<vmem>>, vector<1x16xf32>,
          %get3A_1919 = vector.shape_cast %get3A_1918 : vector<1x16xf32> to vector<16xf32>
          %mul3A_1920 = arith.mulf %get3A_1919, %get3A_144 : vector<16xf32>
          %add3A_1921 = arith.addf %add3A_1915, %mul3A_1920 : vector<16xf32>
          %get3A_1922 = arith.index_cast %add3A_1886 : i32 to index
          %get3A_1923 = arith.constant 96 : index
          %get3A_1924 = tpu.vector_load %arg14[%get3A_1922, %get3A_1923] {strides = array<i32>} : memref<512x128xf32, #tpu.memory_space<vmem>>, vector<1x16xf32>,
          %get3A_1925 = vector.shape_cast %get3A_1924 : vector<1x16xf32> to vector<16xf32>
          %mul3A_1926 = arith.mulf %get3A_1925, %get3A_148 : vector<16xf32>
          %add3A_1927 = arith.addf %add3A_1921, %mul3A_1926 : vector<16xf32>
          %get3A_1928 = arith.index_cast %add3A_1886 : i32 to index
          %get3A_1929 = arith.constant 112 : index
          %get3A_1930 = tpu.vector_load %arg14[%get3A_1928, %get3A_1929] {strides = array<i32>} : memref<512x128xf32, #tpu.memory_space<vmem>>, vector<1x16xf32>,
          %get3A_1931 = vector.shape_cast %get3A_1930 : vector<1x16xf32> to vector<16xf32>
          %mul3A_1932 = arith.mulf %get3A_1931, %get3A_152 : vector<16xf32>
          %add3A_1933 = arith.addf %add3A_1927, %mul3A_1932 : vector<16xf32>
          %iota3A_1934 = tpu.iota {dimensions = array<i32: 0>} : vector<16xi32>
          %xor3A_1935 = arith.constant 8 : i32
          %xor3A_1936 = vector.broadcast %xor3A_1935 : i32 to vector<16xi32>
          %xor3A_1937 = arith.xori %iota3A_1934, %xor3A_1936 : vector<16xi32>
          %lt3A_1938 = arith.constant 0 : i32
          %lt3A_1939 = vector.broadcast %lt3A_1938 : i32 to vector<16xi32>
          %lt3A_1940 = arith.cmpi slt, %xor3A_1937, %lt3A_1939 : vector<16xi32>
          %add3A_1941 = arith.constant 16 : i32
          %add3A_1942 = vector.broadcast %add3A_1941 : i32 to vector<16xi32>
          %add3A_1943 = arith.addi %xor3A_1937, %add3A_1942 : vector<16xi32>
          %select_n3A_1944 = arith.select %lt3A_1940, %add3A_1943, %xor3A_1937 : vector<16xi1>, vector<16xi32>
          %broadcast_in_dim3A_1945 = vector.shape_cast %select_n3A_1944 : vector<16xi32> to vector<16x1xi32>
          %gather3A_1946 = vector.shape_cast %broadcast_in_dim3A_1945 : vector<16x1xi32> to vector<16xi32>
          %gather3A_1947 = tpu.dynamic_gather %add3A_1933[%gather3A_1946] in [0] : vector<16xf32>, vector<16xi32> -> vector<16xf32>
          %add3A_1948 = arith.addf %add3A_1933, %gather3A_1947 : vector<16xf32>
          %xor3A_1949 = arith.constant 4 : i32
          %xor3A_1950 = vector.broadcast %xor3A_1949 : i32 to vector<16xi32>
          %xor3A_1951 = arith.xori %iota3A_1934, %xor3A_1950 : vector<16xi32>
          %lt3A_1952 = arith.constant 0 : i32
          %lt3A_1953 = vector.broadcast %lt3A_1952 : i32 to vector<16xi32>
          %lt3A_1954 = arith.cmpi slt, %xor3A_1951, %lt3A_1953 : vector<16xi32>
          %add3A_1955 = arith.constant 16 : i32
          %add3A_1956 = vector.broadcast %add3A_1955 : i32 to vector<16xi32>
          %add3A_1957 = arith.addi %xor3A_1951, %add3A_1956 : vector<16xi32>
          %select_n3A_1958 = arith.select %lt3A_1954, %add3A_1957, %xor3A_1951 : vector<16xi1>, vector<16xi32>
          %broadcast_in_dim3A_1959 = vector.shape_cast %select_n3A_1958 : vector<16xi32> to vector<16x1xi32>
          %gather3A_1960 = vector.shape_cast %broadcast_in_dim3A_1959 : vector<16x1xi32> to vector<16xi32>
          %gather3A_1961 = tpu.dynamic_gather %add3A_1948[%gather3A_1960] in [0] : vector<16xf32>, vector<16xi32> -> vector<16xf32>
          %add3A_1962 = arith.addf %add3A_1948, %gather3A_1961 : vector<16xf32>
          %xor3A_1963 = arith.constant 2 : i32
          %xor3A_1964 = vector.broadcast %xor3A_1963 : i32 to vector<16xi32>
          %xor3A_1965 = arith.xori %iota3A_1934, %xor3A_1964 : vector<16xi32>
          %lt3A_1966 = arith.constant 0 : i32
          %lt3A_1967 = vector.broadcast %lt3A_1966 : i32 to vector<16xi32>
          %lt3A_1968 = arith.cmpi slt, %xor3A_1965, %lt3A_1967 : vector<16xi32>
          %add3A_1969 = arith.constant 16 : i32
          %add3A_1970 = vector.broadcast %add3A_1969 : i32 to vector<16xi32>
          %add3A_1971 = arith.addi %xor3A_1965, %add3A_1970 : vector<16xi32>
          %select_n3A_1972 = arith.select %lt3A_1968, %add3A_1971, %xor3A_1965 : vector<16xi1>, vector<16xi32>
          %broadcast_in_dim3A_1973 = vector.shape_cast %select_n3A_1972 : vector<16xi32> to vector<16x1xi32>
          %gather3A_1974 = vector.shape_cast %broadcast_in_dim3A_1973 : vector<16x1xi32> to vector<16xi32>
          %gather3A_1975 = tpu.dynamic_gather %add3A_1962[%gather3A_1974] in [0] : vector<16xf32>, vector<16xi32> -> vector<16xf32>
          %add3A_1976 = arith.addf %add3A_1962, %gather3A_1975 : vector<16xf32>
          %xor3A_1977 = arith.constant 1 : i32
          %xor3A_1978 = vector.broadcast %xor3A_1977 : i32 to vector<16xi32>
          %xor3A_1979 = arith.xori %iota3A_1934, %xor3A_1978 : vector<16xi32>
          %lt3A_1980 = arith.constant 0 : i32
          %lt3A_1981 = vector.broadcast %lt3A_1980 : i32 to vector<16xi32>
          %lt3A_1982 = arith.cmpi slt, %xor3A_1979, %lt3A_1981 : vector<16xi32>
          %add3A_1983 = arith.constant 16 : i32
          %add3A_1984 = vector.broadcast %add3A_1983 : i32 to vector<16xi32>
          %add3A_1985 = arith.addi %xor3A_1979, %add3A_1984 : vector<16xi32>
          %select_n3A_1986 = arith.select %lt3A_1982, %add3A_1985, %xor3A_1979 : vector<16xi1>, vector<16xi32>
          %broadcast_in_dim3A_1987 = vector.shape_cast %select_n3A_1986 : vector<16xi32> to vector<16x1xi32>
          %gather3A_1988 = vector.shape_cast %broadcast_in_dim3A_1987 : vector<16x1xi32> to vector<16xi32>
          %gather3A_1989 = tpu.dynamic_gather %add3A_1976[%gather3A_1988] in [0] : vector<16xf32>, vector<16xi32> -> vector<16xf32>
          %add3A_1990 = arith.addf %add3A_1976, %gather3A_1989 : vector<16xf32>
          %eq3A_1991 = arith.constant 15 : i32
          %eq3A_1992 = vector.broadcast %eq3A_1991 : i32 to vector<16xi32>
          %eq3A_1993 = arith.cmpi eq, %iota3A, %eq3A_1992 : vector<16xi32>
          %select_n3A_1994 = arith.select %eq3A_1993, %add3A_1990, %select_n3A_1879 : vector<16xi1>, vector<16xf32>
          %mul3A_1995 = arith.constant 64 : i32
          %mul3A_1996 = arith.muli %scan3A_118, %mul3A_1995 : i32
          %mul3A_1997 = arith.constant 16 : i32
          %mul3A_1998 = arith.muli %scan3A_158, %mul3A_1997 : i32
          %add3A_1999 = arith.addi %mul3A_1996, %mul3A_1998 : i32
          %swap3A = arith.index_cast %add3A_1999 : i32 to index
          %swap3A_2000 = tpu.vector_load %arg16[%swap3A] {strides = array<i32>} : memref<512xf32, #tpu.memory_space<vmem>>, vector<16xf32>,
          %swap3A_2001 = vector.shape_cast %swap3A_2000 : vector<16xf32> to vector<16xf32>
          %swap3A_2002 = vector.shape_cast %select_n3A_1994 : vector<16xf32> to vector<16xf32>
          tpu.vector_store %arg16[%swap3A], %swap3A_2002 {strides = array<i32>} : memref<512xf32, #tpu.memory_space<vmem>>, vector<16xf32>,
        }
        %scan3A_157 = arith.constant 4 : i32
      }
      %scan3A_112 = arith.constant 8 : i32
      %mul3A_113 = arith.constant 8 : i32
      %mul3A_114 = arith.muli %scan3A_22, %mul3A_113 : i32
      %add3A_115 = arith.addi %mul3A_2, %mul3A_114 : i32
      %mul3A_116 = arith.constant 64 : i32
      %mul3A_117 = arith.muli %add3A_115, %mul3A_116 : i32
      "tpu.region"() ({
        %run_scoped3A = tpu.sem_alloc : memref<!tpu.dma_semaphore, #tpu.memory_space<semaphore_mem>>
        %dma_start3A_118 = tpu.memref_slice %arg8[%mul3A_117] : memref<262144xf32, #tpu.memory_space<hbm>> -> memref<512xf32, #tpu.memory_space<hbm>>
        %dma_start3A_119 = tpu.memref_slice %arg8[%mul3A_117] : memref<262144xf32, #tpu.memory_space<hbm>> -> memref<512xf32, #tpu.memory_space<hbm>>
        tpu.enqueue_dma source(%arg16 : memref<512xf32, #tpu.memory_space<vmem>>) target(%dma_start3A_119 : memref<512xf32, #tpu.memory_space<hbm>>) target_semaphore(%run_scoped3A : memref<!tpu.dma_semaphore, #tpu.memory_space<semaphore_mem>>)
        %dma_wait3A_120 = tpu.memref_slice %arg8[%mul3A_117] : memref<262144xf32, #tpu.memory_space<hbm>> -> memref<512xf32, #tpu.memory_space<hbm>>
        %dma_wait3A_121 = tpu.memref_slice %arg8[%mul3A_117] : memref<262144xf32, #tpu.memory_space<hbm>> -> memref<512xf32, #tpu.memory_space<hbm>>
        tpu.wait_dma2 semaphore(%run_scoped3A : memref<!tpu.dma_semaphore, #tpu.memory_space<semaphore_mem>>) src(%arg16 : memref<512xf32, #tpu.memory_space<vmem>>) dst(%dma_wait3A_121 : memref<512xf32, #tpu.memory_space<hbm>>)
        tpu.yield
      }) : () -> ()
    }
    %scan3A_21 = arith.constant 16 : i32
    return
  }
}

module attributes {stable_mosaic.version = 14 : i64} {
  func.func @_loss_body(%arg0: memref<32x128xf32, #tpu.memory_space<vmem>>, %arg1: memref<2048x128xf32, #tpu.memory_space<vmem>>, %arg2: memref<1x1xf32, #tpu.memory_space<smem>>) attributes {dimension_semantics = [], scalar_prefetch = 0 : i64, scratch_operands = 0 : i64, tpu.core_type = #tpu.core_type<tc>} {
    %get3A = arith.constant 0 : index
    %get3A_0 = arith.constant 0 : index
    %get3A_1 = vector.load %arg0[%get3A, %get3A_0] : memref<32x128xf32, #tpu.memory_space<vmem>>, vector<32x128xf32>
    %get3A_2 = arith.constant 0 : index
    %get3A_3 = arith.constant 0 : index
    %get3A_4 = vector.load %arg1[%get3A_2, %get3A_3] : memref<2048x128xf32, #tpu.memory_space<vmem>>, vector<2048x128xf32>
    %min3A = arith.constant 0.000000e+00 : f32
    %min3A_5 = vector.broadcast %min3A : f32 to vector<32x128xf32>
    %min3A_6 = arith.minimumf %get3A_1, %min3A_5 : vector<32x128xf32>
    %abs3A = math.absf %get3A_1 : vector<32x128xf32>
    %neg3A = arith.constant 0.000000e+00 : f32
    %neg3A_7 = vector.broadcast %neg3A : f32 to vector<32x128xf32>
    %neg3A_8 = arith.subf %neg3A_7, %abs3A : vector<32x128xf32>
    %exp3A = math.exp %neg3A_8 : vector<32x128xf32>
    %add3A = arith.constant 1.000000e+00 : f32
    %add3A_9 = vector.broadcast %add3A : f32 to vector<32x128xf32>
    %add3A_10 = arith.addf %add3A_9, %exp3A : vector<32x128xf32>
    %log3A = math.log %add3A_10 : vector<32x128xf32>
    %sub3A = arith.subf %min3A_6, %log3A : vector<32x128xf32>
    %reduce_sum3A = vector.shape_cast %sub3A : vector<32x128xf32> to vector<1x32x128xf32>
    %reduce_sum3A_11 = arith.constant dense<0.000000e+00> : vector<1xf32>
    %reduce_sum3A_12 = vector.multi_reduction <add>, %reduce_sum3A, %reduce_sum3A_11 [1, 2] : vector<1x32x128xf32> to vector<1xf32>
    %reduce_sum3A_13 = vector.shape_cast %reduce_sum3A_12 : vector<1xf32> to vector<1x1x1xf32>
    %reduce_sum3A_14 = vector.extract %reduce_sum3A_13[0, 0, 0] : f32 from vector<1x1x1xf32>
    %neg3A_15 = arith.constant 0.000000e+00 : f32
    %neg3A_16 = vector.broadcast %neg3A_15 : f32 to vector<2048x128xf32>
    %neg3A_17 = arith.subf %neg3A_16, %get3A_4 : vector<2048x128xf32>
    %min3A_18 = arith.constant 0.000000e+00 : f32
    %min3A_19 = vector.broadcast %min3A_18 : f32 to vector<2048x128xf32>
    %min3A_20 = arith.minimumf %neg3A_17, %min3A_19 : vector<2048x128xf32>
    %abs3A_21 = math.absf %neg3A_17 : vector<2048x128xf32>
    %neg3A_22 = arith.constant 0.000000e+00 : f32
    %neg3A_23 = vector.broadcast %neg3A_22 : f32 to vector<2048x128xf32>
    %neg3A_24 = arith.subf %neg3A_23, %abs3A_21 : vector<2048x128xf32>
    %exp3A_25 = math.exp %neg3A_24 : vector<2048x128xf32>
    %add3A_26 = arith.constant 1.000000e+00 : f32
    %add3A_27 = vector.broadcast %add3A_26 : f32 to vector<2048x128xf32>
    %add3A_28 = arith.addf %add3A_27, %exp3A_25 : vector<2048x128xf32>
    %log3A_29 = math.log %add3A_28 : vector<2048x128xf32>
    %sub3A_30 = arith.subf %min3A_20, %log3A_29 : vector<2048x128xf32>
    %reduce_sum3A_31 = vector.shape_cast %sub3A_30 : vector<2048x128xf32> to vector<1x2048x128xf32>
    %reduce_sum3A_32 = arith.constant dense<0.000000e+00> : vector<1xf32>
    %reduce_sum3A_33 = vector.multi_reduction <add>, %reduce_sum3A_31, %reduce_sum3A_32 [1, 2] : vector<1x2048x128xf32> to vector<1xf32>
    %reduce_sum3A_34 = vector.shape_cast %reduce_sum3A_33 : vector<1xf32> to vector<1x1x1xf32>
    %reduce_sum3A_35 = vector.extract %reduce_sum3A_34[0, 0, 0] : f32 from vector<1x1x1xf32>
    %add3A_36 = arith.addf %reduce_sum3A_14, %reduce_sum3A_35 : f32
    %neg3A_37 = arith.constant 0.000000e+00 : f32
    %neg3A_38 = arith.subf %neg3A_37, %add3A_36 : f32
    %div3A = arith.constant 4.096000e+03 : f32
    %div3A_39 = arith.divf %neg3A_38, %div3A : f32
    %swap3A = arith.constant 0 : index
    %swap3A_40 = arith.constant 0 : index
    %swap3A_41 = memref.load %arg2[%swap3A, %swap3A_40] : memref<1x1xf32, #tpu.memory_space<smem>>
    memref.store %div3A_39, %arg2[%swap3A, %swap3A_40] : memref<1x1xf32, #tpu.memory_space<smem>>
    return
  }
}

</mosaic_0001>

<sc_bundles>
// kernel: kernel.4.cloned.1.call-start
scs
__scs_entry_jumppad:
0x0: {  	(pc) =	sbr.rel $0x88, $3  }
0x1: {  	(tag) =	ssettag $0x0;
	lr =	simm.s32 $0x1  }
0x2: {  	[smem:$0x3F9C] =	sst lr;
	_ =	strace $0xD0000000  }
0x3: {  	_ = 	snop  }
0x4: {  	_ = 	snop  }
0x5: {  	_ = 	snop  }
0x6: {  	_ = 	snop  }
0x7: {  	_ = 	snop  }
__scs_overlays_trampoline_lowered:
0x8: {  	[smem:$0x3FAB] =	sst s0  }
0x9: {  	[smem:$0x3FAC] =	sst s1  }
0xa: {  	[smem:$0x3FAD] =	sst s2  }
0xb: {  	[smem:$0x3FAE] =	sst s3  }
0xc: {  	[smem:$0x3FAF] =	sst s4  }
0xd: {  	[smem:$0x3FB0] =	sst s5  }
0xe: {  	[smem:$0x3FB1] =	sst s6  }
0xf: {  	[smem:$0x3FB2] =	sst s7  }
0x10: {  	[smem:$0x3FB3] =	sst s8  }
0x11: {  	[smem:$0x3FB4] =	sst s9;
	s0 =	simm.s32 @!p0 $0x0  }
0x12: {  	s1 =	sld [smem:$0x3F9A];
	s0 =	simm.s32 @p0 $0x1  }
0x13: {  	[smem:$0x3FB5] =	sst s0;
	s0 =	simm.s32 @!p1 $0x0  }
0x14: {  	s2 =	sld [smem:$0x3F99];
	s0 =	simm.s32 @p1 $0x1  }
0x15: {  	[smem:$0x3FB6] =	sst s0;
	s0 =	simm.s32 @!p2 $0x0  }
0x16: {  	s3 =	sld [smem:$0x3FDB];
	s0 =	simm.s32 @p2 $0x1  }
0x17: {  	s4 =	simm.s32 $0x1BF5;
	[smem:$0x3FB8] =	sst s0  }
0x18: {  	s0 =	sld [smem:$0x3F9B];
	_ =	swait.ge [sflag:s4], $0x0  }
0x19: {  	s7 =	sld [smem:$0x3F9C]  }
0x1a: {  	s8 =	sadd.s32 $0xFFFFE003, lr  }
0x1b: {  	s9 =	sadd.s32 $0xFFFFFEF7, lr;
	s5 =	simm.s32 $0xFFFFFFFF;
	p2 =	slt.u32 s8, $0xFFFFF086  }
0x1c: {  	p1 =	slt.u32 s9, $0xF7A;
	s5 =	simm.s32 @!p2 $0x0  }
0x1d: {  	s5 =	simm.s32 @p1 $0x1;
	p0 =	seq.s32 s7, s2  }
0x1e: {  	s7 =	smul.u32 @!p0 $0xF7A, s2;
	p2 =	seq.s32 @!p0 s5, $0x0  }
0x1f: {  	s9 =	smul.u32 $0xF7A, s1;
	s8 =	simm.s32 @!p0 $0x1BF5;
	p2 =	por !p2, p0  }
0x20: {  	[sflag:s8] =	ssyncset.s32 @!p0 $0xFFFFF086;
	s6 =	sadd.s32 @!p0 s3, s7;
	s7 =	simm.s32 @!p0 $0x108  }
0x21: {  	s3 =	sadd.s32 s3, s9;
	s6 =	sadd.s32 @!p0 $0x88, s6;
	s7 =	simm.s32 @p2 $0x1082  }
0x22: {  	[simem:s7], [sflag:s8] =	dma.local @!p0 [hbm:s6], $0xF7A  }
0x23: {  	s9 =	sor.u32 $0xD0000000, s2;
	s6 =	simm.s32 $0x108;
	_ =	swait.ge @!p0 [sflag:s8], $0x0  }
0x24: {  	s3 =	sadd.s32 $0x88, s3;
	s6 =	simm.s32 @!p1 $0x1082;
	[sflag:s4] =	ssyncset.s32 $0xFFFFF086  }
0x25: {  	[simem:s6], [sflag:s4] =	dma.local [hbm:s3], $0xF7A  }
0x26: {  	[smem:$0x3F9C] =	sst s1;
	(tag) =	ssettag s2;
	_ =	strace s9  }
0x27: {  	s1 =	sld [smem:$0x3FAC]  }
0x28: {  	s2 =	sld [smem:$0x3FAD]  }
0x29: {  	s4 =	sld [smem:$0x3FAF]  }
0x2a: {  	p0 =	seq.s32 s5, $0x0;
	s5 =	sld [smem:$0x3FB0]  }
0x2b: {  	s6 =	sld [smem:$0x3FB1]  }
0x2c: {  	s7 =	sld [smem:$0x3FB2]  }
0x2d: {  	s3 =	simm.s32 $0x108;
	s8 =	sld [smem:$0x3FB3]  }
0x2e: {  	s3 =	simm.s32 @!p0 $0x1082;
	s9 =	sld [smem:$0x3FB4]  }
0x2f: {  	lr =	sadd.s32 s0, s3;
	s0 =	sld [smem:$0x3FAB]  }
0x30: {  	s3 =	sld [smem:$0x3FAE]  }
0x31: {  	[smem:$0x3FB7] =	sst s10  }
0x32: {  	s10 =	sld [smem:$0x3FB5];
	_ =	sdelay $0x3  }
0x33: {  	p0 =	seq.s32 s10, $0x1;
	s10 =	sld [smem:$0x3FB7];
	_ =	sdelay $0x3  }
0x34: {  	[smem:$0x3FB7] =	sst s10  }
0x35: {  	s10 =	sld [smem:$0x3FB6];
	_ =	sdelay $0x3  }
0x36: {  	p1 =	seq.s32 s10, $0x1;
	s10 =	sld [smem:$0x3FB7];
	_ =	sdelay $0x3  }
0x37: {  	[smem:$0x3FB7] =	sst s10  }
0x38: {  	s10 =	sld [smem:$0x3FB8]  }
0x39: {  	_ = 	snop;
	(pc) =	sbr.ind lr, $3  }
0x3a: {  	_ = 	snop  }
0x3b: {  	_ = 	snop  }
0x3c: {  	p2 =	seq.s32 s10, $0x1;
	s10 =	sld [smem:$0x3FB7]  }
0x3d: {  	_ =	shalt  }
0x3e: {  	_ =	shalt  }
0x3f: {  	_ =	shalt  }
0x40: {  	_ =	shalt  }
0x41: {  	_ =	shalt  }
0x42: {  	_ =	shalt  }
0x43: {  	_ =	shalt  }
0x44: {  	_ =	shalt  }
0x45: {  	_ =	shalt  }
0x46: {  	_ =	shalt  }
0x47: {  	_ =	shalt  }
0x48: {  	_ =	shalt  }
0x49: {  	_ =	shalt  }
0x4a: {  	_ =	shalt  }
0x4b: {  	_ =	shalt  }
0x4c: {  	_ =	shalt  }
0x4d: {  	_ =	shalt  }
0x4e: {  	_ =	shalt  }
0x4f: {  	_ =	shalt  }
0x50: {  	_ =	shalt  }
0x51: {  	_ =	shalt  }
0x52: {  	_ =	shalt  }
0x53: {  	_ =	shalt  }
0x54: {  	_ =	shalt  }
0x55: {  	_ =	shalt  }
0x56: {  	_ =	shalt  }
0x57: {  	_ =	shalt  }
0x58: {  	_ =	shalt  }
0x59: {  	_ =	shalt  }
0x5a: {  	_ =	shalt  }
0x5b: {  	_ =	shalt  }
0x5c: {  	_ =	shalt  }
0x5d: {  	_ =	shalt  }
0x5e: {  	_ =	shalt  }
0x5f: {  	_ =	shalt  }
0x60: {  	_ =	shalt  }
0x61: {  	_ =	shalt  }
0x62: {  	_ =	shalt  }
0x63: {  	_ =	shalt  }
0x64: {  	_ =	shalt  }
0x65: {  	_ =	shalt  }
0x66: {  	_ =	shalt  }
0x67: {  	_ =	shalt  }
0x68: {  	_ =	shalt  }
0x69: {  	_ =	shalt  }
0x6a: {  	_ =	shalt  }
0x6b: {  	_ =	shalt  }
0x6c: {  	_ =	shalt  }
0x6d: {  	_ =	shalt  }
0x6e: {  	_ =	shalt  }
0x6f: {  	_ =	shalt  }
0x70: {  	_ =	shalt  }
0x71: {  	_ =	shalt  }
0x72: {  	_ =	shalt  }
0x73: {  	_ =	shalt  }
0x74: {  	_ =	shalt  }
0x75: {  	_ =	shalt  }
0x76: {  	_ =	shalt  }
0x77: {  	_ =	shalt  }
0x78: {  	_ =	shalt  }
0x79: {  	_ =	shalt  }
0x7a: {  	_ =	shalt  }
0x7b: {  	_ =	shalt  }
0x7c: {  	_ =	shalt  }
0x7d: {  	_ =	shalt  }
0x7e: {  	_ =	shalt  }
0x7f: {  	_ =	shalt  }
0x80: {  	_ =	shalt  }
0x81: {  	_ =	shalt  }
0x82: {  	_ =	shalt  }
0x83: {  	_ =	shalt  }
0x84: {  	_ =	shalt  }
0x85: {  	_ =	shalt  }
0x86: {  	_ =	shalt  }
0x87: {  	_ =	shalt  }
.Lfunc_end0:
.L_simem_size_0:
called_computation_lowered:
.L_overlay_start_0:
0x88: {  	s2 =	sld [smem:$0x3FD9]  }
0x89: {  	s3 =	sld [smem:$0x3FFE];
	_ =	sdelay $0x1  }
0x8a: {  	s1 =	srdreg.scid  }
0x8b: {  	s0 =	sand.u32 $0x1, s1  }
0x8c: {  	s17 =	sshll.u32 s0, $0xA;
	s2 =	sadd.s32 s3, s2  }
0x8d: {  	s2 =	sadd.s32 s2, s17  }
0x8e: {  	[smem:$0x3FC3] =	sst s2  }
0x8f: {  	_ = 	snop  }
0x90: {  	s2 =	sld [smem:$0x3FC9]  }
0x91: {  	s18 =	sld [smem:$0x3FC8]  }
0x92: {  	s4 =	sld [smem:$0x3FC6]  }
0x93: {  	s5 =	sld [smem:$0x3FC5];
	(tm) =	ssettm $0x1  }
0x94: {  	s6 =	sld [smem:$0x3FFB];
	_ =	sdelay $0x3  }
0x95: {  	_ =	strace s6  }
0x96: {  	s6 =	sld [smem:$0x3FFC];
	_ =	sdelay $0x3  }
0x97: {  	_ =	strace s6  }
0x98: {  	s6 =	sld [smem:$0x3FFD];
	_ =	sdelay $0x3  }
0x99: {  	_ =	strace s6  }
0x9a: {  	_ =	strace $0x8FFFFFFF  }
0x9b: {  	s19 =	sld [smem:$0x3FDB];
	_ =	sdelay $0x1  }
0x9c: {  	s7 =	simm.s32 $_scs_section_size  }
0x9d: {  	s8 =	simm.s32 $_size__tile_overlayer_lowered;
	s9 =	simm.s32 $_tile_overlayer_lowered  }
0x9e: {  	s22 =	simm.s32 $0x1BFF;
	s21 =	sshll.u32 s9, $0x1;
	s6 =	sadd.s32 s7, s19  }
0x9f: {  	s10 =	simm.s32 $0x0;
	s20 =	sshll.u32 s8, $0x1;
	s8 =	sadd.s32 s21, s6  }
0xa0: {  	[timem:s10], [sflag:s22] =	dma.local [hbm:s8], s20  }
0xa1: {  	_ =	swait.ge [sflag:s22], s20  }
0xa2: {  	s7 =	ssub.s32 $0x0, s20;
	[sflag:s22] =	ssyncset.done $0x0  }
0xa3: {  	[sflag:s22] =	ssyncadd.s32 s7;
	_ =	sdelay $0x1  }
0xa4: {  	s23 =	simm.s32 $0x1B8B  }
0xa5: {  	_ =	swait.ge [sflag:s23], $0x1  }
0xa6: {  	[sflag:s23] =	ssyncset.done $0x0  }
0xa7: {  	s25 =	simm.s32 $0x1B8E;
	s24 =	sld [smem:$0x3FFE];
	[sflag:s23] =	ssyncadd.s32 $0xFFFFFFFF  }
0xa8: {  	s26 =	simm.s32 $execute0_lowered;
	[smem:$0x3FD2] =	sst s25  }
0xa9: {  	s8 =	sshll.u32 s26, $0x1;
	_ =	strace $0x80000046;
	[dreg:$0x1] =	wrdreg $0xFFFFFFFF  }
0xaa: {  	s28 =	simm.s32 $_size_execute0_lowered;
	s6 =	sadd.s32 s6, s8;
	[dreg:$0x0] =	wrdreg $0x0  }
0xab: {  	s8 =	sshll.u32 s28, $0x1;
	[dreg:$0x2] =	wrdreg s6  }
0xac: {  	[dreg:$0x3] =	wrdreg s8  }
0xad: {  	[dreg:$0x4] =	wrdreg $0xC0  }
0xae: {  	_ =	task [dreg:s10], $0x5FFFF  }
0xaf: {  	[dreg:$0x1] =	wrdreg $0xFFFFFFFF  }
0xb0: {  	[dreg:$0x0] =	wrdreg $0x60  }
0xb1: {  	[dreg:$0x2] =	wrdreg s2  }
0xb2: {  	[dreg:$0x3] =	wrdreg s18  }
0xb3: {  	[dreg:$0x4] =	wrdreg s24  }
0xb4: {  	[dreg:$0x5] =	wrdreg s4  }
0xb5: {  	[dreg:$0x6] =	wrdreg s5  }
0xb6: {  	[dreg:$0x7] =	wrdreg $0x9  }
0xb7: {  	_ =	task.clear_ibuf [dreg:s10], $0x8FFFF;
	_ =	strace $0x90000046  }
0xb8: {  	s29 =	simm.s32 $0x9;
	_ =	strace $0x80000048  }
0xb9: {  	_ =	swait.ge [sflag:s29], $0x1  }
0xba: {  	[sflag:s29] =	ssyncadd.s32 $0xFFFFFFFF  }
0xbb: {  	_ =	strace $0x90000048  }
0xbc: {  	_ =	sfence  }
0xbd: {  	s30 =	sld [smem:$0x0];
	_ =	sdelay $0x2  }
0xbe: {  	s31 =	sshll.u32 s1, $0xD;
	s1 =	sshrl.u32 s1, $0x2  }
0xbf: {  	s3 =	sand.u32 $0x4000, s31;
	s1 =	sadd.s32 s1, s30  }
0xc0: {  	s0 =	sor.u32 s3, s0;
	s1 =	sshll.u32 s1, $0x11  }
0xc1: {  	s0 =	sor.u32 s1, s0  }
0xc2: {  	s0 =	sadd.s32 $0x8F2B, s0  }
0xc3: {  	[sflag:s0] =	ssyncadd.remote.s32 $0x1  }
0xc4: {  	_ =	sfence.sel $0xFFFF  }
0xc5: {  	[dreg:$0x0] =	wrdreg $0xFFFFFFFF;
	(pc) =	sbr.abs _section_cstart, $3  }
0xc6: {  	[dreg:$0x1] =	wrdreg $0xFFFFFFFF  }
0xc7: {  	_ =	task.clear_ibuf [dreg:s10], $0x2FFFF;
	_ =	strace $0x9FFFFFFF  }
0xc8: {  	(tm) =	ssettm $0x7FFFFFFF  }
0xc9: {  	_ =	shalt  }
tec
execute0_lowered:
.L_overlay_start_1:
0x0: {  	(tag) =	ssettag $0x1  }
0x1: {  	v0 =	vimm.s32 $0xFEDCBA98;
	v1 =	vimm.s32 $0x76543210  }
0x2: {  	s0 =	rddreg [dreg:$0x0];
	v2 =	vimm.s32 $0xBA98FEDC;
	v3 =	vimm.s32 $0x32107654;
	v4 =	vimm.s32 $0xDCFE98BA  }
0x3: {  	s1 =	rddreg [dreg:$0x1];
	v5 =	vimm.s32 $0x54761032;
	v6 =	vimm.s32 $0xEFCDAB89;
	v7 =	vimm.s32 $0x67452301  }
0x4: {  	s3 =	rddreg [dreg:$0x2];
	vm0 =	vmmov $0x1;
	vm1 =	vmmov $0x3;
	vm2 =	vmmov $0x7  }
0x5: {  	s2 =	rddreg [dreg:$0x4];
	s5 =	srdreg.scid;
	vm3 =	vmmov $0xf;
	vm4 =	vmmov $0x1f;
	vm5 =	vmmov $0x3f  }
0x6: {  	s6 =	stileid.u32;
	s4 =	simm.s32 $0x0;
	s11 =	simm.s32 $0x2;
	vm6 =	vmmov $0x7f;
	vm7 =	vmmov $0xff;
	vm8 =	vmmov $0x1ff  }
0x7: {  	s12 =	simm.s32 $0x80;
	s15 =	simm.s32 $0x1;
	s17 =	simm.s32 $0x100;
	vm9 =	vmmov $0x3ff;
	vm10 =	vmmov $0x7ff;
	vm11 =	vmmov $0xfff  }
0x8: {  	s18 =	simm.s32 $0x8300;
	s19 =	simm.s32 $0x180;
	s20 =	simm.s32 $0xC300;
	v0 =	vunpack.c.l.s4.s8 v0;
	v1 =	vunpack.c.l.s4.s8 v1;
	v2 =	vunpack.c.l.s4.s8 v2  }
0x9: {  	s21 =	simm.s32 $0x200;
	s22 =	simm.s32 $0x10300;
	s23 =	simm.s32 $0x280;
	v3 =	vunpack.c.l.s4.s8 v3;
	v4 =	vunpack.c.l.s4.s8 v4;
	v5 =	vunpack.c.l.s4.s8 v5  }
0xa: {  	s24 =	simm.s32 $0x14300;
	s25 =	simm.s32 $0x18380;
	s26 =	simm.s32 $0x0;
	v6 =	vunpack.c.l.s4.s8 v6;
	v7 =	vunpack.c.l.s4.s8 v7;
	v0 =	vunpack.c.0.s8.s32 v0  }
0xb: {  	s5 =	sand.u32 $0x1, s5;
	s6 =	sshll.u32 s6, $0x1;
	[smem:$0x7FF] =	sst s4;
	v2 =	vunpack.c.0.s8.s32 v2;
	v3 =	vunpack.c.0.s8.s32 v3;
	v4 =	vunpack.c.0.s8.s32 v4  }
0xc: {  	s6 =	sor.u32 s5, s6;
	_ =	strace $0x80000047;
	s5 =	ssub.s32 $0x2, s5;
	v5 =	vunpack.c.0.s8.s32 v5;
	v6 =	vunpack.c.0.s8.s32 v6;
	v7 =	vunpack.c.0.s8.s32 v7  }
0xd: {  	vm12 =	vmmov $0x1fff;
	s7 =	sshll.u32 s6, $0x4;
	s6 =	sshll.u32 s6, $0xA;
	s9 =	sshrl.u32 s5, $0x1;
	v1 =	vunpack.c.0.s8.s32 v1;
	v2 =	vcombine.low v3, v2  }
0xe: {  	s8 =	sadd.s32 s7, s3;
	s3 =	sadd.s32 s6, s3;
	s10 =	ssub.s32 s5, s9;
	v3 =	vcombine.low v5, v4;
	v4 =	vcombine.low v7, v6;
	v0 =	vand.u32 $0xF, v0  }
0xf: {  	vm13 =	vmmov $0x3fff;
	vm14 =	vmmov $0x7fff;
	s5 =	sadd.s32 s0, s7;
	s6 =	sadd.s32 s1, s7;
	s7 =	sadd.s32 $0x10C00, s8;
	v0 =	vcombine.low v0, v1  }
0x10: {  	s8 =	sadd.s32 $0xC00, s3;
	s9 =	sadd.s32 $0x8C00, s3;
	s10 =	smax.u32 s10, $0x1;
	v1 =	vand.u32 $0xF, v2;
	v2 =	vand.u32 $0xF, v3;
	v3 =	vand.u32 $0xF, v4  }
.LBB2_1:
0x11: {  	[tilespmem:s4], [sflag:$0x2] =	stream.linear.gather [hbm4b:s5+s4], $0x80, $0x38;
	[tilespmem:$0x18580] =	vst v63  }
0x12: {  	_ =	swait.ge [sflag:s11], $0x80  }
0x13: {  	[sflag:s11] =	ssyncset.done $0x0  }
0x14: {  	[sflag:s11] =	ssyncadd.s32 $0xFFFFFF80  }
0x15: {  	[tilespmem:s12], [sflag:$0x2] =	stream.linear.gather [hbm4b:s6+s4], $0x80, $0x38;
	[tilespmem:$0x18580] =	vst v63  }
0x16: {  	_ =	swait.ge [sflag:s11], $0x80  }
0x17: {  	[sflag:s11] =	ssyncset.done $0x0  }
0x18: {  	[sflag:s11] =	ssyncadd.s32 $0xFFFFFF80  }
0x19: {  	s1 =	simm.s32 $0x300;
	s0 =	rddreg [dreg:$0x3]  }
0x1a: {  	[tilespmem:s1], [sflag:$0x1] =	stream.indirect.gather [hbm4b:s0+s12], $0x80, s4, s12, $0xb8;
	[tilespmem:$0x18580] =	vst v63  }
0x1b: {  	s31 =	simm.s32 $0x4300  }
0x1c: {  	[tilespmem:s31], [sflag:$0x1] =	stream.indirect.gather [hbm4b:s2+s12], $0x80, s12, s12, $0xb8;
	[tilespmem:$0x18580] =	vst v63  }
0x1d: {  	_ =	swait.ge [sflag:s15], $0x4000  }
0x1e: {  	[sflag:s15] =	ssyncset.done $0x0  }
0x1f: {  	[sflag:s15] =	ssyncadd.s32 $0xFFFFC000  }
0x20: {  	_ =	swait.ge [sflag:s15], $0x4000  }
0x21: {  	[sflag:s15] =	ssyncset.done $0x0  }
0x22: {  	s28 =	simm.s32 $0x0;
	[sflag:s15] =	ssyncadd.s32 $0xFFFFC000  }
0x23: {  	v4 =	vld [tilespmem:s28+$0x9E0];
	_ =	sdelay $0x4  }
0x24: {  	[tilespmem:$0x1F860] =	vst v4;
	v4 =	vld [tilespmem:s28+$0xAC0];
	_ =	sdelay $0x4  }
0x25: {  	[tilespmem:$0x1F870] =	vst v4;
	v4 =	vld [tilespmem:s28+$0x960];
	_ =	sdelay $0x4  }
0x26: {  	[tilespmem:$0x1F880] =	vst v4;
	v4 =	vld [tilespmem:s28+$0x4960];
	_ =	sdelay $0x4  }
0x27: {  	[tilespmem:$0x1F890] =	vst v4;
	v4 =	vld [tilespmem:s28+$0x9D0];
	_ =	sdelay $0x4  }
0x28: {  	[tilespmem:$0x1F8A0] =	vst v4;
	v4 =	vld [tilespmem:s28+$0x49D0];
	_ =	sdelay $0x4  }
0x29: {  	[tilespmem:$0x1F8B0] =	vst v4;
	v4 =	vld [tilespmem:s28+$0xA40];
	_ =	sdelay $0x4  }
0x2a: {  	[tilespmem:$0x1F8C0] =	vst v4;
	v4 =	vld [tilespmem:s28+$0x4A40];
	_ =	sdelay $0x4  }
0x2b: {  	[tilespmem:$0x1F8D0] =	vst v4;
	v4 =	vld [tilespmem:s28+$0x8E0];
	_ =	sdelay $0x4  }
0x2c: {  	[tilespmem:$0x1F910] =	vst v4;
	v4 =	vld [tilespmem:s28+$0x48E0];
	_ =	sdelay $0x4  }
0x2d: {  	[tilespmem:$0x1F920] =	vst v4;
	v4 =	vld [tilespmem:s28+$0x950];
	_ =	sdelay $0x4  }
0x2e: {  	[tilespmem:$0x1F950] =	vst v4;
	v4 =	vld [tilespmem:s28+$0x4950];
	_ =	sdelay $0x4  }
0x2f: {  	[tilespmem:$0x1F960] =	vst v4;
	v4 =	vld [tilespmem:s28+$0x9C0];
	_ =	sdelay $0x4  }
0x30: {  	[tilespmem:$0x1F8F0] =	vst v4;
	v4 =	vld [tilespmem:s28+$0x49C0];
	_ =	sdelay $0x4  }
0x31: {  	[tilespmem:$0x1F900] =	vst v4;
	v4 =	vld [tilespmem:s28+$0xA30];
	_ =	sdelay $0x4  }
0x32: {  	[tilespmem:$0x1F8E0] =	vst v4;
	v4 =	vld [tilespmem:s28+$0x7F0];
	_ =	sdelay $0x4  }
0x33: {  	[tilespmem:$0x1F970] =	vst v4;
	v4 =	vld [tilespmem:s28+$0x47F0];
	_ =	sdelay $0x4  }
0x34: {  	[tilespmem:$0x1F980] =	vst v4;
	v4 =	vld [tilespmem:s28+$0x860];
	_ =	sdelay $0x4  }
0x35: {  	[tilespmem:$0x1F990] =	vst v4;
	v4 =	vld [tilespmem:s28+$0x4860];
	_ =	sdelay $0x4  }
0x36: {  	[tilespmem:$0x1F9A0] =	vst v4;
	v4 =	vld [tilespmem:s28+$0x8D0];
	_ =	sdelay $0x4  }
0x37: {  	[tilespmem:$0x1F9C0] =	vst v4;
	v4 =	vld [tilespmem:s28+$0x48D0];
	_ =	sdelay $0x4  }
0x38: {  	[tilespmem:$0x1F9D0] =	vst v4;
	v4 =	vld [tilespmem:s28+$0x940];
	_ =	sdelay $0x4  }
0x39: {  	[tilespmem:$0x1F930] =	vst v4;
	v4 =	vld [tilespmem:s28+$0x4940];
	_ =	sdelay $0x4  }
0x3a: {  	[tilespmem:$0x1F940] =	vst v4;
	v4 =	vld [tilespmem:s28+$0x770];
	_ =	sdelay $0x4  }
0x3b: {  	[tilespmem:$0x1FA10] =	vst v4;
	v4 =	vld [tilespmem:s28+$0x4770];
	_ =	sdelay $0x4  }
0x3c: {  	[tilespmem:$0x1FA20] =	vst v4;
	v4 =	vld [tilespmem:s28+$0x7E0];
	_ =	sdelay $0x4  }
0x3d: {  	[tilespmem:$0x1FA50] =	vst v4;
	v4 =	vld [tilespmem:s28+$0x47E0];
	_ =	sdelay $0x4  }
0x3e: {  	[tilespmem:$0x1FA60] =	vst v4;
	v4 =	vld [tilespmem:s28+$0x850];
	_ =	sdelay $0x4  }
0x3f: {  	[tilespmem:$0x1FA70] =	vst v4;
	v4 =	vld [tilespmem:s28+$0x4850];
	_ =	sdelay $0x4  }
0x40: {  	[tilespmem:$0x1FA80] =	vst v4;
	v4 =	vld [tilespmem:s28+$0x8C0];
	_ =	sdelay $0x4  }
0x41: {  	[tilespmem:$0x1FA30] =	vst v4;
	v4 =	vld [tilespmem:s28+$0x48C0];
	_ =	sdelay $0x4  }
0x42: {  	[tilespmem:$0x1FA40] =	vst v4;
	v4 =	vld [tilespmem:s28+$0x6F0];
	_ =	sdelay $0x4  }
0x43: {  	[tilespmem:$0x1FA90] =	vst v4;
	v4 =	vld [tilespmem:s28+$0x46F0];
	_ =	sdelay $0x4  }
0x44: {  	[tilespmem:$0x1FAA0] =	vst v4;
	v4 =	vld [tilespmem:s28+$0x760];
	_ =	sdelay $0x2  }
0x45: {  	v57 =	vld [tilespmem:s28+$0xAF0]  }
0x46: {  	v35 =	vld [tilespmem:s28+$0x4AF0]  }
0x47: {  	[tilespmem:$0x1FAB0] =	vst v4;
	v4 =	vld [tilespmem:s28+$0x4760]  }
0x48: {  	v48 =	vld [tilespmem:s28+$0xA70]  }
0x49: {  	v46 =	vld [tilespmem:s28+$0x4A70]  }
0x4a: {  	v42 =	vld [tilespmem:s28+$0xAE0]  }
0x4b: {  	v36 =	vld [tilespmem:s28+$0x4AE0]  }
0x4c: {  	[tilespmem:$0x1FAC0] =	vst v4;
	v4 =	vld [tilespmem:s28+$0x7D0]  }
0x4d: {  	v47 =	vld [tilespmem:s28+$0x9F0]  }
0x4e: {  	v40 =	vld [tilespmem:s28+$0x49F0]  }
0x4f: {  	v61 =	vld [tilespmem:s28+$0xA60]  }
0x50: {  	v50 =	vld [tilespmem:s28+$0x4A60]  }
0x51: {  	[tilespmem:$0x1FAD0] =	vst v4;
	v4 =	vld [tilespmem:s28+$0x47D0]  }
0x52: {  	v49 =	vld [tilespmem:s28+$0xAD0]  }
0x53: {  	v41 =	vld [tilespmem:s28+$0x4AD0]  }
0x54: {  	v56 =	vld [tilespmem:s28+$0xA50]  }
0x55: {  	v53 =	vld [tilespmem:s28+$0x4A50]  }
0x56: {  	[tilespmem:$0x1FAE0] =	vst v4;
	v4 =	vld [tilespmem:s28+$0x840]  }
0x57: {  	v58 =	vld [tilespmem:s28+$0x4AC0]  }
0x58: {  	v44 =	vld [tilespmem:s28+$0x8F0]  }
0x59: {  	v39 =	vld [tilespmem:s28+$0x48F0]  }
0x5a: {  	v33 =	vld [tilespmem:s28+$0xAB0]  }
0x5b: {  	[tilespmem:$0x1FAF0] =	vst v4;
	v4 =	vld [tilespmem:s28+$0x4840]  }
0x5c: {  	v32 =	vld [tilespmem:s28+$0x4AB0]  }
0x5d: {  	v59 =	vld [tilespmem:s28+$0x4A30]  }
0x5e: {  	v25 =	vld [tilespmem:s28+$0xAA0]  }
0x5f: {  	v24 =	vld [tilespmem:s28+$0x4AA0]  }
0x60: {  	[tilespmem:$0x1FB00] =	vst v4;
	v4 =	vld [tilespmem:s28+$0x8B0]  }
0x61: {  	v60 =	vld [tilespmem:s28+$0x9B0]  }
0x62: {  	v55 =	vld [tilespmem:s28+$0x49B0]  }
0x63: {  	v31 =	vld [tilespmem:s28+$0xA20]  }
0x64: {  	v30 =	vld [tilespmem:s28+$0x4A20]  }
0x65: {  	[tilespmem:$0x1F9F0] =	vst v4;
	v4 =	vld [tilespmem:s28+$0x48B0]  }
0x66: {  	v11 =	vld [tilespmem:s28+$0xA80]  }
0x67: {  	v9 =	vld [tilespmem:s28+$0x4A80]  }
0x68: {  	v8 =	vld [tilespmem:s28+$0xA90]  }
0x69: {  	v7 =	vld [tilespmem:s28+$0x4A90]  }
0x6a: {  	[tilespmem:$0x1FA00] =	vst v4;
	v4 =	vld [tilespmem:s28+$0x670]  }
0x6b: {  	v38 =	vld [tilespmem:s28+$0x930]  }
0x6c: {  	v37 =	vld [tilespmem:s28+$0x4930]  }
0x6d: {  	v29 =	vld [tilespmem:s28+$0x9A0]  }
0x6e: {  	v28 =	vld [tilespmem:s28+$0x49A0]  }
0x6f: {  	[tilespmem:$0x1FB10] =	vst v4;
	v4 =	vld [tilespmem:s28+$0x4670]  }
0x70: {  	v19 =	vld [tilespmem:s28+$0xA00]  }
0x71: {  	v20 =	vld [tilespmem:s28+$0x5F0]  }
0x72: {  	v18 =	vld [tilespmem:s28+$0x4A00]  }
0x73: {  	v17 =	vld [tilespmem:s28+$0xA10]  }
0x74: {  	[tilespmem:$0x1FB20] =	vst v4;
	v4 =	vld [tilespmem:s28+$0x6E0]  }
0x75: {  	v16 =	vld [tilespmem:s28+$0x4A10]  }
0x76: {  	[tilespmem:$0x1FBB0] =	vst v20;
	v20 =	vld [tilespmem:s28+$0x45F0]  }
0x77: {  	v27 =	vld [tilespmem:s28+$0x920]  }
0x78: {  	v26 =	vld [tilespmem:s28+$0x4920]  }
0x79: {  	[tilespmem:$0x1FB30] =	vst v4;
	v4 =	vld [tilespmem:s28+$0x46E0]  }
0x7a: {  	v15 =	vld [tilespmem:s28+$0x980]  }
0x7b: {  	[tilespmem:$0x1FBC0] =	vst v20;
	v20 =	vld [tilespmem:s28+$0x660]  }
0x7c: {  	v14 =	vld [tilespmem:s28+$0x4980]  }
0x7d: {  	v13 =	vld [tilespmem:s28+$0x990]  }
0x7e: {  	[tilespmem:$0x1FB40] =	vst v4;
	v4 =	vld [tilespmem:s28+$0x750]  }
0x7f: {  	v12 =	vld [tilespmem:s28+$0x4990]  }
0x80: {  	[tilespmem:$0x1FC30] =	vst v20;
	v20 =	vld [tilespmem:s28+$0x4660]  }
0x81: {  	v63 =	vld [tilespmem:s28+$0x570]  }
0x82: {  	v7 =	vmul.f32 v7, v8;
	v8 =	vld [tilespmem:s28+$0x6A0]  }
0x83: {  	[tilespmem:$0x1FB50] =	vst v4;
	v4 =	vld [tilespmem:s28+$0x4750]  }
0x84: {  	v10 =	vld [tilespmem:s28+$0x900]  }
0x85: {  	v9 =	vmul.f32 v9, v11;
	[tilespmem:$0x1FC40] =	vst v20;
	v20 =	vld [tilespmem:s28+$0x6D0]  }
0x86: {  	[tilespmem:$0x1FDB0] =	vst v63;
	v11 =	vmul.f32 v46, v48;
	v46 =	vmul.f32 v53, v56;
	v53 =	vld [tilespmem:$0x1F870]  }
0x87: {  	v63 =	vld [tilespmem:s28+$0x4570];
	[tilespmem:$0x1FDA0] =	vst v8;
	v8 =	vadd.f32 v7, v9;
	v9 =	vmul.f32 v24, v25  }
0x88: {  	[tilespmem:$0x1FB60] =	vst v4;
	v4 =	vld [tilespmem:s28+$0x7C0]  }
0x89: {  	v5 =	vld [tilespmem:s28+$0x4900];
	v32 =	vmul.f32 v32, v33;
	v9 =	vadd.f32 v9, v8  }
0x8a: {  	[tilespmem:$0x1FC60] =	vst v20;
	v20 =	vld [tilespmem:s28+$0x46D0]  }
0x8b: {  	v6 =	vld [tilespmem:s28+$0x910];
	v39 =	vmul.f32 v39, v44;
	v9 =	vadd.f32 v32, v9;
	v44 =	vmul.f32 v58, v53  }
0x8c: {  	[tilespmem:$0x1FDC0] =	vst v63;
	v63 =	vld [tilespmem:s28+$0x5E0]  }
0x8d: {  	v41 =	vmul.f32 v41, v49;
	v9 =	vadd.f32 v44, v9;
	[tilespmem:$0x1FB70] =	vst v4;
	v4 =	vld [tilespmem:s28+$0x47C0]  }
0x8e: {  	v42 =	vmul.f32 v36, v42;
	v5 =	vmul.f32 v5, v10;
	v10 =	vld [tilespmem:s28+$0x4540]  }
0x8f: {  	v14 =	vmul.f32 v14, v15;
	v12 =	vmul.f32 v12, v13;
	v9 =	vadd.f32 v41, v9;
	[tilespmem:$0x1FC70] =	vst v20;
	v20 =	vld [tilespmem:s28+$0x740]  }
0x90: {  	v35 =	vmul.f32 v35, v57;
	v13 =	vld [tilespmem:s28+$0x4D0]  }
0x91: {  	v12 =	vadd.f32 v12, v14;
	v14 =	vmul.f32 v28, v29;
	[tilespmem:$0x1FDE0] =	vst v63;
	v63 =	vld [tilespmem:s28+$0x45E0];
	v9 =	vadd.f32 v42, v9  }
0x92: {  	[tilespmem:$0x1FB80] =	vst v4;
	v4 =	vld [tilespmem:s28+$0x830]  }
0x93: {  	[tilespmem:$0x1FF70] =	vst v10;
	v10 =	vadd.f32 v14, v12;
	v14 =	vadd.f32 v35, v9;
	v9 =	vld [tilespmem:s28+$0x5B0]  }
0x94: {  	[tilespmem:$0x1FD80] =	vst v20;
	v20 =	vld [tilespmem:s28+$0x4740]  }
0x95: {  	[tilespmem:$0x1FF40] =	vst v13;
	v13 =	vld [tilespmem:$0x1F8C0]  }
0x96: {  	v15 =	vld [tilespmem:$0x1F8D0]  }
0x97: {  	v18 =	vmul.f32 v18, v19;
	v16 =	vmul.f32 v16, v17;
	[tilespmem:$0x1FB90] =	vst v4;
	v4 =	vld [tilespmem:s28+$0x4830]  }
0x98: {  	[tilespmem:$0x1FDF0] =	vst v63;
	v63 =	vld [tilespmem:s28+$0x650]  }
0x99: {  	v16 =	vadd.f32 v16, v18;
	v18 =	vmul.f32 v30, v31;
	[tilespmem:$0x1FF80] =	vst v9;
	v9 =	vld [tilespmem:s28+$0x45B0]  }
0x9a: {  	[tilespmem:$0x1FD90] =	vst v20;
	v20 =	vld [tilespmem:s28+$0x7B0]  }
0x9b: {  	v13 =	vmul.f32 v15, v13;
	v15 =	vadd.f32 v18, v16;
	v16 =	vld [tilespmem:$0x1F8E0]  }
0x9c: {  	[tilespmem:$0x1FBA0] =	vst v4;
	v4 =	vld [tilespmem:s28+$0x4910]  }
0x9d: {  	v12 =	vmul.f32 v55, v60;
	[tilespmem:$0x1FE80] =	vst v63;
	v63 =	vld [tilespmem:s28+$0x4650]  }
0x9e: {  	[tilespmem:$0x1FF90] =	vst v9;
	v9 =	vld [tilespmem:$0x1F8F0]  }
0x9f: {  	v10 =	vadd.f32 v12, v10;
	v12 =	vld [tilespmem:$0x1F900]  }
0xa0: {  	[tilespmem:$0x1FD40] =	vst v20;
	v20 =	vld [tilespmem:s28+$0x47B0];
	v16 =	vmul.f32 v59, v16  }
0xa1: {  	v34 =	vld [tilespmem:s28+$0x8A0];
	v4 =	vmul.f32 v4, v6  }
0xa2: {  	v52 =	vld [tilespmem:s28+$0x48A0];
	v6 =	vadd.f32 v16, v15  }
0xa3: {  	v23 =	vld [tilespmem:s28+$0x880];
	v4 =	vadd.f32 v4, v5;
	v5 =	vmul.f32 v26, v27  }
0xa4: {  	[tilespmem:$0x1FE90] =	vst v63;
	v63 =	vld [tilespmem:s28+$0x6C0];
	v15 =	vperm.xlane v14, v0;
	v6 =	vadd.f32 v13, v6;
	v13 =	vmul.f32 v12, v9  }
0xa5: {  	[tilespmem:$0x1FD50] =	vst v20;
	v20 =	vld [tilespmem:s28+$0x820];
	v4 =	vadd.f32 v5, v4;
	v5 =	vmul.f32 v37, v38  }
0xa6: {  	v10 =	vadd.f32 v13, v10;
	v13 =	vadd.f32 v14, v15;
	v14 =	vld [tilespmem:$0x1F940]  }
0xa7: {  	v5 =	vadd.f32 v5, v4;
	v4 =	vld [tilespmem:$0x1F930]  }
0xa8: {  	v22 =	vld [tilespmem:s28+$0x4880]  }
0xa9: {  	v25 =	vmul.f32 v50, v61;
	[tilespmem:$0x1FE20] =	vst v63;
	v63 =	vld [tilespmem:s28+$0x46C0];
	v6 =	vadd.f32 v46, v6  }
0xaa: {  	[tilespmem:$0x1FC90] =	vst v20;
	v20 =	vld [tilespmem:s28+$0x4820]  }
0xab: {  	v6 =	vadd.f32 v25, v6;
	v25 =	vld [tilespmem:$0x1F960]  }
0xac: {  	v14 =	vmul.f32 v14, v4;
	v4 =	vld [tilespmem:$0x1F950]  }
0xad: {  	v17 =	vld [tilespmem:$0x1F880]  }
0xae: {  	v19 =	vld [tilespmem:$0x1F890]  }
0xaf: {  	v21 =	vld [tilespmem:s28+$0x890]  }
0xb0: {  	[tilespmem:$0x1FCA0] =	vst v20;
	v20 =	vld [tilespmem:s28+$0x4890];
	v6 =	vadd.f32 v11, v6;
	v11 =	vperm.xlane v13, v1  }
0xb1: {  	[tilespmem:$0x1FE30] =	vst v63;
	v63 =	vld [tilespmem:s28+$0x730];
	v5 =	vadd.f32 v14, v5;
	v25 =	vmul.f32 v25, v4  }
0xb2: {  	v13 =	vadd.f32 v13, v11;
	v11 =	vld [tilespmem:s28+$0x4360]  }
0xb3: {  	v51 =	vld [tilespmem:s28+$0x970];
	v19 =	vmul.f32 v19, v17;
	v5 =	vadd.f32 v25, v5  }
0xb4: {  	v62 =	vld [tilespmem:s28+$0x49E0]  }
0xb5: {  	v20 =	vmul.f32 v20, v21;
	v14 =	vmul.f32 v22, v23;
	v5 =	vadd.f32 v19, v5;
	v19 =	vld [tilespmem:s28+$0x450]  }
0xb6: {  	v24 =	vld [tilespmem:$0x1F860];
	[tilespmem:$0x1FD60] =	vst v63  }
0xb7: {  	v63 =	vld [tilespmem:s28+$0x4730];
	[tilespmem:$0x1FFA0] =	vst v11;
	v11 =	vadd.f32 v20, v14;
	v14 =	vmul.f32 v52, v34  }
0xb8: {  	v17 =	vld [tilespmem:$0x1F8A0]  }
0xb9: {  	v11 =	vadd.f32 v14, v11;
	v14 =	vld [tilespmem:$0x1F9F0]  }
0xba: {  	[tilespmem:$0x1F9E0] =	vst v19;
	v19 =	vld [tilespmem:$0x1FA00]  }
0xbb: {  	v56 =	vld [tilespmem:$0x1F8B0]  }
0xbc: {  	[tilespmem:$0x1FD70] =	vst v63;
	v63 =	vld [tilespmem:s28+$0x7A0]  }
0xbd: {  	v21 =	vld [tilespmem:$0x1F990]  }
0xbe: {  	v22 =	vld [tilespmem:$0x1F9A0]  }
0xbf: {  	v14 =	vmul.f32 v19, v14;
	v19 =	vld [tilespmem:s28+$0x4C0]  }
0xc0: {  	v43 =	vld [tilespmem:s28+$0x4970];
	v20 =	vperm.xlane v6, v0  }
0xc1: {  	v32 =	vmul.f32 v56, v17;
	[tilespmem:$0x1FD00] =	vst v63;
	v63 =	vld [tilespmem:s28+$0x47A0]  }
0xc2: {  	v6 =	vadd.f32 v6, v20;
	v20 =	vld [tilespmem:$0x1FA20]  }
0xc3: {  	v33 =	vmul.f32 v62, v24;
	v10 =	vadd.f32 v32, v10;
	v22 =	vmul.f32 v22, v21;
	v21 =	vld [tilespmem:s28+$0x3E0]  }
0xc4: {  	[tilespmem:$0x1FFB0] =	vst v19;
	v19 =	vld [tilespmem:$0x1FA10]  }
0xc5: {  	v40 =	vmul.f32 v40, v47;
	v10 =	vadd.f32 v33, v10;
	v25 =	vld [tilespmem:s28+$0x530];
	_ =	sdelay $0x1  }
0xc6: {  	v43 =	vmul.f32 v43, v51;
	v10 =	vadd.f32 v40, v10;
	v23 =	vld [tilespmem:$0x1F9D0]  }
0xc7: {  	[tilespmem:$0x1F9B0] =	vst v21;
	v21 =	vld [tilespmem:$0x1F9C0]  }
0xc8: {  	[tilespmem:$0x1FD10] =	vst v63;
	v63 =	vld [tilespmem:s28+$0x800];
	v19 =	vmul.f32 v20, v19;
	v20 =	vadd.f32 v43, v5;
	v5 =	vperm.xlane v10, v0  }
0xc9: {  	[tilespmem:$0x1FFE0] =	vst v25;
	v25 =	vld [tilespmem:$0x1FA60]  }
0xca: {  	v10 =	vadd.f32 v10, v5;
	v5 =	vld [tilespmem:$0x1FA50];
	_ =	sdelay $0x1  }
0xcb: {  	v21 =	vmul.f32 v23, v21;
	v23 =	vld [tilespmem:s28+$0x44C0]  }
0xcc: {  	[tilespmem:$0x1FBE0] =	vst v63;
	v63 =	vld [tilespmem:s28+$0x4800]  }
0xcd: {  	v27 =	vld [tilespmem:$0x1FA80]  }
0xce: {  	v25 =	vmul.f32 v25, v5;
	v5 =	vld [tilespmem:$0x1FA70]  }
0xcf: {  	v14 =	vadd.f32 v14, v11;
	v11 =	vld [tilespmem:$0x1FA30]  }
0xd0: {  	[tilespmem:$0x1FFC0] =	vst v23;
	v23 =	vld [tilespmem:$0x1FA40]  }
0xd1: {  	[tilespmem:$0x1FBF0] =	vst v63;
	v63 =	vld [tilespmem:s28+$0x810];
	_ =	sdelay $0x1  }
0xd2: {  	v30 =	vmul.f32 v27, v5;
	v5 =	vld [tilespmem:s28+$0x4530];
	_ =	sdelay $0x1  }
0xd3: {  	v23 =	vmul.f32 v23, v11;
	v11 =	vperm.xlane v6, v1  }
0xd4: {  	[tilespmem:$0x1FC00] =	vst v63;
	v63 =	vld [tilespmem:s28+$0x4810]  }
0xd5: {  	v27 =	vadd.f32 v6, v11;
	v6 =	vld [tilespmem:$0x1FAA0]  }
0xd6: {  	[tilespmem:$0x1FFF0] =	vst v5;
	v5 =	vld [tilespmem:$0x1FA90];
	_ =	sdelay $0x2  }
0xd7: {  	[tilespmem:$0x1FC10] =	vst v63;
	v63 =	vld [tilespmem:s28+$0x4F0]  }
0xd8: {  	v14 =	vadd.f32 v23, v14;
	v23 =	vld [tilespmem:$0x1FAC0]  }
0xd9: {  	v11 =	vmul.f32 v6, v5;
	v5 =	vld [tilespmem:$0x1FAB0];
	_ =	sdelay $0x3  }
0xda: {  	[tilespmem:$0x1F840] =	vst v63;
	v63 =	vld [tilespmem:s28+$0x560]  }
0xdb: {  	v34 =	vmul.f32 v23, v5;
	v5 =	vld [tilespmem:$0x1FAD0]  }
0xdc: {  	v23 =	vld [tilespmem:$0x1FAE0];
	_ =	sdelay $0x1  }
0xdd: {  	v6 =	vperm.xlane v20, v0  }
0xde: {  	[tilespmem:$0x1FEA0] =	vst v63;
	v63 =	vld [tilespmem:s28+$0x4560]  }
0xdf: {  	v20 =	vadd.f32 v20, v6;
	v6 =	vld [tilespmem:$0x1FB00]  }
0xe0: {  	v35 =	vmul.f32 v23, v5;
	v5 =	vld [tilespmem:$0x1FAF0];
	_ =	sdelay $0x2  }
0xe1: {  	v18 =	vld [tilespmem:s28+$0x44D0]  }
0xe2: {  	[tilespmem:$0x1FEB0] =	vst v63;
	v63 =	vld [tilespmem:s28+$0x5D0]  }
0xe3: {  	v31 =	vmul.f32 v6, v5;
	v5 =	vld [tilespmem:$0x1FB10]  }
0xe4: {  	v6 =	vld [tilespmem:$0x1FB20];
	_ =	sdelay $0x1  }
0xe5: {  	[tilespmem:$0x1FF50] =	vst v18;
	v18 =	vld [tilespmem:s28+$0x540]  }
0xe6: {  	[tilespmem:$0x1FEC0] =	vst v63;
	v63 =	vld [tilespmem:s28+$0x45D0]  }
0xe7: {  	v14 =	vadd.f32 v21, v14;
	v21 =	vld [tilespmem:$0x1FB40]  }
0xe8: {  	v6 =	vmul.f32 v6, v5;
	v5 =	vld [tilespmem:$0x1FB30];
	_ =	sdelay $0x1  }
0xe9: {  	[tilespmem:$0x1FF60] =	vst v18;
	v18 =	vld [tilespmem:$0x1F920]  }
0xea: {  	[tilespmem:$0x1FED0] =	vst v63;
	v63 =	vld [tilespmem:s28+$0x640]  }
0xeb: {  	v16 =	vld [tilespmem:$0x1F910]  }
0xec: {  	v40 =	vmul.f32 v21, v5;
	v5 =	vld [tilespmem:$0x1FB50]  }
0xed: {  	v21 =	vld [tilespmem:$0x1FB60];
	_ =	sdelay $0x2  }
0xee: {  	v16 =	vmul.f32 v18, v16  }
0xef: {  	[tilespmem:$0x1FE60] =	vst v63;
	v63 =	vld [tilespmem:s28+$0x4640]  }
0xf0: {  	v44 =	vmul.f32 v21, v5;
	v5 =	vadd.f32 v16, v14;
	v14 =	vld [tilespmem:$0x1FB70]  }
0xf1: {  	v16 =	vld [tilespmem:$0x1FB80];
	_ =	sdelay $0x3  }
0xf2: {  	[tilespmem:$0x1FE70] =	vst v63;
	v63 =	vld [tilespmem:s28+$0x6B0]  }
0xf3: {  	v47 =	vmul.f32 v16, v14;
	v14 =	vld [tilespmem:$0x1FB90]  }
0xf4: {  	v16 =	vld [tilespmem:$0x1FBA0];
	_ =	sdelay $0x3  }
0xf5: {  	[tilespmem:$0x1FE00] =	vst v63;
	v63 =	vld [tilespmem:s28+$0x46B0]  }
0xf6: {  	v50 =	vmul.f32 v16, v14;
	v14 =	vld [tilespmem:$0x1FBB0]  }
0xf7: {  	v16 =	vld [tilespmem:$0x1FBC0];
	_ =	sdelay $0x4  }
0xf8: {  	[tilespmem:$0x1FE10] =	vst v63;
	v63 =	vld [tilespmem:s28+$0x720];
	v14 =	vmul.f32 v16, v14  }
0xf9: {  	v29 =	vadd.f32 v39, v5;
	v5 =	vld [tilespmem:$0x1FBE0];
	v16 =	vperm.xlane v13, v2  }
0xfa: {  	[tilespmem:$0x1FBD0] =	vst v14;
	v14 =	vld [tilespmem:$0x1FBF0]  }
0xfb: {  	v42 =	vadd.f32 v13, v16;
	v16 =	vld [tilespmem:s28+$0x3D0];
	_ =	sdelay $0x3  }
0xfc: {  	[tilespmem:$0x1FD20] =	vst v63;
	v63 =	vld [tilespmem:s28+$0x4720];
	v58 =	vmul.f32 v14, v5;
	v5 =	vperm.xlane v27, v2  }
0xfd: {  	[tilespmem:$0x1FC20] =	vst v16;
	v16 =	vld [tilespmem:$0x1FC40]  }
0xfe: {  	v62 =	vadd.f32 v27, v5;
	v5 =	vld [tilespmem:$0x1FC30];
	_ =	sdelay $0x2  }
0xff: {  	[tilespmem:$0x1FD30] =	vst v63;
	v63 =	vld [tilespmem:s28+$0x780];
	_ =	sdelay $0x1  }
0x100: {  	v52 =	vmul.f32 v16, v5;
	v5 =	vld [tilespmem:s28+$0x440]  }
0x101: {  	v13 =	vld [tilespmem:$0x1FC00]  }
0x102: {  	v14 =	vld [tilespmem:$0x1FC10]  }
0x103: {  	[tilespmem:$0x1FCB0] =	vst v63;
	v63 =	vld [tilespmem:s28+$0x4780];
	v23 =	vperm.xlane v10, v1  }
0x104: {  	v16 =	vld [tilespmem:$0x1FC70]  }
0x105: {  	v10 =	vadd.f32 v10, v23;
	[tilespmem:$0x1FC50] =	vst v5;
	v5 =	vld [tilespmem:$0x1FC60];
	_ =	sdelay $0x1  }
0x106: {  	v13 =	vmul.f32 v14, v13;
	v14 =	vperm.xlane v10, v2  }
0x107: {  	[tilespmem:$0x1FCC0] =	vst v63;
	v63 =	vld [tilespmem:s28+$0x790]  }
0x108: {  	v10 =	vadd.f32 v10, v14;
	v14 =	vld [tilespmem:$0x1FC90]  }
0x109: {  	v5 =	vmul.f32 v16, v5;
	v16 =	vld [tilespmem:$0x1FCA0];
	_ =	sdelay $0x1  }
0x10a: {  	v21 =	vperm.xlane v20, v1;
	_ =	sdelay $0x1  }
0x10b: {  	[tilespmem:$0x1FCD0] =	vst v63;
	v63 =	vld [tilespmem:s28+$0x4790];
	v20 =	vadd.f32 v20, v21  }
0x10c: {  	v39 =	vmul.f32 v16, v14;
	v14 =	vld [tilespmem:$0x1FCB0]  }
0x10d: {  	[tilespmem:$0x1FC80] =	vst v10;
	v10 =	vperm.xlane v20, v2;
	v16 =	vld [tilespmem:$0x1FCC0]  }
0x10e: {  	v36 =	vld [tilespmem:s28+$0x700]  }
0x10f: {  	v7 =	vld [tilespmem:s28+$0x4700];
	v10 =	vadd.f32 v20, v10  }
0x110: {  	v8 =	vld [tilespmem:s28+$0x710]  }
0x111: {  	[tilespmem:$0x1FCF0] =	vst v10;
	v10 =	vld [tilespmem:s28+$0x520]  }
0x112: {  	[tilespmem:$0x1FCE0] =	vst v63;
	v37 =	vmul.f32 v16, v14;
	v14 =	vld [tilespmem:$0x1FCD0]  }
0x113: {  	v16 =	vld [tilespmem:$0x1FCE0]  }
0x114: {  	v63 =	vld [tilespmem:s28+$0x470]  }
0x115: {  	v24 =	vld [tilespmem:s28+$0x4710];
	v13 =	vadd.f32 v13, v58;
	_ =	sdelay $0x1  }
0x116: {  	[tilespmem:$0x1FFD0] =	vst v10;
	v10 =	vadd.f32 v39, v13;
	v13 =	vld [tilespmem:$0x1FD00]  }
0x117: {  	v43 =	vmul.f32 v16, v14;
	v14 =	vld [tilespmem:$0x1FD10]  }
0x118: {  	[tilespmem:$0x1F850] =	vst v63;
	v63 =	vld [tilespmem:s28+$0x4E0]  }
0x119: {  	v7 =	vmul.f32 v7, v36;
	v8 =	vmul.f32 v24, v8  }
0x11a: {  	v54 =	vld [tilespmem:s28+$0x870]  }
0x11b: {  	v7 =	vadd.f32 v8, v7;
	v8 =	vld [tilespmem:$0x1FD20]  }
0x11c: {  	v13 =	vmul.f32 v14, v13;
	v14 =	vld [tilespmem:$0x1FD30]  }
0x11d: {  	[tilespmem:$0x1FEE0] =	vst v63;
	v63 =	vld [tilespmem:s28+$0x44E0]  }
0x11e: {  	v45 =	vld [tilespmem:s28+$0x4870]  }
0x11f: {  	v28 =	vld [tilespmem:s28+$0x4690]  }
0x120: {  	v16 =	vld [tilespmem:$0x1FD50]  }
0x121: {  	v8 =	vmul.f32 v14, v8;
	v14 =	vld [tilespmem:$0x1FD40]  }
0x122: {  	[tilespmem:$0x1FEF0] =	vst v63;
	v63 =	vld [tilespmem:s28+$0x550]  }
0x123: {  	v26 =	vld [tilespmem:$0x1F980]  }
0x124: {  	v4 =	vld [tilespmem:$0x1F970]  }
0x125: {  	v59 =	vperm.xlane v29, v0;
	v8 =	vadd.f32 v8, v7;
	v7 =	vld [tilespmem:$0x1FD60]  }
0x126: {  	v10 =	vadd.f32 v50, v10;
	v50 =	vmul.f32 v16, v14;
	v14 =	vld [tilespmem:$0x1FD70]  }
0x127: {  	v15 =	vld [tilespmem:s28+$0x680];
	v60 =	vadd.f32 v29, v59  }
0x128: {  	v18 =	vld [tilespmem:s28+$0x4680]  }
0x129: {  	v4 =	vmul.f32 v26, v4;
	v26 =	vld [tilespmem:s28+$0x690];
	v24 =	vperm.xlane v60, v1  }
0x12a: {  	v16 =	vld [tilespmem:$0x1FD90]  }
0x12b: {  	v17 =	vmul.f32 v45, v54;
	v54 =	vadd.f32 v60, v24;
	v24 =	vmul.f32 v14, v7;
	v14 =	vld [tilespmem:$0x1FD80];
	_ =	sdelay $0x2  }
0x12c: {  	[tilespmem:$0x1FF10] =	vst v63;
	v63 =	vld [tilespmem:s28+$0x4550]  }
0x12d: {  	v57 =	vld [tilespmem:s28+$0x46A0];
	v15 =	vmul.f32 v18, v15  }
0x12e: {  	v18 =	vmul.f32 v28, v26;
	v28 =	vmul.f32 v16, v14;
	v14 =	vld [tilespmem:$0x1FDA0];
	_ =	sdelay $0x2  }
0x12f: {  	[tilespmem:$0x1FF00] =	vst v63;
	v63 =	vld [tilespmem:s28+$0x5C0];
	v10 =	vadd.f32 v31, v10  }
0x130: {  	v16 =	vld [tilespmem:$0x1FDC0]  }
0x131: {  	v10 =	vadd.f32 v30, v10;
	v30 =	vmul.f32 v57, v14;
	v14 =	vld [tilespmem:$0x1FDB0];
	_ =	sdelay $0x3  }
0x132: {  	[tilespmem:$0x1FF30] =	vst v63;
	v63 =	vld [tilespmem:s28+$0x45C0];
	v8 =	vadd.f32 v24, v8  }
0x133: {  	v51 =	vld [tilespmem:s28+$0x4610];
	v14 =	vmul.f32 v16, v14  }
0x134: {  	v10 =	vadd.f32 v22, v10;
	v22 =	vadd.f32 v28, v8;
	v8 =	vld [tilespmem:$0x1FDE0]  }
0x135: {  	[tilespmem:$0x1FDD0] =	vst v14;
	v14 =	vld [tilespmem:$0x1FDF0]  }
0x136: {  	v41 =	vld [tilespmem:s28+$0x4600];
	v20 =	vadd.f32 v43, v37  }
0x137: {  	[tilespmem:$0x1FF20] =	vst v63;
	v63 =	vld [tilespmem:s28+$0x630]  }
0x138: {  	v38 =	vld [tilespmem:s28+$0x600];
	v13 =	vadd.f32 v13, v20  }
0x139: {  	v16 =	vld [tilespmem:$0x1FE10]  }
0x13a: {  	v13 =	vadd.f32 v50, v13;
	v28 =	vmul.f32 v14, v8;
	v14 =	vld [tilespmem:$0x1FE00]  }
0x13b: {  	v46 =	vld [tilespmem:s28+$0x610]  }
0x13c: {  	v12 =	vld [tilespmem:s28+$0x620];
	v13 =	vadd.f32 v47, v13  }
0x13d: {  	v9 =	vld [tilespmem:s28+$0x4620];
	v15 =	vadd.f32 v18, v15  }
0x13e: {  	[tilespmem:$0x1FE40] =	vst v63;
	v63 =	vld [tilespmem:s28+$0x4630];
	v13 =	vadd.f32 v35, v13  }
0x13f: {  	v15 =	vadd.f32 v30, v15;
	v30 =	vmul.f32 v16, v14;
	v14 =	vld [tilespmem:$0x1FE20]  }
0x140: {  	v55 =	vmul.f32 v51, v46;
	v13 =	vadd.f32 v25, v13;
	v25 =	vmul.f32 v41, v38;
	v16 =	vld [tilespmem:$0x1FE30];
	_ =	sdelay $0x1  }
0x141: {  	v9 =	vmul.f32 v9, v12;
	v4 =	vadd.f32 v4, v13;
	v13 =	vadd.f32 v55, v25;
	_ =	sdelay $0x1  }
0x142: {  	[tilespmem:$0x1FE50] =	vst v63;
	v13 =	vadd.f32 v9, v13;
	v9 =	vld [tilespmem:$0x1FE40]  }
0x143: {  	v15 =	vadd.f32 v30, v15;
	v56 =	vmul.f32 v16, v14;
	v14 =	vld [tilespmem:$0x1FE50]  }
0x144: {  	v22 =	vadd.f32 v44, v22  }
0x145: {  	v12 =	vadd.f32 v56, v15  }
0x146: {  	v22 =	vadd.f32 v34, v22  }
0x147: {  	v12 =	vadd.f32 v5, v12;
	v5 =	vld [tilespmem:$0x1FE60]  }
0x148: {  	v15 =	vadd.f32 v19, v22;
	v22 =	vmul.f32 v14, v9;
	v14 =	vld [tilespmem:$0x1FE70]  }
0x149: {  	v49 =	vld [tilespmem:s28+$0x370]  }
0x14a: {  	v48 =	vld [tilespmem:s28+$0x4520]  }
0x14b: {  	v61 =	vld [tilespmem:s28+$0x45A0]  }
0x14c: {  	v36 =	vld [tilespmem:s28+$0x420]  }
0x14d: {  	v30 =	vperm.xlane v4, v0;
	v13 =	vadd.f32 v22, v13;
	v22 =	vmul.f32 v14, v5;
	v5 =	vld [tilespmem:$0x1FE80]  }
0x14e: {  	v14 =	vld [tilespmem:$0x1FE90]  }
0x14f: {  	v53 =	vld [tilespmem:s28+$0x3F0];
	v4 =	vadd.f32 v4, v30  }
0x150: {  	v45 =	vld [tilespmem:s28+$0x460]  }
0x151: {  	v63 =	vld [tilespmem:s28+$0x4370];
	v57 =	vperm.xlane v4, v1  }
0x152: {  	v32 =	vld [tilespmem:s28+$0x5A0];
	v17 =	vadd.f32 v17, v10  }
0x153: {  	v13 =	vadd.f32 v22, v13;
	v22 =	vmul.f32 v14, v5;
	v14 =	vadd.f32 v4, v57;
	v4 =	vld [tilespmem:$0x1FEA0]  }
0x154: {  	v5 =	vld [tilespmem:$0x1FEB0]  }
0x155: {  	v46 =	vld [tilespmem:s28+$0x500];
	v19 =	vperm.xlane v17, v0  }
0x156: {  	v51 =	vld [tilespmem:s28+$0x4500]  }
0x157: {  	v33 =	vld [tilespmem:s28+$0x360];
	v17 =	vadd.f32 v17, v19;
	v19 =	vperm.xlane v15, v0  }
0x158: {  	v16 =	vld [tilespmem:$0x1FED0]  }
0x159: {  	v12 =	vadd.f32 v40, v12;
	v15 =	vadd.f32 v15, v19;
	v4 =	vmul.f32 v5, v4;
	v5 =	vld [tilespmem:$0x1FEC0]  }
0x15a: {  	v32 =	vmul.f32 v61, v32;
	v61 =	vld [tilespmem:s28+$0x310]  }
0x15b: {  	v51 =	vmul.f32 v51, v46;
	v46 =	vld [tilespmem:s28+$0x380];
	v11 =	vadd.f32 v11, v12;
	v12 =	vperm.xlane v15, v1  }
0x15c: {  	v26 =	vld [tilespmem:s28+$0x4340]  }
0x15d: {  	v15 =	vadd.f32 v15, v12;
	v12 =	vld [tilespmem:$0x1FEF0]  }
0x15e: {  	v50 =	vmul.f32 v16, v5;
	v5 =	vld [tilespmem:$0x1FEE0]  }
0x15f: {  	v18 =	vld [tilespmem:$0x1FF70]  }
0x160: {  	v23 =	vld [tilespmem:s28+$0x4350]  }
0x161: {  	v21 =	vld [tilespmem:s28+$0x350]  }
0x162: {  	v16 =	vld [tilespmem:$0x1FF10]  }
0x163: {  	v12 =	vmul.f32 v12, v5;
	v5 =	vld [tilespmem:$0x1FF00]  }
0x164: {  	v29 =	vld [tilespmem:s28+$0x44B0]  }
0x165: {  	v59 =	vld [tilespmem:s28+$0x4580]  }
0x166: {  	v58 =	vld [tilespmem:s28+$0x580]  }
0x167: {  	v60 =	vld [tilespmem:s28+$0x4590]  }
0x168: {  	v47 =	vmul.f32 v5, v16;
	v5 =	vld [tilespmem:$0x1FF20]  }
0x169: {  	v16 =	vld [tilespmem:$0x1FF30]  }
0x16a: {  	v27 =	vld [tilespmem:s28+$0x4B0];
	v13 =	vadd.f32 v22, v13  }
0x16b: {  	v58 =	vmul.f32 v59, v58;
	v59 =	vld [tilespmem:s28+$0x410]  }
0x16c: {  	v39 =	vld [tilespmem:s28+$0x490];
	v22 =	vadd.f32 v52, v13  }
0x16d: {  	v20 =	vld [tilespmem:s28+$0x590]  }
0x16e: {  	v56 =	vmul.f32 v5, v16;
	v5 =	vadd.f32 v6, v22;
	v6 =	vld [tilespmem:$0x1FF40]  }
0x16f: {  	v16 =	vld [tilespmem:$0x1FF50]  }
0x170: {  	v31 =	vld [tilespmem:s28+$0x430]  }
0x171: {  	v10 =	vld [tilespmem:s28+$0x44A0]  }
0x172: {  	v43 =	vld [tilespmem:s28+$0x510];
	v19 =	vperm.xlane v17, v1  }
0x173: {  	v37 =	vld [tilespmem:s28+$0x4510];
	v60 =	vmul.f32 v60, v20  }
0x174: {  	v19 =	vadd.f32 v17, v19;
	v17 =	vperm.xlane v11, v0;
	v6 =	vmul.f32 v16, v6;
	v16 =	vld [tilespmem:$0x1FF60]  }
0x175: {  	v58 =	vadd.f32 v60, v58;
	v60 =	vld [tilespmem:s28+$0x4310];
	v13 =	vperm.xlane v54, v2  }
0x176: {  	v7 =	vld [tilespmem:s28+$0x340];
	v11 =	vadd.f32 v11, v17  }
0x177: {  	v35 =	vld [tilespmem:s28+$0x3B0];
	v17 =	vadd.f32 v54, v13;
	v13 =	vmul.f32 v63, v49;
	v63 =	vperm.xlane v19, v2  }
0x178: {  	v24 =	vld [tilespmem:s28+$0x3C0]  }
0x179: {  	v19 =	vadd.f32 v19, v63;
	v63 =	vmul.f32 v18, v16;
	v16 =	vld [tilespmem:$0x1FF80]  }
0x17a: {  	v18 =	vld [tilespmem:$0x1FF90]  }
0x17b: {  	v41 =	vld [tilespmem:s28+$0x330]  }
0x17c: {  	v38 =	vld [tilespmem:s28+$0x4490]  }
0x17d: {  	v55 =	vld [tilespmem:s28+$0x4400];
	v49 =	vperm.xlane v14, v2  }
0x17e: {  	v44 =	vld [tilespmem:s28+$0x3A0]  }
0x17f: {  	v20 =	vadd.f32 v14, v49;
	v49 =	vmul.f32 v18, v16;
	v16 =	vld [tilespmem:$0x1FFB0]  }
0x180: {  	v18 =	vld [tilespmem:$0x1FFC0]  }
0x181: {  	v34 =	vld [tilespmem:s28+$0x4480]  }
0x182: {  	v8 =	vld [tilespmem:s28+$0x4A0];
	v22 =	vperm.xlane v11, v1  }
0x183: {  	v30 =	vld [tilespmem:s28+$0x480]  }
0x184: {  	v9 =	vld [tilespmem:s28+$0x4330];
	v11 =	vadd.f32 v11, v22  }
0x185: {  	v43 =	vmul.f32 v37, v43;
	v37 =	vmul.f32 v18, v16;
	v16 =	vld [tilespmem:$0x1FFD0]  }
0x186: {  	v40 =	vld [tilespmem:s28+$0x4320];
	v25 =	vperm.xlane v11, v2  }
0x187: {  	v57 =	vld [tilespmem:s28+$0x4300]  }
0x188: {  	v25 =	vadd.f32 v11, v25;
	v11 =	vld [tilespmem:$0x1FFA0]  }
0x189: {  	v14 =	vperm.xlane v5, v0;
	v18 =	vld [tilespmem:$0x1FFF0]  }
0x18a: {  	v32 =	vadd.f32 v32, v58;
	v58 =	vadd.f32 v43, v51;
	v51 =	vmul.f32 v48, v16;
	v16 =	vld [tilespmem:$0x1FFE0]  }
0x18b: {  	v52 =	vld [tilespmem:s28+$0x320];
	v22 =	vperm.xlane v15, v2;
	v5 =	vadd.f32 v5, v14  }
0x18c: {  	v54 =	vld [tilespmem:s28+$0x400]  }
0x18d: {  	v22 =	vadd.f32 v15, v22;
	v15 =	vld [tilespmem:s28+$0x300];
	v14 =	vperm.xlane v5, v1  }
0x18e: {  	v49 =	vadd.f32 v49, v32;
	v32 =	vld [tilespmem:s28+$0x390]  }
0x18f: {  	s3 =	simm.s32 $0x1;
	s1 =	simm.s32 $0x0;
	v5 =	vadd.f32 v5, v14;
	v11 =	vmul.f32 v11, v33;
	v48 =	vld [tilespmem:s28+$0x4380];
	v43 =	vmul.f32 v18, v16  }
.LBB2_2:
0x190: {  	v33 =	vld [tilespmem:s28+$0x43E0]  }
0x191: {  	v7 =	vmul.f32 v26, v7;
	v26 =	vld [tilespmem:s28+$0x4410]  }
0x192: {  	v21 =	vmul.f32 v23, v21;
	v23 =	vld [tilespmem:s28+$0x4390]  }
0x193: {  	v14 =	vld [tilespmem:$0x1FC50];
	v27 =	vmul.f32 v29, v27;
	v29 =	vadd.f32 v51, v58  }
0x194: {  	v8 =	vmul.f32 v10, v8;
	v10 =	vadd.f32 v56, v49;
	v58 =	vld [tilespmem:s28+$0x43A0];
	v30 =	vmul.f32 v34, v30  }
0x195: {  	v34 =	vmul.f32 v40, v52;
	v15 =	vmul.f32 v57, v15;
	v52 =	vld [tilespmem:s28+$0x43B0]  }
0x196: {  	v61 =	vmul.f32 v60, v61;
	v10 =	vadd.f32 v50, v10;
	v26 =	vmul.f32 v26, v59;
	v59 =	vld [tilespmem:s28+$0x4440]  }
0x197: {  	v40 =	vld [tilespmem:s28+$0x4420];
	v46 =	vmul.f32 v48, v46;
	v23 =	vmul.f32 v23, v32  }
0x198: {  	v15 =	vadd.f32 v61, v15;
	v10 =	vadd.f32 v28, v10;
	v28 =	vld [tilespmem:s28+$0x43C0]  }
0x199: {  	v56 =	vld [tilespmem:s28+$0x4430];
	v58 =	vmul.f32 v58, v44;
	v23 =	vadd.f32 v23, v46  }
0x19a: {  	v9 =	vmul.f32 v9, v41;
	v60 =	vld [tilespmem:s28+$0x43D0];
	v29 =	vadd.f32 v43, v29;
	v15 =	vadd.f32 v34, v15  }
0x19b: {  	v61 =	vmul.f32 v52, v35;
	v23 =	vadd.f32 v58, v23;
	v16 =	vmul.f32 v59, v14;
	v14 =	vld [tilespmem:$0x1FC20]  }
0x19c: {  	v57 =	vmul.f32 v55, v54;
	v29 =	vadd.f32 v63, v29;
	v63 =	vld [tilespmem:s28+$0x4450]  }
0x19d: {  	v9 =	vadd.f32 v9, v15;
	v15 =	vadd.f32 v61, v23;
	v23 =	vmul.f32 v28, v24;
	v24 =	vld [tilespmem:s28+$0x4460]  }
0x19e: {  	v26 =	vadd.f32 v26, v57;
	v28 =	vld [tilespmem:s28+$0x43F0]  }
0x19f: {  	v36 =	vmul.f32 v40, v36;
	v7 =	vadd.f32 v7, v9;
	v9 =	vadd.f32 v23, v15;
	v23 =	vld [tilespmem:s28+$0x4470]  }
0x1a0: {  	v15 =	vmul.f32 v60, v14;
	v14 =	vld [tilespmem:$0x1F9E0]  }
0x1a1: {  	v31 =	vmul.f32 v56, v31;
	v26 =	vadd.f32 v36, v26;
	_ =	sdelay $0x1  }
0x1a2: {  	v26 =	vadd.f32 v31, v26  }
0x1a3: {  	v38 =	vmul.f32 v38, v39  }
0x1a4: {  	v16 =	vadd.f32 v16, v26;
	v26 =	vmul.f32 v63, v14;
	v14 =	vld [tilespmem:$0x1F9B0]  }
0x1a5: {  	v30 =	vadd.f32 v38, v30;
	_ =	sdelay $0x1  }
0x1a6: {  	v8 =	vadd.f32 v8, v30;
	_ =	sdelay $0x1  }
0x1a7: {  	v8 =	vadd.f32 v27, v8;
	v9 =	vadd.f32 v15, v9;
	v15 =	vmul.f32 v33, v14;
	v14 =	vld [tilespmem:$0x1F850];
	_ =	sdelay $0x1  }
0x1a8: {  	v8 =	vadd.f32 v37, v8;
	_ =	sdelay $0x1  }
0x1a9: {  	v6 =	vadd.f32 v6, v8;
	v27 =	vld [tilespmem:s28+$0x44F0];
	v8 =	vadd.f32 v15, v9;
	v9 =	vmul.f32 v28, v53  }
0x1aa: {  	v7 =	vadd.f32 v21, v7;
	v15 =	vmul.f32 v23, v14;
	v14 =	vld [tilespmem:$0x1FDD0]  }
0x1ab: {  	v29 =	vadd.f32 v47, v29;
	v8 =	vadd.f32 v9, v8;
	v9 =	vld [tilespmem:$0x1F840]  }
0x1ac: {  	v7 =	vadd.f32 v11, v7  }
0x1ad: {  	v4 =	vadd.f32 v4, v29;
	v21 =	vmul.f32 v24, v45;
	v16 =	vadd.f32 v26, v16  }
0x1ae: {  	v7 =	vadd.f32 v13, v7  }
0x1af: {  	v11 =	vadd.f32 v21, v16;
	v4 =	vadd.f32 v14, v4;
	v14 =	vld [tilespmem:$0x1FBD0]  }
0x1b0: {  	v6 =	vadd.f32 v12, v6;
	v9 =	vmul.f32 v27, v9  }
0x1b1: {  	v13 =	vperm.xlane v7, v0;
	v11 =	vadd.f32 v15, v11  }
0x1b2: {  	v15 =	vperm.xlane v8, v0;
	v6 =	vadd.f32 v9, v6  }
0x1b3: {  	v12 =	vperm.xlane v5, v2;
	v7 =	vadd.f32 v7, v13;
	v9 =	vperm.xlane v11, v0  }
0x1b4: {  	v8 =	vadd.f32 v8, v15;
	v13 =	vperm.xlane v6, v0;
	v10 =	vadd.f32 v14, v10  }
0x1b5: {  	v16 =	vperm.xlane v7, v1;
	v9 =	vadd.f32 v11, v9;
	v11 =	vperm.xlane v4, v0  }
0x1b6: {  	v18 =	vperm.xlane v8, v1;
	v6 =	vadd.f32 v6, v13;
	v15 =	vperm.xlane v10, v0  }
0x1b7: {  	v7 =	vadd.f32 v7, v16;
	v13 =	vperm.xlane v9, v1;
	v4 =	vadd.f32 v4, v11  }
0x1b8: {  	v8 =	vadd.f32 v8, v18;
	v11 =	vperm.xlane v6, v1;
	v10 =	vadd.f32 v10, v15  }
0x1b9: {  	v16 =	vperm.xlane v7, v2;
	v9 =	vadd.f32 v9, v13;
	v13 =	vperm.xlane v4, v1  }
0x1ba: {  	v18 =	vperm.xlane v8, v2;
	v6 =	vadd.f32 v6, v11;
	v15 =	vperm.xlane v10, v1  }
0x1bb: {  	v7 =	vadd.f32 v7, v16;
	v11 =	vperm.xlane v9, v2;
	v4 =	vadd.f32 v4, v13  }
0x1bc: {  	v8 =	vadd.f32 v8, v18;
	v13 =	vperm.xlane v6, v2;
	v10 =	vadd.f32 v10, v15  }
0x1bd: {  	v16 =	vperm.xlane v7, v3;
	v9 =	vadd.f32 v9, v11;
	v11 =	vperm.xlane v4, v2  }
0x1be: {  	v18 =	vperm.xlane v8, v3;
	v6 =	vadd.f32 v6, v13;
	v15 =	vperm.xlane v10, v2  }
0x1bf: {  	v7 =	vadd.f32 v7, v16;
	v13 =	vperm.xlane v9, v3;
	v4 =	vadd.f32 v4, v11  }
0x1c0: {  	v8 =	vadd.f32 v8, v18;
	v11 =	vperm.xlane v6, v3;
	v10 =	vadd.f32 v10, v15  }
0x1c1: {  	v5 =	vadd.f32 v5, v12;
	v9 =	vadd.f32 v9, v13;
	v13 =	vperm.xlane v4, v3  }
0x1c2: {  	v7 =	vsel vm0, v7, v8;
	v6 =	vadd.f32 v6, v11;
	v8 =	vperm.xlane v10, v3  }
0x1c3: {  	v7 =	vsel vm1, v7, v9;
	v4 =	vadd.f32 v4, v13;
	v9 =	vperm.xlane v5, v3  }
0x1c4: {  	v6 =	vsel vm2, v7, v6;
	v7 =	vadd.f32 v10, v8;
	v8 =	vperm.xlane v25, v3;
	v10 =	vld [tilespmem:$0x1FCF0]  }
0x1c5: {  	v5 =	vadd.f32 v5, v9;
	v9 =	vld [tilespmem:$0x1FC80];
	v4 =	vsel vm3, v6, v4;
	v6 =	vperm.xlane v22, v3  }
0x1c6: {  	v4 =	vsel vm4, v4, v7;
	v7 =	vadd.f32 v25, v8;
	v8 =	vperm.xlane v20, v3  }
0x1c7: {  	v4 =	vsel vm5, v4, v5;
	v5 =	vadd.f32 v22, v6;
	v6 =	vperm.xlane v19, v3  }
0x1c8: {  	v4 =	vsel vm6, v4, v7;
	v7 =	vadd.f32 v20, v8;
	v8 =	vperm.xlane v17, v3  }
0x1c9: {  	v4 =	vsel vm7, v4, v5;
	v5 =	vadd.f32 v19, v6;
	v6 =	vperm.xlane v10, v3  }
0x1ca: {  	v4 =	vsel vm8, v4, v7;
	v7 =	vadd.f32 v17, v8;
	v8 =	vperm.xlane v9, v3  }
0x1cb: {  	v4 =	vsel vm9, v4, v5;
	v5 =	vadd.f32 v10, v6;
	v6 =	vperm.xlane v62, v3  }
0x1cc: {  	v4 =	vsel vm10, v4, v7;
	v7 =	vadd.f32 v9, v8;
	v8 =	vperm.xlane v42, v3  }
0x1cd: {  	v4 =	vsel vm11, v4, v5;
	v5 =	vadd.f32 v62, v6  }
0x1ce: {  	v4 =	vsel vm12, v4, v7;
	v6 =	vadd.f32 v42, v8  }
0x1cf: {  	s0 =	sshll.u32 s1, $0x4;
	v4 =	vsel vm13, v4, v5  }
0x1d0: {  	s0 =	sand.u32 $0x3FFFFFF0, s0;
	v4 =	vsel vm14, v4, v6  }
0x1d1: {  	s28 =	sshll.u32 s3, $0xB;
	[tilespmem:s0+$0x18300] =	vst v4  }
0x1d2: {  	v6 =	vld [tilespmem:s28+$0x770];
	_ =	sdelay $0x4  }
0x1d3: {  	[tilespmem:$0x1F330] =	vst v6;
	v6 =	vld [tilespmem:s28+$0x4770];
	_ =	sdelay $0x4  }
0x1d4: {  	[tilespmem:$0x1F340] =	vst v6;
	v6 =	vld [tilespmem:s28+$0x7E0];
	_ =	sdelay $0x4  }
0x1d5: {  	[tilespmem:$0x1F370] =	vst v6;
	v6 =	vld [tilespmem:s28+$0x47E0];
	_ =	sdelay $0x4  }
0x1d6: {  	[tilespmem:$0x1F380] =	vst v6;
	v6 =	vld [tilespmem:s28+$0x850];
	_ =	sdelay $0x4  }
0x1d7: {  	[tilespmem:$0x1F390] =	vst v6;
	v6 =	vld [tilespmem:s28+$0x4850];
	_ =	sdelay $0x4  }
0x1d8: {  	[tilespmem:$0x1F3A0] =	vst v6;
	v6 =	vld [tilespmem:s28+$0x8C0];
	_ =	sdelay $0x4  }
0x1d9: {  	[tilespmem:$0x1F350] =	vst v6;
	v6 =	vld [tilespmem:s28+$0x48C0];
	_ =	sdelay $0x4  }
0x1da: {  	[tilespmem:$0x1F360] =	vst v6;
	v6 =	vld [tilespmem:s28+$0x6F0];
	_ =	sdelay $0x4  }
0x1db: {  	[tilespmem:$0x1F3B0] =	vst v6;
	v6 =	vld [tilespmem:s28+$0x46F0];
	_ =	sdelay $0x4  }
0x1dc: {  	[tilespmem:$0x1F3C0] =	vst v6;
	v6 =	vld [tilespmem:s28+$0x760];
	_ =	sdelay $0x4  }
0x1dd: {  	[tilespmem:$0x1F3D0] =	vst v6;
	v6 =	vld [tilespmem:s28+$0x4760];
	_ =	sdelay $0x4  }
0x1de: {  	[tilespmem:$0x1F3E0] =	vst v6;
	v6 =	vld [tilespmem:s28+$0x7D0];
	_ =	sdelay $0x4  }
0x1df: {  	[tilespmem:$0x1F3F0] =	vst v6;
	v6 =	vld [tilespmem:s28+$0x47D0];
	_ =	sdelay $0x4  }
0x1e0: {  	[tilespmem:$0x1F400] =	vst v6;
	v6 =	vld [tilespmem:s28+$0x840];
	_ =	sdelay $0x4  }
0x1e1: {  	[tilespmem:$0x1F410] =	vst v6;
	v6 =	vld [tilespmem:s28+$0x4840];
	_ =	sdelay $0x4  }
0x1e2: {  	[tilespmem:$0x1F420] =	vst v6;
	v6 =	vld [tilespmem:s28+$0x8B0];
	_ =	sdelay $0x4  }
0x1e3: {  	[tilespmem:$0x1F320] =	vst v6;
	v6 =	vld [tilespmem:s28+$0x670];
	_ =	sdelay $0x4  }
0x1e4: {  	[tilespmem:$0x1F430] =	vst v6;
	v6 =	vld [tilespmem:s28+$0x4670];
	_ =	sdelay $0x4  }
0x1e5: {  	[tilespmem:$0x1F440] =	vst v6;
	v6 =	vld [tilespmem:s28+$0x6E0];
	_ =	sdelay $0x4  }
0x1e6: {  	[tilespmem:$0x1F450] =	vst v6;
	v6 =	vld [tilespmem:s28+$0x46E0];
	_ =	sdelay $0x4  }
0x1e7: {  	[tilespmem:$0x1F460] =	vst v6;
	v6 =	vld [tilespmem:s28+$0x750];
	_ =	sdelay $0x4  }
0x1e8: {  	[tilespmem:$0x1F470] =	vst v6;
	v6 =	vld [tilespmem:s28+$0x4750];
	_ =	sdelay $0x4  }
0x1e9: {  	[tilespmem:$0x1F480] =	vst v6;
	v6 =	vld [tilespmem:s28+$0x7C0];
	_ =	sdelay $0x4  }
0x1ea: {  	[tilespmem:$0x1F490] =	vst v6;
	v6 =	vld [tilespmem:s28+$0x47C0];
	_ =	sdelay $0x4  }
0x1eb: {  	[tilespmem:$0x1F4A0] =	vst v6;
	v6 =	vld [tilespmem:s28+$0x830];
	_ =	sdelay $0x4  }
0x1ec: {  	[tilespmem:$0x1F4B0] =	vst v6;
	v6 =	vld [tilespmem:s28+$0x4830];
	_ =	sdelay $0x3  }
0x1ed: {  	v4 =	vld [tilespmem:s28+$0x4A60]  }
0x1ee: {  	[tilespmem:$0x1F4C0] =	vst v6;
	v6 =	vld [tilespmem:s28+$0x5F0];
	_ =	sdelay $0x3  }
0x1ef: {  	[tilespmem:$0x1F0D0] =	vst v4;
	v4 =	vld [tilespmem:s28+$0x4AD0]  }
0x1f0: {  	[tilespmem:$0x1F4D0] =	vst v6;
	v6 =	vld [tilespmem:s28+$0x45F0];
	_ =	sdelay $0x3  }
0x1f1: {  	[tilespmem:$0x1F0E0] =	vst v4;
	v4 =	vld [tilespmem:s28+$0x970]  }
0x1f2: {  	[tilespmem:$0x1F4E0] =	vst v6;
	v6 =	vld [tilespmem:s28+$0x660];
	_ =	sdelay $0x3  }
0x1f3: {  	[tilespmem:$0x1F0F0] =	vst v4;
	v4 =	vld [tilespmem:s28+$0x4970]  }
0x1f4: {  	[tilespmem:$0x1F4F0] =	vst v6;
	v6 =	vld [tilespmem:s28+$0x4660];
	_ =	sdelay $0x3  }
0x1f5: {  	[tilespmem:$0x1F100] =	vst v4;
	v4 =	vld [tilespmem:s28+$0x9E0]  }
0x1f6: {  	[tilespmem:$0x1F500] =	vst v6;
	v6 =	vld [tilespmem:s28+$0x6D0];
	_ =	sdelay $0x3  }
0x1f7: {  	[tilespmem:$0x1F110] =	vst v4;
	v4 =	vld [tilespmem:s28+$0x49E0]  }
0x1f8: {  	[tilespmem:$0x1F510] =	vst v6;
	v6 =	vld [tilespmem:s28+$0x46D0];
	_ =	sdelay $0x3  }
0x1f9: {  	[tilespmem:$0x1F120] =	vst v4;
	v4 =	vld [tilespmem:s28+$0xA50]  }
0x1fa: {  	[tilespmem:$0x1F520] =	vst v6;
	v6 =	vld [tilespmem:s28+$0x740];
	_ =	sdelay $0x3  }
0x1fb: {  	[tilespmem:$0x1F130] =	vst v4;
	v4 =	vld [tilespmem:s28+$0x4A50]  }
0x1fc: {  	[tilespmem:$0x1F590] =	vst v6;
	v6 =	vld [tilespmem:s28+$0x4740];
	_ =	sdelay $0x3  }
0x1fd: {  	[tilespmem:$0x1F140] =	vst v4;
	v4 =	vld [tilespmem:s28+$0xAC0]  }
0x1fe: {  	[tilespmem:$0x1F5A0] =	vst v6;
	v6 =	vld [tilespmem:s28+$0x7B0];
	_ =	sdelay $0x3  }
0x1ff: {  	[tilespmem:$0x1F170] =	vst v4;
	v4 =	vld [tilespmem:s28+$0x4AC0]  }
0x200: {  	[tilespmem:$0x1F570] =	vst v6;
	v6 =	vld [tilespmem:s28+$0x47B0];
	_ =	sdelay $0x3  }
0x201: {  	[tilespmem:$0x1F180] =	vst v4;
	v4 =	vld [tilespmem:s28+$0x8F0]  }
0x202: {  	[tilespmem:$0x1F580] =	vst v6;
	v6 =	vld [tilespmem:s28+$0x820];
	_ =	sdelay $0x3  }
0x203: {  	[tilespmem:$0x1F150] =	vst v4;
	v4 =	vld [tilespmem:s28+$0x48F0]  }
0x204: {  	[tilespmem:$0x1F530] =	vst v6;
	v6 =	vld [tilespmem:s28+$0x4820];
	_ =	sdelay $0x3  }
0x205: {  	[tilespmem:$0x1F160] =	vst v4;
	v4 =	vld [tilespmem:s28+$0x960]  }
0x206: {  	[tilespmem:$0x1F540] =	vst v6;
	v6 =	vld [tilespmem:s28+$0x570];
	_ =	sdelay $0x3  }
0x207: {  	[tilespmem:$0x1F190] =	vst v4;
	v4 =	vld [tilespmem:s28+$0x4960]  }
0x208: {  	[tilespmem:$0x1F5D0] =	vst v6;
	v6 =	vld [tilespmem:s28+$0x4570];
	_ =	sdelay $0x3  }
0x209: {  	[tilespmem:$0x1F1A0] =	vst v4;
	v4 =	vld [tilespmem:s28+$0x9D0]  }
0x20a: {  	[tilespmem:$0x1F5E0] =	vst v6;
	v6 =	vld [tilespmem:s28+$0x5E0];
	_ =	sdelay $0x3  }
0x20b: {  	[tilespmem:$0x1F1B0] =	vst v4;
	v4 =	vld [tilespmem:s28+$0x49D0]  }
0x20c: {  	[tilespmem:$0x1F5F0] =	vst v6;
	v6 =	vld [tilespmem:s28+$0x45E0];
	_ =	sdelay $0x3  }
0x20d: {  	[tilespmem:$0x1F1C0] =	vst v4;
	v4 =	vld [tilespmem:s28+$0xA40]  }
0x20e: {  	[tilespmem:$0x1F600] =	vst v6;
	v6 =	vld [tilespmem:s28+$0x650];
	_ =	sdelay $0x3  }
0x20f: {  	[tilespmem:$0x1F1F0] =	vst v4;
	v4 =	vld [tilespmem:s28+$0x4A40]  }
0x210: {  	[tilespmem:$0x1F6A0] =	vst v6;
	v6 =	vld [tilespmem:s28+$0x4650];
	_ =	sdelay $0x3  }
0x211: {  	[tilespmem:$0x1F200] =	vst v4;
	v4 =	vld [tilespmem:s28+$0x870]  }
0x212: {  	[tilespmem:$0x1F690] =	vst v6;
	v6 =	vld [tilespmem:s28+$0x6C0];
	_ =	sdelay $0x3  }
0x213: {  	[tilespmem:$0x1F1D0] =	vst v4;
	v4 =	vld [tilespmem:s28+$0x4870]  }
0x214: {  	[tilespmem:$0x1F630] =	vst v6;
	v6 =	vld [tilespmem:s28+$0x46C0];
	_ =	sdelay $0x3  }
0x215: {  	[tilespmem:$0x1F1E0] =	vst v4;
	v4 =	vld [tilespmem:s28+$0x8E0]  }
0x216: {  	[tilespmem:$0x1F640] =	vst v6;
	v6 =	vld [tilespmem:s28+$0x730];
	_ =	sdelay $0x3  }
0x217: {  	[tilespmem:$0x1F210] =	vst v4;
	v4 =	vld [tilespmem:s28+$0x48E0]  }
0x218: {  	[tilespmem:$0x1F5B0] =	vst v6;
	v6 =	vld [tilespmem:s28+$0x4730];
	_ =	sdelay $0x3  }
0x219: {  	[tilespmem:$0x1F220] =	vst v4;
	v4 =	vld [tilespmem:s28+$0x950]  }
0x21a: {  	[tilespmem:$0x1F5C0] =	vst v6;
	v6 =	vld [tilespmem:s28+$0x7A0];
	_ =	sdelay $0x3  }
0x21b: {  	[tilespmem:$0x1F230] =	vst v4;
	v4 =	vld [tilespmem:s28+$0x4950]  }
0x21c: {  	[tilespmem:$0x1F550] =	vst v6;
	v6 =	vld [tilespmem:s28+$0x47A0];
	_ =	sdelay $0x3  }
0x21d: {  	[tilespmem:$0x1F240] =	vst v4;
	v4 =	vld [tilespmem:s28+$0x9C0]  }
0x21e: {  	[tilespmem:$0x1F560] =	vst v6;
	v6 =	vld [tilespmem:s28+$0x4F0];
	_ =	sdelay $0x3  }
0x21f: {  	[tilespmem:$0x1F280] =	vst v4;
	v4 =	vld [tilespmem:s28+$0x49C0]  }
0x220: {  	[tilespmem:$0x1F840] =	vst v6;
	v6 =	vld [tilespmem:s28+$0x560];
	_ =	sdelay $0x3  }
0x221: {  	[tilespmem:$0x1F290] =	vst v4;
	v4 =	vld [tilespmem:s28+$0xA30]  }
0x222: {  	[tilespmem:$0x1F6B0] =	vst v6;
	v6 =	vld [tilespmem:s28+$0x4560];
	_ =	sdelay $0x3  }
0x223: {  	[tilespmem:$0x1F250] =	vst v4;
	v4 =	vld [tilespmem:s28+$0x4A30]  }
0x224: {  	[tilespmem:$0x1F6C0] =	vst v6;
	v6 =	vld [tilespmem:s28+$0x5D0];
	_ =	sdelay $0x3  }
0x225: {  	[tilespmem:$0x1F260] =	vst v4;
	v4 =	vld [tilespmem:s28+$0x7F0]  }
0x226: {  	[tilespmem:$0x1F6D0] =	vst v6;
	v6 =	vld [tilespmem:s28+$0x45D0];
	_ =	sdelay $0x3  }
0x227: {  	[tilespmem:$0x1F2A0] =	vst v4;
	v4 =	vld [tilespmem:s28+$0x47F0]  }
0x228: {  	[tilespmem:$0x1F6E0] =	vst v6;
	v6 =	vld [tilespmem:s28+$0x640];
	_ =	sdelay $0x3  }
0x229: {  	[tilespmem:$0x1F2B0] =	vst v4;
	v4 =	vld [tilespmem:s28+$0x860]  }
0x22a: {  	[tilespmem:$0x1F670] =	vst v6;
	v6 =	vld [tilespmem:s28+$0x4640];
	_ =	sdelay $0x3  }
0x22b: {  	[tilespmem:$0x1F2E0] =	vst v4;
	v4 =	vld [tilespmem:s28+$0x4860]  }
0x22c: {  	[tilespmem:$0x1F680] =	vst v6;
	v6 =	vld [tilespmem:s28+$0x6B0];
	_ =	sdelay $0x3  }
0x22d: {  	[tilespmem:$0x1F2F0] =	vst v4;
	v4 =	vld [tilespmem:s28+$0x8D0]  }
0x22e: {  	[tilespmem:$0x1F610] =	vst v6;
	v6 =	vld [tilespmem:s28+$0x46B0];
	_ =	sdelay $0x3  }
0x22f: {  	[tilespmem:$0x1F300] =	vst v4;
	v4 =	vld [tilespmem:s28+$0x48D0]  }
0x230: {  	[tilespmem:$0x1F620] =	vst v6;
	v6 =	vld [tilespmem:s28+$0x470];
	_ =	sdelay $0x3  }
0x231: {  	[tilespmem:$0x1F310] =	vst v4;
	v4 =	vld [tilespmem:s28+$0x940]  }
0x232: {  	[tilespmem:$0x1F850] =	vst v6;
	v6 =	vld [tilespmem:s28+$0x4E0];
	_ =	sdelay $0x3  }
0x233: {  	[tilespmem:$0x1F2C0] =	vst v4;
	v4 =	vld [tilespmem:s28+$0x4940]  }
0x234: {  	[tilespmem:$0x1F6F0] =	vst v6;
	v6 =	vld [tilespmem:s28+$0x44E0];
	_ =	sdelay $0x1  }
0x235: {  	v7 =	vld [tilespmem:s28+$0xAF0]  }
0x236: {  	v57 =	vld [tilespmem:s28+$0x4AF0]  }
0x237: {  	[tilespmem:$0x1F2D0] =	vst v4;
	v4 =	vld [tilespmem:s28+$0x9B0]  }
0x238: {  	[tilespmem:$0x1F700] =	vst v6;
	v6 =	vld [tilespmem:s28+$0x550]  }
0x239: {  	v9 =	vld [tilespmem:s28+$0xA70]  }
0x23a: {  	v11 =	vld [tilespmem:s28+$0x4A70]  }
0x23b: {  	v16 =	vld [tilespmem:s28+$0x4A90]  }
0x23c: {  	[tilespmem:$0x1F270] =	vst v4;
	v4 =	vld [tilespmem:s28+$0xA90]  }
0x23d: {  	[tilespmem:$0x1F710] =	vst v6;
	v6 =	vld [tilespmem:s28+$0x4550]  }
0x23e: {  	v12 =	vld [tilespmem:s28+$0xAE0]  }
0x23f: {  	v63 =	vld [tilespmem:s28+$0x4AE0]  }
0x240: {  	v28 =	vld [tilespmem:s28+$0xA60]  }
0x241: {  	v16 =	vmul.f32 v16, v4;
	v4 =	vld [tilespmem:$0x1F0D0]  }
0x242: {  	[tilespmem:$0x1F720] =	vst v6;
	v6 =	vld [tilespmem:s28+$0x5C0]  }
0x243: {  	v13 =	vld [tilespmem:s28+$0xAD0]  }
0x244: {  	v5 =	vld [tilespmem:s28+$0xA80]  }
0x245: {  	v20 =	vld [tilespmem:s28+$0x4A80];
	v55 =	vmul.f32 v57, v7  }
0x246: {  	v57 =	vmul.f32 v11, v9;
	v9 =	vmul.f32 v4, v28;
	v4 =	vld [tilespmem:$0x1F0E0]  }
0x247: {  	[tilespmem:$0x1F730] =	vst v6;
	v6 =	vld [tilespmem:s28+$0x45C0]  }
0x248: {  	v8 =	vld [tilespmem:s28+$0x9F0]  }
0x249: {  	v10 =	vld [tilespmem:s28+$0x49F0]  }
0x24a: {  	v7 =	vld [tilespmem:$0x1F100]  }
0x24b: {  	v20 =	vmul.f32 v20, v5;
	v5 =	vmul.f32 v4, v13;
	v4 =	vld [tilespmem:$0x1F0F0]  }
0x24c: {  	[tilespmem:$0x1F740] =	vst v6;
	v6 =	vld [tilespmem:s28+$0x630]  }
0x24d: {  	v30 =	vld [tilespmem:s28+$0xAB0]  }
0x24e: {  	v44 =	vld [tilespmem:s28+$0x4AB0]  }
0x24f: {  	v40 =	vld [tilespmem:s28+$0xAA0]  }
0x250: {  	v13 =	vmul.f32 v7, v4;
	v4 =	vld [tilespmem:$0x1F110]  }
0x251: {  	[tilespmem:$0x1F650] =	vst v6;
	v6 =	vld [tilespmem:s28+$0x4630]  }
0x252: {  	v7 =	vld [tilespmem:$0x1F120]  }
0x253: {  	v34 =	vld [tilespmem:s28+$0x4AA0]  }
0x254: {  	v60 =	vld [tilespmem:s28+$0x49B0]  }
0x255: {  	v45 =	vld [tilespmem:s28+$0xA20]  }
0x256: {  	v53 =	vld [tilespmem:s28+$0x4A20];
	[tilespmem:$0x1F660] =	vst v6;
	v6 =	vmul.f32 v63, v12  }
0x257: {  	v12 =	vmul.f32 v10, v8;
	v10 =	vmul.f32 v7, v4;
	v4 =	vld [tilespmem:$0x1F130]  }
0x258: {  	v7 =	vld [tilespmem:$0x1F140]  }
0x259: {  	v49 =	vld [tilespmem:s28+$0x9A0]  }
0x25a: {  	v46 =	vld [tilespmem:s28+$0x49A0]  }
0x25b: {  	v32 =	vld [tilespmem:s28+$0xA00]  }
0x25c: {  	v8 =	vld [tilespmem:$0x1F160]  }
0x25d: {  	v7 =	vmul.f32 v7, v4;
	v4 =	vld [tilespmem:$0x1F150]  }
0x25e: {  	v31 =	vld [tilespmem:s28+$0x4A00]  }
0x25f: {  	v29 =	vld [tilespmem:s28+$0xA10]  }
0x260: {  	v27 =	vld [tilespmem:s28+$0x4A10];
	v40 =	vmul.f32 v34, v40;
	v16 =	vadd.f32 v16, v20  }
0x261: {  	v26 =	vld [tilespmem:s28+$0x980]  }
0x262: {  	v40 =	vadd.f32 v40, v16;
	v16 =	vmul.f32 v8, v4;
	v4 =	vld [tilespmem:$0x1F170]  }
0x263: {  	v8 =	vld [tilespmem:$0x1F180]  }
0x264: {  	v25 =	vld [tilespmem:s28+$0x4980]  }
0x265: {  	v52 =	vld [tilespmem:s28+$0x990]  }
0x266: {  	v23 =	vld [tilespmem:s28+$0x4990];
	v30 =	vmul.f32 v44, v30  }
0x267: {  	v18 =	vld [tilespmem:s28+$0x900]  }
0x268: {  	v17 =	vld [tilespmem:s28+$0x4900];
	v40 =	vadd.f32 v30, v40;
	v4 =	vmul.f32 v8, v4  }
0x269: {  	v15 =	vld [tilespmem:s28+$0x910]  }
0x26a: {  	v14 =	vld [tilespmem:s28+$0x4910];
	v4 =	vadd.f32 v4, v40  }
0x26b: {  	v27 =	vmul.f32 v27, v29;
	v29 =	vld [tilespmem:s28+$0x3F0]  }
0x26c: {  	v4 =	vadd.f32 v5, v4;
	v5 =	vld [tilespmem:s28+$0x44D0]  }
0x26d: {  	v31 =	vmul.f32 v31, v32;
	v32 =	vld [tilespmem:$0x1F200]  }
0x26e: {  	v30 =	vld [tilespmem:s28+$0x4370]  }
0x26f: {  	v4 =	vadd.f32 v6, v4;
	v6 =	vld [tilespmem:s28+$0x4540]  }
0x270: {  	v25 =	vmul.f32 v25, v26;
	v26 =	vld [tilespmem:$0x1F240]  }
0x271: {  	[tilespmem:$0x1F770] =	vst v5;
	v5 =	vld [tilespmem:$0x1F230]  }
0x272: {  	[tilespmem:$0x1F7F0] =	vst v29;
	v29 =	vld [tilespmem:$0x1F1D0]  }
0x273: {  	[tilespmem:$0x1F760] =	vst v30;
	v30 =	vld [tilespmem:$0x1F1E0]  }
0x274: {  	v27 =	vadd.f32 v27, v31;
	v31 =	vmul.f32 v53, v45;
	[tilespmem:$0x1F790] =	vst v6;
	v6 =	vmul.f32 v17, v18;
	v17 =	vld [tilespmem:s28+$0x5B0]  }
0x275: {  	v23 =	vmul.f32 v23, v52;
	v18 =	vld [tilespmem:$0x1F270]  }
0x276: {  	v5 =	vmul.f32 v26, v5;
	v26 =	vadd.f32 v31, v27;
	v27 =	vld [tilespmem:$0x1F250]  }
0x277: {  	v23 =	vadd.f32 v23, v25;
	v25 =	vmul.f32 v46, v49;
	v31 =	vld [tilespmem:$0x1F260]  }
0x278: {  	v30 =	vmul.f32 v30, v29;
	v29 =	vld [tilespmem:$0x1F1F0]  }
0x279: {  	[tilespmem:$0x1F7A0] =	vst v17;
	v17 =	vadd.f32 v25, v23;
	v23 =	vld [tilespmem:s28+$0x45B0];
	_ =	sdelay $0x1  }
0x27a: {  	v36 =	vld [tilespmem:s28+$0x920];
	v18 =	vmul.f32 v60, v18  }
0x27b: {  	v35 =	vld [tilespmem:s28+$0x4920];
	v27 =	vmul.f32 v31, v27  }
0x27c: {  	v18 =	vadd.f32 v18, v17;
	v17 =	vld [tilespmem:$0x1F280]  }
0x27d: {  	v14 =	vmul.f32 v14, v15;
	v29 =	vmul.f32 v32, v29;
	v15 =	vadd.f32 v27, v26;
	[tilespmem:$0x1F7B0] =	vst v23;
	v23 =	vld [tilespmem:$0x1F290]  }
0x27e: {  	v59 =	vld [tilespmem:s28+$0x930]  }
0x27f: {  	v58 =	vld [tilespmem:s28+$0x4930];
	v15 =	vadd.f32 v29, v15  }
0x280: {  	v8 =	vld [tilespmem:s28+$0x370]  }
0x281: {  	v7 =	vadd.f32 v7, v15;
	v15 =	vld [tilespmem:$0x1F2A0]  }
0x282: {  	v6 =	vadd.f32 v14, v6;
	v14 =	vmul.f32 v35, v36;
	v23 =	vmul.f32 v23, v17;
	v17 =	vld [tilespmem:$0x1F2B0];
	_ =	sdelay $0x1  }
0x283: {  	v11 =	vld [tilespmem:$0x1F1A0];
	v6 =	vadd.f32 v14, v6;
	v14 =	vmul.f32 v58, v59  }
0x284: {  	[tilespmem:$0x1F750] =	vst v8;
	v8 =	vld [tilespmem:$0x1F190]  }
0x285: {  	v6 =	vadd.f32 v14, v6;
	v14 =	vld [tilespmem:$0x1F2C0]  }
0x286: {  	v17 =	vmul.f32 v17, v15;
	v15 =	vadd.f32 v23, v18;
	v18 =	vld [tilespmem:$0x1F2D0];
	_ =	sdelay $0x1  }
0x287: {  	v33 =	vld [tilespmem:$0x1F1C0]  }
0x288: {  	v11 =	vmul.f32 v11, v8;
	v8 =	vld [tilespmem:$0x1F1B0]  }
0x289: {  	v7 =	vadd.f32 v9, v7;
	v9 =	vld [tilespmem:$0x1F2E0]  }
0x28a: {  	v14 =	vmul.f32 v18, v14;
	v18 =	vld [tilespmem:$0x1F2F0]  }
0x28b: {  	v62 =	vld [tilespmem:s28+$0x48B0]  }
0x28c: {  	v42 =	vld [tilespmem:s28+$0x8A0]  }
0x28d: {  	v37 =	vld [tilespmem:s28+$0x48A0]  }
0x28e: {  	v24 =	vld [tilespmem:s28+$0x880];
	v8 =	vmul.f32 v33, v8  }
0x28f: {  	v4 =	vadd.f32 v55, v4;
	v36 =	vmul.f32 v18, v9;
	v9 =	vld [tilespmem:$0x1F300]  }
0x290: {  	v8 =	vadd.f32 v8, v15;
	v18 =	vld [tilespmem:$0x1F310]  }
0x291: {  	v22 =	vld [tilespmem:s28+$0x4880];
	v26 =	vperm.xlane v4, v0  }
0x292: {  	v8 =	vadd.f32 v10, v8;
	v10 =	vld [tilespmem:s28+$0x4360]  }
0x293: {  	v21 =	vld [tilespmem:s28+$0x890];
	v4 =	vadd.f32 v4, v26  }
0x294: {  	v19 =	vld [tilespmem:s28+$0x4890]  }
0x295: {  	v6 =	vadd.f32 v14, v6;
	v14 =	vld [tilespmem:s28+$0x360];
	v18 =	vmul.f32 v18, v9;
	v9 =	vperm.xlane v4, v1  }
0x296: {  	v50 =	vld [tilespmem:s28+$0x800]  }
0x297: {  	[tilespmem:$0x1F7E0] =	vst v10;
	v10 =	vadd.f32 v4, v9;
	v4 =	vld [tilespmem:s28+$0x3E0]  }
0x298: {  	v56 =	vld [tilespmem:s28+$0x4800]  }
0x299: {  	v47 =	vld [tilespmem:s28+$0x810]  }
0x29a: {  	v43 =	vld [tilespmem:s28+$0x4810];
	v15 =	vmul.f32 v19, v21;
	[tilespmem:$0x1F7D0] =	vst v14;
	v14 =	vmul.f32 v22, v24  }
0x29b: {  	v61 =	vld [tilespmem:s28+$0x720];
	v5 =	vadd.f32 v5, v6  }
0x29c: {  	v54 =	vld [tilespmem:s28+$0x4720];
	v9 =	vmul.f32 v37, v42;
	[tilespmem:$0x1F9B0] =	vst v4;
	v4 =	vadd.f32 v15, v14  }
0x29d: {  	v5 =	vadd.f32 v11, v5;
	v11 =	vld [tilespmem:s28+$0x4C0]  }
0x29e: {  	v4 =	vadd.f32 v9, v4;
	v9 =	vld [tilespmem:$0x1F320]  }
0x29f: {  	v41 =	vld [tilespmem:s28+$0x780]  }
0x2a0: {  	v51 =	vld [tilespmem:s28+$0x4780]  }
0x2a1: {  	v39 =	vld [tilespmem:s28+$0x790]  }
0x2a2: {  	v14 =	vld [tilespmem:$0x1F340]  }
0x2a3: {  	[tilespmem:$0x1F800] =	vst v11;
	v11 =	vmul.f32 v62, v9;
	v9 =	vld [tilespmem:$0x1F330]  }
0x2a4: {  	v8 =	vadd.f32 v12, v8;
	v12 =	vld [tilespmem:s28+$0x450]  }
0x2a5: {  	v38 =	vld [tilespmem:s28+$0x4790]  }
0x2a6: {  	v48 =	vld [tilespmem:s28+$0x46A0]  }
0x2a7: {  	v34 =	vld [tilespmem:s28+$0x4700]  }
0x2a8: {  	v7 =	vadd.f32 v57, v7;
	v9 =	vmul.f32 v14, v9;
	v14 =	vld [tilespmem:s28+$0x530]  }
0x2a9: {  	v44 =	vld [tilespmem:s28+$0x4710];
	[tilespmem:$0x1F9E0] =	vst v12;
	v12 =	vperm.xlane v8, v0  }
0x2aa: {  	v52 =	vld [tilespmem:s28+$0x4680];
	v6 =	vperm.xlane v7, v0  }
0x2ab: {  	v8 =	vadd.f32 v8, v12;
	v12 =	vld [tilespmem:s28+$0x4530]  }
0x2ac: {  	v6 =	vadd.f32 v7, v6;
	v4 =	vadd.f32 v11, v4;
	v11 =	vld [tilespmem:$0x1F350]  }
0x2ad: {  	[tilespmem:$0x1F810] =	vst v14;
	v14 =	vld [tilespmem:$0x1F360]  }
0x2ae: {  	v46 =	vld [tilespmem:s28+$0x4600];
	v13 =	vadd.f32 v13, v5;
	v5 =	vperm.xlane v6, v1  }
0x2af: {  	v19 =	vld [tilespmem:$0x1F3A0]  }
0x2b0: {  	v15 =	vadd.f32 v6, v5;
	v6 =	vld [tilespmem:$0x1F390]  }
0x2b1: {  	[tilespmem:$0x1F820] =	vst v12;
	v12 =	vld [tilespmem:$0x1F370]  }
0x2b2: {  	v11 =	vmul.f32 v14, v11;
	v14 =	vld [tilespmem:$0x1F380]  }
0x2b3: {  	v45 =	vld [tilespmem:s28+$0x4610]  }
0x2b4: {  	v21 =	vld [tilespmem:$0x1F3C0]  }
0x2b5: {  	v19 =	vmul.f32 v19, v6;
	v6 =	vadd.f32 v11, v4;
	v4 =	vld [tilespmem:$0x1F3B0]  }
0x2b6: {  	v20 =	vld [tilespmem:s28+$0x710]  }
0x2b7: {  	v40 =	vld [tilespmem:s28+$0x460];
	v12 =	vmul.f32 v14, v12;
	v14 =	vperm.xlane v13, v0  }
0x2b8: {  	v28 =	vld [tilespmem:s28+$0x700]  }
0x2b9: {  	v13 =	vadd.f32 v13, v14;
	v14 =	vld [tilespmem:$0x1F3D0]  }
0x2ba: {  	v4 =	vmul.f32 v21, v4;
	v21 =	vld [tilespmem:$0x1F3E0]  }
0x2bb: {  	v32 =	vld [tilespmem:$0x1F210]  }
0x2bc: {  	[tilespmem:$0x1F7C0] =	vst v40;
	v40 =	vld [tilespmem:$0x1F220]  }
0x2bd: {  	v63 =	vld [tilespmem:s28+$0x6A0]  }
0x2be: {  	v6 =	vadd.f32 v18, v6;
	v18 =	vld [tilespmem:$0x1F410]  }
0x2bf: {  	v42 =	vmul.f32 v21, v14;
	v21 =	vld [tilespmem:$0x1F420]  }
0x2c0: {  	v55 =	vld [tilespmem:s28+$0x690]  }
0x2c1: {  	v32 =	vmul.f32 v40, v32;
	v40 =	vld [tilespmem:s28+$0x4690]  }
0x2c2: {  	v35 =	vld [tilespmem:s28+$0x600]  }
0x2c3: {  	v11 =	vperm.xlane v8, v1;
	v23 =	vadd.f32 v32, v6;
	v6 =	vld [tilespmem:$0x1F430]  }
0x2c4: {  	v18 =	vmul.f32 v21, v18;
	v21 =	vld [tilespmem:$0x1F440]  }
0x2c5: {  	v8 =	vadd.f32 v8, v11;
	v11 =	vld [tilespmem:$0x1F3F0]  }
0x2c6: {  	v14 =	vld [tilespmem:$0x1F400]  }
0x2c7: {  	v33 =	vld [tilespmem:s28+$0x4D0]  }
0x2c8: {  	v26 =	vld [tilespmem:$0x1F460]  }
0x2c9: {  	v6 =	vmul.f32 v21, v6;
	v21 =	vld [tilespmem:$0x1F450]  }
0x2ca: {  	v59 =	vld [tilespmem:s28+$0x680];
	v7 =	vperm.xlane v10, v2  }
0x2cb: {  	v58 =	vld [tilespmem:s28+$0x44C0];
	v14 =	vmul.f32 v14, v11;
	v11 =	vperm.xlane v13, v1  }
0x2cc: {  	v49 =	vadd.f32 v10, v7;
	v7 =	vld [tilespmem:s28+$0x440];
	v22 =	vperm.xlane v15, v2  }
0x2cd: {  	v11 =	vadd.f32 v13, v11;
	v13 =	vld [tilespmem:$0x1F470]  }
0x2ce: {  	v15 =	vadd.f32 v15, v22;
	v57 =	vmul.f32 v26, v21;
	v26 =	vld [tilespmem:$0x1F480]  }
0x2cf: {  	v22 =	vld [tilespmem:$0x1F500]  }
0x2d0: {  	[tilespmem:$0x1F830] =	vst v15;
	v15 =	vld [tilespmem:$0x1F4F0]  }
0x2d1: {  	v31 =	vld [tilespmem:s28+$0x540]  }
0x2d2: {  	v27 =	vld [tilespmem:$0x1F4A0];
	v10 =	vmul.f32 v43, v47;
	[tilespmem:$0x1FC50] =	vst v7;
	v7 =	vmul.f32 v56, v50  }
0x2d3: {  	v24 =	vperm.xlane v8, v2;
	v13 =	vmul.f32 v26, v13;
	v26 =	vld [tilespmem:$0x1F490]  }
0x2d4: {  	v7 =	vadd.f32 v10, v7;
	v10 =	vld [tilespmem:$0x1F540]  }
0x2d5: {  	v56 =	vmul.f32 v22, v15;
	v15 =	vld [tilespmem:$0x1F510];
	v8 =	vadd.f32 v8, v24  }
0x2d6: {  	v22 =	vld [tilespmem:$0x1F520]  }
0x2d7: {  	[tilespmem:$0x1FC80] =	vst v8;
	v8 =	vld [tilespmem:$0x1F530]  }
0x2d8: {  	[tilespmem:$0x1F780] =	vst v31;
	v31 =	vmul.f32 v27, v26;
	v26 =	vadd.f32 v16, v23;
	v16 =	vld [tilespmem:$0x1F4B0]  }
0x2d9: {  	v27 =	vld [tilespmem:$0x1F4C0]  }
0x2da: {  	v60 =	vld [tilespmem:s28+$0x620]  }
0x2db: {  	v25 =	vld [tilespmem:s28+$0x4620]  }
0x2dc: {  	v29 =	vld [tilespmem:$0x1F4E0];
	v8 =	vmul.f32 v10, v8  }
0x2dd: {  	v37 =	vld [tilespmem:s28+$0x45A0];
	v15 =	vmul.f32 v22, v15  }
0x2de: {  	v47 =	vld [tilespmem:$0x1F5E0];
	v22 =	vmul.f32 v51, v41;
	v7 =	vadd.f32 v8, v7;
	v53 =	vmul.f32 v27, v16  }
0x2df: {  	v5 =	vld [tilespmem:s28+$0x5A0];
	v24 =	vmul.f32 v38, v39;
	v16 =	vperm.xlane v11, v2  }
0x2e0: {  	v50 =	vld [tilespmem:$0x1F580];
	v7 =	vadd.f32 v53, v7  }
0x2e1: {  	v24 =	vadd.f32 v24, v22;
	v22 =	vld [tilespmem:$0x1F570];
	v11 =	vadd.f32 v11, v16  }
0x2e2: {  	v16 =	vld [tilespmem:$0x1F560];
	v18 =	vadd.f32 v18, v7  }
0x2e3: {  	v32 =	vperm.xlane v26, v0;
	[tilespmem:$0x1FCF0] =	vst v11;
	v11 =	vld [tilespmem:$0x1F550]  }
0x2e4: {  	v19 =	vadd.f32 v19, v18;
	v18 =	vld [tilespmem:$0x1F5D0]  }
0x2e5: {  	v62 =	vld [tilespmem:s28+$0x610];
	v10 =	vadd.f32 v26, v32  }
0x2e6: {  	v51 =	vld [tilespmem:s28+$0x4520];
	v26 =	vmul.f32 v34, v28  }
0x2e7: {  	v41 =	vld [tilespmem:s28+$0x330];
	v28 =	vmul.f32 v44, v20;
	v8 =	vperm.xlane v10, v1  }
0x2e8: {  	v39 =	vld [tilespmem:s28+$0x490];
	v34 =	vmul.f32 v50, v22;
	v16 =	vmul.f32 v16, v11  }
0x2e9: {  	v43 =	vadd.f32 v10, v8;
	v8 =	vadd.f32 v28, v26;
	v26 =	vld [tilespmem:$0x1F5A0];
	v18 =	vmul.f32 v47, v18  }
0x2ea: {  	v44 =	vmul.f32 v40, v55;
	v28 =	vmul.f32 v52, v59;
	v16 =	vadd.f32 v16, v24;
	v24 =	vld [tilespmem:$0x1F590]  }
0x2eb: {  	[tilespmem:$0x1FDD0] =	vst v18;
	v18 =	vld [tilespmem:$0x1F5F0]  }
0x2ec: {  	v10 =	vmul.f32 v54, v61;
	v16 =	vadd.f32 v34, v16;
	v34 =	vadd.f32 v44, v28;
	v28 =	vld [tilespmem:$0x1F600]  }
0x2ed: {  	v38 =	vld [tilespmem:s28+$0x4490]  }
0x2ee: {  	v8 =	vadd.f32 v10, v8;
	v10 =	vld [tilespmem:$0x1F5B0]  }
0x2ef: {  	v61 =	vmul.f32 v26, v24;
	v24 =	vld [tilespmem:$0x1F5C0]  }
0x2f0: {  	v55 =	vld [tilespmem:$0x1F620]  }
0x2f1: {  	v16 =	vadd.f32 v31, v16;
	v28 =	vmul.f32 v28, v18;
	v18 =	vld [tilespmem:$0x1F610]  }
0x2f2: {  	v21 =	vld [tilespmem:s28+$0x350]  }
0x2f3: {  	v35 =	vmul.f32 v46, v35;
	v23 =	vld [tilespmem:s28+$0x4350];
	v19 =	vadd.f32 v36, v19;
	v14 =	vadd.f32 v14, v16  }
0x2f4: {  	v32 =	vld [tilespmem:s28+$0x520];
	v50 =	vmul.f32 v48, v63;
	v10 =	vmul.f32 v24, v10  }
0x2f5: {  	v59 =	vmul.f32 v45, v62;
	v19 =	vadd.f32 v30, v19;
	v30 =	vld [tilespmem:$0x1F640];
	v12 =	vadd.f32 v12, v14  }
0x2f6: {  	v16 =	vadd.f32 v50, v34;
	v10 =	vadd.f32 v10, v8;
	v34 =	vmul.f32 v55, v18;
	v18 =	vld [tilespmem:$0x1F630]  }
0x2f7: {  	v25 =	vmul.f32 v25, v60;
	v20 =	vld [tilespmem:s28+$0x4580];
	v12 =	vadd.f32 v17, v12  }
0x2f8: {  	v22 =	vld [tilespmem:s28+$0x590];
	v17 =	vperm.xlane v19, v0;
	v52 =	vadd.f32 v61, v10;
	v61 =	vadd.f32 v59, v35  }
0x2f9: {  	v48 =	vld [tilespmem:s28+$0x500]  }
0x2fa: {  	v17 =	vadd.f32 v19, v17;
	v19 =	vadd.f32 v25, v61;
	v25 =	vld [tilespmem:$0x1F660]  }
0x2fb: {  	v30 =	vmul.f32 v30, v18;
	v18 =	vld [tilespmem:$0x1F650]  }
0x2fc: {  	v40 =	vld [tilespmem:s28+$0x4320]  }
0x2fd: {  	v63 =	vld [tilespmem:$0x1F790];
	v13 =	vadd.f32 v13, v52  }
0x2fe: {  	v27 =	vld [tilespmem:s28+$0x3D0];
	v16 =	vadd.f32 v34, v16  }
0x2ff: {  	v53 =	vld [tilespmem:s28+$0x4590];
	v13 =	vadd.f32 v42, v13  }
0x300: {  	v45 =	vld [tilespmem:s28+$0x510];
	v16 =	vadd.f32 v30, v16;
	v25 =	vmul.f32 v25, v18  }
0x301: {  	v30 =	vperm.xlane v12, v0;
	v13 =	vadd.f32 v9, v13;
	v18 =	vld [tilespmem:$0x1F670]  }
0x302: {  	v15 =	vadd.f32 v15, v16;
	v19 =	vadd.f32 v25, v19;
	v25 =	vld [tilespmem:$0x1F680]  }
0x303: {  	v7 =	vld [tilespmem:s28+$0x340];
	v12 =	vadd.f32 v12, v30;
	v16 =	vperm.xlane v13, v0  }
0x304: {  	v51 =	vmul.f32 v51, v32;
	v32 =	vld [tilespmem:s28+$0x390];
	v15 =	vadd.f32 v57, v15  }
0x305: {  	[tilespmem:$0x1FC20] =	vst v27;
	v27 =	vld [tilespmem:$0x1F4D0];
	v13 =	vadd.f32 v13, v16;
	v16 =	vperm.xlane v12, v1  }
0x306: {  	v15 =	vadd.f32 v4, v15;
	v4 =	vld [tilespmem:$0x1F6B0]  }
0x307: {  	v62 =	vperm.xlane v17, v1;
	v16 =	vadd.f32 v12, v16;
	v12 =	vld [tilespmem:$0x1F6C0];
	v25 =	vmul.f32 v25, v18  }
0x308: {  	v18 =	vld [tilespmem:$0x1F690]  }
0x309: {  	v46 =	vadd.f32 v17, v62;
	v17 =	vadd.f32 v25, v19;
	v19 =	vld [tilespmem:$0x1F6A0]  }
0x30a: {  	v36 =	vld [tilespmem:s28+$0x420]  }
0x30b: {  	v11 =	vld [tilespmem:s28+$0x580]  }
0x30c: {  	v27 =	vmul.f32 v29, v27;
	v29 =	vld [tilespmem:s28+$0x44B0]  }
0x30d: {  	v4 =	vmul.f32 v12, v4;
	v12 =	vld [tilespmem:$0x1F6D0]  }
0x30e: {  	v19 =	vmul.f32 v18, v19;
	v18 =	vld [tilespmem:$0x1F6E0]  }
0x30f: {  	[tilespmem:$0x1FBD0] =	vst v27;
	v27 =	vld [tilespmem:s28+$0x4B0]  }
0x310: {  	v44 =	vld [tilespmem:s28+$0x3A0];
	v25 =	vperm.xlane v13, v1  }
0x311: {  	v31 =	vld [tilespmem:s28+$0x430]  }
0x312: {  	v53 =	vmul.f32 v53, v22;
	v11 =	vmul.f32 v20, v11;
	v25 =	vadd.f32 v13, v25;
	v13 =	vld [tilespmem:$0x1F700]  }
0x313: {  	v50 =	vmul.f32 v18, v12;
	v12 =	vld [tilespmem:$0x1F6F0]  }
0x314: {  	v5 =	vmul.f32 v37, v5;
	v26 =	vld [tilespmem:s28+$0x4340];
	v53 =	vadd.f32 v53, v11  }
0x315: {  	v11 =	vld [tilespmem:$0x1F7D0]  }
0x316: {  	v5 =	vadd.f32 v5, v53;
	v53 =	vld [tilespmem:$0x1F7F0];
	v17 =	vadd.f32 v19, v17  }
0x317: {  	v18 =	vld [tilespmem:$0x1F720]  }
0x318: {  	v12 =	vmul.f32 v13, v12;
	v13 =	vadd.f32 v56, v17;
	v17 =	vld [tilespmem:$0x1F710]  }
0x319: {  	v14 =	vld [tilespmem:s28+$0x4500]  }
0x31a: {  	v24 =	vld [tilespmem:s28+$0x3C0]  }
0x31b: {  	v8 =	vld [tilespmem:s28+$0x4A0]  }
0x31c: {  	v55 =	vld [tilespmem:s28+$0x4400]  }
0x31d: {  	v47 =	vmul.f32 v18, v17;
	v17 =	vld [tilespmem:$0x1F730]  }
0x31e: {  	v18 =	vld [tilespmem:$0x1F740]  }
0x31f: {  	v14 =	vmul.f32 v14, v48;
	v48 =	vld [tilespmem:s28+$0x4380]  }
0x320: {  	v10 =	vld [tilespmem:s28+$0x44A0]  }
0x321: {  	v54 =	vperm.xlane v43, v2;
	v35 =	vld [tilespmem:s28+$0x3B0]  }
0x322: {  	v34 =	vld [tilespmem:s28+$0x4480]  }
0x323: {  	v56 =	vmul.f32 v18, v17;
	v17 =	vadd.f32 v43, v54;
	v43 =	vadd.f32 v6, v13;
	v6 =	vld [tilespmem:$0x1F750]  }
0x324: {  	v13 =	vld [tilespmem:$0x1F760]  }
0x325: {  	v59 =	vld [tilespmem:s28+$0x410]  }
0x326: {  	v18 =	vld [tilespmem:$0x1F780]  }
0x327: {  	v52 =	vld [tilespmem:s28+$0x320]  }
0x328: {  	v42 =	vld [tilespmem:s28+$0x4510];
	v60 =	vperm.xlane v16, v2;
	v19 =	vperm.xlane v15, v0  }
0x329: {  	v57 =	vperm.xlane v46, v2;
	v13 =	vmul.f32 v13, v6;
	v6 =	vld [tilespmem:$0x1F770]  }
0x32a: {  	v20 =	vadd.f32 v16, v60;
	v16 =	vld [tilespmem:$0x1F7A0];
	v62 =	vperm.xlane v25, v2;
	v15 =	vadd.f32 v15, v19  }
0x32b: {  	v19 =	vadd.f32 v46, v57;
	v46 =	vperm.xlane v43, v0;
	v63 =	vmul.f32 v63, v18;
	v18 =	vld [tilespmem:$0x1F7B0]  }
0x32c: {  	v9 =	vld [tilespmem:s28+$0x4330];
	v61 =	vperm.xlane v15, v1  }
0x32d: {  	v30 =	vld [tilespmem:s28+$0x480];
	v22 =	vadd.f32 v25, v62;
	v62 =	vadd.f32 v43, v46  }
0x32e: {  	v43 =	vmul.f32 v42, v45;
	v42 =	vld [tilespmem:$0x1F800];
	v6 =	vmul.f32 v6, v33;
	v33 =	vadd.f32 v15, v61  }
0x32f: {  	v60 =	vld [tilespmem:s28+$0x4310]  }
0x330: {  	v57 =	vld [tilespmem:s28+$0x4300];
	v16 =	vmul.f32 v18, v16;
	v18 =	vperm.xlane v33, v2  }
0x331: {  	v54 =	vld [tilespmem:s28+$0x400]  }
0x332: {  	v25 =	vadd.f32 v33, v18;
	v18 =	vld [tilespmem:$0x1F7E0]  }
0x333: {  	v37 =	vmul.f32 v58, v42;
	v58 =	vadd.f32 v43, v14;
	v14 =	vld [tilespmem:$0x1F810]  }
0x334: {  	p0 =	sne.s32 s3, $0x7;
	v42 =	vmov v49;
	v49 =	vld [tilespmem:$0x1F820]  }
.Ltmp0:
0x335: {  	v45 =	vld [tilespmem:$0x1F7C0];
	(pc) =	sbr.rel @p0 .LBB2_2-.Ltmp0, $4  }
0x336: {  	v46 =	vld [tilespmem:s28+$0x380]  }
0x337: {  	v15 =	vld [tilespmem:s28+$0x300];
	v11 =	vmul.f32 v18, v11;
	v18 =	vperm.xlane v62, v1  }
0x338: {  	v61 =	vld [tilespmem:s28+$0x310]  }
0x339: {  	s1 =	smov.u32 s3;
	s3 =	sadd.s32 $0x1, s3;
	v43 =	vmul.f32 v49, v14;
	v49 =	vadd.f32 v16, v5;
	v5 =	vadd.f32 v62, v18;
	v62 =	vld [tilespmem:$0x1F830]  }
0x33a: {  	v18 =	vadd.f32 v51, v58;
	v58 =	vld [tilespmem:s28+$0x4390]  }
0x33b: {  	v8 =	vmul.f32 v10, v8;
	v10 =	vld [tilespmem:s28+$0x4410]  }
0x33c: {  	v7 =	vmul.f32 v26, v7;
	v26 =	vld [tilespmem:s28+$0x43A0]  }
0x33d: {  	v33 =	vld [tilespmem:s28+$0x4420]  }
0x33e: {  	v16 =	vmul.f32 v29, v27;
	v29 =	vmul.f32 v40, v52;
	v52 =	vld [tilespmem:s28+$0x43B0]  }
0x33f: {  	v15 =	vmul.f32 v57, v15;
	v57 =	vld [tilespmem:s28+$0x4430]  }
0x340: {  	v18 =	vadd.f32 v43, v18;
	v43 =	vadd.f32 v56, v49;
	v49 =	vmul.f32 v38, v39;
	v38 =	vld [tilespmem:s28+$0x4450]  }
0x341: {  	v39 =	vld [tilespmem:s28+$0x43E0]  }
0x342: {  	v14 =	vmul.f32 v23, v21;
	v56 =	vmul.f32 v48, v46;
	v46 =	vld [tilespmem:$0x1FC50]  }
0x343: {  	v9 =	vmul.f32 v9, v41;
	v23 =	vmul.f32 v34, v30;
	v48 =	vld [tilespmem:$0x1FC20]  }
0x344: {  	v51 =	vmul.f32 v60, v61;
	v60 =	vld [tilespmem:s28+$0x43C0];
	v18 =	vadd.f32 v63, v18;
	v27 =	vadd.f32 v50, v43  }
0x345: {  	v61 =	vld [tilespmem:s28+$0x4440];
	v23 =	vadd.f32 v49, v23;
	v21 =	vmul.f32 v58, v32;
	v58 =	vmul.f32 v55, v54  }
0x346: {  	v63 =	vld [tilespmem:s28+$0x43D0];
	v10 =	vmul.f32 v10, v59;
	v15 =	vadd.f32 v51, v15;
	v18 =	vadd.f32 v47, v18  }
0x347: {  	v49 =	vld [tilespmem:s28+$0x43F0];
	v26 =	vmul.f32 v26, v44;
	v8 =	vadd.f32 v8, v23;
	v21 =	vadd.f32 v21, v56  }
0x348: {  	v50 =	vld [tilespmem:$0x1F9E0];
	v33 =	vmul.f32 v33, v36;
	v10 =	vadd.f32 v10, v58;
	v15 =	vadd.f32 v29, v15  }
0x349: {  	v36 =	vmul.f32 v52, v35;
	v44 =	vld [tilespmem:s28+$0x4460];
	v8 =	vadd.f32 v16, v8;
	v21 =	vadd.f32 v26, v21  }
0x34a: {  	v54 =	vld [tilespmem:$0x1F9B0];
	v31 =	vmul.f32 v57, v31;
	v4 =	vadd.f32 v4, v18;
	v10 =	vadd.f32 v33, v10  }
0x34b: {  	v51 =	vld [tilespmem:s28+$0x4470];
	v43 =	vmul.f32 v60, v24;
	v9 =	vadd.f32 v9, v15;
	v40 =	vadd.f32 v36, v21  }
0x34c: {  	v52 =	vld [tilespmem:s28+$0x44F0];
	v60 =	vadd.f32 v28, v27;
	v26 =	vmul.f32 v61, v46;
	v10 =	vadd.f32 v31, v10  }
0x34d: {  	v58 =	vld [tilespmem:$0x1F850];
	v15 =	vmul.f32 v63, v48;
	v7 =	vadd.f32 v7, v9;
	v47 =	vadd.f32 v43, v40  }
0x34e: {  	v59 =	vld [tilespmem:$0x1F840];
	v8 =	vadd.f32 v37, v8;
	v21 =	vmul.f32 v38, v50;
	v10 =	vadd.f32 v26, v10  }
0x34f: {  	v16 =	vld [tilespmem:$0x1FDD0];
	v7 =	vadd.f32 v14, v7;
	v9 =	vadd.f32 v15, v47;
	v15 =	vmul.f32 v39, v54  }
0x350: {  	v55 =	vmul.f32 v44, v45;
	v6 =	vadd.f32 v6, v8;
	v10 =	vadd.f32 v21, v10  }
0x351: {  	v57 =	vmul.f32 v49, v53;
	v7 =	vadd.f32 v11, v7;
	v21 =	vld [tilespmem:$0x1FBD0];
	v56 =	vadd.f32 v15, v9  }
0x352: {  	v6 =	vadd.f32 v12, v6;
	v11 =	vmul.f32 v51, v58;
	v10 =	vadd.f32 v55, v10  }
0x353: {  	v7 =	vadd.f32 v13, v7;
	v9 =	vmul.f32 v52, v59;
	v8 =	vadd.f32 v57, v56  }
0x354: {  	v4 =	vadd.f32 v16, v4;
	v10 =	vadd.f32 v11, v10  }
0x355: {  	v61 =	vperm.xlane v7, v0;
	v6 =	vadd.f32 v9, v6;
	v63 =	vperm.xlane v8, v0  }
0x356: {  	v24 =	vperm.xlane v4, v0;
	v12 =	vadd.f32 v21, v60;
	v18 =	vperm.xlane v10, v0  }
0x357: {  	v7 =	vadd.f32 v7, v61;
	v23 =	vperm.xlane v6, v0;
	v8 =	vadd.f32 v8, v63  }
0x358: {  	v39 =	vperm.xlane v5, v2;
	v26 =	vperm.xlane v12, v0;
	v10 =	vadd.f32 v10, v18  }
0x359: {  	v27 =	vperm.xlane v7, v1;
	v6 =	vadd.f32 v6, v23;
	v28 =	vperm.xlane v8, v1  }
0x35a: {  	v4 =	vadd.f32 v4, v24;
	v12 =	vadd.f32 v12, v26;
	v29 =	vperm.xlane v10, v1  }
0x35b: {  	v7 =	vadd.f32 v7, v27;
	v30 =	vperm.xlane v6, v1;
	v8 =	vadd.f32 v8, v28  }
0x35c: {  	v31 =	vperm.xlane v4, v1;
	v32 =	vperm.xlane v12, v1;
	v10 =	vadd.f32 v10, v29  }
0x35d: {  	v14 =	vperm.xlane v7, v2;
	v6 =	vadd.f32 v6, v30;
	v33 =	vperm.xlane v8, v2  }
0x35e: {  	v4 =	vadd.f32 v4, v31;
	v11 =	vadd.f32 v12, v32;
	v34 =	vperm.xlane v10, v2  }
0x35f: {  	v7 =	vadd.f32 v7, v14;
	v35 =	vperm.xlane v6, v2;
	v8 =	vadd.f32 v8, v33  }
0x360: {  	v36 =	vperm.xlane v4, v2;
	v37 =	vperm.xlane v11, v2;
	v10 =	vadd.f32 v10, v34  }
0x361: {  	v14 =	vperm.xlane v7, v3;
	v6 =	vadd.f32 v6, v35;
	v38 =	vperm.xlane v8, v3  }
0x362: {  	v4 =	vadd.f32 v4, v36;
	v11 =	vadd.f32 v11, v37;
	v40 =	vperm.xlane v10, v3  }
0x363: {  	v7 =	vadd.f32 v7, v14;
	v41 =	vperm.xlane v6, v3;
	v8 =	vadd.f32 v8, v38  }
0x364: {  	v5 =	vadd.f32 v5, v39;
	v43 =	vperm.xlane v4, v3;
	v10 =	vadd.f32 v10, v40  }
0x365: {  	v44 =	vperm.xlane v11, v3;
	v6 =	vadd.f32 v6, v41;
	v7 =	vsel vm0, v7, v8  }
0x366: {  	v45 =	vperm.xlane v5, v3;
	v4 =	vadd.f32 v4, v43;
	v7 =	vsel vm1, v7, v10  }
0x367: {  	v47 =	vperm.xlane v25, v3;
	v54 =	vld [tilespmem:$0x1FCF0];
	v46 =	vadd.f32 v11, v44;
	v6 =	vsel vm2, v7, v6  }
0x368: {  	v48 =	vperm.xlane v22, v3;
	v57 =	vld [tilespmem:$0x1FC80];
	v5 =	vadd.f32 v5, v45;
	v4 =	vsel vm3, v6, v4  }
0x369: {  	v50 =	vperm.xlane v20, v3;
	v49 =	vadd.f32 v25, v47;
	v4 =	vsel vm4, v4, v46  }
0x36a: {  	v51 =	vperm.xlane v19, v3;
	v4 =	vsel vm5, v4, v5;
	v5 =	vadd.f32 v22, v48  }
0x36b: {  	v53 =	vperm.xlane v17, v3;
	v52 =	vadd.f32 v20, v50;
	v4 =	vsel vm6, v4, v49  }
0x36c: {  	v55 =	vperm.xlane v54, v3;
	v4 =	vsel vm7, v4, v5;
	v5 =	vadd.f32 v19, v51  }
0x36d: {  	v56 =	vadd.f32 v17, v53;
	v58 =	vperm.xlane v57, v3;
	v4 =	vsel vm8, v4, v52  }
0x36e: {  	v59 =	vperm.xlane v62, v3;
	v4 =	vsel vm9, v4, v5;
	v5 =	vadd.f32 v54, v55  }
0x36f: {  	v61 =	vperm.xlane v42, v3;
	v60 =	vadd.f32 v57, v58;
	v4 =	vsel vm10, v4, v56  }
0x370: {  	v4 =	vsel vm11, v4, v5;
	v5 =	vadd.f32 v62, v59  }
0x371: {  	v63 =	vadd.f32 v42, v61;
	v4 =	vsel vm12, v4, v60  }
0x372: {  	s0 =	sshll.u32 s1, $0x4;
	v4 =	vsel vm13, v4, v5  }
0x373: {  	s0 =	sand.u32 $0x3FFFFFF0, s0;
	v4 =	vsel vm14, v4, v63  }
0x374: {  	s31 =	simm.s32 $0x18300;
	s28 =	simm.s32 $0x0;
	[tilespmem:s0+$0x18300] =	vst v4  }
0x375: {  	[hbm4b:s7+s28] =	stream.linear.scatter [tilespmem:s31], [sflag:$0x2], $0x80, $0x38;
	[tilespmem:$0x18580] =	vst v63  }
0x376: {  	_ =	swait.ge [sflag:s11], $0x80  }
0x377: {  	[sflag:s11] =	ssyncset.done $0x0  }
0x378: {  	s29 =	simm.s32 $0x0;
	[sflag:s11] =	ssyncadd.s32 $0xFFFFFF80  }
.LBB2_4:
0x379: {  	s30 =	sshll.u32 s29, $0x6  }
0x37a: {  	s0 =	sadd.s32 s30, s8  }
0x37b: {  	[tilespmem:s17], [sflag:$0x2] =	stream.linear.gather [hbm4b:s0+s28], $0x200, $0x38;
	[tilespmem:$0x18580] =	vst v63  }
0x37c: {  	_ =	swait.ge [sflag:s11], $0x200  }
0x37d: {  	[sflag:s11] =	ssyncset.done $0x0  }
0x37e: {  	[sflag:s11] =	ssyncadd.s32 $0xFFFFFE00  }
0x37f: {  	[tilespmem:s18], [sflag:$0x1] =	stream.indirect.gather [hbm4b:s2+s12], $0x80, s17, s12, $0xb8;
	[tilespmem:$0x18580] =	vst v63  }
0x380: {  	_ = 	snop  }
0x381: {  	[tilespmem:s20], [sflag:$0x1] =	stream.indirect.gather [hbm4b:s2+s12], $0x80, s19, s12, $0xb8;
	[tilespmem:$0x18580] =	vst v63  }
0x382: {  	_ = 	snop  }
0x383: {  	[tilespmem:s22], [sflag:$0x1] =	stream.indirect.gather [hbm4b:s2+s12], $0x80, s21, s12, $0xb8;
	[tilespmem:$0x18580] =	vst v63  }
0x384: {  	_ = 	snop  }
0x385: {  	[tilespmem:s24], [sflag:$0x1] =	stream.indirect.gather [hbm4b:s2+s12], $0x80, s23, s12, $0xb8;
	[tilespmem:$0x18580] =	vst v63  }
0x386: {  	_ =	swait.ge [sflag:s15], $0x4000  }
0x387: {  	[sflag:s15] =	ssyncset.done $0x0  }
0x388: {  	[sflag:s15] =	ssyncadd.s32 $0xFFFFC000  }
0x389: {  	_ =	swait.ge [sflag:s15], $0x4000  }
0x38a: {  	[sflag:s15] =	ssyncset.done $0x0  }
0x38b: {  	[sflag:s15] =	ssyncadd.s32 $0xFFFFC000  }
0x38c: {  	_ =	swait.ge [sflag:s15], $0x4000  }
0x38d: {  	[sflag:s15] =	ssyncset.done $0x0  }
0x38e: {  	s16 =	sshll.u32 s29, $0xA;
	[sflag:s15] =	ssyncadd.s32 $0xFFFFC000  }
0x38f: {  	s0 =	sand.u32 $0x3FFFFC00, s16;
	_ =	swait.ge [sflag:s15], $0x4000  }
0x390: {  	s31 =	simm.s32 $0x18380;
	s0 =	sor.u32 $0x300, s0;
	[sflag:s15] =	ssyncset.done $0x0  }
0x391: {  	s13 =	simm.s32 $0x8700;
	s3 =	simm.s32 $0x0;
	v4 =	vmov s0;
	[sflag:s15] =	ssyncadd.s32 $0xFFFFC000  }
.LBB2_5:
0x392: {  	v13 =	vld [tilespmem:s13+$0x3F0]  }
0x393: {  	v14 =	vld [tilespmem:s13+$0x370]  }
0x394: {  	v15 =	vld [tilespmem:s13+$0x3E0]  }
0x395: {  	v16 =	vld [tilespmem:s13+$0x2F0]  }
0x396: {  	v17 =	vld [tilespmem:s13+$0x360]  }
0x397: {  	v18 =	vld [tilespmem:s13+$0x3D0]  }
0x398: {  	v19 =	vld [tilespmem:s13+$0x270]  }
0x399: {  	v20 =	vld [tilespmem:s13+$0x2E0]  }
0x39a: {  	v21 =	vld [tilespmem:s13+$0x350]  }
0x39b: {  	v22 =	vld [tilespmem:s13+$0x3C0]  }
0x39c: {  	v23 =	vld [tilespmem:s13+$0x1F0]  }
0x39d: {  	v24 =	vld [tilespmem:s13+$0x260]  }
0x39e: {  	v25 =	vld [tilespmem:s13+$0x2D0]  }
0x39f: {  	v26 =	vld [tilespmem:s13+$0x340]  }
0x3a0: {  	v27 =	vld [tilespmem:s13+$0x3B0]  }
0x3a1: {  	v28 =	vld [tilespmem:s13+$0x170]  }
0x3a2: {  	v29 =	vld [tilespmem:s13+$0x1E0]  }
0x3a3: {  	v30 =	vld [tilespmem:s13+$0x250]  }
0x3a4: {  	v31 =	vld [tilespmem:s13+$0x2C0]  }
0x3a5: {  	v32 =	vld [tilespmem:s13+$0x330]  }
0x3a6: {  	v33 =	vld [tilespmem:s13+$0x3A0]  }
0x3a7: {  	v34 =	vld [tilespmem:s13+$0xF0]  }
0x3a8: {  	v35 =	vld [tilespmem:s13+$0x160]  }
0x3a9: {  	v36 =	vld [tilespmem:s13+$0x1D0]  }
0x3aa: {  	v37 =	vld [tilespmem:s13+$0x240]  }
0x3ab: {  	v38 =	vld [tilespmem:s13+$0x2B0]  }
0x3ac: {  	v39 =	vld [tilespmem:s13+$0x320]  }
0x3ad: {  	v40 =	vld [tilespmem:s13+$0x380]  }
0x3ae: {  	v41 =	vld [tilespmem:s13+$0x390]  }
0x3af: {  	s0 =	sshll.u32 s3, $0x7;
	v42 =	vld [tilespmem:s13+$0x70]  }
0x3b0: {  	v43 =	vld [tilespmem:s13+$0xE0];
	s0 =	sand.u32 $0x3FFFFF80, s0  }
0x3b1: {  	v11 =	vld.idx.msk [tilespmem:v4+s0+$0x0 ss:$0x1], $0xffff  }
0x3b2: {  	v5 =	vld.idx.msk [tilespmem:v4+s0+$0x70 ss:$0x1], $0xffff  }
0x3b3: {  	v6 =	vld.idx.msk [tilespmem:v4+s0+$0x60 ss:$0x1], $0xffff  }
0x3b4: {  	v12 =	vld.idx.msk [tilespmem:v4+s0+$0x10 ss:$0x1], $0xffff  }
0x3b5: {  	v10 =	vld.idx.msk [tilespmem:v4+s0+$0x20 ss:$0x1], $0xffff  }
0x3b6: {  	v7 =	vld.idx.msk [tilespmem:v4+s0+$0x50 ss:$0x1], $0xffff  }
0x3b7: {  	v9 =	vld.idx.msk [tilespmem:v4+s0+$0x30 ss:$0x1], $0xffff;
	v13 =	vmul.f32 v13, v5;
	v14 =	vmul.f32 v14, v5  }
0x3b8: {  	v8 =	vld.idx.msk [tilespmem:v4+s0+$0x40 ss:$0x1], $0xffff;
	v15 =	vmul.f32 v15, v6;
	v40 =	vmul.f32 v40, v11  }
0x3b9: {  	v48 =	vld [tilespmem:s13+$0x300];
	v41 =	vmul.f32 v41, v12;
	v16 =	vmul.f32 v16, v5  }
0x3ba: {  	v49 =	vld [tilespmem:s13+$0x310];
	v17 =	vmul.f32 v17, v6;
	v33 =	vmul.f32 v33, v10  }
0x3bb: {  	v44 =	vld [tilespmem:s13+$0x150];
	v18 =	vmul.f32 v18, v7;
	v19 =	vmul.f32 v19, v5  }
0x3bc: {  	v51 =	vld [tilespmem:s13+$0x280];
	v50 =	vmul.f32 v20, v6;
	v21 =	vmul.f32 v21, v7  }
0x3bd: {  	v47 =	vld [tilespmem:s13+$0x2A0];
	v27 =	vmul.f32 v27, v9;
	v22 =	vmul.f32 v22, v8  }
0x3be: {  	v52 =	vld [tilespmem:s13+$0x200];
	v24 =	vmul.f32 v24, v6;
	v25 =	vmul.f32 v25, v7  }
0x3bf: {  	v62 =	vld [tilespmem:s13+$0x220];
	v48 =	vmul.f32 v48, v11;
	v49 =	vmul.f32 v49, v12  }
0x3c0: {  	v46 =	vld [tilespmem:s13+$0x230];
	v26 =	vmul.f32 v26, v8;
	v29 =	vmul.f32 v29, v6  }
0x3c1: {  	v45 =	vld [tilespmem:s13+$0x1C0];
	v39 =	vmul.f32 v39, v10;
	v51 =	vmul.f32 v51, v11;
	v40 =	vadd.f32 v41, v40  }
0x3c2: {  	v53 =	vld [tilespmem:s13+$0x140];
	v32 =	vmul.f32 v32, v9;
	v47 =	vmul.f32 v47, v10  }
0x3c3: {  	v52 =	vmul.f32 v52, v11;
	v20 =	vadd.f32 v33, v40;
	v33 =	vmul.f32 v23, v5;
	v23 =	vld [tilespmem:s13+$0x290]  }
0x3c4: {  	v63 =	vld [tilespmem:s13+$0x1B0];
	v38 =	vmul.f32 v38, v9;
	v54 =	vmul.f32 v62, v10  }
0x3c5: {  	v56 =	vld [tilespmem:s13+$0x190];
	v31 =	vmul.f32 v31, v8;
	v46 =	vmul.f32 v46, v9;
	v27 =	vadd.f32 v27, v20  }
0x3c6: {  	v58 =	vmul.f32 v37, v8;
	v20 =	vmul.f32 v28, v5;
	v28 =	vld [tilespmem:s13+$0x210]  }
0x3c7: {  	v35 =	vmul.f32 v35, v6;
	v37 =	vld [tilespmem:s13+$0x120];
	v48 =	vadd.f32 v49, v48;
	v22 =	vadd.f32 v22, v27  }
0x3c8: {  	v36 =	vmul.f32 v36, v7;
	v40 =	vld [tilespmem:s13+$0x60];
	v23 =	vmul.f32 v23, v12  }
0x3c9: {  	v57 =	vld [tilespmem:s13+$0xC0];
	v18 =	vadd.f32 v18, v22;
	v22 =	vmul.f32 v30, v7;
	v30 =	vadd.f32 v39, v48  }
0x3ca: {  	v59 =	vmul.f32 v56, v12;
	v43 =	vmul.f32 v43, v6;
	v27 =	vld [tilespmem:s13+$0xD0];
	v23 =	vadd.f32 v23, v51  }
0x3cb: {  	v44 =	vmul.f32 v44, v7;
	v56 =	vld [tilespmem:s13+$0x90];
	v28 =	vmul.f32 v28, v12;
	v30 =	vadd.f32 v32, v30  }
0x3cc: {  	v41 =	vld [tilespmem:s13+$0xFFFFFFF0];
	v37 =	vmul.f32 v37, v10;
	v15 =	vadd.f32 v15, v18;
	v23 =	vadd.f32 v47, v23  }
0x3cd: {  	v49 =	vld [tilespmem:s13+$0xFFFFFFC0];
	v40 =	vmul.f32 v40, v6;
	v28 =	vadd.f32 v28, v52;
	v26 =	vadd.f32 v26, v30  }
0x3ce: {  	v39 =	vmul.f32 v42, v5;
	v32 =	vld [tilespmem:s13+$0xFFFFFFE0];
	v13 =	vadd.f32 v13, v15;
	v23 =	vadd.f32 v38, v23  }
0x3cf: {  	v27 =	vmul.f32 v27, v7;
	v30 =	vld [tilespmem:s13+$0x180];
	v28 =	vadd.f32 v54, v28;
	v26 =	vadd.f32 v21, v26  }
0x3d0: {  	v48 =	vld [tilespmem:s13+$0xFFFFFEE0];
	v52 =	vmul.f32 v53, v8;
	v55 =	vperm.xlane v13, v0;
	v23 =	vadd.f32 v31, v23  }
0x3d1: {  	v47 =	vmul.f32 v57, v8;
	v31 =	vld [tilespmem:s13+$0x1A0];
	v28 =	vadd.f32 v46, v28;
	v17 =	vadd.f32 v17, v26  }
0x3d2: {  	v15 =	vld [tilespmem:s13+$0x50];
	v21 =	vmul.f32 v34, v5;
	v13 =	vadd.f32 v13, v55;
	v23 =	vadd.f32 v25, v23  }
0x3d3: {  	v18 =	vld [tilespmem:s13+$0xFFFFFF70];
	v32 =	vmul.f32 v32, v6;
	v28 =	vadd.f32 v58, v28;
	v14 =	vadd.f32 v14, v17  }
0x3d4: {  	v38 =	vld [tilespmem:s13+$0xFFFFFFD0];
	v30 =	vmul.f32 v30, v11;
	v17 =	vperm.xlane v13, v1  }
0x3d5: {  	v34 =	vld [tilespmem:s13+$0xFFFFFF60];
	v23 =	vadd.f32 v50, v23;
	v22 =	vadd.f32 v22, v28;
	v28 =	vperm.xlane v14, v0  }
0x3d6: {  	v53 =	vld [tilespmem:s13+$0xFFFFFE60];
	v17 =	vadd.f32 v13, v17;
	v13 =	vadd.f32 v59, v30;
	v30 =	vmul.f32 v31, v10  }
0x3d7: {  	v26 =	vld [tilespmem:s13+$0x130];
	v54 =	vmul.f32 v15, v7;
	v16 =	vadd.f32 v16, v23;
	v22 =	vadd.f32 v24, v22  }
0x3d8: {  	v46 =	vld [tilespmem:s13+$0x40];
	v23 =	vmul.f32 v63, v9;
	v14 =	vadd.f32 v14, v28;
	v13 =	vadd.f32 v30, v13  }
0x3d9: {  	v38 =	vmul.f32 v38, v7;
	v50 =	vld [tilespmem:s13+$0xA0];
	v24 =	vperm.xlane v16, v0;
	v19 =	vadd.f32 v19, v22  }
0x3da: {  	v55 =	vld [tilespmem:s13+$0x80];
	v34 =	vmul.f32 v34, v6;
	v60 =	vperm.xlane v14, v1;
	v13 =	vadd.f32 v23, v13  }
0x3db: {  	v25 =	vld [tilespmem:s13+$0xFFFFFEF0];
	v23 =	vmul.f32 v45, v8;
	v16 =	vadd.f32 v16, v24;
	v61 =	vperm.xlane v19, v0  }
0x3dc: {  	v63 =	vld [tilespmem:s13+$0x100];
	v26 =	vmul.f32 v26, v9;
	v28 =	vperm.xlane v17, v2;
	v42 =	vadd.f32 v14, v60  }
0x3dd: {  	v13 =	vadd.f32 v23, v13;
	v60 =	vld [tilespmem:s13+$0x110];
	v14 =	vperm.xlane v16, v1;
	v19 =	vadd.f32 v19, v61  }
0x3de: {  	v31 =	vld [tilespmem:s13+$0xB0];
	v50 =	vmul.f32 v50, v10;
	v23 =	vmul.f32 v18, v5  }
0x3df: {  	v30 =	vld [tilespmem:s13+$0xFFFFFE70];
	v13 =	vadd.f32 v36, v13;
	v16 =	vadd.f32 v16, v14;
	v14 =	vperm.xlane v19, v1  }
0x3e0: {  	v22 =	vld [tilespmem:s13+$0xFFFFFF50];
	v18 =	vmul.f32 v25, v5;
	v62 =	vperm.xlane v42, v2  }
0x3e1: {  	v25 =	vld [tilespmem:s13+$0x0];
	v13 =	vadd.f32 v29, v13;
	v29 =	vperm.xlane v16, v2;
	v19 =	vadd.f32 v19, v14  }
0x3e2: {  	v14 =	vadd.f32 v17, v28;
	v28 =	vld [tilespmem:s13+$0x10];
	v17 =	vmul.f32 v63, v11;
	v61 =	vmul.f32 v60, v12  }
0x3e3: {  	v45 =	vld [tilespmem:s13+$0xFFFFFF40];
	v24 =	vmul.f32 v41, v5;
	v15 =	vadd.f32 v42, v62;
	v33 =	vadd.f32 v33, v13  }
0x3e4: {  	v62 =	vmul.f32 v55, v11;
	v16 =	vadd.f32 v16, v29;
	v29 =	vld [tilespmem:s13+$0x20];
	v36 =	vadd.f32 v61, v17  }
0x3e5: {  	v41 =	vld [tilespmem:s13+$0x30];
	v57 =	vperm.xlane v19, v2;
	v58 =	vperm.xlane v33, v0  }
0x3e6: {  	v42 =	vld [tilespmem:s13+$0xFFFFFED0];
	v63 =	vmul.f32 v56, v12;
	v25 =	vmul.f32 v25, v11;
	v36 =	vadd.f32 v37, v36  }
0x3e7: {  	v17 =	vadd.f32 v19, v57;
	v19 =	vld [tilespmem:s13+$0xFFFFFF80];
	v33 =	vadd.f32 v33, v58;
	v28 =	vmul.f32 v28, v12  }
0x3e8: {  	v31 =	vmul.f32 v31, v9;
	v61 =	vld [tilespmem:s13+$0xFFFFFF90];
	v51 =	vadd.f32 v63, v62;
	v26 =	vadd.f32 v26, v36  }
0x3e9: {  	v62 =	vld [tilespmem:s13+$0xFFFFFFB0];
	v60 =	vperm.xlane v33, v1;
	v25 =	vadd.f32 v28, v25;
	v28 =	vmul.f32 v29, v10  }
0x3ea: {  	v22 =	vmul.f32 v22, v7;
	v63 =	vld [tilespmem:s13+$0xFFFFFFA0];
	v29 =	vadd.f32 v50, v51;
	v26 =	vadd.f32 v52, v26  }
0x3eb: {  	v37 =	vld [tilespmem:s13+$0xFFFFFDE0];
	v58 =	vmul.f32 v46, v8;
	v57 =	vadd.f32 v33, v60;
	v25 =	vadd.f32 v28, v25  }
0x3ec: {  	v28 =	vmul.f32 v41, v9;
	v29 =	vadd.f32 v31, v29;
	v31 =	vld [tilespmem:s13+$0xFFFFFF00];
	v59 =	vmul.f32 v19, v11  }
0x3ed: {  	v60 =	vmul.f32 v61, v12;
	v19 =	vmul.f32 v30, v5;
	v30 =	vld [tilespmem:s13+$0xFFFFFF10];
	v26 =	vadd.f32 v44, v26  }
0x3ee: {  	v62 =	vmul.f32 v62, v9;
	v61 =	vld [tilespmem:s13+$0xFFFFFF20];
	v25 =	vadd.f32 v28, v25;
	v28 =	vadd.f32 v47, v29  }
0x3ef: {  	v33 =	vmul.f32 v63, v10;
	v41 =	vadd.f32 v60, v59;
	v60 =	vld [tilespmem:s13+$0xFFFFFE80];
	v35 =	vadd.f32 v35, v26  }
0x3f0: {  	v36 =	vld [tilespmem:s13+$0xFFFFFC40];
	v63 =	vmul.f32 v49, v8;
	v25 =	vadd.f32 v58, v25;
	v27 =	vadd.f32 v27, v28  }
0x3f1: {  	v46 =	vperm.xlane v57, v2;
	v28 =	vld [tilespmem:s13+$0xFFFFFF30];
	v33 =	vadd.f32 v33, v41;
	v20 =	vadd.f32 v20, v35  }
0x3f2: {  	v50 =	vld [tilespmem:s13+$0xFFFFFE50];
	v31 =	vmul.f32 v31, v11;
	v30 =	vmul.f32 v30, v12;
	v25 =	vadd.f32 v54, v25  }
0x3f3: {  	v29 =	vld [tilespmem:s13+$0xFFFFFEC0];
	v26 =	vmul.f32 v48, v6;
	v27 =	vadd.f32 v43, v27;
	v33 =	vadd.f32 v62, v33  }
0x3f4: {  	v35 =	vld [tilespmem:s13+$0xFFFFFC70];
	v30 =	vadd.f32 v30, v31;
	v31 =	vmul.f32 v61, v10;
	v60 =	vmul.f32 v60, v11  }
0x3f5: {  	v51 =	vld [tilespmem:s13+$0xFFFFFE20];
	v25 =	vadd.f32 v40, v25;
	v21 =	vadd.f32 v21, v27;
	v27 =	vperm.xlane v20, v0  }
0x3f6: {  	v52 =	vld [tilespmem:s13+$0xFFFFFC50];
	v33 =	vadd.f32 v63, v33;
	v30 =	vadd.f32 v31, v30;
	v28 =	vmul.f32 v28, v9  }
0x3f7: {  	v47 =	vld [tilespmem:s13+$0xFFFFFE40];
	v25 =	vadd.f32 v39, v25;
	v41 =	vperm.xlane v21, v0;
	v20 =	vadd.f32 v20, v27  }
0x3f8: {  	v49 =	vld [tilespmem:s13+$0xFFFFFE30];
	v31 =	vadd.f32 v38, v33;
	v33 =	vmul.f32 v42, v7;
	v39 =	vmul.f32 v29, v8  }
0x3f9: {  	v13 =	vmov s31;
	v61 =	vld [tilespmem:s13+$0xFFFFFE90];
	v29 =	vmul.f32 v35, v5;
	v56 =	vperm.xlane v20, v1  }
0x3fa: {  	v40 =	vld [tilespmem:s13+$0xFFFFFEB0];
	v28 =	vadd.f32 v28, v30;
	v30 =	vmul.f32 v45, v8;
	v31 =	vadd.f32 v32, v31  }
0x3fb: {  	v35 =	vld [tilespmem:s13+$0xFFFFFE10];
	v44 =	vperm.xlane v25, v0;
	v21 =	vadd.f32 v21, v41;
	v59 =	vadd.f32 v20, v56  }
0x3fc: {  	v48 =	vld [tilespmem:s13+$0xFFFFFC60];
	v38 =	vmul.f32 v47, v8;
	v20 =	vadd.f32 v30, v28;
	v24 =	vadd.f32 v24, v31  }
0x3fd: {  	v43 =	vld [tilespmem:s13+$0xFFFFFDD0];
	v32 =	vmul.f32 v50, v7;
	v58 =	vadd.f32 v25, v44;
	v25 =	vperm.xlane v21, v1  }
0x3fe: {  	v54 =	vld [tilespmem:s13+$0xFFFFFDB0];
	v61 =	vmul.f32 v61, v12;
	v20 =	vadd.f32 v22, v20;
	v22 =	vperm.xlane v24, v0  }
0x3ff: {  	v27 =	vld [tilespmem:s13+$0xFFFFFDC0];
	v40 =	vmul.f32 v40, v9;
	v28 =	vperm.xlane v58, v1;
	v31 =	vadd.f32 v21, v25  }
0x400: {  	v41 =	vld [tilespmem:s13+$0xFFFFFEA0];
	v35 =	vmul.f32 v35, v12;
	v30 =	vadd.f32 v34, v20;
	v22 =	vadd.f32 v24, v22  }
0x401: {  	v21 =	vperm.xlane v59, v2;
	v25 =	vmul.f32 v53, v6;
	v53 =	vadd.f32 v58, v28;
	v24 =	vld [tilespmem:s13+$0xFFFFFE00]  }
0x402: {  	v42 =	vld [tilespmem:s13+$0xFFFFFC30];
	v62 =	vperm.xlane v31, v2;
	v34 =	vadd.f32 v23, v30;
	v23 =	vperm.xlane v22, v1  }
0x403: {  	v45 =	vld [tilespmem:s13+$0xFFFFFC20];
	v28 =	vmul.f32 v37, v6;
	v20 =	vadd.f32 v57, v46;
	v63 =	vperm.xlane v53, v2  }
0x404: {  	v44 =	vld [tilespmem:s13+$0xFFFFFD90];
	v47 =	vperm.xlane v34, v0;
	v50 =	vadd.f32 v22, v23;
	v22 =	vadd.f32 v31, v62  }
0x405: {  	v37 =	vld [tilespmem:s13+$0xFFFFFDA0];
	v23 =	vadd.f32 v53, v63;
	v62 =	vadd.f32 v61, v60;
	v63 =	vmul.f32 v41, v10  }
0x406: {  	v21 =	vadd.f32 v59, v21;
	v46 =	vld [tilespmem:s13+$0xFFFFFC00];
	v30 =	vmul.f32 v43, v7;
	v61 =	vmul.f32 v24, v11  }
0x407: {  	v43 =	vld [tilespmem:s13+$0xFFFFFD80];
	v31 =	vperm.xlane v50, v2;
	v60 =	vadd.f32 v34, v47;
	v53 =	vadd.f32 v63, v62  }
0x408: {  	v41 =	vld [tilespmem:s13+$0xFFFFFD00];
	v34 =	vmul.f32 v27, v8;
	v63 =	vmul.f32 v51, v10;
	v57 =	vadd.f32 v35, v61  }
0x409: {  	v47 =	vld [tilespmem:s13+$0xFFFFFC10];
	v35 =	vmul.f32 v52, v7;
	v24 =	vadd.f32 v50, v31;
	v62 =	vperm.xlane v60, v1  }
0x40a: {  	v31 =	vmul.f32 v48, v6;
	v48 =	vld [tilespmem:s13+$0xFFFFFC80];
	v50 =	vmul.f32 v49, v9;
	v51 =	vadd.f32 v40, v53  }
0x40b: {  	s14 =	simm.s32 $0x40;
	s1 =	smov.u32 s13;
	s0 =	simm.s32 $0x0;
	v49 =	vld [tilespmem:s13+$0xFFFFFC90];
	v40 =	vmul.f32 v54, v9;
	v52 =	vadd.f32 v63, v57;
	v27 =	vadd.f32 v60, v62  }
.LBB2_6:
0x40c: {  	p0 =	sne.s32 s14, $0xC0;
	v36 =	vmul.f32 v36, v8;
	v53 =	vld [tilespmem:s1+$0xFFFFFD10];
	v37 =	vmul.f32 v37, v10;
	v39 =	vadd.f32 v39, v51  }
0x40d: {  	v42 =	vmul.f32 v42, v9;
	v43 =	vmul.f32 v43, v11;
	v51 =	vld [tilespmem:s1+$0xFFFFFCA0];
	v50 =	vadd.f32 v50, v52  }
0x40e: {  	v45 =	vmul.f32 v45, v10;
	v44 =	vmul.f32 v44, v12;
	v52 =	vld [tilespmem:s1+$0xFFFFFD20];
	v33 =	vadd.f32 v33, v39  }
0x40f: {  	v39 =	vmul.f32 v46, v11;
	v46 =	vmul.f32 v47, v12;
	v47 =	vld [tilespmem:s1+$0xFFFFFCB0];
	v38 =	vadd.f32 v38, v50  }
0x410: {  	v48 =	vmul.f32 v48, v11;
	v49 =	vmul.f32 v49, v12;
	v50 =	vld [tilespmem:s1+$0xFFFFFD30];
	v26 =	vadd.f32 v26, v33  }
0x411: {  	v41 =	vmul.f32 v41, v11;
	v33 =	vld [tilespmem:s1+$0xFFFFFCC0];
	v53 =	vmul.f32 v53, v12;
	v32 =	vadd.f32 v32, v38  }
0x412: {  	v38 =	vadd.f32 v46, v39;
	v39 =	vadd.f32 v49, v48;
	v46 =	vmul.f32 v51, v10;
	v48 =	vld [tilespmem:s1+$0xFFFFFD40]  }
0x413: {  	v43 =	vadd.f32 v44, v43;
	v49 =	vld [tilespmem:s1+$0xFFFFFCD0];
	v41 =	vadd.f32 v53, v41;
	v51 =	vmul.f32 v52, v10  }
0x414: {  	v38 =	vadd.f32 v45, v38;
	v39 =	vadd.f32 v46, v39;
	v44 =	vmul.f32 v47, v9;
	v45 =	vld [tilespmem:s1+$0xFFFFFD50]  }
0x415: {  	v37 =	vadd.f32 v37, v43;
	v46 =	vld [tilespmem:s1+$0xFFFFFCE0];
	v41 =	vadd.f32 v51, v41;
	v47 =	vmul.f32 v50, v9  }
0x416: {  	v38 =	vadd.f32 v42, v38;
	v39 =	vadd.f32 v44, v39;
	v33 =	vmul.f32 v33, v8;
	v42 =	vld [tilespmem:s1+$0xFFFFFD60]  }
0x417: {  	v37 =	vadd.f32 v40, v37;
	v43 =	vld [tilespmem:s1+$0xFFFFFCF0];
	v41 =	vadd.f32 v47, v41;
	v44 =	vmul.f32 v48, v8  }
0x418: {  	v36 =	vadd.f32 v36, v38;
	v33 =	vadd.f32 v33, v39;
	v38 =	vmul.f32 v49, v7;
	v39 =	vld [tilespmem:s1+$0xFFFFFD70]  }
0x419: {  	v34 =	vadd.f32 v34, v37;
	v40 =	vadd.f32 v44, v41;
	v41 =	vmul.f32 v45, v7;
	v37 =	vld [tilespmem:s1+$0xFFFFFDF0]  }
0x41a: {  	v35 =	vadd.f32 v35, v36;
	v33 =	vadd.f32 v38, v33;
	v36 =	vmul.f32 v46, v6  }
0x41b: {  	v30 =	vadd.f32 v30, v34;
	v38 =	vadd.f32 v41, v40;
	v40 =	vmul.f32 v42, v6  }
0x41c: {  	v31 =	vadd.f32 v31, v35;
	v33 =	vadd.f32 v36, v33;
	v34 =	vmul.f32 v43, v5  }
0x41d: {  	v28 =	vadd.f32 v28, v30;
	v35 =	vadd.f32 v40, v38;
	v36 =	vmul.f32 v39, v5  }
0x41e: {  	v29 =	vadd.f32 v29, v31;
	v30 =	vadd.f32 v34, v33;
	v31 =	vmul.f32 v37, v5  }
0x41f: {  	v25 =	vadd.f32 v25, v32;
	v32 =	vperm.xlane v27, v2;
	v33 =	vadd.f32 v36, v35  }
0x420: {  	v34 =	vperm.xlane v29, v0;
	v35 =	vperm.xlane v30, v0;
	v28 =	vadd.f32 v31, v28  }
0x421: {  	v18 =	vadd.f32 v18, v26;
	v19 =	vadd.f32 v19, v25;
	v31 =	vperm.xlane v33, v0  }
0x422: {  	v25 =	vadd.f32 v29, v34;
	v26 =	vadd.f32 v30, v35;
	v29 =	vperm.xlane v28, v0  }
0x423: {  	v30 =	vadd.f32 v33, v31;
	v31 =	vperm.xlane v19, v0;
	v33 =	vperm.xlane v18, v0  }
0x424: {  	v34 =	vperm.xlane v25, v1;
	v35 =	vperm.xlane v26, v1;
	v28 =	vadd.f32 v28, v29  }
0x425: {  	v29 =	vperm.xlane v30, v1;
	v19 =	vadd.f32 v19, v31;
	v18 =	vadd.f32 v18, v33  }
0x426: {  	v25 =	vadd.f32 v25, v34;
	v26 =	vadd.f32 v26, v35;
	v31 =	vperm.xlane v28, v1  }
0x427: {  	v29 =	vadd.f32 v30, v29;
	v30 =	vperm.xlane v19, v1;
	v33 =	vperm.xlane v18, v1  }
0x428: {  	v34 =	vperm.xlane v25, v2;
	v35 =	vperm.xlane v26, v2;
	v28 =	vadd.f32 v28, v31  }
0x429: {  	v31 =	vperm.xlane v29, v2;
	v19 =	vadd.f32 v19, v30;
	v18 =	vadd.f32 v18, v33  }
0x42a: {  	v25 =	vadd.f32 v25, v34;
	v26 =	vadd.f32 v26, v35;
	v30 =	vperm.xlane v28, v2  }
0x42b: {  	v29 =	vadd.f32 v29, v31;
	v31 =	vperm.xlane v19, v2;
	v33 =	vperm.xlane v18, v2  }
0x42c: {  	v34 =	vperm.xlane v25, v3;
	v35 =	vperm.xlane v26, v3;
	v28 =	vadd.f32 v28, v30  }
0x42d: {  	v30 =	vperm.xlane v29, v3;
	v19 =	vadd.f32 v19, v31;
	v18 =	vadd.f32 v18, v33  }
0x42e: {  	v25 =	vadd.f32 v25, v34;
	v26 =	vadd.f32 v26, v35;
	v31 =	vperm.xlane v28, v3  }
0x42f: {  	v27 =	vadd.f32 v27, v32;
	v29 =	vadd.f32 v29, v30;
	v30 =	vperm.xlane v19, v3  }
0x430: {  	v25 =	vsel vm0, v25, v26;
	v26 =	vadd.f32 v28, v31;
	v28 =	vperm.xlane v18, v3  }
0x431: {  	v25 =	vsel vm1, v25, v29;
	v19 =	vadd.f32 v19, v30;
	v29 =	vperm.xlane v27, v3  }
0x432: {  	v25 =	vsel vm2, v25, v26;
	v18 =	vadd.f32 v18, v28;
	v26 =	vperm.xlane v24, v3  }
0x433: {  	v19 =	vsel vm3, v25, v19;
	v25 =	vadd.f32 v27, v29;
	v27 =	vperm.xlane v23, v3  }
0x434: {  	v18 =	vsel vm4, v19, v18;
	v19 =	vadd.f32 v24, v26;
	v24 =	vperm.xlane v22, v3  }
0x435: {  	v18 =	vsel vm5, v18, v25;
	v23 =	vadd.f32 v23, v27;
	v25 =	vperm.xlane v21, v3  }
0x436: {  	v18 =	vsel vm6, v18, v19;
	v19 =	vadd.f32 v22, v24;
	v22 =	vperm.xlane v20, v3  }
0x437: {  	v18 =	vsel vm7, v18, v23;
	v21 =	vadd.f32 v21, v25;
	v23 =	vperm.xlane v17, v3  }
0x438: {  	v18 =	vsel vm8, v18, v19;
	v19 =	vadd.f32 v20, v22;
	v20 =	vperm.xlane v16, v3  }
0x439: {  	v18 =	vsel vm9, v18, v21;
	v17 =	vadd.f32 v17, v23;
	v21 =	vperm.xlane v15, v3  }
0x43a: {  	v18 =	vsel vm10, v18, v19;
	v16 =	vadd.f32 v16, v20;
	v19 =	vperm.xlane v14, v3  }
0x43b: {  	v17 =	vsel vm11, v18, v17;
	v15 =	vadd.f32 v15, v21  }
0x43c: {  	v16 =	vsel vm12, v17, v16;
	v14 =	vadd.f32 v14, v19  }
0x43d: {  	v15 =	vsel vm13, v16, v15  }
0x43e: {  	s16 =	sshra.s32 s0, $0x2;
	s0 =	smov.u32 s14;
	v14 =	vsel vm14, v15, v14  }
0x43f: {  	s1 =	sadd.s32 $0x800, s1;
	[tilespmem:v13+s16+$0x0 ss:$0x1] =	vst.idx.msk $0xffff, v14  }
0x440: {  	v15 =	vld [tilespmem:s1+$0x3F0]  }
0x441: {  	v19 =	vld [tilespmem:s1+$0x370]  }
0x442: {  	v20 =	vld [tilespmem:s1+$0x3E0]  }
0x443: {  	v21 =	vld [tilespmem:s1+$0x2F0]  }
0x444: {  	v22 =	vld [tilespmem:s1+$0x360]  }
0x445: {  	v23 =	vld [tilespmem:s1+$0x3D0]  }
0x446: {  	v24 =	vld [tilespmem:s1+$0x270]  }
0x447: {  	v25 =	vld [tilespmem:s1+$0x2E0]  }
0x448: {  	v26 =	vld [tilespmem:s1+$0x350]  }
0x449: {  	v27 =	vld [tilespmem:s1+$0x3C0]  }
0x44a: {  	v28 =	vld [tilespmem:s1+$0x1F0]  }
0x44b: {  	v29 =	vld [tilespmem:s1+$0x260]  }
0x44c: {  	v30 =	vld [tilespmem:s1+$0x2D0]  }
0x44d: {  	v31 =	vld [tilespmem:s1+$0x340]  }
0x44e: {  	v32 =	vld [tilespmem:s1+$0x3B0]  }
0x44f: {  	v33 =	vld [tilespmem:s1+$0x170]  }
0x450: {  	v34 =	vld [tilespmem:s1+$0x1E0]  }
0x451: {  	v35 =	vld [tilespmem:s1+$0x250]  }
0x452: {  	v36 =	vld [tilespmem:s1+$0x2C0]  }
0x453: {  	v37 =	vld [tilespmem:s1+$0x330]  }
0x454: {  	v38 =	vld [tilespmem:s1+$0x3A0]  }
0x455: {  	v39 =	vld [tilespmem:s1+$0xF0]  }
0x456: {  	v40 =	vld [tilespmem:s1+$0x160]  }
0x457: {  	v41 =	vld [tilespmem:s1+$0x1D0]  }
0x458: {  	v42 =	vld [tilespmem:s1+$0x240]  }
0x459: {  	v43 =	vld [tilespmem:s1+$0x2B0]  }
0x45a: {  	v44 =	vld [tilespmem:s1+$0x320]  }
0x45b: {  	v45 =	vld [tilespmem:s1+$0x380]  }
0x45c: {  	v46 =	vld [tilespmem:s1+$0x390]  }
0x45d: {  	v17 =	vld [tilespmem:s1+$0x70]  }
0x45e: {  	v16 =	vld [tilespmem:s1+$0xE0]  }
0x45f: {  	v14 =	vld [tilespmem:s1+$0x150]  }
0x460: {  	v47 =	vmul.f32 v15, v5;
	v18 =	vld [tilespmem:s1+$0x1C0]  }
0x461: {  	v49 =	vmul.f32 v19, v5;
	v50 =	vmul.f32 v20, v6;
	v48 =	vld [tilespmem:s1+$0x230]  }
0x462: {  	v15 =	vmul.f32 v45, v11;
	v19 =	vmul.f32 v46, v12;
	v51 =	vld [tilespmem:s1+$0x2A0]  }
0x463: {  	v22 =	vmul.f32 v22, v6;
	v45 =	vmul.f32 v21, v5;
	v20 =	vld [tilespmem:s1+$0x300]  }
0x464: {  	v38 =	vmul.f32 v38, v10;
	v46 =	vmul.f32 v23, v7;
	v15 =	vadd.f32 v19, v15;
	v21 =	vld [tilespmem:s1+$0x310]  }
0x465: {  	v24 =	vmul.f32 v24, v5;
	v52 =	vmul.f32 v25, v6;
	v19 =	vld [tilespmem:s1+$0xFFFFFFF0]  }
0x466: {  	v26 =	vmul.f32 v26, v7;
	v32 =	vmul.f32 v32, v9;
	v38 =	vadd.f32 v38, v15;
	v25 =	vld [tilespmem:s1+$0x280]  }
0x467: {  	v27 =	vmul.f32 v27, v8;
	v15 =	vmul.f32 v28, v5;
	v28 =	vld [tilespmem:s1+$0x290]  }
0x468: {  	v29 =	vmul.f32 v29, v6;
	v30 =	vmul.f32 v30, v7;
	v32 =	vadd.f32 v32, v38;
	v23 =	vld [tilespmem:s1+$0x60]  }
0x469: {  	v53 =	vmul.f32 v20, v11;
	v38 =	vld [tilespmem:s1+$0x200];
	v21 =	vmul.f32 v21, v12  }
0x46a: {  	v31 =	vmul.f32 v31, v8;
	v20 =	vmul.f32 v33, v5;
	v27 =	vadd.f32 v27, v32;
	v33 =	vld [tilespmem:s1+$0x210]  }
0x46b: {  	v34 =	vmul.f32 v34, v6;
	v44 =	vmul.f32 v44, v10;
	v32 =	vld [tilespmem:s1+$0xD0];
	v21 =	vadd.f32 v21, v53  }
0x46c: {  	v25 =	vmul.f32 v25, v11;
	v27 =	vadd.f32 v46, v27;
	v53 =	vld [tilespmem:s1+$0x220];
	v28 =	vmul.f32 v28, v12  }
0x46d: {  	v35 =	vmul.f32 v35, v7;
	v37 =	vmul.f32 v37, v9;
	v46 =	vld [tilespmem:s1+$0x140];
	v21 =	vadd.f32 v44, v21  }
0x46e: {  	v27 =	vadd.f32 v50, v27;
	v44 =	vld [tilespmem:s1+$0x1B0];
	v25 =	vadd.f32 v28, v25;
	v28 =	vmul.f32 v51, v10  }
0x46f: {  	v38 =	vmul.f32 v38, v11;
	v50 =	vld [tilespmem:s1+$0xFFFFFF70];
	v33 =	vmul.f32 v33, v12;
	v21 =	vadd.f32 v37, v21  }
0x470: {  	v27 =	vadd.f32 v47, v27;
	v37 =	vld [tilespmem:s1+$0xFFFFFFE0];
	v25 =	vadd.f32 v28, v25;
	v28 =	vmul.f32 v43, v9  }
0x471: {  	v43 =	vld [tilespmem:s1+$0x50];
	v33 =	vadd.f32 v33, v38;
	v38 =	vmul.f32 v53, v10;
	v21 =	vadd.f32 v31, v21  }
0x472: {  	v31 =	vld [tilespmem:s1+$0x180];
	v25 =	vadd.f32 v28, v25;
	v28 =	vmul.f32 v36, v8;
	v36 =	vperm.xlane v27, v0  }
0x473: {  	v47 =	vld [tilespmem:s1+$0x190];
	v33 =	vadd.f32 v38, v33;
	v38 =	vmul.f32 v48, v9;
	v26 =	vadd.f32 v26, v21  }
0x474: {  	v21 =	vmul.f32 v39, v5;
	v48 =	vld [tilespmem:s1+$0xC0];
	v28 =	vadd.f32 v28, v25;
	v27 =	vadd.f32 v27, v36  }
0x475: {  	v36 =	vld [tilespmem:s1+$0x1A0];
	v33 =	vadd.f32 v38, v33;
	v38 =	vmul.f32 v42, v8;
	v22 =	vadd.f32 v22, v26  }
0x476: {  	v39 =	vmul.f32 v41, v7;
	v25 =	vmul.f32 v40, v6;
	v26 =	vld [tilespmem:s1+$0x130];
	v28 =	vadd.f32 v30, v28  }
0x477: {  	v30 =	vld [tilespmem:s1+$0xFFFFFEF0];
	v33 =	vadd.f32 v38, v33;
	v22 =	vadd.f32 v49, v22;
	v38 =	vperm.xlane v27, v1  }
0x478: {  	v31 =	vmul.f32 v31, v11;
	v40 =	vld [tilespmem:s1+$0xFFFFFF60];
	v41 =	vmul.f32 v47, v12;
	v28 =	vadd.f32 v52, v28  }
0x479: {  	v42 =	vld [tilespmem:s1+$0xFFFFFFD0];
	v33 =	vadd.f32 v35, v33;
	v35 =	vperm.xlane v22, v0;
	v38 =	vadd.f32 v27, v38  }
0x47a: {  	v47 =	vld [tilespmem:s1+$0x40];
	v27 =	vadd.f32 v41, v31;
	v31 =	vmul.f32 v36, v10;
	v28 =	vadd.f32 v45, v28  }
0x47b: {  	v36 =	vld [tilespmem:s1+$0xB0];
	v29 =	vadd.f32 v29, v33;
	v33 =	vadd.f32 v22, v35;
	v35 =	vperm.xlane v38, v2  }
0x47c: {  	v41 =	vld [tilespmem:s1+$0x120];
	v22 =	vadd.f32 v31, v27;
	v31 =	vmul.f32 v44, v9;
	v44 =	vperm.xlane v28, v0  }
0x47d: {  	v27 =	vmul.f32 v17, v5;
	v45 =	vld [tilespmem:s1+$0xFFFFFE70];
	v17 =	vadd.f32 v24, v29;
	v24 =	vperm.xlane v33, v1  }
0x47e: {  	v18 =	vmul.f32 v18, v8;
	v49 =	vld [tilespmem:s1+$0xFFFFFEE0];
	v29 =	vadd.f32 v31, v22;
	v28 =	vadd.f32 v28, v44  }
0x47f: {  	v44 =	vmul.f32 v16, v6;
	v22 =	vld [tilespmem:s1+$0xFFFFFF50];
	v16 =	vperm.xlane v17, v0;
	v33 =	vadd.f32 v33, v24  }
0x480: {  	v52 =	vmul.f32 v14, v7;
	v51 =	vld [tilespmem:s1+$0xFFFFFFC0];
	v14 =	vadd.f32 v18, v29;
	v18 =	vperm.xlane v28, v1  }
0x481: {  	v24 =	vmul.f32 v19, v5;
	v19 =	vld [tilespmem:s1+$0x30];
	v16 =	vadd.f32 v17, v16;
	v17 =	vperm.xlane v33, v2  }
0x482: {  	v53 =	vmul.f32 v23, v6;
	v54 =	vld [tilespmem:s1+$0xA0];
	v14 =	vadd.f32 v39, v14;
	v39 =	vadd.f32 v28, v18  }
0x483: {  	v32 =	vmul.f32 v32, v7;
	v29 =	vld [tilespmem:s1+$0x100];
	v18 =	vperm.xlane v16, v1  }
0x484: {  	v46 =	vmul.f32 v46, v8;
	v55 =	vld [tilespmem:s1+$0x110];
	v14 =	vadd.f32 v34, v14;
	v34 =	vperm.xlane v39, v2  }
0x485: {  	v23 =	vmul.f32 v50, v5;
	v31 =	vmul.f32 v37, v6;
	v28 =	vld [tilespmem:s1+$0xFFFFFE60];
	v37 =	vadd.f32 v16, v18  }
0x486: {  	v43 =	vmul.f32 v43, v7;
	v48 =	vmul.f32 v48, v8;
	v50 =	vld [tilespmem:s1+$0x80];
	v56 =	vadd.f32 v15, v14  }
0x487: {  	v26 =	vmul.f32 v26, v9;
	v57 =	vld [tilespmem:s1+$0x90];
	v58 =	vperm.xlane v37, v2  }
0x488: {  	v18 =	vmul.f32 v30, v5;
	v14 =	vadd.f32 v38, v35;
	v59 =	vld [tilespmem:s1+$0x0];
	v60 =	vperm.xlane v56, v0  }
0x489: {  	v15 =	vadd.f32 v33, v17;
	v38 =	vmul.f32 v29, v11;
	v35 =	vld [tilespmem:s1+$0x10];
	v55 =	vmul.f32 v55, v12  }
0x48a: {  	v33 =	vmul.f32 v42, v7;
	v16 =	vadd.f32 v39, v34;
	v29 =	vmul.f32 v40, v6;
	v30 =	vld [tilespmem:s1+$0xFFFFFED0]  }
0x48b: {  	v39 =	vmul.f32 v41, v10;
	v40 =	vadd.f32 v56, v60;
	v34 =	vld [tilespmem:s1+$0x20];
	v38 =	vadd.f32 v55, v38  }
0x48c: {  	v17 =	vadd.f32 v37, v58;
	v42 =	vmul.f32 v50, v11;
	v41 =	vld [tilespmem:s1+$0xFFFFFF40];
	v50 =	vmul.f32 v57, v12  }
0x48d: {  	v54 =	vmul.f32 v54, v10;
	v37 =	vld [tilespmem:s1+$0xFFFFFF80];
	v38 =	vadd.f32 v39, v38;
	v39 =	vperm.xlane v40, v1  }
0x48e: {  	v56 =	vmul.f32 v59, v11;
	v55 =	vld [tilespmem:s1+$0xFFFFFF90];
	v35 =	vmul.f32 v35, v12;
	v42 =	vadd.f32 v50, v42  }
0x48f: {  	v36 =	vmul.f32 v36, v9;
	v50 =	vld [tilespmem:s1+$0xFFFFFFB0];
	v26 =	vadd.f32 v26, v38;
	v38 =	vadd.f32 v40, v39  }
0x490: {  	v39 =	vld [tilespmem:s1+$0xFFFFFFA0];
	v35 =	vadd.f32 v35, v56;
	v34 =	vmul.f32 v34, v10;
	v40 =	vadd.f32 v54, v42  }
0x491: {  	v47 =	vmul.f32 v47, v8;
	v42 =	vld [tilespmem:s1+$0xFFFFFDE0];
	v26 =	vadd.f32 v46, v26;
	v46 =	vperm.xlane v38, v2  }
0x492: {  	v54 =	vld [tilespmem:s1+$0xFFFFFE50];
	v34 =	vadd.f32 v34, v35;
	v35 =	vmul.f32 v19, v9;
	v36 =	vadd.f32 v36, v40  }
0x493: {  	v37 =	vmul.f32 v37, v11;
	v40 =	vld [tilespmem:s1+$0xFFFFFF00];
	v55 =	vmul.f32 v55, v12;
	v26 =	vadd.f32 v52, v26  }
0x494: {  	v19 =	vmul.f32 v45, v5;
	v45 =	vld [tilespmem:s1+$0xFFFFFF10];
	v34 =	vadd.f32 v35, v34;
	v35 =	vadd.f32 v48, v36  }
0x495: {  	v48 =	vld [tilespmem:s1+$0xFFFFFEC0];
	v36 =	vadd.f32 v55, v37;
	v37 =	vmul.f32 v39, v10;
	v25 =	vadd.f32 v25, v26  }
0x496: {  	v26 =	vmul.f32 v49, v6;
	v39 =	vld [tilespmem:s1+$0xFFFFFF20];
	v34 =	vadd.f32 v47, v34;
	v32 =	vadd.f32 v32, v35  }
0x497: {  	v35 =	vld [tilespmem:s1+$0xFFFFFF30];
	v36 =	vadd.f32 v37, v36;
	v37 =	vmul.f32 v50, v9;
	v20 =	vadd.f32 v20, v25  }
0x498: {  	v25 =	vmul.f32 v51, v8;
	v47 =	vld [tilespmem:s1+$0xFFFFFC70];
	v34 =	vadd.f32 v43, v34;
	v32 =	vadd.f32 v44, v32  }
0x499: {  	v40 =	vmul.f32 v40, v11;
	v43 =	vld [tilespmem:s1+$0xFFFFFDD0];
	v44 =	vmul.f32 v45, v12;
	v36 =	vadd.f32 v37, v36  }
0x49a: {  	v45 =	vld [tilespmem:s1+$0xFFFFFE40];
	v34 =	vadd.f32 v53, v34;
	v21 =	vadd.f32 v21, v32;
	v32 =	vperm.xlane v20, v0  }
0x49b: {  	v49 =	vld [tilespmem:s1+$0xFFFFFEB0];
	v37 =	vadd.f32 v44, v40;
	v39 =	vmul.f32 v39, v10;
	v25 =	vadd.f32 v25, v36  }
0x49c: {  	v40 =	vld [tilespmem:s1+$0xFFFFFC60];
	v27 =	vadd.f32 v27, v34;
	v34 =	vperm.xlane v21, v0;
	v20 =	vadd.f32 v20, v32  }
0x49d: {  	v35 =	vmul.f32 v35, v9;
	v50 =	vld [tilespmem:s1+$0xFFFFFDC0];
	v32 =	vadd.f32 v39, v37;
	v25 =	vadd.f32 v33, v25  }
0x49e: {  	v51 =	vld [tilespmem:s1+$0xFFFFFE30];
	v33 =	vperm.xlane v27, v0;
	v21 =	vadd.f32 v21, v34;
	v34 =	vperm.xlane v20, v1  }
0x49f: {  	v52 =	vld [tilespmem:s1+$0xFFFFFEA0];
	v32 =	vadd.f32 v35, v32;
	v35 =	vmul.f32 v41, v8;
	v25 =	vadd.f32 v31, v25  }
0x4a0: {  	v53 =	vld [tilespmem:s1+$0xFFFFFC50];
	v27 =	vadd.f32 v27, v33;
	v31 =	vperm.xlane v21, v1;
	v34 =	vadd.f32 v20, v34  }
0x4a1: {  	v22 =	vmul.f32 v22, v7;
	v55 =	vld [tilespmem:s1+$0xFFFFFDB0];
	v20 =	vadd.f32 v35, v32;
	v24 =	vadd.f32 v24, v25  }
0x4a2: {  	v35 =	vld [tilespmem:s1+$0xFFFFFE20];
	v32 =	vperm.xlane v27, v1;
	v31 =	vadd.f32 v21, v31;
	v21 =	vperm.xlane v34, v2  }
0x4a3: {  	v25 =	vmul.f32 v28, v6;
	v41 =	vld [tilespmem:s1+$0xFFFFFE80];
	v20 =	vadd.f32 v22, v20;
	v22 =	vperm.xlane v24, v0  }
0x4a4: {  	v33 =	vmul.f32 v30, v7;
	v44 =	vld [tilespmem:s1+$0xFFFFFE90];
	v27 =	vadd.f32 v27, v32;
	v56 =	vperm.xlane v31, v2  }
0x4a5: {  	v28 =	vmul.f32 v42, v6;
	v36 =	vld [tilespmem:s1+$0xFFFFFC40];
	v29 =	vadd.f32 v29, v20;
	v22 =	vadd.f32 v24, v22  }
0x4a6: {  	v39 =	vmul.f32 v48, v8;
	v32 =	vmul.f32 v54, v7;
	v20 =	vadd.f32 v38, v46;
	v37 =	vld [tilespmem:s1+$0xFFFFFDA0]  }
0x4a7: {  	v48 =	vperm.xlane v27, v2;
	v24 =	vld [tilespmem:s1+$0xFFFFFE00];
	v46 =	vadd.f32 v23, v29;
	v23 =	vperm.xlane v22, v1  }
0x4a8: {  	v30 =	vmul.f32 v43, v7;
	v21 =	vadd.f32 v34, v21;
	v29 =	vmul.f32 v47, v5;
	v47 =	vld [tilespmem:s1+$0xFFFFFE10]  }
0x4a9: {  	v38 =	vmul.f32 v45, v8;
	v42 =	vld [tilespmem:s1+$0xFFFFFC30];
	v34 =	vperm.xlane v46, v0;
	v54 =	vadd.f32 v22, v23  }
0x4aa: {  	v41 =	vmul.f32 v41, v11;
	v57 =	vmul.f32 v44, v12;
	v22 =	vadd.f32 v31, v56;
	v43 =	vld [tilespmem:s1+$0xFFFFFD80]  }
0x4ab: {  	v49 =	vmul.f32 v49, v9;
	v23 =	vadd.f32 v27, v48;
	v44 =	vld [tilespmem:s1+$0xFFFFFD90];
	v31 =	vperm.xlane v54, v2  }
0x4ac: {  	v48 =	vmul.f32 v52, v10;
	v27 =	vadd.f32 v57, v41;
	v52 =	vadd.f32 v46, v34;
	v45 =	vld [tilespmem:s1+$0xFFFFFC20]  }
.Ltmp1:
0x4ad: {  	v56 =	vmul.f32 v24, v11;
	v41 =	vld [tilespmem:s1+$0xFFFFFD00];
	v57 =	vmul.f32 v47, v12;
	v24 =	vadd.f32 v54, v31;
	(pc) =	sbr.rel @p0 .LBB2_6-.Ltmp1, $4  }
0x4ae: {  	v31 =	vmul.f32 v40, v6;
	v27 =	vadd.f32 v48, v27;
	v40 =	vperm.xlane v52, v1;
	v46 =	vld [tilespmem:s1+$0xFFFFFC00]  }
0x4af: {  	v34 =	vmul.f32 v50, v8;
	v47 =	vld [tilespmem:s1+$0xFFFFFC10];
	v54 =	vadd.f32 v57, v56;
	v56 =	vmul.f32 v35, v10  }
0x4b0: {  	v50 =	vmul.f32 v51, v9;
	v51 =	vadd.f32 v49, v27;
	v27 =	vadd.f32 v52, v40;
	v48 =	vld [tilespmem:s1+$0xFFFFFC80]  }
0x4b1: {  	s14 =	sadd.s32 $0x40, s14;
	v35 =	vmul.f32 v53, v7;
	v40 =	vmul.f32 v55, v9;
	v49 =	vld [tilespmem:s1+$0xFFFFFC90];
	v52 =	vadd.f32 v56, v54  }
0x4b2: {  	v36 =	vmul.f32 v36, v8  }
0x4b3: {  	v53 =	vld [tilespmem:s1+$0xFFFFFD10];
	v37 =	vmul.f32 v37, v10;
	v39 =	vadd.f32 v39, v51;
	v42 =	vmul.f32 v42, v9  }
0x4b4: {  	v58 =	vld [tilespmem:s1+$0xFFFFFCA0];
	v43 =	vmul.f32 v43, v11;
	v45 =	vmul.f32 v45, v10;
	v50 =	vadd.f32 v50, v52  }
0x4b5: {  	v59 =	vld [tilespmem:s1+$0xFFFFFD20];
	v44 =	vmul.f32 v44, v12;
	v63 =	vmul.f32 v41, v11;
	v33 =	vadd.f32 v33, v39  }
0x4b6: {  	v62 =	vld [tilespmem:s1+$0xFFFFFCB0];
	v60 =	vmul.f32 v46, v11;
	v61 =	vmul.f32 v47, v12;
	v38 =	vadd.f32 v38, v50  }
0x4b7: {  	v48 =	vmul.f32 v48, v11;
	v50 =	vld [tilespmem:s1+$0xFFFFFD30];
	v49 =	vmul.f32 v49, v12;
	v26 =	vadd.f32 v26, v33  }
0x4b8: {  	v33 =	vld [tilespmem:s1+$0xFFFFFCC0];
	v54 =	vadd.f32 v61, v60;
	v60 =	vadd.f32 v44, v43;
	v53 =	vmul.f32 v53, v12  }
0x4b9: {  	v57 =	vld [tilespmem:s1+$0xFFFFFD40];
	v32 =	vadd.f32 v32, v38;
	v56 =	vmul.f32 v58, v10;
	v55 =	vadd.f32 v49, v48  }
0x4ba: {  	v58 =	vld [tilespmem:s1+$0xFFFFFCD0];
	v59 =	vmul.f32 v59, v10;
	v38 =	vadd.f32 v45, v54;
	v11 =	vadd.f32 v53, v63  }
0x4bb: {  	v61 =	vmul.f32 v62, v9;
	v62 =	vld [tilespmem:s1+$0xFFFFFD50];
	v49 =	vadd.f32 v37, v60;
	v39 =	vadd.f32 v56, v55  }
0x4bc: {  	v18 =	vadd.f32 v18, v26;
	v63 =	vld [tilespmem:s1+$0xFFFFFCE0];
	v47 =	vmul.f32 v50, v9;
	v10 =	vadd.f32 v59, v11  }
0x4bd: {  	v52 =	vld [tilespmem:s1+$0xFFFFFD60];
	v50 =	vadd.f32 v42, v38;
	v33 =	vmul.f32 v33, v8;
	v51 =	vadd.f32 v61, v39  }
0x4be: {  	v54 =	vmul.f32 v57, v8;
	v53 =	vld [tilespmem:s1+$0xFFFFFCF0];
	v55 =	vadd.f32 v40, v49;
	v9 =	vadd.f32 v47, v10  }
0x4bf: {  	v59 =	vld [tilespmem:s1+$0xFFFFFD70];
	v56 =	vadd.f32 v36, v50;
	v58 =	vmul.f32 v58, v7;
	v57 =	vadd.f32 v33, v51  }
0x4c0: {  	v7 =	vmul.f32 v62, v7;
	v60 =	vadd.f32 v34, v55;
	v61 =	vld [tilespmem:s1+$0xFFFFFDF0];
	v8 =	vadd.f32 v54, v9  }
0x4c1: {  	v11 =	vadd.f32 v35, v56;
	v62 =	vmul.f32 v63, v6;
	v12 =	vadd.f32 v58, v57  }
0x4c2: {  	v6 =	vmul.f32 v52, v6;
	v63 =	vadd.f32 v30, v60;
	v7 =	vadd.f32 v7, v8  }
0x4c3: {  	v33 =	vmul.f32 v53, v5;
	v30 =	vadd.f32 v31, v11;
	v31 =	vadd.f32 v62, v12  }
0x4c4: {  	v8 =	vadd.f32 v28, v63;
	v6 =	vadd.f32 v6, v7;
	v7 =	vmul.f32 v59, v5  }
0x4c5: {  	v9 =	vadd.f32 v29, v30;
	v5 =	vmul.f32 v61, v5;
	v11 =	vadd.f32 v33, v31  }
0x4c6: {  	v6 =	vadd.f32 v7, v6;
	v7 =	vadd.f32 v25, v32  }
0x4c7: {  	v35 =	vperm.xlane v9, v0;
	v5 =	vadd.f32 v5, v8;
	v36 =	vperm.xlane v11, v0  }
0x4c8: {  	v40 =	vperm.xlane v18, v0;
	v37 =	vperm.xlane v6, v0;
	v7 =	vadd.f32 v19, v7  }
0x4c9: {  	v9 =	vadd.f32 v9, v35;
	v38 =	vperm.xlane v5, v0;
	v11 =	vadd.f32 v11, v36  }
0x4ca: {  	v34 =	vperm.xlane v27, v2;
	v6 =	vadd.f32 v6, v37;
	v39 =	vperm.xlane v7, v0  }
0x4cb: {  	v41 =	vperm.xlane v9, v1;
	v5 =	vadd.f32 v5, v38;
	v42 =	vperm.xlane v11, v1  }
0x4cc: {  	v44 =	vadd.f32 v18, v40;
	v43 =	vperm.xlane v6, v1;
	v7 =	vadd.f32 v7, v39  }
0x4cd: {  	v9 =	vadd.f32 v9, v41;
	v45 =	vperm.xlane v5, v1;
	v11 =	vadd.f32 v11, v42  }
0x4ce: {  	v19 =	vperm.xlane v44, v1;
	v6 =	vadd.f32 v6, v43;
	v46 =	vperm.xlane v7, v1  }
0x4cf: {  	v25 =	vperm.xlane v9, v2;
	v5 =	vadd.f32 v5, v45;
	v26 =	vperm.xlane v11, v2  }
0x4d0: {  	v8 =	vadd.f32 v44, v19;
	v47 =	vperm.xlane v6, v2;
	v7 =	vadd.f32 v7, v46  }
0x4d1: {  	v9 =	vadd.f32 v9, v25;
	v48 =	vperm.xlane v5, v2;
	v11 =	vadd.f32 v11, v26  }
0x4d2: {  	v19 =	vperm.xlane v8, v2;
	v6 =	vadd.f32 v6, v47;
	v49 =	vperm.xlane v7, v2  }
0x4d3: {  	v25 =	vperm.xlane v9, v3;
	v5 =	vadd.f32 v5, v48;
	v26 =	vperm.xlane v11, v3  }
0x4d4: {  	v8 =	vadd.f32 v8, v19;
	v50 =	vperm.xlane v6, v3;
	v7 =	vadd.f32 v7, v49  }
0x4d5: {  	v9 =	vadd.f32 v9, v25;
	v51 =	vperm.xlane v5, v3;
	v11 =	vadd.f32 v11, v26  }
0x4d6: {  	v10 =	vadd.f32 v27, v34;
	v6 =	vadd.f32 v6, v50;
	v52 =	vperm.xlane v7, v3  }
0x4d7: {  	v53 =	vperm.xlane v8, v3;
	v5 =	vadd.f32 v5, v51;
	v9 =	vsel vm0, v9, v11  }
0x4d8: {  	v54 =	vperm.xlane v10, v3;
	v6 =	vsel vm1, v9, v6;
	v7 =	vadd.f32 v7, v52  }
0x4d9: {  	v55 =	vperm.xlane v24, v3;
	v5 =	vsel vm2, v6, v5;
	v6 =	vadd.f32 v8, v53  }
0x4da: {  	v56 =	vperm.xlane v23, v3;
	v5 =	vsel vm3, v5, v7;
	v7 =	vadd.f32 v10, v54  }
0x4db: {  	v57 =	vperm.xlane v22, v3;
	v5 =	vsel vm4, v5, v6;
	v6 =	vadd.f32 v24, v55  }
0x4dc: {  	v58 =	vperm.xlane v21, v3;
	v5 =	vsel vm5, v5, v7;
	v7 =	vadd.f32 v23, v56  }
0x4dd: {  	v59 =	vperm.xlane v20, v3;
	v5 =	vsel vm6, v5, v6;
	v6 =	vadd.f32 v22, v57  }
0x4de: {  	v60 =	vperm.xlane v17, v3;
	v5 =	vsel vm7, v5, v7;
	v7 =	vadd.f32 v21, v58  }
0x4df: {  	v61 =	vperm.xlane v16, v3;
	v5 =	vsel vm8, v5, v6;
	v6 =	vadd.f32 v20, v59  }
0x4e0: {  	s3 =	sadd.s32 $0x1, s3;
	v62 =	vperm.xlane v15, v3;
	v5 =	vsel vm9, v5, v7;
	v7 =	vadd.f32 v17, v60  }
0x4e1: {  	p0 =	sne.s32 s3, $0x8;
	v63 =	vperm.xlane v14, v3;
	v5 =	vsel vm10, v5, v6;
	v6 =	vadd.f32 v16, v61  }
.Ltmp2:
0x4e2: {  	v5 =	vsel vm11, v5, v7;
	v7 =	vadd.f32 v15, v62;
	(pc) =	sbr.rel @p0 .LBB2_5-.Ltmp2, $4  }
0x4e3: {  	v5 =	vsel vm12, v5, v6;
	v6 =	vadd.f32 v14, v63  }
0x4e4: {  	v5 =	vsel vm13, v5, v7  }
0x4e5: {  	s0 =	sshra.s32 s0, $0x2;
	v5 =	vsel vm14, v5, v6  }
0x4e6: {  	s31 =	sadd.s32 $0x40, s31;
	s13 =	sadd.s32 $0x2000, s13;
	[tilespmem:v13+s0+$0x0 ss:$0x1] =	vst.idx.msk $0xffff, v5  }
0x4e7: {  	s29 =	sadd.s32 $0x1, s29  }
0x4e8: {  	p0 =	sne.s32 s29, $0x10  }
.Ltmp3:
0x4e9: {  	s0 =	sadd.s32 s30, s9;
	(pc) =	sbr.rel @p0 .LBB2_4-.Ltmp3, $4  }
0x4ea: {  	[hbm4b:s0+s4] =	stream.linear.scatter [tilespmem:s25], [sflag:$0x2], $0x200, $0x38;
	[tilespmem:$0x18580] =	vst v63  }
0x4eb: {  	_ =	swait.ge [sflag:s11], $0x200  }
0x4ec: {  	[sflag:s11] =	ssyncset.done $0x0  }
0x4ed: {  	[sflag:s11] =	ssyncadd.s32 $0xFFFFFE00  }
0x4ee: {  	s26 =	sadd.s32 $0x1, s26  }
0x4ef: {  	p0 =	sne.s32 s26, s10  }
.Ltmp4:
0x4f0: {  	_ = 	snop;
	(pc) =	sbr.rel @p0 .LBB2_1-.Ltmp4, $1  }
0x4f1: {  	_ =	sdelay $0x3  }
0x4f2: {  	_ =	sfence.sel $0x180000  }
0x4f3: {  	[bflag:$0x0] =	sbarrier.arrive $0xFFFF  }
0x4f4: {  	_ =	strace $0x90000047  }
0x4f5: {  	s0 =	stileid.u32;
	[bflag:$0x2] =	sbarrier.arrive $0xFFFF  }
0x4f6: {  	p0 =	sne.s32 s0, $0x0;
	s0 =	rddreg [dreg:$0x5]  }
0x4f7: {  	s0 =	sadd.s32 @!p0 $0x100000, s0  }
0x4f8: {  	[sflag:s0] =	ssyncadd.tile.s32 @!p0 $0x1;
	_ =	shalt  }
.Lfunc_end2:
_tile_overlayer_lowered:
.L_overlay_start_2:
0x4f9: {  	(tag) =	ssettag $0x2  }
0x4fa: {  	s0 =	rddreg [dreg:$0x0];
	s2 =	stileid.u32  }
0x4fb: {  	s1 =	rddreg [dreg:$0x1];
	p0 =	sne.s32 s2, $0x0  }
0x4fc: {  	s3 =	rddreg [dreg:$0x2];
	[bflag:$0x3] =	sbarrier.arrive $0xFFFF;
	s2 =	simm.s32 @!p0 $0x1C02  }
0x4fd: {  	[timem:s3], [sflag:s2] =	dma.local @!p0 [hbm:s0], s1  }
0x4fe: {  	s0 =	simm.s32 @!p0 $0x2  }
0x4ff: {  	_ =	swait.ge @!p0 [sflag:s0], s1  }
0x500: {  	s1 =	ssub.s32 @!p0 $0x0, s1;
	[sflag:s0] =	ssyncset.done @!p0 $0x0  }
0x501: {  	[sflag:s0] =	ssyncadd.s32 @!p0 s1  }
0x502: {  	[bflag:$0x3] =	sbarrier.arrive $0xFFFF  }
0x503: {  	_ =	shalt  }

</sc_bundles>
